<compile_context>
chip_gen: v7x
topology: tpu7x:2x2x1
jax: 0.10.2.dev20260603
libtpu: 0.0.44.dev20260713+nightly
codegen_flags: <defaults>
</compile_context>

<pallas_src>
import functools

import jax
import jax.numpy as jnp
from jax import lax
from jax.experimental import pallas as pl
from jax.experimental.pallas import tpu as pltpu
from jax.experimental.pallas import tpu_sc as plsc

N = 49995
E = 799920
D_IN = 128
D_H = 64

N_PAD = 50176
ROWS_PER_TILE = N_PAD // 16

K = 288
CH = 174
E_PAD = 16 * K * CH
DCH = E_PAD // (32 * K)

f32 = jnp.float32



def _sc_degree_body(dst_hbm, ones_hbm, zeros_hbm, out_hbm,
                    idx_v0, idx_v1, idx_v2, ones_v, deg_sh,
                    is0, is1, is2, ss0, ss1, ss2):
    c = lax.axis_index("c")
    s = lax.axis_index("s")
    pltpu.sync_copy(ones_hbm, ones_v)
    r0 = s * ROWS_PER_TILE
    pltpu.sync_copy(zeros_hbm.at[pl.ds(r0, ROWS_PER_TILE)],
                    deg_sh.at[pl.ds(r0, ROWS_PER_TILE)])
    plsc.subcore_barrier()
    base = (c * 16 + s) * DCH * K
    bufs = ((idx_v0, is0, ss0), (idx_v1, is1, ss1), (idx_v2, is2, ss2))

    def stage_idx(i, t):
        iv, isem, _ = bufs[t]
        pltpu.async_copy(dst_hbm.at[pl.ds(base + i * K, K)], iv, isem)

    def scatter(i, t):
        iv, isem, ss = bufs[t]
        pltpu.make_async_copy(dst_hbm.at[pl.ds(base + i * K, K)], iv,
                              isem).wait()
        pltpu.async_copy(ones_v, deg_sh.at[iv], ss, add=True)

    def wait_scatter(t):
        iv, _, ss = bufs[t]
        pltpu.make_async_copy(ones_v, deg_sh.at[iv], ss).wait()

    stage_idx(0, 0)
    stage_idx(1, 1)
    stage_idx(2, 2)
    scatter(0, 0)
    scatter(1, 1)

    peel = 3 + (DCH - 2) % 3
    loop_n = (DCH - 2 - peel) // 3

    @pl.loop(0, loop_n)
    def _outer(o):
        for u in range(3):
            i = 2 + 3 * o + u
            t = (2 + u) % 3
            wait_scatter(u % 3)
            stage_idx(i + 1, u % 3)
            scatter(i, t)

    for u in range(peel):
        i = 2 + 3 * loop_n + u
        t = (2 + u) % 3
        wait_scatter(u % 3)
        if i + 1 < DCH:
            stage_idx(i + 1, u % 3)
        scatter(i, t)

    wait_scatter((DCH - 2) % 3)
    wait_scatter((DCH - 1) % 3)
    plsc.subcore_barrier()
    pltpu.sync_copy(deg_sh.at[pl.ds(r0, ROWS_PER_TILE)],
                    out_hbm.at[c, pl.ds(r0, ROWS_PER_TILE)])


def _make_sc_scatter_body():
    def body(tlo_hbm, thi_hbm, src_hbm, dst_hbm, zeros_hbm, out_hbm,
             src_v0, dst_v0, src_v1, dst_v1, src_v2, dst_v2,
             rows_v0, rows_v1, rows_v2, agg_sh,
             is0, is1, is2, gs0, gs1, gs2, ss0, ss1, ss2):
        c = lax.axis_index("c")
        s = lax.axis_index("s")
        r0 = s * ROWS_PER_TILE
        pltpu.sync_copy(zeros_hbm.at[pl.ds(r0, ROWS_PER_TILE)],
                        agg_sh.at[pl.ds(r0, ROWS_PER_TILE)])
        plsc.subcore_barrier()
        base = s * CH * K
        bufs = ((src_v0, dst_v0, rows_v0, is0, gs0, ss0),
                (src_v1, dst_v1, rows_v1, is1, gs1, ss1),
                (src_v2, dst_v2, rows_v2, is2, gs2, ss2))

        def stage_idx(i, t):
            sv, dv, rv, isem, gsem, ssem = bufs[t]
            pltpu.async_copy(src_hbm.at[pl.ds(base + i * K, K)], sv, isem)
            pltpu.async_copy(dst_hbm.at[pl.ds(base + i * K, K)], dv, isem)

        def wait_idx(i, t):
            sv, dv, rv, isem, gsem, ssem = bufs[t]
            pltpu.make_async_copy(src_hbm.at[pl.ds(base + i * K, K)], sv,
                                  isem).wait()
            pltpu.make_async_copy(dst_hbm.at[pl.ds(base + i * K, K)], dv,
                                  isem).wait()

        def run(tab):
            def start_gather(i, t):
                sv, dv, rv, isem, gsem, ssem = bufs[t]
                wait_idx(i, t)
                pltpu.async_copy(tab.at[sv], rv, gsem)

            def finish_scatter(t):
                sv, dv, rv, isem, gsem, ssem = bufs[t]
                pltpu.make_async_copy(tab.at[sv], rv, gsem).wait()
                pltpu.async_copy(rv, agg_sh.at[dv], ssem, add=True)

            def wait_scatter(t):
                sv, dv, rv, isem, gsem, ssem = bufs[t]
                pltpu.make_async_copy(rv, agg_sh.at[dv], ssem).wait()

            stage_idx(0, 0)
            stage_idx(1, 1)
            stage_idx(2, 2)
            start_gather(0, 0)
            start_gather(1, 1)
            finish_scatter(0)
            wait_scatter(0)
            stage_idx(3, 0)
            start_gather(2, 2)
            finish_scatter(1)

            @pl.loop(0, (CH - 6) // 3)
            def _outer(o):
                for u in range(3):
                    i = 3 + 3 * o + u
                    t = u
                    wait_scatter((u + 1) % 3)
                    stage_idx(i + 1, (u + 1) % 3)
                    start_gather(i, t)
                    finish_scatter((u + 2) % 3)

            for i in range(CH - 3, CH):
                t = i % 3
                wait_scatter((i + 1) % 3)
                if i + 1 < CH:
                    stage_idx(i + 1, (i + 1) % 3)
                start_gather(i, t)
                finish_scatter((i + 2) % 3)

            finish_scatter((CH - 1) % 3)
            wait_scatter((CH - 2) % 3)
            wait_scatter((CH - 1) % 3)

        @pl.when(c == 0)
        def _lo():
            run(tlo_hbm)

        @pl.when(c == 1)
        def _hi():
            run(thi_hbm)

        plsc.subcore_barrier()
        pltpu.sync_copy(agg_sh.at[pl.ds(r0, ROWS_PER_TILE)],
                        out_hbm.at[c, pl.ds(r0, ROWS_PER_TILE)])

    return body


@functools.cache
def _sc_kernels():
    mesh = plsc.VectorSubcoreMesh(core_axis_name="c", subcore_axis_name="s")
    params = pltpu.CompilerParams(use_tc_tiling_on_sc=False)
    sc_degree = pl.kernel(
        _sc_degree_body,
        out_type=jax.ShapeDtypeStruct((2, N_PAD, 32), f32),
        mesh=mesh,
        compiler_params=params,
        scratch_types=(
            [pltpu.VMEM((K,), jnp.int32)] * 3
            + [pltpu.VMEM((K, 32), f32)]
            + [pltpu.VMEM_SHARED((N_PAD, 32), f32)]
            + [pltpu.SemaphoreType.DMA] * 6
        ),
    )
    sc_scatter = pl.kernel(
        _make_sc_scatter_body(),
        out_type=jax.ShapeDtypeStruct((2, N_PAD, 32), f32),
        mesh=mesh,
        compiler_params=params,
        scratch_types=(
            [pltpu.VMEM((K,), jnp.int32)] * 6
            + [pltpu.VMEM((K, 32), f32)] * 3
            + [pltpu.VMEM_SHARED((N_PAD, 32), f32)]
            + [pltpu.SemaphoreType.DMA] * 9
        ),
    )
    return sc_degree, sc_scatter



RB = 1792
RP = RB // 4
GRID = N_PAD // RB


def _scale1_body(d_ref, x_ref, wlo_ref, whi_ref, tlo_ref, thi_ref, dinv_ref):
    dinv = lax.rsqrt(d_ref[0] + d_ref[1] + 1.0)
    x4 = x_ref[...]
    tlo_ref[...] = dinv * jnp.dot(x4, wlo_ref[...], preferred_element_type=f32)
    thi_ref[...] = dinv * jnp.dot(x4, whi_ref[...], preferred_element_type=f32)
    dinv_ref[...] = dinv


_scale1 = pl.pallas_call(
    _scale1_body,
    grid=(GRID,),
    in_specs=[
        pl.BlockSpec((2, RP, 128), lambda i: (0, i, 0)),
        pl.BlockSpec((RP, 4 * D_IN), lambda i: (i, 0)),
        pl.BlockSpec((4 * D_IN, 128), lambda i: (0, 0)),
        pl.BlockSpec((4 * D_IN, 128), lambda i: (0, 0)),
    ],
    out_specs=[
        pl.BlockSpec((RP, 128), lambda i: (i, 0)),
        pl.BlockSpec((RP, 128), lambda i: (i, 0)),
        pl.BlockSpec((RP, 128), lambda i: (i, 0)),
    ],
    out_shape=[
        jax.ShapeDtypeStruct((N_PAD // 4, 128), f32),
        jax.ShapeDtypeStruct((N_PAD // 4, 128), f32),
        jax.ShapeDtypeStruct((N_PAD // 4, 128), f32),
    ],
)


def _mid_body(agg_ref, tlo_ref, thi_ref, dinv_ref,
              waa_ref, wba_ref, wab_ref, wbb_ref, blo_ref, bhi_ref,
              olo_ref, ohi_ref):
    dinv = dinv_ref[...]
    x2lo = jax.nn.relu(dinv * (agg_ref[0] + tlo_ref[...]) + blo_ref[...])
    x2hi = jax.nn.relu(dinv * (agg_ref[1] + thi_ref[...]) + bhi_ref[...])
    h2lo = (jnp.dot(x2lo, waa_ref[...], preferred_element_type=f32)
            + jnp.dot(x2hi, wba_ref[...], preferred_element_type=f32))
    h2hi = (jnp.dot(x2lo, wab_ref[...], preferred_element_type=f32)
            + jnp.dot(x2hi, wbb_ref[...], preferred_element_type=f32))
    olo_ref[...] = dinv * h2lo
    ohi_ref[...] = dinv * h2hi


_mid = pl.pallas_call(
    _mid_body,
    grid=(GRID,),
    in_specs=[
        pl.BlockSpec((2, RP, 128), lambda i: (0, i, 0)),
        pl.BlockSpec((RP, 128), lambda i: (i, 0)),
        pl.BlockSpec((RP, 128), lambda i: (i, 0)),
        pl.BlockSpec((RP, 128), lambda i: (i, 0)),
        pl.BlockSpec((128, 128), lambda i: (0, 0)),
        pl.BlockSpec((128, 128), lambda i: (0, 0)),
        pl.BlockSpec((128, 128), lambda i: (0, 0)),
        pl.BlockSpec((128, 128), lambda i: (0, 0)),
        pl.BlockSpec((1, 128), lambda i: (0, 0)),
        pl.BlockSpec((1, 128), lambda i: (0, 0)),
    ],
    out_specs=[
        pl.BlockSpec((RP, 128), lambda i: (i, 0)),
        pl.BlockSpec((RP, 128), lambda i: (i, 0)),
    ],
    out_shape=[
        jax.ShapeDtypeStruct((N_PAD // 4, 128), f32),
        jax.ShapeDtypeStruct((N_PAD // 4, 128), f32),
    ],
)


def _head_body(agg_ref, tlo_ref, thi_ref, dinv_ref,
               w3lo_ref, w3hi_ref, blo_ref, bhi_ref, s_ref, b3_ref, out_ref):
    dinv = dinv_ref[...]
    x3lo = jax.nn.relu(dinv * (agg_ref[0] + tlo_ref[...]) + blo_ref[...])
    x3hi = jax.nn.relu(dinv * (agg_ref[1] + thi_ref[...]) + bhi_ref[...])
    z = x3lo * w3lo_ref[...] + x3hi * w3hi_ref[...]
    out_ref[...] = (jnp.dot(z, s_ref[...], preferred_element_type=f32)
                    + b3_ref[0, 0])


_head = pl.pallas_call(
    _head_body,
    grid=(GRID,),
    in_specs=[
        pl.BlockSpec((2, RP, 128), lambda i: (0, i, 0)),
        pl.BlockSpec((RP, 128), lambda i: (i, 0)),
        pl.BlockSpec((RP, 128), lambda i: (i, 0)),
        pl.BlockSpec((RP, 128), lambda i: (i, 0)),
        pl.BlockSpec((1, 128), lambda i: (0, 0)),
        pl.BlockSpec((1, 128), lambda i: (0, 0)),
        pl.BlockSpec((1, 128), lambda i: (0, 0)),
        pl.BlockSpec((1, 128), lambda i: (0, 0)),
        pl.BlockSpec((128, 4), lambda i: (0, 0)),
        pl.BlockSpec((1, 8), lambda i: (0, 0)),
    ],
    out_specs=pl.BlockSpec((RP, 4), lambda i: (i, 0)),
    out_shape=jax.ShapeDtypeStruct((N_PAD // 4, 4), f32),
)



def kernel(obs, edge_index, W1, b1, W2, b2, W3, b3):
    src = edge_index[0]
    dst = edge_index[1]
    pad = E_PAD - E
    ar = jnp.arange(pad, dtype=jnp.int32)
    src_p = jnp.concatenate([src, ar % N])
    dst_p = jnp.concatenate([dst, N + ar % (N_PAD - N)])

    obs4 = jnp.pad(obs, ((0, N_PAD - N), (0, 0))).reshape(N_PAD // 4, 4 * D_IN)
    zeros32 = jnp.zeros((N_PAD, 32), f32)
    ones32 = jnp.ones((K, 32), f32)

    eye4 = jnp.eye(4, dtype=f32)
    w1lo = jnp.kron(eye4, W1[:, :32])
    w1hi = jnp.kron(eye4, W1[:, 32:])
    w2aa = jnp.kron(eye4, W2[:32, :32])
    w2ba = jnp.kron(eye4, W2[32:, :32])
    w2ab = jnp.kron(eye4, W2[:32, 32:])
    w2bb = jnp.kron(eye4, W2[32:, 32:])
    b1lo = jnp.tile(b1[:32], 4).reshape(1, 128)
    b1hi = jnp.tile(b1[32:], 4).reshape(1, 128)
    b2lo = jnp.tile(b2[:32], 4).reshape(1, 128)
    b2hi = jnp.tile(b2[32:], 4).reshape(1, 128)
    w3lo = jnp.tile(W3[:32, 0], 4).reshape(1, 128)
    w3hi = jnp.tile(W3[32:, 0], 4).reshape(1, 128)
    ssum = jnp.kron(eye4, jnp.ones((32, 1), f32))
    b3b = jnp.broadcast_to(b3.reshape(1, 1), (1, 8))

    _sc_degree, _sc_scatter = _sc_kernels()
    degp = _sc_degree(dst_p, ones32, zeros32)

    tab1lo, tab1hi, dinv = _scale1(degp.reshape(2, N_PAD // 4, 128),
                                   obs4, w1lo, w1hi)
    agg1 = _sc_scatter(tab1lo.reshape(N_PAD, 32), tab1hi.reshape(N_PAD, 32),
                       src_p, dst_p, zeros32)

    tab2lo, tab2hi = _mid(agg1.reshape(2, N_PAD // 4, 128), tab1lo, tab1hi,
                          dinv, w2aa, w2ba, w2ab, w2bb, b1lo, b1hi)
    agg2 = _sc_scatter(tab2lo.reshape(N_PAD, 32), tab2hi.reshape(N_PAD, 32),
                       src_p, dst_p, zeros32)

    y4 = _head(agg2.reshape(2, N_PAD // 4, 128), tab2lo, tab2hi, dinv,
               w3lo, w3hi, b2lo, b2hi, ssum, b3b)

    y = y4.reshape(-1)[:N]
    return y.reshape(-1, 15)[:, 3:].reshape(-1)

# --- scband reference (transcript-rebuilt; emitter-appended) ---
"""Pipeline reference for scband-gcn-new-61512521613334 (READ-ONLY COPY).

The authoritative reference and input builder live on the scoring server;
editing this copy changes nothing except your own understanding.
"""

import jax, jax.numpy as jnp
import numpy as np

N = 49995
E = 799920
D_IN = 128
D_H = 64


def setup_inputs(seed: int = 0) -> dict:
    key = jax.random.key(seed)
    ks = jax.random.split(key, 8)
    obs = jax.random.normal(ks[0], (N, D_IN), dtype=jnp.float32)
    edge_index = jax.random.randint(ks[1], (2, E), 0, N, dtype=jnp.int32)
    # GCNConv layer1: Linear(in_dim, 64) weight + bias (Glorot-like scale)
    W1 = jax.random.normal(ks[2], (D_IN, D_H), dtype=jnp.float32) * (1.0 / np.sqrt(D_IN))
    b1 = jnp.zeros((D_H,), dtype=jnp.float32)
    W2 = jax.random.normal(ks[3], (D_H, D_H), dtype=jnp.float32) * (1.0 / np.sqrt(D_H))
    b2 = jnp.zeros((D_H,), dtype=jnp.float32)
    W3 = jax.random.normal(ks[4], (D_H, 1), dtype=jnp.float32) * (1.0 / np.sqrt(D_H))
    b3 = jnp.zeros((1,), dtype=jnp.float32)
    return {"obs": obs, "edge_index": edge_index, "W1": W1, "b1": b1, "W2": W2, "b2": b2, "W3": W3, "b3": b3}


def _gcn_conv(x, edge_index, W, b):
    # Faithful PyG GCNConv: add self loops, symmetric normalization, x @ W, scatter-add.
    src = edge_index[0]
    dst = edge_index[1]
    loop = jnp.arange(N, dtype=src.dtype)
    src = jnp.concatenate([src, loop])
    dst = jnp.concatenate([dst, loop])
    ones = jnp.ones(src.shape[0], dtype=x.dtype)
    deg = jax.ops.segment_sum(ones, dst, num_segments=N)
    deg_inv_sqrt = jnp.where(deg > 0, jax.lax.rsqrt(jnp.maximum(deg, 1e-12)), 0.0)
    norm = deg_inv_sqrt[src] * deg_inv_sqrt[dst]
    h = x @ W
    msgs = h[src] * norm[:, None]
    out = jax.ops.segment_sum(msgs, dst, num_segments=N)
    return out + b


def reference(obs, edge_index, W1, b1, W2, b2, W3, b3):
    h1 = jax.nn.relu(_gcn_conv(obs, edge_index, W1, b1))
    h2 = jax.nn.relu(_gcn_conv(h1, edge_index, W2, b2))
    output = h2 @ W3 + b3
    output = output.reshape(-1, 15)[:, 3:].reshape(-1)
    return output.reshape(-1)

if __name__ == "__main__":
    import jax
    _d = setup_inputs()
    print(jax.jit(kernel)(*tuple(_d.values())))

</pallas_src>

<mosaic_0001>
#map = affine_map<(d0, d1) -> (0, 0)>
#map1 = affine_map<(d0, d1) -> (0)>
#map2 = affine_map<(d0, d1) -> (0, 0, 0)>
module attributes {stable_mosaic.version = 14 : i64} {
  func.func @body(%arg0: i32, %arg1: i32, %arg2: memref<50176x32xf32, #tpu.memory_space<hbm>>, %arg3: memref<50176x32xf32, #tpu.memory_space<hbm>>, %arg4: memref<801792xi32, #tpu.memory_space<hbm>>, %arg5: memref<801792xi32, #tpu.memory_space<hbm>>, %arg6: memref<50176x32xf32, #tpu.memory_space<hbm>>, %arg7: memref<2x50176x32xf32, #tpu.memory_space<hbm>>, %arg8: memref<288xi32, #tpu.memory_space<vmem>>, %arg9: memref<288xi32, #tpu.memory_space<vmem>>, %arg10: memref<288xi32, #tpu.memory_space<vmem>>, %arg11: memref<288xi32, #tpu.memory_space<vmem>>, %arg12: memref<288xi32, #tpu.memory_space<vmem>>, %arg13: memref<288xi32, #tpu.memory_space<vmem>>, %arg14: memref<288x32xf32, #tpu.memory_space<vmem>>, %arg15: memref<288x32xf32, #tpu.memory_space<vmem>>, %arg16: memref<288x32xf32, #tpu.memory_space<vmem>>, %arg17: memref<50176x32xf32, #tpu.memory_space<vmem_shared>>, %arg18: memref<!tpu.dma_semaphore, #tpu.memory_space<semaphore_mem>>, %arg19: memref<!tpu.dma_semaphore, #tpu.memory_space<semaphore_mem>>, %arg20: memref<!tpu.dma_semaphore, #tpu.memory_space<semaphore_mem>>, %arg21: memref<!tpu.dma_semaphore, #tpu.memory_space<semaphore_mem>>, %arg22: memref<!tpu.dma_semaphore, #tpu.memory_space<semaphore_mem>>, %arg23: memref<!tpu.dma_semaphore, #tpu.memory_space<semaphore_mem>>, %arg24: memref<!tpu.dma_semaphore, #tpu.memory_space<semaphore_mem>>, %arg25: memref<!tpu.dma_semaphore, #tpu.memory_space<semaphore_mem>>, %arg26: memref<!tpu.dma_semaphore, #tpu.memory_space<semaphore_mem>>) attributes {dimension_semantics = [#tpu.dimension_semantics<core_parallel>, #tpu.dimension_semantics<subcore_parallel>], iteration_bounds = array<i64: 2, 16>, scalar_prefetch = 0 : i64, scratch_operands = 19 : i64, tpu.core_type = #tpu.core_type<sc_vector_subcore>, window_params = [{transform_indices = #map}, {transform_indices = #map}, {transform_indices = #map1}, {transform_indices = #map1}, {transform_indices = #map}, {transform_indices = #map2}]} {
    %mul3A = arith.constant 3136 : i32
    %mul3A_0 = arith.muli %arg1, %mul3A : i32
    "tpu.region"() ({
      %run_scoped3A = tpu.sem_alloc : memref<!tpu.dma_semaphore, #tpu.memory_space<semaphore_mem>>
      %dma_start3A = arith.constant 0 : i32
      %dma_start3A_13 = tpu.memref_slice %arg17[%mul3A_0, %dma_start3A] : memref<50176x32xf32, #tpu.memory_space<vmem_shared>> -> memref<3136x32xf32, #tpu.memory_space<vmem_shared>>
      %dma_start3A_14 = arith.constant 0 : i32
      %dma_start3A_15 = tpu.memref_slice %arg6[%mul3A_0, %dma_start3A_14] : memref<50176x32xf32, #tpu.memory_space<hbm>> -> memref<3136x32xf32, #tpu.memory_space<hbm>>
      tpu.enqueue_dma source(%dma_start3A_15 : memref<3136x32xf32, #tpu.memory_space<hbm>>) target(%dma_start3A_13 : memref<3136x32xf32, #tpu.memory_space<vmem_shared>>) target_semaphore(%run_scoped3A : memref<!tpu.dma_semaphore, #tpu.memory_space<semaphore_mem>>)
      %dma_wait3A = arith.constant 0 : i32
      %dma_wait3A_16 = tpu.memref_slice %arg17[%mul3A_0, %dma_wait3A] : memref<50176x32xf32, #tpu.memory_space<vmem_shared>> -> memref<3136x32xf32, #tpu.memory_space<vmem_shared>>
      %dma_wait3A_17 = arith.constant 0 : i32
      %dma_wait3A_18 = tpu.memref_slice %arg6[%mul3A_0, %dma_wait3A_17] : memref<50176x32xf32, #tpu.memory_space<hbm>> -> memref<3136x32xf32, #tpu.memory_space<hbm>>
      tpu.wait_dma2 semaphore(%run_scoped3A : memref<!tpu.dma_semaphore, #tpu.memory_space<semaphore_mem>>) src(%dma_wait3A_18 : memref<3136x32xf32, #tpu.memory_space<hbm>>) dst(%dma_wait3A_16 : memref<3136x32xf32, #tpu.memory_space<vmem_shared>>)
      tpu.yield
    }) : () -> ()
    %barrier3A = arith.constant 0 : index
    tpu.barrier barrier_id(%barrier3A)
    %mul3A_1 = arith.constant 174 : i32
    %mul3A_2 = arith.muli %arg1, %mul3A_1 : i32
    %mul3A_3 = arith.constant 288 : i32
    %mul3A_4 = arith.muli %mul3A_2, %mul3A_3 : i32
    %eq3A = arith.constant 0 : i32
    %eq3A_5 = arith.cmpi eq, %arg0, %eq3A : i32
    %convert_element_type3A = arith.extui %eq3A_5 : i1 to i32
    %cond3A = arith.constant 0 : i32
    %cond3A_6 = arith.cmpi ne, %convert_element_type3A, %cond3A : i32
    scf.if %cond3A_6 {
      %add3A = arith.constant 0 : i32
      %add3A_13 = arith.addi %mul3A_4, %add3A : i32
      %dma_start3A = tpu.memref_slice %arg4[%add3A_13] : memref<801792xi32, #tpu.memory_space<hbm>> -> memref<288xi32, #tpu.memory_space<hbm>>
      %dma_start3A_14 = tpu.memref_slice %arg4[%add3A_13] : memref<801792xi32, #tpu.memory_space<hbm>> -> memref<288xi32, #tpu.memory_space<hbm>>
      tpu.enqueue_dma source(%dma_start3A_14 : memref<288xi32, #tpu.memory_space<hbm>>) target(%arg8 : memref<288xi32, #tpu.memory_space<vmem>>) target_semaphore(%arg18 : memref<!tpu.dma_semaphore, #tpu.memory_space<semaphore_mem>>)
      %add3A_15 = arith.constant 0 : i32
      %add3A_16 = arith.addi %mul3A_4, %add3A_15 : i32
      %dma_start3A_17 = tpu.memref_slice %arg5[%add3A_16] : memref<801792xi32, #tpu.memory_space<hbm>> -> memref<288xi32, #tpu.memory_space<hbm>>
      %dma_start3A_18 = tpu.memref_slice %arg5[%add3A_16] : memref<801792xi32, #tpu.memory_space<hbm>> -> memref<288xi32, #tpu.memory_space<hbm>>
      tpu.enqueue_dma source(%dma_start3A_18 : memref<288xi32, #tpu.memory_space<hbm>>) target(%arg9 : memref<288xi32, #tpu.memory_space<vmem>>) target_semaphore(%arg18 : memref<!tpu.dma_semaphore, #tpu.memory_space<semaphore_mem>>)
      %add3A_19 = arith.constant 288 : i32
      %add3A_20 = arith.addi %mul3A_4, %add3A_19 : i32
      %dma_start3A_21 = tpu.memref_slice %arg4[%add3A_20] : memref<801792xi32, #tpu.memory_space<hbm>> -> memref<288xi32, #tpu.memory_space<hbm>>
      %dma_start3A_22 = tpu.memref_slice %arg4[%add3A_20] : memref<801792xi32, #tpu.memory_space<hbm>> -> memref<288xi32, #tpu.memory_space<hbm>>
      tpu.enqueue_dma source(%dma_start3A_22 : memref<288xi32, #tpu.memory_space<hbm>>) target(%arg10 : memref<288xi32, #tpu.memory_space<vmem>>) target_semaphore(%arg19 : memref<!tpu.dma_semaphore, #tpu.memory_space<semaphore_mem>>)
      %add3A_23 = arith.constant 288 : i32
      %add3A_24 = arith.addi %mul3A_4, %add3A_23 : i32
      %dma_start3A_25 = tpu.memref_slice %arg5[%add3A_24] : memref<801792xi32, #tpu.memory_space<hbm>> -> memref<288xi32, #tpu.memory_space<hbm>>
      %dma_start3A_26 = tpu.memref_slice %arg5[%add3A_24] : memref<801792xi32, #tpu.memory_space<hbm>> -> memref<288xi32, #tpu.memory_space<hbm>>
      tpu.enqueue_dma source(%dma_start3A_26 : memref<288xi32, #tpu.memory_space<hbm>>) target(%arg11 : memref<288xi32, #tpu.memory_space<vmem>>) target_semaphore(%arg19 : memref<!tpu.dma_semaphore, #tpu.memory_space<semaphore_mem>>)
      %add3A_27 = arith.constant 576 : i32
      %add3A_28 = arith.addi %mul3A_4, %add3A_27 : i32
      %dma_start3A_29 = tpu.memref_slice %arg4[%add3A_28] : memref<801792xi32, #tpu.memory_space<hbm>> -> memref<288xi32, #tpu.memory_space<hbm>>
      %dma_start3A_30 = tpu.memref_slice %arg4[%add3A_28] : memref<801792xi32, #tpu.memory_space<hbm>> -> memref<288xi32, #tpu.memory_space<hbm>>
      tpu.enqueue_dma source(%dma_start3A_30 : memref<288xi32, #tpu.memory_space<hbm>>) target(%arg12 : memref<288xi32, #tpu.memory_space<vmem>>) target_semaphore(%arg20 : memref<!tpu.dma_semaphore, #tpu.memory_space<semaphore_mem>>)
      %add3A_31 = arith.constant 576 : i32
      %add3A_32 = arith.addi %mul3A_4, %add3A_31 : i32
      %dma_start3A_33 = tpu.memref_slice %arg5[%add3A_32] : memref<801792xi32, #tpu.memory_space<hbm>> -> memref<288xi32, #tpu.memory_space<hbm>>
      %dma_start3A_34 = tpu.memref_slice %arg5[%add3A_32] : memref<801792xi32, #tpu.memory_space<hbm>> -> memref<288xi32, #tpu.memory_space<hbm>>
      tpu.enqueue_dma source(%dma_start3A_34 : memref<288xi32, #tpu.memory_space<hbm>>) target(%arg13 : memref<288xi32, #tpu.memory_space<vmem>>) target_semaphore(%arg20 : memref<!tpu.dma_semaphore, #tpu.memory_space<semaphore_mem>>)
      %add3A_35 = arith.constant 0 : i32
      %add3A_36 = arith.addi %mul3A_4, %add3A_35 : i32
      %dma_wait3A = tpu.memref_slice %arg4[%add3A_36] : memref<801792xi32, #tpu.memory_space<hbm>> -> memref<288xi32, #tpu.memory_space<hbm>>
      %dma_wait3A_37 = tpu.memref_slice %arg4[%add3A_36] : memref<801792xi32, #tpu.memory_space<hbm>> -> memref<288xi32, #tpu.memory_space<hbm>>
      tpu.wait_dma2 semaphore(%arg18 : memref<!tpu.dma_semaphore, #tpu.memory_space<semaphore_mem>>) src(%dma_wait3A_37 : memref<288xi32, #tpu.memory_space<hbm>>) dst(%arg8 : memref<288xi32, #tpu.memory_space<vmem>>)
      %add3A_38 = arith.constant 0 : i32
      %add3A_39 = arith.addi %mul3A_4, %add3A_38 : i32
      %dma_wait3A_40 = tpu.memref_slice %arg5[%add3A_39] : memref<801792xi32, #tpu.memory_space<hbm>> -> memref<288xi32, #tpu.memory_space<hbm>>
      %dma_wait3A_41 = tpu.memref_slice %arg5[%add3A_39] : memref<801792xi32, #tpu.memory_space<hbm>> -> memref<288xi32, #tpu.memory_space<hbm>>
      tpu.wait_dma2 semaphore(%arg18 : memref<!tpu.dma_semaphore, #tpu.memory_space<semaphore_mem>>) src(%dma_wait3A_41 : memref<288xi32, #tpu.memory_space<hbm>>) dst(%arg9 : memref<288xi32, #tpu.memory_space<vmem>>)
      %dma_start3A_42 = arith.constant 0 : i32
      %dma_start3A_43 = arith.constant 0 : i32
      %dma_start3A_44 = tpu.memref_slice %arg2[%dma_start3A_42, %dma_start3A_43] : memref<50176x32xf32, #tpu.memory_space<hbm>> -> memref<50176x32xf32, #tpu.memory_space<hbm>>
      tpu.enqueue_indirect_dma source(%dma_start3A_44 : memref<50176x32xf32, #tpu.memory_space<hbm>>) target(%arg14 : memref<288x32xf32, #tpu.memory_space<vmem>>) offsets(%arg8 : memref<288xi32, #tpu.memory_space<vmem>>) semaphore(%arg21 : memref<!tpu.dma_semaphore, #tpu.memory_space<semaphore_mem>>)
      %add3A_45 = arith.constant 288 : i32
      %add3A_46 = arith.addi %mul3A_4, %add3A_45 : i32
      %dma_wait3A_47 = tpu.memref_slice %arg4[%add3A_46] : memref<801792xi32, #tpu.memory_space<hbm>> -> memref<288xi32, #tpu.memory_space<hbm>>
      %dma_wait3A_48 = tpu.memref_slice %arg4[%add3A_46] : memref<801792xi32, #tpu.memory_space<hbm>> -> memref<288xi32, #tpu.memory_space<hbm>>
      tpu.wait_dma2 semaphore(%arg19 : memref<!tpu.dma_semaphore, #tpu.memory_space<semaphore_mem>>) src(%dma_wait3A_48 : memref<288xi32, #tpu.memory_space<hbm>>) dst(%arg10 : memref<288xi32, #tpu.memory_space<vmem>>)
      %add3A_49 = arith.constant 288 : i32
      %add3A_50 = arith.addi %mul3A_4, %add3A_49 : i32
      %dma_wait3A_51 = tpu.memref_slice %arg5[%add3A_50] : memref<801792xi32, #tpu.memory_space<hbm>> -> memref<288xi32, #tpu.memory_space<hbm>>
      %dma_wait3A_52 = tpu.memref_slice %arg5[%add3A_50] : memref<801792xi32, #tpu.memory_space<hbm>> -> memref<288xi32, #tpu.memory_space<hbm>>
      tpu.wait_dma2 semaphore(%arg19 : memref<!tpu.dma_semaphore, #tpu.memory_space<semaphore_mem>>) src(%dma_wait3A_52 : memref<288xi32, #tpu.memory_space<hbm>>) dst(%arg11 : memref<288xi32, #tpu.memory_space<vmem>>)
      %dma_start3A_53 = arith.constant 0 : i32
      %dma_start3A_54 = arith.constant 0 : i32
      %dma_start3A_55 = tpu.memref_slice %arg2[%dma_start3A_53, %dma_start3A_54] : memref<50176x32xf32, #tpu.memory_space<hbm>> -> memref<50176x32xf32, #tpu.memory_space<hbm>>
      tpu.enqueue_indirect_dma source(%dma_start3A_55 : memref<50176x32xf32, #tpu.memory_space<hbm>>) target(%arg15 : memref<288x32xf32, #tpu.memory_space<vmem>>) offsets(%arg10 : memref<288xi32, #tpu.memory_space<vmem>>) semaphore(%arg22 : memref<!tpu.dma_semaphore, #tpu.memory_space<semaphore_mem>>)
      %dma_wait3A_56 = arith.constant 0 : i32
      %dma_wait3A_57 = arith.constant 0 : i32
      %dma_wait3A_58 = tpu.memref_slice %arg2[%dma_wait3A_56, %dma_wait3A_57] : memref<50176x32xf32, #tpu.memory_space<hbm>> -> memref<50176x32xf32, #tpu.memory_space<hbm>>
      tpu.wait_indirect_dma semaphore(%arg21 : memref<!tpu.dma_semaphore, #tpu.memory_space<semaphore_mem>>) src(%dma_wait3A_58 : memref<50176x32xf32, #tpu.memory_space<hbm>>) dst(%arg14 : memref<288x32xf32, #tpu.memory_space<vmem>>)
      %dma_start3A_59 = arith.constant 0 : i32
      %dma_start3A_60 = arith.constant 0 : i32
      %dma_start3A_61 = tpu.memref_slice %arg17[%dma_start3A_59, %dma_start3A_60] : memref<50176x32xf32, #tpu.memory_space<vmem_shared>> -> memref<50176x32xf32, #tpu.memory_space<vmem_shared>>
      tpu.enqueue_indirect_dma source(%arg14 : memref<288x32xf32, #tpu.memory_space<vmem>>) target(%dma_start3A_61 : memref<50176x32xf32, #tpu.memory_space<vmem_shared>>) offsets(%arg9 : memref<288xi32, #tpu.memory_space<vmem>>) semaphore(%arg24 : memref<!tpu.dma_semaphore, #tpu.memory_space<semaphore_mem>>) {add = true}
      %dma_wait3A_62 = arith.constant 0 : i32
      %dma_wait3A_63 = arith.constant 0 : i32
      %dma_wait3A_64 = tpu.memref_slice %arg17[%dma_wait3A_62, %dma_wait3A_63] : memref<50176x32xf32, #tpu.memory_space<vmem_shared>> -> memref<50176x32xf32, #tpu.memory_space<vmem_shared>>
      tpu.wait_indirect_dma semaphore(%arg24 : memref<!tpu.dma_semaphore, #tpu.memory_space<semaphore_mem>>) src(%arg14 : memref<288x32xf32, #tpu.memory_space<vmem>>) dst(%dma_wait3A_64 : memref<50176x32xf32, #tpu.memory_space<vmem_shared>>)
      %add3A_65 = arith.constant 864 : i32
      %add3A_66 = arith.addi %mul3A_4, %add3A_65 : i32
      %dma_start3A_67 = tpu.memref_slice %arg4[%add3A_66] : memref<801792xi32, #tpu.memory_space<hbm>> -> memref<288xi32, #tpu.memory_space<hbm>>
      %dma_start3A_68 = tpu.memref_slice %arg4[%add3A_66] : memref<801792xi32, #tpu.memory_space<hbm>> -> memref<288xi32, #tpu.memory_space<hbm>>
      tpu.enqueue_dma source(%dma_start3A_68 : memref<288xi32, #tpu.memory_space<hbm>>) target(%arg8 : memref<288xi32, #tpu.memory_space<vmem>>) target_semaphore(%arg18 : memref<!tpu.dma_semaphore, #tpu.memory_space<semaphore_mem>>)
      %add3A_69 = arith.constant 864 : i32
      %add3A_70 = arith.addi %mul3A_4, %add3A_69 : i32
      %dma_start3A_71 = tpu.memref_slice %arg5[%add3A_70] : memref<801792xi32, #tpu.memory_space<hbm>> -> memref<288xi32, #tpu.memory_space<hbm>>
      %dma_start3A_72 = tpu.memref_slice %arg5[%add3A_70] : memref<801792xi32, #tpu.memory_space<hbm>> -> memref<288xi32, #tpu.memory_space<hbm>>
      tpu.enqueue_dma source(%dma_start3A_72 : memref<288xi32, #tpu.memory_space<hbm>>) target(%arg9 : memref<288xi32, #tpu.memory_space<vmem>>) target_semaphore(%arg18 : memref<!tpu.dma_semaphore, #tpu.memory_space<semaphore_mem>>)
      %add3A_73 = arith.constant 576 : i32
      %add3A_74 = arith.addi %mul3A_4, %add3A_73 : i32
      %dma_wait3A_75 = tpu.memref_slice %arg4[%add3A_74] : memref<801792xi32, #tpu.memory_space<hbm>> -> memref<288xi32, #tpu.memory_space<hbm>>
      %dma_wait3A_76 = tpu.memref_slice %arg4[%add3A_74] : memref<801792xi32, #tpu.memory_space<hbm>> -> memref<288xi32, #tpu.memory_space<hbm>>
      tpu.wait_dma2 semaphore(%arg20 : memref<!tpu.dma_semaphore, #tpu.memory_space<semaphore_mem>>) src(%dma_wait3A_76 : memref<288xi32, #tpu.memory_space<hbm>>) dst(%arg12 : memref<288xi32, #tpu.memory_space<vmem>>)
      %add3A_77 = arith.constant 576 : i32
      %add3A_78 = arith.addi %mul3A_4, %add3A_77 : i32
      %dma_wait3A_79 = tpu.memref_slice %arg5[%add3A_78] : memref<801792xi32, #tpu.memory_space<hbm>> -> memref<288xi32, #tpu.memory_space<hbm>>
      %dma_wait3A_80 = tpu.memref_slice %arg5[%add3A_78] : memref<801792xi32, #tpu.memory_space<hbm>> -> memref<288xi32, #tpu.memory_space<hbm>>
      tpu.wait_dma2 semaphore(%arg20 : memref<!tpu.dma_semaphore, #tpu.memory_space<semaphore_mem>>) src(%dma_wait3A_80 : memref<288xi32, #tpu.memory_space<hbm>>) dst(%arg13 : memref<288xi32, #tpu.memory_space<vmem>>)
      %dma_start3A_81 = arith.constant 0 : i32
      %dma_start3A_82 = arith.constant 0 : i32
      %dma_start3A_83 = tpu.memref_slice %arg2[%dma_start3A_81, %dma_start3A_82] : memref<50176x32xf32, #tpu.memory_space<hbm>> -> memref<50176x32xf32, #tpu.memory_space<hbm>>
      tpu.enqueue_indirect_dma source(%dma_start3A_83 : memref<50176x32xf32, #tpu.memory_space<hbm>>) target(%arg16 : memref<288x32xf32, #tpu.memory_space<vmem>>) offsets(%arg12 : memref<288xi32, #tpu.memory_space<vmem>>) semaphore(%arg23 : memref<!tpu.dma_semaphore, #tpu.memory_space<semaphore_mem>>)
      %dma_wait3A_84 = arith.constant 0 : i32
      %dma_wait3A_85 = arith.constant 0 : i32
      %dma_wait3A_86 = tpu.memref_slice %arg2[%dma_wait3A_84, %dma_wait3A_85] : memref<50176x32xf32, #tpu.memory_space<hbm>> -> memref<50176x32xf32, #tpu.memory_space<hbm>>
      tpu.wait_indirect_dma semaphore(%arg22 : memref<!tpu.dma_semaphore, #tpu.memory_space<semaphore_mem>>) src(%dma_wait3A_86 : memref<50176x32xf32, #tpu.memory_space<hbm>>) dst(%arg15 : memref<288x32xf32, #tpu.memory_space<vmem>>)
      %dma_start3A_87 = arith.constant 0 : i32
      %dma_start3A_88 = arith.constant 0 : i32
      %dma_start3A_89 = tpu.memref_slice %arg17[%dma_start3A_87, %dma_start3A_88] : memref<50176x32xf32, #tpu.memory_space<vmem_shared>> -> memref<50176x32xf32, #tpu.memory_space<vmem_shared>>
      tpu.enqueue_indirect_dma source(%arg15 : memref<288x32xf32, #tpu.memory_space<vmem>>) target(%dma_start3A_89 : memref<50176x32xf32, #tpu.memory_space<vmem_shared>>) offsets(%arg11 : memref<288xi32, #tpu.memory_space<vmem>>) semaphore(%arg25 : memref<!tpu.dma_semaphore, #tpu.memory_space<semaphore_mem>>) {add = true}
      %scan3A = arith.constant 0 : i32
      %scan3A_90 = arith.constant 56 : i32
      %scan3A_91 = arith.addi %scan3A, %scan3A_90 : i32
      %scan3A_92 = arith.constant 1 : i32
      scf.for %scan3A_182 = %scan3A to %scan3A_91 step %scan3A_92  : i32 {
        %mul3A_183 = arith.constant 1 : i32
        %mul3A_184 = arith.muli %scan3A_182, %mul3A_183 : i32
        %add3A_185 = arith.constant 0 : i32
        %add3A_186 = arith.addi %add3A_185, %mul3A_184 : i32
        %mul3A_187 = arith.constant 3 : i32
        %mul3A_188 = arith.muli %mul3A_187, %add3A_186 : i32
        %add3A_189 = arith.constant 3 : i32
        %add3A_190 = arith.addi %add3A_189, %mul3A_188 : i32
        %add3A_191 = arith.constant 0 : i32
        %add3A_192 = arith.addi %add3A_190, %add3A_191 : i32
        %dma_wait3A_193 = arith.constant 0 : i32
        %dma_wait3A_194 = arith.constant 0 : i32
        %dma_wait3A_195 = tpu.memref_slice %arg17[%dma_wait3A_193, %dma_wait3A_194] : memref<50176x32xf32, #tpu.memory_space<vmem_shared>> -> memref<50176x32xf32, #tpu.memory_space<vmem_shared>>
        tpu.wait_indirect_dma semaphore(%arg25 : memref<!tpu.dma_semaphore, #tpu.memory_space<semaphore_mem>>) src(%arg15 : memref<288x32xf32, #tpu.memory_space<vmem>>) dst(%dma_wait3A_195 : memref<50176x32xf32, #tpu.memory_space<vmem_shared>>)
        %add3A_196 = arith.constant 1 : i32
        %add3A_197 = arith.addi %add3A_192, %add3A_196 : i32
        %mul3A_198 = arith.constant 288 : i32
        %mul3A_199 = arith.muli %add3A_197, %mul3A_198 : i32
        %add3A_200 = arith.addi %mul3A_4, %mul3A_199 : i32
        %dma_start3A_201 = tpu.memref_slice %arg4[%add3A_200] : memref<801792xi32, #tpu.memory_space<hbm>> -> memref<288xi32, #tpu.memory_space<hbm>>
        %dma_start3A_202 = tpu.memref_slice %arg4[%add3A_200] : memref<801792xi32, #tpu.memory_space<hbm>> -> memref<288xi32, #tpu.memory_space<hbm>>
        tpu.enqueue_dma source(%dma_start3A_202 : memref<288xi32, #tpu.memory_space<hbm>>) target(%arg10 : memref<288xi32, #tpu.memory_space<vmem>>) target_semaphore(%arg19 : memref<!tpu.dma_semaphore, #tpu.memory_space<semaphore_mem>>)
        %mul3A_203 = arith.constant 288 : i32
        %mul3A_204 = arith.muli %add3A_197, %mul3A_203 : i32
        %add3A_205 = arith.addi %mul3A_4, %mul3A_204 : i32
        %dma_start3A_206 = tpu.memref_slice %arg5[%add3A_205] : memref<801792xi32, #tpu.memory_space<hbm>> -> memref<288xi32, #tpu.memory_space<hbm>>
        %dma_start3A_207 = tpu.memref_slice %arg5[%add3A_205] : memref<801792xi32, #tpu.memory_space<hbm>> -> memref<288xi32, #tpu.memory_space<hbm>>
        tpu.enqueue_dma source(%dma_start3A_207 : memref<288xi32, #tpu.memory_space<hbm>>) target(%arg11 : memref<288xi32, #tpu.memory_space<vmem>>) target_semaphore(%arg19 : memref<!tpu.dma_semaphore, #tpu.memory_space<semaphore_mem>>)
        %mul3A_208 = arith.constant 288 : i32
        %mul3A_209 = arith.muli %add3A_192, %mul3A_208 : i32
        %add3A_210 = arith.addi %mul3A_4, %mul3A_209 : i32
        %dma_wait3A_211 = tpu.memref_slice %arg4[%add3A_210] : memref<801792xi32, #tpu.memory_space<hbm>> -> memref<288xi32, #tpu.memory_space<hbm>>
        %dma_wait3A_212 = tpu.memref_slice %arg4[%add3A_210] : memref<801792xi32, #tpu.memory_space<hbm>> -> memref<288xi32, #tpu.memory_space<hbm>>
        tpu.wait_dma2 semaphore(%arg18 : memref<!tpu.dma_semaphore, #tpu.memory_space<semaphore_mem>>) src(%dma_wait3A_212 : memref<288xi32, #tpu.memory_space<hbm>>) dst(%arg8 : memref<288xi32, #tpu.memory_space<vmem>>)
        %mul3A_213 = arith.constant 288 : i32
        %mul3A_214 = arith.muli %add3A_192, %mul3A_213 : i32
        %add3A_215 = arith.addi %mul3A_4, %mul3A_214 : i32
        %dma_wait3A_216 = tpu.memref_slice %arg5[%add3A_215] : memref<801792xi32, #tpu.memory_space<hbm>> -> memref<288xi32, #tpu.memory_space<hbm>>
        %dma_wait3A_217 = tpu.memref_slice %arg5[%add3A_215] : memref<801792xi32, #tpu.memory_space<hbm>> -> memref<288xi32, #tpu.memory_space<hbm>>
        tpu.wait_dma2 semaphore(%arg18 : memref<!tpu.dma_semaphore, #tpu.memory_space<semaphore_mem>>) src(%dma_wait3A_217 : memref<288xi32, #tpu.memory_space<hbm>>) dst(%arg9 : memref<288xi32, #tpu.memory_space<vmem>>)
        %dma_start3A_218 = arith.constant 0 : i32
        %dma_start3A_219 = arith.constant 0 : i32
        %dma_start3A_220 = tpu.memref_slice %arg2[%dma_start3A_218, %dma_start3A_219] : memref<50176x32xf32, #tpu.memory_space<hbm>> -> memref<50176x32xf32, #tpu.memory_space<hbm>>
        tpu.enqueue_indirect_dma source(%dma_start3A_220 : memref<50176x32xf32, #tpu.memory_space<hbm>>) target(%arg14 : memref<288x32xf32, #tpu.memory_space<vmem>>) offsets(%arg8 : memref<288xi32, #tpu.memory_space<vmem>>) semaphore(%arg21 : memref<!tpu.dma_semaphore, #tpu.memory_space<semaphore_mem>>)
        %dma_wait3A_221 = arith.constant 0 : i32
        %dma_wait3A_222 = arith.constant 0 : i32
        %dma_wait3A_223 = tpu.memref_slice %arg2[%dma_wait3A_221, %dma_wait3A_222] : memref<50176x32xf32, #tpu.memory_space<hbm>> -> memref<50176x32xf32, #tpu.memory_space<hbm>>
        tpu.wait_indirect_dma semaphore(%arg23 : memref<!tpu.dma_semaphore, #tpu.memory_space<semaphore_mem>>) src(%dma_wait3A_223 : memref<50176x32xf32, #tpu.memory_space<hbm>>) dst(%arg16 : memref<288x32xf32, #tpu.memory_space<vmem>>)
        %dma_start3A_224 = arith.constant 0 : i32
        %dma_start3A_225 = arith.constant 0 : i32
        %dma_start3A_226 = tpu.memref_slice %arg17[%dma_start3A_224, %dma_start3A_225] : memref<50176x32xf32, #tpu.memory_space<vmem_shared>> -> memref<50176x32xf32, #tpu.memory_space<vmem_shared>>
        tpu.enqueue_indirect_dma source(%arg16 : memref<288x32xf32, #tpu.memory_space<vmem>>) target(%dma_start3A_226 : memref<50176x32xf32, #tpu.memory_space<vmem_shared>>) offsets(%arg13 : memref<288xi32, #tpu.memory_space<vmem>>) semaphore(%arg26 : memref<!tpu.dma_semaphore, #tpu.memory_space<semaphore_mem>>) {add = true}
        %mul3A_227 = arith.constant 3 : i32
        %mul3A_228 = arith.muli %mul3A_227, %add3A_186 : i32
        %add3A_229 = arith.constant 3 : i32
        %add3A_230 = arith.addi %add3A_229, %mul3A_228 : i32
        %add3A_231 = arith.constant 1 : i32
        %add3A_232 = arith.addi %add3A_230, %add3A_231 : i32
        %dma_wait3A_233 = arith.constant 0 : i32
        %dma_wait3A_234 = arith.constant 0 : i32
        %dma_wait3A_235 = tpu.memref_slice %arg17[%dma_wait3A_233, %dma_wait3A_234] : memref<50176x32xf32, #tpu.memory_space<vmem_shared>> -> memref<50176x32xf32, #tpu.memory_space<vmem_shared>>
        tpu.wait_indirect_dma semaphore(%arg26 : memref<!tpu.dma_semaphore, #tpu.memory_space<semaphore_mem>>) src(%arg16 : memref<288x32xf32, #tpu.memory_space<vmem>>) dst(%dma_wait3A_235 : memref<50176x32xf32, #tpu.memory_space<vmem_shared>>)
        %add3A_236 = arith.constant 1 : i32
        %add3A_237 = arith.addi %add3A_232, %add3A_236 : i32
        %mul3A_238 = arith.constant 288 : i32
        %mul3A_239 = arith.muli %add3A_237, %mul3A_238 : i32
        %add3A_240 = arith.addi %mul3A_4, %mul3A_239 : i32
        %dma_start3A_241 = tpu.memref_slice %arg4[%add3A_240] : memref<801792xi32, #tpu.memory_space<hbm>> -> memref<288xi32, #tpu.memory_space<hbm>>
        %dma_start3A_242 = tpu.memref_slice %arg4[%add3A_240] : memref<801792xi32, #tpu.memory_space<hbm>> -> memref<288xi32, #tpu.memory_space<hbm>>
        tpu.enqueue_dma source(%dma_start3A_242 : memref<288xi32, #tpu.memory_space<hbm>>) target(%arg12 : memref<288xi32, #tpu.memory_space<vmem>>) target_semaphore(%arg20 : memref<!tpu.dma_semaphore, #tpu.memory_space<semaphore_mem>>)
        %mul3A_243 = arith.constant 288 : i32
        %mul3A_244 = arith.muli %add3A_237, %mul3A_243 : i32
        %add3A_245 = arith.addi %mul3A_4, %mul3A_244 : i32
        %dma_start3A_246 = tpu.memref_slice %arg5[%add3A_245] : memref<801792xi32, #tpu.memory_space<hbm>> -> memref<288xi32, #tpu.memory_space<hbm>>
        %dma_start3A_247 = tpu.memref_slice %arg5[%add3A_245] : memref<801792xi32, #tpu.memory_space<hbm>> -> memref<288xi32, #tpu.memory_space<hbm>>
        tpu.enqueue_dma source(%dma_start3A_247 : memref<288xi32, #tpu.memory_space<hbm>>) target(%arg13 : memref<288xi32, #tpu.memory_space<vmem>>) target_semaphore(%arg20 : memref<!tpu.dma_semaphore, #tpu.memory_space<semaphore_mem>>)
        %mul3A_248 = arith.constant 288 : i32
        %mul3A_249 = arith.muli %add3A_232, %mul3A_248 : i32
        %add3A_250 = arith.addi %mul3A_4, %mul3A_249 : i32
        %dma_wait3A_251 = tpu.memref_slice %arg4[%add3A_250] : memref<801792xi32, #tpu.memory_space<hbm>> -> memref<288xi32, #tpu.memory_space<hbm>>
        %dma_wait3A_252 = tpu.memref_slice %arg4[%add3A_250] : memref<801792xi32, #tpu.memory_space<hbm>> -> memref<288xi32, #tpu.memory_space<hbm>>
        tpu.wait_dma2 semaphore(%arg19 : memref<!tpu.dma_semaphore, #tpu.memory_space<semaphore_mem>>) src(%dma_wait3A_252 : memref<288xi32, #tpu.memory_space<hbm>>) dst(%arg10 : memref<288xi32, #tpu.memory_space<vmem>>)
        %mul3A_253 = arith.constant 288 : i32
        %mul3A_254 = arith.muli %add3A_232, %mul3A_253 : i32
        %add3A_255 = arith.addi %mul3A_4, %mul3A_254 : i32
        %dma_wait3A_256 = tpu.memref_slice %arg5[%add3A_255] : memref<801792xi32, #tpu.memory_space<hbm>> -> memref<288xi32, #tpu.memory_space<hbm>>
        %dma_wait3A_257 = tpu.memref_slice %arg5[%add3A_255] : memref<801792xi32, #tpu.memory_space<hbm>> -> memref<288xi32, #tpu.memory_space<hbm>>
        tpu.wait_dma2 semaphore(%arg19 : memref<!tpu.dma_semaphore, #tpu.memory_space<semaphore_mem>>) src(%dma_wait3A_257 : memref<288xi32, #tpu.memory_space<hbm>>) dst(%arg11 : memref<288xi32, #tpu.memory_space<vmem>>)
        %dma_start3A_258 = arith.constant 0 : i32
        %dma_start3A_259 = arith.constant 0 : i32
        %dma_start3A_260 = tpu.memref_slice %arg2[%dma_start3A_258, %dma_start3A_259] : memref<50176x32xf32, #tpu.memory_space<hbm>> -> memref<50176x32xf32, #tpu.memory_space<hbm>>
        tpu.enqueue_indirect_dma source(%dma_start3A_260 : memref<50176x32xf32, #tpu.memory_space<hbm>>) target(%arg15 : memref<288x32xf32, #tpu.memory_space<vmem>>) offsets(%arg10 : memref<288xi32, #tpu.memory_space<vmem>>) semaphore(%arg22 : memref<!tpu.dma_semaphore, #tpu.memory_space<semaphore_mem>>)
        %dma_wait3A_261 = arith.constant 0 : i32
        %dma_wait3A_262 = arith.constant 0 : i32
        %dma_wait3A_263 = tpu.memref_slice %arg2[%dma_wait3A_261, %dma_wait3A_262] : memref<50176x32xf32, #tpu.memory_space<hbm>> -> memref<50176x32xf32, #tpu.memory_space<hbm>>
        tpu.wait_indirect_dma semaphore(%arg21 : memref<!tpu.dma_semaphore, #tpu.memory_space<semaphore_mem>>) src(%dma_wait3A_263 : memref<50176x32xf32, #tpu.memory_space<hbm>>) dst(%arg14 : memref<288x32xf32, #tpu.memory_space<vmem>>)
        %dma_start3A_264 = arith.constant 0 : i32
        %dma_start3A_265 = arith.constant 0 : i32
        %dma_start3A_266 = tpu.memref_slice %arg17[%dma_start3A_264, %dma_start3A_265] : memref<50176x32xf32, #tpu.memory_space<vmem_shared>> -> memref<50176x32xf32, #tpu.memory_space<vmem_shared>>
        tpu.enqueue_indirect_dma source(%arg14 : memref<288x32xf32, #tpu.memory_space<vmem>>) target(%dma_start3A_266 : memref<50176x32xf32, #tpu.memory_space<vmem_shared>>) offsets(%arg9 : memref<288xi32, #tpu.memory_space<vmem>>) semaphore(%arg24 : memref<!tpu.dma_semaphore, #tpu.memory_space<semaphore_mem>>) {add = true}
        %mul3A_267 = arith.constant 3 : i32
        %mul3A_268 = arith.muli %mul3A_267, %add3A_186 : i32
        %add3A_269 = arith.constant 3 : i32
        %add3A_270 = arith.addi %add3A_269, %mul3A_268 : i32
        %add3A_271 = arith.constant 2 : i32
        %add3A_272 = arith.addi %add3A_270, %add3A_271 : i32
        %dma_wait3A_273 = arith.constant 0 : i32
        %dma_wait3A_274 = arith.constant 0 : i32
        %dma_wait3A_275 = tpu.memref_slice %arg17[%dma_wait3A_273, %dma_wait3A_274] : memref<50176x32xf32, #tpu.memory_space<vmem_shared>> -> memref<50176x32xf32, #tpu.memory_space<vmem_shared>>
        tpu.wait_indirect_dma semaphore(%arg24 : memref<!tpu.dma_semaphore, #tpu.memory_space<semaphore_mem>>) src(%arg14 : memref<288x32xf32, #tpu.memory_space<vmem>>) dst(%dma_wait3A_275 : memref<50176x32xf32, #tpu.memory_space<vmem_shared>>)
        %add3A_276 = arith.constant 1 : i32
        %add3A_277 = arith.addi %add3A_272, %add3A_276 : i32
        %mul3A_278 = arith.constant 288 : i32
        %mul3A_279 = arith.muli %add3A_277, %mul3A_278 : i32
        %add3A_280 = arith.addi %mul3A_4, %mul3A_279 : i32
        %dma_start3A_281 = tpu.memref_slice %arg4[%add3A_280] : memref<801792xi32, #tpu.memory_space<hbm>> -> memref<288xi32, #tpu.memory_space<hbm>>
        %dma_start3A_282 = tpu.memref_slice %arg4[%add3A_280] : memref<801792xi32, #tpu.memory_space<hbm>> -> memref<288xi32, #tpu.memory_space<hbm>>
        tpu.enqueue_dma source(%dma_start3A_282 : memref<288xi32, #tpu.memory_space<hbm>>) target(%arg8 : memref<288xi32, #tpu.memory_space<vmem>>) target_semaphore(%arg18 : memref<!tpu.dma_semaphore, #tpu.memory_space<semaphore_mem>>)
        %mul3A_283 = arith.constant 288 : i32
        %mul3A_284 = arith.muli %add3A_277, %mul3A_283 : i32
        %add3A_285 = arith.addi %mul3A_4, %mul3A_284 : i32
        %dma_start3A_286 = tpu.memref_slice %arg5[%add3A_285] : memref<801792xi32, #tpu.memory_space<hbm>> -> memref<288xi32, #tpu.memory_space<hbm>>
        %dma_start3A_287 = tpu.memref_slice %arg5[%add3A_285] : memref<801792xi32, #tpu.memory_space<hbm>> -> memref<288xi32, #tpu.memory_space<hbm>>
        tpu.enqueue_dma source(%dma_start3A_287 : memref<288xi32, #tpu.memory_space<hbm>>) target(%arg9 : memref<288xi32, #tpu.memory_space<vmem>>) target_semaphore(%arg18 : memref<!tpu.dma_semaphore, #tpu.memory_space<semaphore_mem>>)
        %mul3A_288 = arith.constant 288 : i32
        %mul3A_289 = arith.muli %add3A_272, %mul3A_288 : i32
        %add3A_290 = arith.addi %mul3A_4, %mul3A_289 : i32
        %dma_wait3A_291 = tpu.memref_slice %arg4[%add3A_290] : memref<801792xi32, #tpu.memory_space<hbm>> -> memref<288xi32, #tpu.memory_space<hbm>>
        %dma_wait3A_292 = tpu.memref_slice %arg4[%add3A_290] : memref<801792xi32, #tpu.memory_space<hbm>> -> memref<288xi32, #tpu.memory_space<hbm>>
        tpu.wait_dma2 semaphore(%arg20 : memref<!tpu.dma_semaphore, #tpu.memory_space<semaphore_mem>>) src(%dma_wait3A_292 : memref<288xi32, #tpu.memory_space<hbm>>) dst(%arg12 : memref<288xi32, #tpu.memory_space<vmem>>)
        %mul3A_293 = arith.constant 288 : i32
        %mul3A_294 = arith.muli %add3A_272, %mul3A_293 : i32
        %add3A_295 = arith.addi %mul3A_4, %mul3A_294 : i32
        %dma_wait3A_296 = tpu.memref_slice %arg5[%add3A_295] : memref<801792xi32, #tpu.memory_space<hbm>> -> memref<288xi32, #tpu.memory_space<hbm>>
        %dma_wait3A_297 = tpu.memref_slice %arg5[%add3A_295] : memref<801792xi32, #tpu.memory_space<hbm>> -> memref<288xi32, #tpu.memory_space<hbm>>
        tpu.wait_dma2 semaphore(%arg20 : memref<!tpu.dma_semaphore, #tpu.memory_space<semaphore_mem>>) src(%dma_wait3A_297 : memref<288xi32, #tpu.memory_space<hbm>>) dst(%arg13 : memref<288xi32, #tpu.memory_space<vmem>>)
        %dma_start3A_298 = arith.constant 0 : i32
        %dma_start3A_299 = arith.constant 0 : i32
        %dma_start3A_300 = tpu.memref_slice %arg2[%dma_start3A_298, %dma_start3A_299] : memref<50176x32xf32, #tpu.memory_space<hbm>> -> memref<50176x32xf32, #tpu.memory_space<hbm>>
        tpu.enqueue_indirect_dma source(%dma_start3A_300 : memref<50176x32xf32, #tpu.memory_space<hbm>>) target(%arg16 : memref<288x32xf32, #tpu.memory_space<vmem>>) offsets(%arg12 : memref<288xi32, #tpu.memory_space<vmem>>) semaphore(%arg23 : memref<!tpu.dma_semaphore, #tpu.memory_space<semaphore_mem>>)
        %dma_wait3A_301 = arith.constant 0 : i32
        %dma_wait3A_302 = arith.constant 0 : i32
        %dma_wait3A_303 = tpu.memref_slice %arg2[%dma_wait3A_301, %dma_wait3A_302] : memref<50176x32xf32, #tpu.memory_space<hbm>> -> memref<50176x32xf32, #tpu.memory_space<hbm>>
        tpu.wait_indirect_dma semaphore(%arg22 : memref<!tpu.dma_semaphore, #tpu.memory_space<semaphore_mem>>) src(%dma_wait3A_303 : memref<50176x32xf32, #tpu.memory_space<hbm>>) dst(%arg15 : memref<288x32xf32, #tpu.memory_space<vmem>>)
        %dma_start3A_304 = arith.constant 0 : i32
        %dma_start3A_305 = arith.constant 0 : i32
        %dma_start3A_306 = tpu.memref_slice %arg17[%dma_start3A_304, %dma_start3A_305] : memref<50176x32xf32, #tpu.memory_space<vmem_shared>> -> memref<50176x32xf32, #tpu.memory_space<vmem_shared>>
        tpu.enqueue_indirect_dma source(%arg15 : memref<288x32xf32, #tpu.memory_space<vmem>>) target(%dma_start3A_306 : memref<50176x32xf32, #tpu.memory_space<vmem_shared>>) offsets(%arg11 : memref<288xi32, #tpu.memory_space<vmem>>) semaphore(%arg25 : memref<!tpu.dma_semaphore, #tpu.memory_space<semaphore_mem>>) {add = true}
      }
      %scan3A_93 = arith.constant 56 : i32
      %dma_wait3A_94 = arith.constant 0 : i32
      %dma_wait3A_95 = arith.constant 0 : i32
      %dma_wait3A_96 = tpu.memref_slice %arg17[%dma_wait3A_94, %dma_wait3A_95] : memref<50176x32xf32, #tpu.memory_space<vmem_shared>> -> memref<50176x32xf32, #tpu.memory_space<vmem_shared>>
      tpu.wait_indirect_dma semaphore(%arg25 : memref<!tpu.dma_semaphore, #tpu.memory_space<semaphore_mem>>) src(%arg15 : memref<288x32xf32, #tpu.memory_space<vmem>>) dst(%dma_wait3A_96 : memref<50176x32xf32, #tpu.memory_space<vmem_shared>>)
      %add3A_97 = arith.constant 49536 : i32
      %add3A_98 = arith.addi %mul3A_4, %add3A_97 : i32
      %dma_start3A_99 = tpu.memref_slice %arg4[%add3A_98] : memref<801792xi32, #tpu.memory_space<hbm>> -> memref<288xi32, #tpu.memory_space<hbm>>
      %dma_start3A_100 = tpu.memref_slice %arg4[%add3A_98] : memref<801792xi32, #tpu.memory_space<hbm>> -> memref<288xi32, #tpu.memory_space<hbm>>
      tpu.enqueue_dma source(%dma_start3A_100 : memref<288xi32, #tpu.memory_space<hbm>>) target(%arg10 : memref<288xi32, #tpu.memory_space<vmem>>) target_semaphore(%arg19 : memref<!tpu.dma_semaphore, #tpu.memory_space<semaphore_mem>>)
      %add3A_101 = arith.constant 49536 : i32
      %add3A_102 = arith.addi %mul3A_4, %add3A_101 : i32
      %dma_start3A_103 = tpu.memref_slice %arg5[%add3A_102] : memref<801792xi32, #tpu.memory_space<hbm>> -> memref<288xi32, #tpu.memory_space<hbm>>
      %dma_start3A_104 = tpu.memref_slice %arg5[%add3A_102] : memref<801792xi32, #tpu.memory_space<hbm>> -> memref<288xi32, #tpu.memory_space<hbm>>
      tpu.enqueue_dma source(%dma_start3A_104 : memref<288xi32, #tpu.memory_space<hbm>>) target(%arg11 : memref<288xi32, #tpu.memory_space<vmem>>) target_semaphore(%arg19 : memref<!tpu.dma_semaphore, #tpu.memory_space<semaphore_mem>>)
      %add3A_105 = arith.constant 49248 : i32
      %add3A_106 = arith.addi %mul3A_4, %add3A_105 : i32
      %dma_wait3A_107 = tpu.memref_slice %arg4[%add3A_106] : memref<801792xi32, #tpu.memory_space<hbm>> -> memref<288xi32, #tpu.memory_space<hbm>>
      %dma_wait3A_108 = tpu.memref_slice %arg4[%add3A_106] : memref<801792xi32, #tpu.memory_space<hbm>> -> memref<288xi32, #tpu.memory_space<hbm>>
      tpu.wait_dma2 semaphore(%arg18 : memref<!tpu.dma_semaphore, #tpu.memory_space<semaphore_mem>>) src(%dma_wait3A_108 : memref<288xi32, #tpu.memory_space<hbm>>) dst(%arg8 : memref<288xi32, #tpu.memory_space<vmem>>)
      %add3A_109 = arith.constant 49248 : i32
      %add3A_110 = arith.addi %mul3A_4, %add3A_109 : i32
      %dma_wait3A_111 = tpu.memref_slice %arg5[%add3A_110] : memref<801792xi32, #tpu.memory_space<hbm>> -> memref<288xi32, #tpu.memory_space<hbm>>
      %dma_wait3A_112 = tpu.memref_slice %arg5[%add3A_110] : memref<801792xi32, #tpu.memory_space<hbm>> -> memref<288xi32, #tpu.memory_space<hbm>>
      tpu.wait_dma2 semaphore(%arg18 : memref<!tpu.dma_semaphore, #tpu.memory_space<semaphore_mem>>) src(%dma_wait3A_112 : memref<288xi32, #tpu.memory_space<hbm>>) dst(%arg9 : memref<288xi32, #tpu.memory_space<vmem>>)
      %dma_start3A_113 = arith.constant 0 : i32
      %dma_start3A_114 = arith.constant 0 : i32
      %dma_start3A_115 = tpu.memref_slice %arg2[%dma_start3A_113, %dma_start3A_114] : memref<50176x32xf32, #tpu.memory_space<hbm>> -> memref<50176x32xf32, #tpu.memory_space<hbm>>
      tpu.enqueue_indirect_dma source(%dma_start3A_115 : memref<50176x32xf32, #tpu.memory_space<hbm>>) target(%arg14 : memref<288x32xf32, #tpu.memory_space<vmem>>) offsets(%arg8 : memref<288xi32, #tpu.memory_space<vmem>>) semaphore(%arg21 : memref<!tpu.dma_semaphore, #tpu.memory_space<semaphore_mem>>)
      %dma_wait3A_116 = arith.constant 0 : i32
      %dma_wait3A_117 = arith.constant 0 : i32
      %dma_wait3A_118 = tpu.memref_slice %arg2[%dma_wait3A_116, %dma_wait3A_117] : memref<50176x32xf32, #tpu.memory_space<hbm>> -> memref<50176x32xf32, #tpu.memory_space<hbm>>
      tpu.wait_indirect_dma semaphore(%arg23 : memref<!tpu.dma_semaphore, #tpu.memory_space<semaphore_mem>>) src(%dma_wait3A_118 : memref<50176x32xf32, #tpu.memory_space<hbm>>) dst(%arg16 : memref<288x32xf32, #tpu.memory_space<vmem>>)
      %dma_start3A_119 = arith.constant 0 : i32
      %dma_start3A_120 = arith.constant 0 : i32
      %dma_start3A_121 = tpu.memref_slice %arg17[%dma_start3A_119, %dma_start3A_120] : memref<50176x32xf32, #tpu.memory_space<vmem_shared>> -> memref<50176x32xf32, #tpu.memory_space<vmem_shared>>
      tpu.enqueue_indirect_dma source(%arg16 : memref<288x32xf32, #tpu.memory_space<vmem>>) target(%dma_start3A_121 : memref<50176x32xf32, #tpu.memory_space<vmem_shared>>) offsets(%arg13 : memref<288xi32, #tpu.memory_space<vmem>>) semaphore(%arg26 : memref<!tpu.dma_semaphore, #tpu.memory_space<semaphore_mem>>) {add = true}
      %dma_wait3A_122 = arith.constant 0 : i32
      %dma_wait3A_123 = arith.constant 0 : i32
      %dma_wait3A_124 = tpu.memref_slice %arg17[%dma_wait3A_122, %dma_wait3A_123] : memref<50176x32xf32, #tpu.memory_space<vmem_shared>> -> memref<50176x32xf32, #tpu.memory_space<vmem_shared>>
      tpu.wait_indirect_dma semaphore(%arg26 : memref<!tpu.dma_semaphore, #tpu.memory_space<semaphore_mem>>) src(%arg16 : memref<288x32xf32, #tpu.memory_space<vmem>>) dst(%dma_wait3A_124 : memref<50176x32xf32, #tpu.memory_space<vmem_shared>>)
      %add3A_125 = arith.constant 49824 : i32
      %add3A_126 = arith.addi %mul3A_4, %add3A_125 : i32
      %dma_start3A_127 = tpu.memref_slice %arg4[%add3A_126] : memref<801792xi32, #tpu.memory_space<hbm>> -> memref<288xi32, #tpu.memory_space<hbm>>
      %dma_start3A_128 = tpu.memref_slice %arg4[%add3A_126] : memref<801792xi32, #tpu.memory_space<hbm>> -> memref<288xi32, #tpu.memory_space<hbm>>
      tpu.enqueue_dma source(%dma_start3A_128 : memref<288xi32, #tpu.memory_space<hbm>>) target(%arg12 : memref<288xi32, #tpu.memory_space<vmem>>) target_semaphore(%arg20 : memref<!tpu.dma_semaphore, #tpu.memory_space<semaphore_mem>>)
      %add3A_129 = arith.constant 49824 : i32
      %add3A_130 = arith.addi %mul3A_4, %add3A_129 : i32
      %dma_start3A_131 = tpu.memref_slice %arg5[%add3A_130] : memref<801792xi32, #tpu.memory_space<hbm>> -> memref<288xi32, #tpu.memory_space<hbm>>
      %dma_start3A_132 = tpu.memref_slice %arg5[%add3A_130] : memref<801792xi32, #tpu.memory_space<hbm>> -> memref<288xi32, #tpu.memory_space<hbm>>
      tpu.enqueue_dma source(%dma_start3A_132 : memref<288xi32, #tpu.memory_space<hbm>>) target(%arg13 : memref<288xi32, #tpu.memory_space<vmem>>) target_semaphore(%arg20 : memref<!tpu.dma_semaphore, #tpu.memory_space<semaphore_mem>>)
      %add3A_133 = arith.constant 49536 : i32
      %add3A_134 = arith.addi %mul3A_4, %add3A_133 : i32
      %dma_wait3A_135 = tpu.memref_slice %arg4[%add3A_134] : memref<801792xi32, #tpu.memory_space<hbm>> -> memref<288xi32, #tpu.memory_space<hbm>>
      %dma_wait3A_136 = tpu.memref_slice %arg4[%add3A_134] : memref<801792xi32, #tpu.memory_space<hbm>> -> memref<288xi32, #tpu.memory_space<hbm>>
      tpu.wait_dma2 semaphore(%arg19 : memref<!tpu.dma_semaphore, #tpu.memory_space<semaphore_mem>>) src(%dma_wait3A_136 : memref<288xi32, #tpu.memory_space<hbm>>) dst(%arg10 : memref<288xi32, #tpu.memory_space<vmem>>)
      %add3A_137 = arith.constant 49536 : i32
      %add3A_138 = arith.addi %mul3A_4, %add3A_137 : i32
      %dma_wait3A_139 = tpu.memref_slice %arg5[%add3A_138] : memref<801792xi32, #tpu.memory_space<hbm>> -> memref<288xi32, #tpu.memory_space<hbm>>
      %dma_wait3A_140 = tpu.memref_slice %arg5[%add3A_138] : memref<801792xi32, #tpu.memory_space<hbm>> -> memref<288xi32, #tpu.memory_space<hbm>>
      tpu.wait_dma2 semaphore(%arg19 : memref<!tpu.dma_semaphore, #tpu.memory_space<semaphore_mem>>) src(%dma_wait3A_140 : memref<288xi32, #tpu.memory_space<hbm>>) dst(%arg11 : memref<288xi32, #tpu.memory_space<vmem>>)
      %dma_start3A_141 = arith.constant 0 : i32
      %dma_start3A_142 = arith.constant 0 : i32
      %dma_start3A_143 = tpu.memref_slice %arg2[%dma_start3A_141, %dma_start3A_142] : memref<50176x32xf32, #tpu.memory_space<hbm>> -> memref<50176x32xf32, #tpu.memory_space<hbm>>
      tpu.enqueue_indirect_dma source(%dma_start3A_143 : memref<50176x32xf32, #tpu.memory_space<hbm>>) target(%arg15 : memref<288x32xf32, #tpu.memory_space<vmem>>) offsets(%arg10 : memref<288xi32, #tpu.memory_space<vmem>>) semaphore(%arg22 : memref<!tpu.dma_semaphore, #tpu.memory_space<semaphore_mem>>)
      %dma_wait3A_144 = arith.constant 0 : i32
      %dma_wait3A_145 = arith.constant 0 : i32
      %dma_wait3A_146 = tpu.memref_slice %arg2[%dma_wait3A_144, %dma_wait3A_145] : memref<50176x32xf32, #tpu.memory_space<hbm>> -> memref<50176x32xf32, #tpu.memory_space<hbm>>
      tpu.wait_indirect_dma semaphore(%arg21 : memref<!tpu.dma_semaphore, #tpu.memory_space<semaphore_mem>>) src(%dma_wait3A_146 : memref<50176x32xf32, #tpu.memory_space<hbm>>) dst(%arg14 : memref<288x32xf32, #tpu.memory_space<vmem>>)
      %dma_start3A_147 = arith.constant 0 : i32
      %dma_start3A_148 = arith.constant 0 : i32
      %dma_start3A_149 = tpu.memref_slice %arg17[%dma_start3A_147, %dma_start3A_148] : memref<50176x32xf32, #tpu.memory_space<vmem_shared>> -> memref<50176x32xf32, #tpu.memory_space<vmem_shared>>
      tpu.enqueue_indirect_dma source(%arg14 : memref<288x32xf32, #tpu.memory_space<vmem>>) target(%dma_start3A_149 : memref<50176x32xf32, #tpu.memory_space<vmem_shared>>) offsets(%arg9 : memref<288xi32, #tpu.memory_space<vmem>>) semaphore(%arg24 : memref<!tpu.dma_semaphore, #tpu.memory_space<semaphore_mem>>) {add = true}
      %dma_wait3A_150 = arith.constant 0 : i32
      %dma_wait3A_151 = arith.constant 0 : i32
      %dma_wait3A_152 = tpu.memref_slice %arg17[%dma_wait3A_150, %dma_wait3A_151] : memref<50176x32xf32, #tpu.memory_space<vmem_shared>> -> memref<50176x32xf32, #tpu.memory_space<vmem_shared>>
      tpu.wait_indirect_dma semaphore(%arg24 : memref<!tpu.dma_semaphore, #tpu.memory_space<semaphore_mem>>) src(%arg14 : memref<288x32xf32, #tpu.memory_space<vmem>>) dst(%dma_wait3A_152 : memref<50176x32xf32, #tpu.memory_space<vmem_shared>>)
      %add3A_153 = arith.constant 49824 : i32
      %add3A_154 = arith.addi %mul3A_4, %add3A_153 : i32
      %dma_wait3A_155 = tpu.memref_slice %arg4[%add3A_154] : memref<801792xi32, #tpu.memory_space<hbm>> -> memref<288xi32, #tpu.memory_space<hbm>>
      %dma_wait3A_156 = tpu.memref_slice %arg4[%add3A_154] : memref<801792xi32, #tpu.memory_space<hbm>> -> memref<288xi32, #tpu.memory_space<hbm>>
      tpu.wait_dma2 semaphore(%arg20 : memref<!tpu.dma_semaphore, #tpu.memory_space<semaphore_mem>>) src(%dma_wait3A_156 : memref<288xi32, #tpu.memory_space<hbm>>) dst(%arg12 : memref<288xi32, #tpu.memory_space<vmem>>)
      %add3A_157 = arith.constant 49824 : i32
      %add3A_158 = arith.addi %mul3A_4, %add3A_157 : i32
      %dma_wait3A_159 = tpu.memref_slice %arg5[%add3A_158] : memref<801792xi32, #tpu.memory_space<hbm>> -> memref<288xi32, #tpu.memory_space<hbm>>
      %dma_wait3A_160 = tpu.memref_slice %arg5[%add3A_158] : memref<801792xi32, #tpu.memory_space<hbm>> -> memref<288xi32, #tpu.memory_space<hbm>>
      tpu.wait_dma2 semaphore(%arg20 : memref<!tpu.dma_semaphore, #tpu.memory_space<semaphore_mem>>) src(%dma_wait3A_160 : memref<288xi32, #tpu.memory_space<hbm>>) dst(%arg13 : memref<288xi32, #tpu.memory_space<vmem>>)
      %dma_start3A_161 = arith.constant 0 : i32
      %dma_start3A_162 = arith.constant 0 : i32
      %dma_start3A_163 = tpu.memref_slice %arg2[%dma_start3A_161, %dma_start3A_162] : memref<50176x32xf32, #tpu.memory_space<hbm>> -> memref<50176x32xf32, #tpu.memory_space<hbm>>
      tpu.enqueue_indirect_dma source(%dma_start3A_163 : memref<50176x32xf32, #tpu.memory_space<hbm>>) target(%arg16 : memref<288x32xf32, #tpu.memory_space<vmem>>) offsets(%arg12 : memref<288xi32, #tpu.memory_space<vmem>>) semaphore(%arg23 : memref<!tpu.dma_semaphore, #tpu.memory_space<semaphore_mem>>)
      %dma_wait3A_164 = arith.constant 0 : i32
      %dma_wait3A_165 = arith.constant 0 : i32
      %dma_wait3A_166 = tpu.memref_slice %arg2[%dma_wait3A_164, %dma_wait3A_165] : memref<50176x32xf32, #tpu.memory_space<hbm>> -> memref<50176x32xf32, #tpu.memory_space<hbm>>
      tpu.wait_indirect_dma semaphore(%arg22 : memref<!tpu.dma_semaphore, #tpu.memory_space<semaphore_mem>>) src(%dma_wait3A_166 : memref<50176x32xf32, #tpu.memory_space<hbm>>) dst(%arg15 : memref<288x32xf32, #tpu.memory_space<vmem>>)
      %dma_start3A_167 = arith.constant 0 : i32
      %dma_start3A_168 = arith.constant 0 : i32
      %dma_start3A_169 = tpu.memref_slice %arg17[%dma_start3A_167, %dma_start3A_168] : memref<50176x32xf32, #tpu.memory_space<vmem_shared>> -> memref<50176x32xf32, #tpu.memory_space<vmem_shared>>
      tpu.enqueue_indirect_dma source(%arg15 : memref<288x32xf32, #tpu.memory_space<vmem>>) target(%dma_start3A_169 : memref<50176x32xf32, #tpu.memory_space<vmem_shared>>) offsets(%arg11 : memref<288xi32, #tpu.memory_space<vmem>>) semaphore(%arg25 : memref<!tpu.dma_semaphore, #tpu.memory_space<semaphore_mem>>) {add = true}
      %dma_wait3A_170 = arith.constant 0 : i32
      %dma_wait3A_171 = arith.constant 0 : i32
      %dma_wait3A_172 = tpu.memref_slice %arg2[%dma_wait3A_170, %dma_wait3A_171] : memref<50176x32xf32, #tpu.memory_space<hbm>> -> memref<50176x32xf32, #tpu.memory_space<hbm>>
      tpu.wait_indirect_dma semaphore(%arg23 : memref<!tpu.dma_semaphore, #tpu.memory_space<semaphore_mem>>) src(%dma_wait3A_172 : memref<50176x32xf32, #tpu.memory_space<hbm>>) dst(%arg16 : memref<288x32xf32, #tpu.memory_space<vmem>>)
      %dma_start3A_173 = arith.constant 0 : i32
      %dma_start3A_174 = arith.constant 0 : i32
      %dma_start3A_175 = tpu.memref_slice %arg17[%dma_start3A_173, %dma_start3A_174] : memref<50176x32xf32, #tpu.memory_space<vmem_shared>> -> memref<50176x32xf32, #tpu.memory_space<vmem_shared>>
      tpu.enqueue_indirect_dma source(%arg16 : memref<288x32xf32, #tpu.memory_space<vmem>>) target(%dma_start3A_175 : memref<50176x32xf32, #tpu.memory_space<vmem_shared>>) offsets(%arg13 : memref<288xi32, #tpu.memory_space<vmem>>) semaphore(%arg26 : memref<!tpu.dma_semaphore, #tpu.memory_space<semaphore_mem>>) {add = true}
      %dma_wait3A_176 = arith.constant 0 : i32
      %dma_wait3A_177 = arith.constant 0 : i32
      %dma_wait3A_178 = tpu.memref_slice %arg17[%dma_wait3A_176, %dma_wait3A_177] : memref<50176x32xf32, #tpu.memory_space<vmem_shared>> -> memref<50176x32xf32, #tpu.memory_space<vmem_shared>>
      tpu.wait_indirect_dma semaphore(%arg25 : memref<!tpu.dma_semaphore, #tpu.memory_space<semaphore_mem>>) src(%arg15 : memref<288x32xf32, #tpu.memory_space<vmem>>) dst(%dma_wait3A_178 : memref<50176x32xf32, #tpu.memory_space<vmem_shared>>)
      %dma_wait3A_179 = arith.constant 0 : i32
      %dma_wait3A_180 = arith.constant 0 : i32
      %dma_wait3A_181 = tpu.memref_slice %arg17[%dma_wait3A_179, %dma_wait3A_180] : memref<50176x32xf32, #tpu.memory_space<vmem_shared>> -> memref<50176x32xf32, #tpu.memory_space<vmem_shared>>
      tpu.wait_indirect_dma semaphore(%arg26 : memref<!tpu.dma_semaphore, #tpu.memory_space<semaphore_mem>>) src(%arg16 : memref<288x32xf32, #tpu.memory_space<vmem>>) dst(%dma_wait3A_181 : memref<50176x32xf32, #tpu.memory_space<vmem_shared>>)
    } else {
    }
    %eq3A_7 = arith.constant 1 : i32
    %eq3A_8 = arith.cmpi eq, %arg0, %eq3A_7 : i32
    %convert_element_type3A_9 = arith.extui %eq3A_8 : i1 to i32
    %cond3A_10 = arith.constant 0 : i32
    %cond3A_11 = arith.cmpi ne, %convert_element_type3A_9, %cond3A_10 : i32
    scf.if %cond3A_11 {
      %add3A = arith.constant 0 : i32
      %add3A_13 = arith.addi %mul3A_4, %add3A : i32
      %dma_start3A = tpu.memref_slice %arg4[%add3A_13] : memref<801792xi32, #tpu.memory_space<hbm>> -> memref<288xi32, #tpu.memory_space<hbm>>
      %dma_start3A_14 = tpu.memref_slice %arg4[%add3A_13] : memref<801792xi32, #tpu.memory_space<hbm>> -> memref<288xi32, #tpu.memory_space<hbm>>
      tpu.enqueue_dma source(%dma_start3A_14 : memref<288xi32, #tpu.memory_space<hbm>>) target(%arg8 : memref<288xi32, #tpu.memory_space<vmem>>) target_semaphore(%arg18 : memref<!tpu.dma_semaphore, #tpu.memory_space<semaphore_mem>>)
      %add3A_15 = arith.constant 0 : i32
      %add3A_16 = arith.addi %mul3A_4, %add3A_15 : i32
      %dma_start3A_17 = tpu.memref_slice %arg5[%add3A_16] : memref<801792xi32, #tpu.memory_space<hbm>> -> memref<288xi32, #tpu.memory_space<hbm>>
      %dma_start3A_18 = tpu.memref_slice %arg5[%add3A_16] : memref<801792xi32, #tpu.memory_space<hbm>> -> memref<288xi32, #tpu.memory_space<hbm>>
      tpu.enqueue_dma source(%dma_start3A_18 : memref<288xi32, #tpu.memory_space<hbm>>) target(%arg9 : memref<288xi32, #tpu.memory_space<vmem>>) target_semaphore(%arg18 : memref<!tpu.dma_semaphore, #tpu.memory_space<semaphore_mem>>)
      %add3A_19 = arith.constant 288 : i32
      %add3A_20 = arith.addi %mul3A_4, %add3A_19 : i32
      %dma_start3A_21 = tpu.memref_slice %arg4[%add3A_20] : memref<801792xi32, #tpu.memory_space<hbm>> -> memref<288xi32, #tpu.memory_space<hbm>>
      %dma_start3A_22 = tpu.memref_slice %arg4[%add3A_20] : memref<801792xi32, #tpu.memory_space<hbm>> -> memref<288xi32, #tpu.memory_space<hbm>>
      tpu.enqueue_dma source(%dma_start3A_22 : memref<288xi32, #tpu.memory_space<hbm>>) target(%arg10 : memref<288xi32, #tpu.memory_space<vmem>>) target_semaphore(%arg19 : memref<!tpu.dma_semaphore, #tpu.memory_space<semaphore_mem>>)
      %add3A_23 = arith.constant 288 : i32
      %add3A_24 = arith.addi %mul3A_4, %add3A_23 : i32
      %dma_start3A_25 = tpu.memref_slice %arg5[%add3A_24] : memref<801792xi32, #tpu.memory_space<hbm>> -> memref<288xi32, #tpu.memory_space<hbm>>
      %dma_start3A_26 = tpu.memref_slice %arg5[%add3A_24] : memref<801792xi32, #tpu.memory_space<hbm>> -> memref<288xi32, #tpu.memory_space<hbm>>
      tpu.enqueue_dma source(%dma_start3A_26 : memref<288xi32, #tpu.memory_space<hbm>>) target(%arg11 : memref<288xi32, #tpu.memory_space<vmem>>) target_semaphore(%arg19 : memref<!tpu.dma_semaphore, #tpu.memory_space<semaphore_mem>>)
      %add3A_27 = arith.constant 576 : i32
      %add3A_28 = arith.addi %mul3A_4, %add3A_27 : i32
      %dma_start3A_29 = tpu.memref_slice %arg4[%add3A_28] : memref<801792xi32, #tpu.memory_space<hbm>> -> memref<288xi32, #tpu.memory_space<hbm>>
      %dma_start3A_30 = tpu.memref_slice %arg4[%add3A_28] : memref<801792xi32, #tpu.memory_space<hbm>> -> memref<288xi32, #tpu.memory_space<hbm>>
      tpu.enqueue_dma source(%dma_start3A_30 : memref<288xi32, #tpu.memory_space<hbm>>) target(%arg12 : memref<288xi32, #tpu.memory_space<vmem>>) target_semaphore(%arg20 : memref<!tpu.dma_semaphore, #tpu.memory_space<semaphore_mem>>)
      %add3A_31 = arith.constant 576 : i32
      %add3A_32 = arith.addi %mul3A_4, %add3A_31 : i32
      %dma_start3A_33 = tpu.memref_slice %arg5[%add3A_32] : memref<801792xi32, #tpu.memory_space<hbm>> -> memref<288xi32, #tpu.memory_space<hbm>>
      %dma_start3A_34 = tpu.memref_slice %arg5[%add3A_32] : memref<801792xi32, #tpu.memory_space<hbm>> -> memref<288xi32, #tpu.memory_space<hbm>>
      tpu.enqueue_dma source(%dma_start3A_34 : memref<288xi32, #tpu.memory_space<hbm>>) target(%arg13 : memref<288xi32, #tpu.memory_space<vmem>>) target_semaphore(%arg20 : memref<!tpu.dma_semaphore, #tpu.memory_space<semaphore_mem>>)
      %add3A_35 = arith.constant 0 : i32
      %add3A_36 = arith.addi %mul3A_4, %add3A_35 : i32
      %dma_wait3A = tpu.memref_slice %arg4[%add3A_36] : memref<801792xi32, #tpu.memory_space<hbm>> -> memref<288xi32, #tpu.memory_space<hbm>>
      %dma_wait3A_37 = tpu.memref_slice %arg4[%add3A_36] : memref<801792xi32, #tpu.memory_space<hbm>> -> memref<288xi32, #tpu.memory_space<hbm>>
      tpu.wait_dma2 semaphore(%arg18 : memref<!tpu.dma_semaphore, #tpu.memory_space<semaphore_mem>>) src(%dma_wait3A_37 : memref<288xi32, #tpu.memory_space<hbm>>) dst(%arg8 : memref<288xi32, #tpu.memory_space<vmem>>)
      %add3A_38 = arith.constant 0 : i32
      %add3A_39 = arith.addi %mul3A_4, %add3A_38 : i32
      %dma_wait3A_40 = tpu.memref_slice %arg5[%add3A_39] : memref<801792xi32, #tpu.memory_space<hbm>> -> memref<288xi32, #tpu.memory_space<hbm>>
      %dma_wait3A_41 = tpu.memref_slice %arg5[%add3A_39] : memref<801792xi32, #tpu.memory_space<hbm>> -> memref<288xi32, #tpu.memory_space<hbm>>
      tpu.wait_dma2 semaphore(%arg18 : memref<!tpu.dma_semaphore, #tpu.memory_space<semaphore_mem>>) src(%dma_wait3A_41 : memref<288xi32, #tpu.memory_space<hbm>>) dst(%arg9 : memref<288xi32, #tpu.memory_space<vmem>>)
      %dma_start3A_42 = arith.constant 0 : i32
      %dma_start3A_43 = arith.constant 0 : i32
      %dma_start3A_44 = tpu.memref_slice %arg3[%dma_start3A_42, %dma_start3A_43] : memref<50176x32xf32, #tpu.memory_space<hbm>> -> memref<50176x32xf32, #tpu.memory_space<hbm>>
      tpu.enqueue_indirect_dma source(%dma_start3A_44 : memref<50176x32xf32, #tpu.memory_space<hbm>>) target(%arg14 : memref<288x32xf32, #tpu.memory_space<vmem>>) offsets(%arg8 : memref<288xi32, #tpu.memory_space<vmem>>) semaphore(%arg21 : memref<!tpu.dma_semaphore, #tpu.memory_space<semaphore_mem>>)
      %add3A_45 = arith.constant 288 : i32
      %add3A_46 = arith.addi %mul3A_4, %add3A_45 : i32
      %dma_wait3A_47 = tpu.memref_slice %arg4[%add3A_46] : memref<801792xi32, #tpu.memory_space<hbm>> -> memref<288xi32, #tpu.memory_space<hbm>>
      %dma_wait3A_48 = tpu.memref_slice %arg4[%add3A_46] : memref<801792xi32, #tpu.memory_space<hbm>> -> memref<288xi32, #tpu.memory_space<hbm>>
      tpu.wait_dma2 semaphore(%arg19 : memref<!tpu.dma_semaphore, #tpu.memory_space<semaphore_mem>>) src(%dma_wait3A_48 : memref<288xi32, #tpu.memory_space<hbm>>) dst(%arg10 : memref<288xi32, #tpu.memory_space<vmem>>)
      %add3A_49 = arith.constant 288 : i32
      %add3A_50 = arith.addi %mul3A_4, %add3A_49 : i32
      %dma_wait3A_51 = tpu.memref_slice %arg5[%add3A_50] : memref<801792xi32, #tpu.memory_space<hbm>> -> memref<288xi32, #tpu.memory_space<hbm>>
      %dma_wait3A_52 = tpu.memref_slice %arg5[%add3A_50] : memref<801792xi32, #tpu.memory_space<hbm>> -> memref<288xi32, #tpu.memory_space<hbm>>
      tpu.wait_dma2 semaphore(%arg19 : memref<!tpu.dma_semaphore, #tpu.memory_space<semaphore_mem>>) src(%dma_wait3A_52 : memref<288xi32, #tpu.memory_space<hbm>>) dst(%arg11 : memref<288xi32, #tpu.memory_space<vmem>>)
      %dma_start3A_53 = arith.constant 0 : i32
      %dma_start3A_54 = arith.constant 0 : i32
      %dma_start3A_55 = tpu.memref_slice %arg3[%dma_start3A_53, %dma_start3A_54] : memref<50176x32xf32, #tpu.memory_space<hbm>> -> memref<50176x32xf32, #tpu.memory_space<hbm>>
      tpu.enqueue_indirect_dma source(%dma_start3A_55 : memref<50176x32xf32, #tpu.memory_space<hbm>>) target(%arg15 : memref<288x32xf32, #tpu.memory_space<vmem>>) offsets(%arg10 : memref<288xi32, #tpu.memory_space<vmem>>) semaphore(%arg22 : memref<!tpu.dma_semaphore, #tpu.memory_space<semaphore_mem>>)
      %dma_wait3A_56 = arith.constant 0 : i32
      %dma_wait3A_57 = arith.constant 0 : i32
      %dma_wait3A_58 = tpu.memref_slice %arg3[%dma_wait3A_56, %dma_wait3A_57] : memref<50176x32xf32, #tpu.memory_space<hbm>> -> memref<50176x32xf32, #tpu.memory_space<hbm>>
      tpu.wait_indirect_dma semaphore(%arg21 : memref<!tpu.dma_semaphore, #tpu.memory_space<semaphore_mem>>) src(%dma_wait3A_58 : memref<50176x32xf32, #tpu.memory_space<hbm>>) dst(%arg14 : memref<288x32xf32, #tpu.memory_space<vmem>>)
      %dma_start3A_59 = arith.constant 0 : i32
      %dma_start3A_60 = arith.constant 0 : i32
      %dma_start3A_61 = tpu.memref_slice %arg17[%dma_start3A_59, %dma_start3A_60] : memref<50176x32xf32, #tpu.memory_space<vmem_shared>> -> memref<50176x32xf32, #tpu.memory_space<vmem_shared>>
      tpu.enqueue_indirect_dma source(%arg14 : memref<288x32xf32, #tpu.memory_space<vmem>>) target(%dma_start3A_61 : memref<50176x32xf32, #tpu.memory_space<vmem_shared>>) offsets(%arg9 : memref<288xi32, #tpu.memory_space<vmem>>) semaphore(%arg24 : memref<!tpu.dma_semaphore, #tpu.memory_space<semaphore_mem>>) {add = true}
      %dma_wait3A_62 = arith.constant 0 : i32
      %dma_wait3A_63 = arith.constant 0 : i32
      %dma_wait3A_64 = tpu.memref_slice %arg17[%dma_wait3A_62, %dma_wait3A_63] : memref<50176x32xf32, #tpu.memory_space<vmem_shared>> -> memref<50176x32xf32, #tpu.memory_space<vmem_shared>>
      tpu.wait_indirect_dma semaphore(%arg24 : memref<!tpu.dma_semaphore, #tpu.memory_space<semaphore_mem>>) src(%arg14 : memref<288x32xf32, #tpu.memory_space<vmem>>) dst(%dma_wait3A_64 : memref<50176x32xf32, #tpu.memory_space<vmem_shared>>)
      %add3A_65 = arith.constant 864 : i32
      %add3A_66 = arith.addi %mul3A_4, %add3A_65 : i32
      %dma_start3A_67 = tpu.memref_slice %arg4[%add3A_66] : memref<801792xi32, #tpu.memory_space<hbm>> -> memref<288xi32, #tpu.memory_space<hbm>>
      %dma_start3A_68 = tpu.memref_slice %arg4[%add3A_66] : memref<801792xi32, #tpu.memory_space<hbm>> -> memref<288xi32, #tpu.memory_space<hbm>>
      tpu.enqueue_dma source(%dma_start3A_68 : memref<288xi32, #tpu.memory_space<hbm>>) target(%arg8 : memref<288xi32, #tpu.memory_space<vmem>>) target_semaphore(%arg18 : memref<!tpu.dma_semaphore, #tpu.memory_space<semaphore_mem>>)
      %add3A_69 = arith.constant 864 : i32
      %add3A_70 = arith.addi %mul3A_4, %add3A_69 : i32
      %dma_start3A_71 = tpu.memref_slice %arg5[%add3A_70] : memref<801792xi32, #tpu.memory_space<hbm>> -> memref<288xi32, #tpu.memory_space<hbm>>
      %dma_start3A_72 = tpu.memref_slice %arg5[%add3A_70] : memref<801792xi32, #tpu.memory_space<hbm>> -> memref<288xi32, #tpu.memory_space<hbm>>
      tpu.enqueue_dma source(%dma_start3A_72 : memref<288xi32, #tpu.memory_space<hbm>>) target(%arg9 : memref<288xi32, #tpu.memory_space<vmem>>) target_semaphore(%arg18 : memref<!tpu.dma_semaphore, #tpu.memory_space<semaphore_mem>>)
      %add3A_73 = arith.constant 576 : i32
      %add3A_74 = arith.addi %mul3A_4, %add3A_73 : i32
      %dma_wait3A_75 = tpu.memref_slice %arg4[%add3A_74] : memref<801792xi32, #tpu.memory_space<hbm>> -> memref<288xi32, #tpu.memory_space<hbm>>
      %dma_wait3A_76 = tpu.memref_slice %arg4[%add3A_74] : memref<801792xi32, #tpu.memory_space<hbm>> -> memref<288xi32, #tpu.memory_space<hbm>>
      tpu.wait_dma2 semaphore(%arg20 : memref<!tpu.dma_semaphore, #tpu.memory_space<semaphore_mem>>) src(%dma_wait3A_76 : memref<288xi32, #tpu.memory_space<hbm>>) dst(%arg12 : memref<288xi32, #tpu.memory_space<vmem>>)
      %add3A_77 = arith.constant 576 : i32
      %add3A_78 = arith.addi %mul3A_4, %add3A_77 : i32
      %dma_wait3A_79 = tpu.memref_slice %arg5[%add3A_78] : memref<801792xi32, #tpu.memory_space<hbm>> -> memref<288xi32, #tpu.memory_space<hbm>>
      %dma_wait3A_80 = tpu.memref_slice %arg5[%add3A_78] : memref<801792xi32, #tpu.memory_space<hbm>> -> memref<288xi32, #tpu.memory_space<hbm>>
      tpu.wait_dma2 semaphore(%arg20 : memref<!tpu.dma_semaphore, #tpu.memory_space<semaphore_mem>>) src(%dma_wait3A_80 : memref<288xi32, #tpu.memory_space<hbm>>) dst(%arg13 : memref<288xi32, #tpu.memory_space<vmem>>)
      %dma_start3A_81 = arith.constant 0 : i32
      %dma_start3A_82 = arith.constant 0 : i32
      %dma_start3A_83 = tpu.memref_slice %arg3[%dma_start3A_81, %dma_start3A_82] : memref<50176x32xf32, #tpu.memory_space<hbm>> -> memref<50176x32xf32, #tpu.memory_space<hbm>>
      tpu.enqueue_indirect_dma source(%dma_start3A_83 : memref<50176x32xf32, #tpu.memory_space<hbm>>) target(%arg16 : memref<288x32xf32, #tpu.memory_space<vmem>>) offsets(%arg12 : memref<288xi32, #tpu.memory_space<vmem>>) semaphore(%arg23 : memref<!tpu.dma_semaphore, #tpu.memory_space<semaphore_mem>>)
      %dma_wait3A_84 = arith.constant 0 : i32
      %dma_wait3A_85 = arith.constant 0 : i32
      %dma_wait3A_86 = tpu.memref_slice %arg3[%dma_wait3A_84, %dma_wait3A_85] : memref<50176x32xf32, #tpu.memory_space<hbm>> -> memref<50176x32xf32, #tpu.memory_space<hbm>>
      tpu.wait_indirect_dma semaphore(%arg22 : memref<!tpu.dma_semaphore, #tpu.memory_space<semaphore_mem>>) src(%dma_wait3A_86 : memref<50176x32xf32, #tpu.memory_space<hbm>>) dst(%arg15 : memref<288x32xf32, #tpu.memory_space<vmem>>)
      %dma_start3A_87 = arith.constant 0 : i32
      %dma_start3A_88 = arith.constant 0 : i32
      %dma_start3A_89 = tpu.memref_slice %arg17[%dma_start3A_87, %dma_start3A_88] : memref<50176x32xf32, #tpu.memory_space<vmem_shared>> -> memref<50176x32xf32, #tpu.memory_space<vmem_shared>>
      tpu.enqueue_indirect_dma source(%arg15 : memref<288x32xf32, #tpu.memory_space<vmem>>) target(%dma_start3A_89 : memref<50176x32xf32, #tpu.memory_space<vmem_shared>>) offsets(%arg11 : memref<288xi32, #tpu.memory_space<vmem>>) semaphore(%arg25 : memref<!tpu.dma_semaphore, #tpu.memory_space<semaphore_mem>>) {add = true}
      %scan3A = arith.constant 0 : i32
      %scan3A_90 = arith.constant 56 : i32
      %scan3A_91 = arith.addi %scan3A, %scan3A_90 : i32
      %scan3A_92 = arith.constant 1 : i32
      scf.for %scan3A_182 = %scan3A to %scan3A_91 step %scan3A_92  : i32 {
        %mul3A_183 = arith.constant 1 : i32
        %mul3A_184 = arith.muli %scan3A_182, %mul3A_183 : i32
        %add3A_185 = arith.constant 0 : i32
        %add3A_186 = arith.addi %add3A_185, %mul3A_184 : i32
        %mul3A_187 = arith.constant 3 : i32
        %mul3A_188 = arith.muli %mul3A_187, %add3A_186 : i32
        %add3A_189 = arith.constant 3 : i32
        %add3A_190 = arith.addi %add3A_189, %mul3A_188 : i32
        %add3A_191 = arith.constant 0 : i32
        %add3A_192 = arith.addi %add3A_190, %add3A_191 : i32
        %dma_wait3A_193 = arith.constant 0 : i32
        %dma_wait3A_194 = arith.constant 0 : i32
        %dma_wait3A_195 = tpu.memref_slice %arg17[%dma_wait3A_193, %dma_wait3A_194] : memref<50176x32xf32, #tpu.memory_space<vmem_shared>> -> memref<50176x32xf32, #tpu.memory_space<vmem_shared>>
        tpu.wait_indirect_dma semaphore(%arg25 : memref<!tpu.dma_semaphore, #tpu.memory_space<semaphore_mem>>) src(%arg15 : memref<288x32xf32, #tpu.memory_space<vmem>>) dst(%dma_wait3A_195 : memref<50176x32xf32, #tpu.memory_space<vmem_shared>>)
        %add3A_196 = arith.constant 1 : i32
        %add3A_197 = arith.addi %add3A_192, %add3A_196 : i32
        %mul3A_198 = arith.constant 288 : i32
        %mul3A_199 = arith.muli %add3A_197, %mul3A_198 : i32
        %add3A_200 = arith.addi %mul3A_4, %mul3A_199 : i32
        %dma_start3A_201 = tpu.memref_slice %arg4[%add3A_200] : memref<801792xi32, #tpu.memory_space<hbm>> -> memref<288xi32, #tpu.memory_space<hbm>>
        %dma_start3A_202 = tpu.memref_slice %arg4[%add3A_200] : memref<801792xi32, #tpu.memory_space<hbm>> -> memref<288xi32, #tpu.memory_space<hbm>>
        tpu.enqueue_dma source(%dma_start3A_202 : memref<288xi32, #tpu.memory_space<hbm>>) target(%arg10 : memref<288xi32, #tpu.memory_space<vmem>>) target_semaphore(%arg19 : memref<!tpu.dma_semaphore, #tpu.memory_space<semaphore_mem>>)
        %mul3A_203 = arith.constant 288 : i32
        %mul3A_204 = arith.muli %add3A_197, %mul3A_203 : i32
        %add3A_205 = arith.addi %mul3A_4, %mul3A_204 : i32
        %dma_start3A_206 = tpu.memref_slice %arg5[%add3A_205] : memref<801792xi32, #tpu.memory_space<hbm>> -> memref<288xi32, #tpu.memory_space<hbm>>
        %dma_start3A_207 = tpu.memref_slice %arg5[%add3A_205] : memref<801792xi32, #tpu.memory_space<hbm>> -> memref<288xi32, #tpu.memory_space<hbm>>
        tpu.enqueue_dma source(%dma_start3A_207 : memref<288xi32, #tpu.memory_space<hbm>>) target(%arg11 : memref<288xi32, #tpu.memory_space<vmem>>) target_semaphore(%arg19 : memref<!tpu.dma_semaphore, #tpu.memory_space<semaphore_mem>>)
        %mul3A_208 = arith.constant 288 : i32
        %mul3A_209 = arith.muli %add3A_192, %mul3A_208 : i32
        %add3A_210 = arith.addi %mul3A_4, %mul3A_209 : i32
        %dma_wait3A_211 = tpu.memref_slice %arg4[%add3A_210] : memref<801792xi32, #tpu.memory_space<hbm>> -> memref<288xi32, #tpu.memory_space<hbm>>
        %dma_wait3A_212 = tpu.memref_slice %arg4[%add3A_210] : memref<801792xi32, #tpu.memory_space<hbm>> -> memref<288xi32, #tpu.memory_space<hbm>>
        tpu.wait_dma2 semaphore(%arg18 : memref<!tpu.dma_semaphore, #tpu.memory_space<semaphore_mem>>) src(%dma_wait3A_212 : memref<288xi32, #tpu.memory_space<hbm>>) dst(%arg8 : memref<288xi32, #tpu.memory_space<vmem>>)
        %mul3A_213 = arith.constant 288 : i32
        %mul3A_214 = arith.muli %add3A_192, %mul3A_213 : i32
        %add3A_215 = arith.addi %mul3A_4, %mul3A_214 : i32
        %dma_wait3A_216 = tpu.memref_slice %arg5[%add3A_215] : memref<801792xi32, #tpu.memory_space<hbm>> -> memref<288xi32, #tpu.memory_space<hbm>>
        %dma_wait3A_217 = tpu.memref_slice %arg5[%add3A_215] : memref<801792xi32, #tpu.memory_space<hbm>> -> memref<288xi32, #tpu.memory_space<hbm>>
        tpu.wait_dma2 semaphore(%arg18 : memref<!tpu.dma_semaphore, #tpu.memory_space<semaphore_mem>>) src(%dma_wait3A_217 : memref<288xi32, #tpu.memory_space<hbm>>) dst(%arg9 : memref<288xi32, #tpu.memory_space<vmem>>)
        %dma_start3A_218 = arith.constant 0 : i32
        %dma_start3A_219 = arith.constant 0 : i32
        %dma_start3A_220 = tpu.memref_slice %arg3[%dma_start3A_218, %dma_start3A_219] : memref<50176x32xf32, #tpu.memory_space<hbm>> -> memref<50176x32xf32, #tpu.memory_space<hbm>>
        tpu.enqueue_indirect_dma source(%dma_start3A_220 : memref<50176x32xf32, #tpu.memory_space<hbm>>) target(%arg14 : memref<288x32xf32, #tpu.memory_space<vmem>>) offsets(%arg8 : memref<288xi32, #tpu.memory_space<vmem>>) semaphore(%arg21 : memref<!tpu.dma_semaphore, #tpu.memory_space<semaphore_mem>>)
        %dma_wait3A_221 = arith.constant 0 : i32
        %dma_wait3A_222 = arith.constant 0 : i32
        %dma_wait3A_223 = tpu.memref_slice %arg3[%dma_wait3A_221, %dma_wait3A_222] : memref<50176x32xf32, #tpu.memory_space<hbm>> -> memref<50176x32xf32, #tpu.memory_space<hbm>>
        tpu.wait_indirect_dma semaphore(%arg23 : memref<!tpu.dma_semaphore, #tpu.memory_space<semaphore_mem>>) src(%dma_wait3A_223 : memref<50176x32xf32, #tpu.memory_space<hbm>>) dst(%arg16 : memref<288x32xf32, #tpu.memory_space<vmem>>)
        %dma_start3A_224 = arith.constant 0 : i32
        %dma_start3A_225 = arith.constant 0 : i32
        %dma_start3A_226 = tpu.memref_slice %arg17[%dma_start3A_224, %dma_start3A_225] : memref<50176x32xf32, #tpu.memory_space<vmem_shared>> -> memref<50176x32xf32, #tpu.memory_space<vmem_shared>>
        tpu.enqueue_indirect_dma source(%arg16 : memref<288x32xf32, #tpu.memory_space<vmem>>) target(%dma_start3A_226 : memref<50176x32xf32, #tpu.memory_space<vmem_shared>>) offsets(%arg13 : memref<288xi32, #tpu.memory_space<vmem>>) semaphore(%arg26 : memref<!tpu.dma_semaphore, #tpu.memory_space<semaphore_mem>>) {add = true}
        %mul3A_227 = arith.constant 3 : i32
        %mul3A_228 = arith.muli %mul3A_227, %add3A_186 : i32
        %add3A_229 = arith.constant 3 : i32
        %add3A_230 = arith.addi %add3A_229, %mul3A_228 : i32
        %add3A_231 = arith.constant 1 : i32
        %add3A_232 = arith.addi %add3A_230, %add3A_231 : i32
        %dma_wait3A_233 = arith.constant 0 : i32
        %dma_wait3A_234 = arith.constant 0 : i32
        %dma_wait3A_235 = tpu.memref_slice %arg17[%dma_wait3A_233, %dma_wait3A_234] : memref<50176x32xf32, #tpu.memory_space<vmem_shared>> -> memref<50176x32xf32, #tpu.memory_space<vmem_shared>>
        tpu.wait_indirect_dma semaphore(%arg26 : memref<!tpu.dma_semaphore, #tpu.memory_space<semaphore_mem>>) src(%arg16 : memref<288x32xf32, #tpu.memory_space<vmem>>) dst(%dma_wait3A_235 : memref<50176x32xf32, #tpu.memory_space<vmem_shared>>)
        %add3A_236 = arith.constant 1 : i32
        %add3A_237 = arith.addi %add3A_232, %add3A_236 : i32
        %mul3A_238 = arith.constant 288 : i32
        %mul3A_239 = arith.muli %add3A_237, %mul3A_238 : i32
        %add3A_240 = arith.addi %mul3A_4, %mul3A_239 : i32
        %dma_start3A_241 = tpu.memref_slice %arg4[%add3A_240] : memref<801792xi32, #tpu.memory_space<hbm>> -> memref<288xi32, #tpu.memory_space<hbm>>
        %dma_start3A_242 = tpu.memref_slice %arg4[%add3A_240] : memref<801792xi32, #tpu.memory_space<hbm>> -> memref<288xi32, #tpu.memory_space<hbm>>
        tpu.enqueue_dma source(%dma_start3A_242 : memref<288xi32, #tpu.memory_space<hbm>>) target(%arg12 : memref<288xi32, #tpu.memory_space<vmem>>) target_semaphore(%arg20 : memref<!tpu.dma_semaphore, #tpu.memory_space<semaphore_mem>>)
        %mul3A_243 = arith.constant 288 : i32
        %mul3A_244 = arith.muli %add3A_237, %mul3A_243 : i32
        %add3A_245 = arith.addi %mul3A_4, %mul3A_244 : i32
        %dma_start3A_246 = tpu.memref_slice %arg5[%add3A_245] : memref<801792xi32, #tpu.memory_space<hbm>> -> memref<288xi32, #tpu.memory_space<hbm>>
        %dma_start3A_247 = tpu.memref_slice %arg5[%add3A_245] : memref<801792xi32, #tpu.memory_space<hbm>> -> memref<288xi32, #tpu.memory_space<hbm>>
        tpu.enqueue_dma source(%dma_start3A_247 : memref<288xi32, #tpu.memory_space<hbm>>) target(%arg13 : memref<288xi32, #tpu.memory_space<vmem>>) target_semaphore(%arg20 : memref<!tpu.dma_semaphore, #tpu.memory_space<semaphore_mem>>)
        %mul3A_248 = arith.constant 288 : i32
        %mul3A_249 = arith.muli %add3A_232, %mul3A_248 : i32
        %add3A_250 = arith.addi %mul3A_4, %mul3A_249 : i32
        %dma_wait3A_251 = tpu.memref_slice %arg4[%add3A_250] : memref<801792xi32, #tpu.memory_space<hbm>> -> memref<288xi32, #tpu.memory_space<hbm>>
        %dma_wait3A_252 = tpu.memref_slice %arg4[%add3A_250] : memref<801792xi32, #tpu.memory_space<hbm>> -> memref<288xi32, #tpu.memory_space<hbm>>
        tpu.wait_dma2 semaphore(%arg19 : memref<!tpu.dma_semaphore, #tpu.memory_space<semaphore_mem>>) src(%dma_wait3A_252 : memref<288xi32, #tpu.memory_space<hbm>>) dst(%arg10 : memref<288xi32, #tpu.memory_space<vmem>>)
        %mul3A_253 = arith.constant 288 : i32
        %mul3A_254 = arith.muli %add3A_232, %mul3A_253 : i32
        %add3A_255 = arith.addi %mul3A_4, %mul3A_254 : i32
        %dma_wait3A_256 = tpu.memref_slice %arg5[%add3A_255] : memref<801792xi32, #tpu.memory_space<hbm>> -> memref<288xi32, #tpu.memory_space<hbm>>
        %dma_wait3A_257 = tpu.memref_slice %arg5[%add3A_255] : memref<801792xi32, #tpu.memory_space<hbm>> -> memref<288xi32, #tpu.memory_space<hbm>>
        tpu.wait_dma2 semaphore(%arg19 : memref<!tpu.dma_semaphore, #tpu.memory_space<semaphore_mem>>) src(%dma_wait3A_257 : memref<288xi32, #tpu.memory_space<hbm>>) dst(%arg11 : memref<288xi32, #tpu.memory_space<vmem>>)
        %dma_start3A_258 = arith.constant 0 : i32
        %dma_start3A_259 = arith.constant 0 : i32
        %dma_start3A_260 = tpu.memref_slice %arg3[%dma_start3A_258, %dma_start3A_259] : memref<50176x32xf32, #tpu.memory_space<hbm>> -> memref<50176x32xf32, #tpu.memory_space<hbm>>
        tpu.enqueue_indirect_dma source(%dma_start3A_260 : memref<50176x32xf32, #tpu.memory_space<hbm>>) target(%arg15 : memref<288x32xf32, #tpu.memory_space<vmem>>) offsets(%arg10 : memref<288xi32, #tpu.memory_space<vmem>>) semaphore(%arg22 : memref<!tpu.dma_semaphore, #tpu.memory_space<semaphore_mem>>)
        %dma_wait3A_261 = arith.constant 0 : i32
        %dma_wait3A_262 = arith.constant 0 : i32
        %dma_wait3A_263 = tpu.memref_slice %arg3[%dma_wait3A_261, %dma_wait3A_262] : memref<50176x32xf32, #tpu.memory_space<hbm>> -> memref<50176x32xf32, #tpu.memory_space<hbm>>
        tpu.wait_indirect_dma semaphore(%arg21 : memref<!tpu.dma_semaphore, #tpu.memory_space<semaphore_mem>>) src(%dma_wait3A_263 : memref<50176x32xf32, #tpu.memory_space<hbm>>) dst(%arg14 : memref<288x32xf32, #tpu.memory_space<vmem>>)
        %dma_start3A_264 = arith.constant 0 : i32
        %dma_start3A_265 = arith.constant 0 : i32
        %dma_start3A_266 = tpu.memref_slice %arg17[%dma_start3A_264, %dma_start3A_265] : memref<50176x32xf32, #tpu.memory_space<vmem_shared>> -> memref<50176x32xf32, #tpu.memory_space<vmem_shared>>
        tpu.enqueue_indirect_dma source(%arg14 : memref<288x32xf32, #tpu.memory_space<vmem>>) target(%dma_start3A_266 : memref<50176x32xf32, #tpu.memory_space<vmem_shared>>) offsets(%arg9 : memref<288xi32, #tpu.memory_space<vmem>>) semaphore(%arg24 : memref<!tpu.dma_semaphore, #tpu.memory_space<semaphore_mem>>) {add = true}
        %mul3A_267 = arith.constant 3 : i32
        %mul3A_268 = arith.muli %mul3A_267, %add3A_186 : i32
        %add3A_269 = arith.constant 3 : i32
        %add3A_270 = arith.addi %add3A_269, %mul3A_268 : i32
        %add3A_271 = arith.constant 2 : i32
        %add3A_272 = arith.addi %add3A_270, %add3A_271 : i32
        %dma_wait3A_273 = arith.constant 0 : i32
        %dma_wait3A_274 = arith.constant 0 : i32
        %dma_wait3A_275 = tpu.memref_slice %arg17[%dma_wait3A_273, %dma_wait3A_274] : memref<50176x32xf32, #tpu.memory_space<vmem_shared>> -> memref<50176x32xf32, #tpu.memory_space<vmem_shared>>
        tpu.wait_indirect_dma semaphore(%arg24 : memref<!tpu.dma_semaphore, #tpu.memory_space<semaphore_mem>>) src(%arg14 : memref<288x32xf32, #tpu.memory_space<vmem>>) dst(%dma_wait3A_275 : memref<50176x32xf32, #tpu.memory_space<vmem_shared>>)
        %add3A_276 = arith.constant 1 : i32
        %add3A_277 = arith.addi %add3A_272, %add3A_276 : i32
        %mul3A_278 = arith.constant 288 : i32
        %mul3A_279 = arith.muli %add3A_277, %mul3A_278 : i32
        %add3A_280 = arith.addi %mul3A_4, %mul3A_279 : i32
        %dma_start3A_281 = tpu.memref_slice %arg4[%add3A_280] : memref<801792xi32, #tpu.memory_space<hbm>> -> memref<288xi32, #tpu.memory_space<hbm>>
        %dma_start3A_282 = tpu.memref_slice %arg4[%add3A_280] : memref<801792xi32, #tpu.memory_space<hbm>> -> memref<288xi32, #tpu.memory_space<hbm>>
        tpu.enqueue_dma source(%dma_start3A_282 : memref<288xi32, #tpu.memory_space<hbm>>) target(%arg8 : memref<288xi32, #tpu.memory_space<vmem>>) target_semaphore(%arg18 : memref<!tpu.dma_semaphore, #tpu.memory_space<semaphore_mem>>)
        %mul3A_283 = arith.constant 288 : i32
        %mul3A_284 = arith.muli %add3A_277, %mul3A_283 : i32
        %add3A_285 = arith.addi %mul3A_4, %mul3A_284 : i32
        %dma_start3A_286 = tpu.memref_slice %arg5[%add3A_285] : memref<801792xi32, #tpu.memory_space<hbm>> -> memref<288xi32, #tpu.memory_space<hbm>>
        %dma_start3A_287 = tpu.memref_slice %arg5[%add3A_285] : memref<801792xi32, #tpu.memory_space<hbm>> -> memref<288xi32, #tpu.memory_space<hbm>>
        tpu.enqueue_dma source(%dma_start3A_287 : memref<288xi32, #tpu.memory_space<hbm>>) target(%arg9 : memref<288xi32, #tpu.memory_space<vmem>>) target_semaphore(%arg18 : memref<!tpu.dma_semaphore, #tpu.memory_space<semaphore_mem>>)
        %mul3A_288 = arith.constant 288 : i32
        %mul3A_289 = arith.muli %add3A_272, %mul3A_288 : i32
        %add3A_290 = arith.addi %mul3A_4, %mul3A_289 : i32
        %dma_wait3A_291 = tpu.memref_slice %arg4[%add3A_290] : memref<801792xi32, #tpu.memory_space<hbm>> -> memref<288xi32, #tpu.memory_space<hbm>>
        %dma_wait3A_292 = tpu.memref_slice %arg4[%add3A_290] : memref<801792xi32, #tpu.memory_space<hbm>> -> memref<288xi32, #tpu.memory_space<hbm>>
        tpu.wait_dma2 semaphore(%arg20 : memref<!tpu.dma_semaphore, #tpu.memory_space<semaphore_mem>>) src(%dma_wait3A_292 : memref<288xi32, #tpu.memory_space<hbm>>) dst(%arg12 : memref<288xi32, #tpu.memory_space<vmem>>)
        %mul3A_293 = arith.constant 288 : i32
        %mul3A_294 = arith.muli %add3A_272, %mul3A_293 : i32
        %add3A_295 = arith.addi %mul3A_4, %mul3A_294 : i32
        %dma_wait3A_296 = tpu.memref_slice %arg5[%add3A_295] : memref<801792xi32, #tpu.memory_space<hbm>> -> memref<288xi32, #tpu.memory_space<hbm>>
        %dma_wait3A_297 = tpu.memref_slice %arg5[%add3A_295] : memref<801792xi32, #tpu.memory_space<hbm>> -> memref<288xi32, #tpu.memory_space<hbm>>
        tpu.wait_dma2 semaphore(%arg20 : memref<!tpu.dma_semaphore, #tpu.memory_space<semaphore_mem>>) src(%dma_wait3A_297 : memref<288xi32, #tpu.memory_space<hbm>>) dst(%arg13 : memref<288xi32, #tpu.memory_space<vmem>>)
        %dma_start3A_298 = arith.constant 0 : i32
        %dma_start3A_299 = arith.constant 0 : i32
        %dma_start3A_300 = tpu.memref_slice %arg3[%dma_start3A_298, %dma_start3A_299] : memref<50176x32xf32, #tpu.memory_space<hbm>> -> memref<50176x32xf32, #tpu.memory_space<hbm>>
        tpu.enqueue_indirect_dma source(%dma_start3A_300 : memref<50176x32xf32, #tpu.memory_space<hbm>>) target(%arg16 : memref<288x32xf32, #tpu.memory_space<vmem>>) offsets(%arg12 : memref<288xi32, #tpu.memory_space<vmem>>) semaphore(%arg23 : memref<!tpu.dma_semaphore, #tpu.memory_space<semaphore_mem>>)
        %dma_wait3A_301 = arith.constant 0 : i32
        %dma_wait3A_302 = arith.constant 0 : i32
        %dma_wait3A_303 = tpu.memref_slice %arg3[%dma_wait3A_301, %dma_wait3A_302] : memref<50176x32xf32, #tpu.memory_space<hbm>> -> memref<50176x32xf32, #tpu.memory_space<hbm>>
        tpu.wait_indirect_dma semaphore(%arg22 : memref<!tpu.dma_semaphore, #tpu.memory_space<semaphore_mem>>) src(%dma_wait3A_303 : memref<50176x32xf32, #tpu.memory_space<hbm>>) dst(%arg15 : memref<288x32xf32, #tpu.memory_space<vmem>>)
        %dma_start3A_304 = arith.constant 0 : i32
        %dma_start3A_305 = arith.constant 0 : i32
        %dma_start3A_306 = tpu.memref_slice %arg17[%dma_start3A_304, %dma_start3A_305] : memref<50176x32xf32, #tpu.memory_space<vmem_shared>> -> memref<50176x32xf32, #tpu.memory_space<vmem_shared>>
        tpu.enqueue_indirect_dma source(%arg15 : memref<288x32xf32, #tpu.memory_space<vmem>>) target(%dma_start3A_306 : memref<50176x32xf32, #tpu.memory_space<vmem_shared>>) offsets(%arg11 : memref<288xi32, #tpu.memory_space<vmem>>) semaphore(%arg25 : memref<!tpu.dma_semaphore, #tpu.memory_space<semaphore_mem>>) {add = true}
      }
      %scan3A_93 = arith.constant 56 : i32
      %dma_wait3A_94 = arith.constant 0 : i32
      %dma_wait3A_95 = arith.constant 0 : i32
      %dma_wait3A_96 = tpu.memref_slice %arg17[%dma_wait3A_94, %dma_wait3A_95] : memref<50176x32xf32, #tpu.memory_space<vmem_shared>> -> memref<50176x32xf32, #tpu.memory_space<vmem_shared>>
      tpu.wait_indirect_dma semaphore(%arg25 : memref<!tpu.dma_semaphore, #tpu.memory_space<semaphore_mem>>) src(%arg15 : memref<288x32xf32, #tpu.memory_space<vmem>>) dst(%dma_wait3A_96 : memref<50176x32xf32, #tpu.memory_space<vmem_shared>>)
      %add3A_97 = arith.constant 49536 : i32
      %add3A_98 = arith.addi %mul3A_4, %add3A_97 : i32
      %dma_start3A_99 = tpu.memref_slice %arg4[%add3A_98] : memref<801792xi32, #tpu.memory_space<hbm>> -> memref<288xi32, #tpu.memory_space<hbm>>
      %dma_start3A_100 = tpu.memref_slice %arg4[%add3A_98] : memref<801792xi32, #tpu.memory_space<hbm>> -> memref<288xi32, #tpu.memory_space<hbm>>
      tpu.enqueue_dma source(%dma_start3A_100 : memref<288xi32, #tpu.memory_space<hbm>>) target(%arg10 : memref<288xi32, #tpu.memory_space<vmem>>) target_semaphore(%arg19 : memref<!tpu.dma_semaphore, #tpu.memory_space<semaphore_mem>>)
      %add3A_101 = arith.constant 49536 : i32
      %add3A_102 = arith.addi %mul3A_4, %add3A_101 : i32
      %dma_start3A_103 = tpu.memref_slice %arg5[%add3A_102] : memref<801792xi32, #tpu.memory_space<hbm>> -> memref<288xi32, #tpu.memory_space<hbm>>
      %dma_start3A_104 = tpu.memref_slice %arg5[%add3A_102] : memref<801792xi32, #tpu.memory_space<hbm>> -> memref<288xi32, #tpu.memory_space<hbm>>
      tpu.enqueue_dma source(%dma_start3A_104 : memref<288xi32, #tpu.memory_space<hbm>>) target(%arg11 : memref<288xi32, #tpu.memory_space<vmem>>) target_semaphore(%arg19 : memref<!tpu.dma_semaphore, #tpu.memory_space<semaphore_mem>>)
      %add3A_105 = arith.constant 49248 : i32
      %add3A_106 = arith.addi %mul3A_4, %add3A_105 : i32
      %dma_wait3A_107 = tpu.memref_slice %arg4[%add3A_106] : memref<801792xi32, #tpu.memory_space<hbm>> -> memref<288xi32, #tpu.memory_space<hbm>>
      %dma_wait3A_108 = tpu.memref_slice %arg4[%add3A_106] : memref<801792xi32, #tpu.memory_space<hbm>> -> memref<288xi32, #tpu.memory_space<hbm>>
      tpu.wait_dma2 semaphore(%arg18 : memref<!tpu.dma_semaphore, #tpu.memory_space<semaphore_mem>>) src(%dma_wait3A_108 : memref<288xi32, #tpu.memory_space<hbm>>) dst(%arg8 : memref<288xi32, #tpu.memory_space<vmem>>)
      %add3A_109 = arith.constant 49248 : i32
      %add3A_110 = arith.addi %mul3A_4, %add3A_109 : i32
      %dma_wait3A_111 = tpu.memref_slice %arg5[%add3A_110] : memref<801792xi32, #tpu.memory_space<hbm>> -> memref<288xi32, #tpu.memory_space<hbm>>
      %dma_wait3A_112 = tpu.memref_slice %arg5[%add3A_110] : memref<801792xi32, #tpu.memory_space<hbm>> -> memref<288xi32, #tpu.memory_space<hbm>>
      tpu.wait_dma2 semaphore(%arg18 : memref<!tpu.dma_semaphore, #tpu.memory_space<semaphore_mem>>) src(%dma_wait3A_112 : memref<288xi32, #tpu.memory_space<hbm>>) dst(%arg9 : memref<288xi32, #tpu.memory_space<vmem>>)
      %dma_start3A_113 = arith.constant 0 : i32
      %dma_start3A_114 = arith.constant 0 : i32
      %dma_start3A_115 = tpu.memref_slice %arg3[%dma_start3A_113, %dma_start3A_114] : memref<50176x32xf32, #tpu.memory_space<hbm>> -> memref<50176x32xf32, #tpu.memory_space<hbm>>
      tpu.enqueue_indirect_dma source(%dma_start3A_115 : memref<50176x32xf32, #tpu.memory_space<hbm>>) target(%arg14 : memref<288x32xf32, #tpu.memory_space<vmem>>) offsets(%arg8 : memref<288xi32, #tpu.memory_space<vmem>>) semaphore(%arg21 : memref<!tpu.dma_semaphore, #tpu.memory_space<semaphore_mem>>)
      %dma_wait3A_116 = arith.constant 0 : i32
      %dma_wait3A_117 = arith.constant 0 : i32
      %dma_wait3A_118 = tpu.memref_slice %arg3[%dma_wait3A_116, %dma_wait3A_117] : memref<50176x32xf32, #tpu.memory_space<hbm>> -> memref<50176x32xf32, #tpu.memory_space<hbm>>
      tpu.wait_indirect_dma semaphore(%arg23 : memref<!tpu.dma_semaphore, #tpu.memory_space<semaphore_mem>>) src(%dma_wait3A_118 : memref<50176x32xf32, #tpu.memory_space<hbm>>) dst(%arg16 : memref<288x32xf32, #tpu.memory_space<vmem>>)
      %dma_start3A_119 = arith.constant 0 : i32
      %dma_start3A_120 = arith.constant 0 : i32
      %dma_start3A_121 = tpu.memref_slice %arg17[%dma_start3A_119, %dma_start3A_120] : memref<50176x32xf32, #tpu.memory_space<vmem_shared>> -> memref<50176x32xf32, #tpu.memory_space<vmem_shared>>
      tpu.enqueue_indirect_dma source(%arg16 : memref<288x32xf32, #tpu.memory_space<vmem>>) target(%dma_start3A_121 : memref<50176x32xf32, #tpu.memory_space<vmem_shared>>) offsets(%arg13 : memref<288xi32, #tpu.memory_space<vmem>>) semaphore(%arg26 : memref<!tpu.dma_semaphore, #tpu.memory_space<semaphore_mem>>) {add = true}
      %dma_wait3A_122 = arith.constant 0 : i32
      %dma_wait3A_123 = arith.constant 0 : i32
      %dma_wait3A_124 = tpu.memref_slice %arg17[%dma_wait3A_122, %dma_wait3A_123] : memref<50176x32xf32, #tpu.memory_space<vmem_shared>> -> memref<50176x32xf32, #tpu.memory_space<vmem_shared>>
      tpu.wait_indirect_dma semaphore(%arg26 : memref<!tpu.dma_semaphore, #tpu.memory_space<semaphore_mem>>) src(%arg16 : memref<288x32xf32, #tpu.memory_space<vmem>>) dst(%dma_wait3A_124 : memref<50176x32xf32, #tpu.memory_space<vmem_shared>>)
      %add3A_125 = arith.constant 49824 : i32
      %add3A_126 = arith.addi %mul3A_4, %add3A_125 : i32
      %dma_start3A_127 = tpu.memref_slice %arg4[%add3A_126] : memref<801792xi32, #tpu.memory_space<hbm>> -> memref<288xi32, #tpu.memory_space<hbm>>
      %dma_start3A_128 = tpu.memref_slice %arg4[%add3A_126] : memref<801792xi32, #tpu.memory_space<hbm>> -> memref<288xi32, #tpu.memory_space<hbm>>
      tpu.enqueue_dma source(%dma_start3A_128 : memref<288xi32, #tpu.memory_space<hbm>>) target(%arg12 : memref<288xi32, #tpu.memory_space<vmem>>) target_semaphore(%arg20 : memref<!tpu.dma_semaphore, #tpu.memory_space<semaphore_mem>>)
      %add3A_129 = arith.constant 49824 : i32
      %add3A_130 = arith.addi %mul3A_4, %add3A_129 : i32
      %dma_start3A_131 = tpu.memref_slice %arg5[%add3A_130] : memref<801792xi32, #tpu.memory_space<hbm>> -> memref<288xi32, #tpu.memory_space<hbm>>
      %dma_start3A_132 = tpu.memref_slice %arg5[%add3A_130] : memref<801792xi32, #tpu.memory_space<hbm>> -> memref<288xi32, #tpu.memory_space<hbm>>
      tpu.enqueue_dma source(%dma_start3A_132 : memref<288xi32, #tpu.memory_space<hbm>>) target(%arg13 : memref<288xi32, #tpu.memory_space<vmem>>) target_semaphore(%arg20 : memref<!tpu.dma_semaphore, #tpu.memory_space<semaphore_mem>>)
      %add3A_133 = arith.constant 49536 : i32
      %add3A_134 = arith.addi %mul3A_4, %add3A_133 : i32
      %dma_wait3A_135 = tpu.memref_slice %arg4[%add3A_134] : memref<801792xi32, #tpu.memory_space<hbm>> -> memref<288xi32, #tpu.memory_space<hbm>>
      %dma_wait3A_136 = tpu.memref_slice %arg4[%add3A_134] : memref<801792xi32, #tpu.memory_space<hbm>> -> memref<288xi32, #tpu.memory_space<hbm>>
      tpu.wait_dma2 semaphore(%arg19 : memref<!tpu.dma_semaphore, #tpu.memory_space<semaphore_mem>>) src(%dma_wait3A_136 : memref<288xi32, #tpu.memory_space<hbm>>) dst(%arg10 : memref<288xi32, #tpu.memory_space<vmem>>)
      %add3A_137 = arith.constant 49536 : i32
      %add3A_138 = arith.addi %mul3A_4, %add3A_137 : i32
      %dma_wait3A_139 = tpu.memref_slice %arg5[%add3A_138] : memref<801792xi32, #tpu.memory_space<hbm>> -> memref<288xi32, #tpu.memory_space<hbm>>
      %dma_wait3A_140 = tpu.memref_slice %arg5[%add3A_138] : memref<801792xi32, #tpu.memory_space<hbm>> -> memref<288xi32, #tpu.memory_space<hbm>>
      tpu.wait_dma2 semaphore(%arg19 : memref<!tpu.dma_semaphore, #tpu.memory_space<semaphore_mem>>) src(%dma_wait3A_140 : memref<288xi32, #tpu.memory_space<hbm>>) dst(%arg11 : memref<288xi32, #tpu.memory_space<vmem>>)
      %dma_start3A_141 = arith.constant 0 : i32
      %dma_start3A_142 = arith.constant 0 : i32
      %dma_start3A_143 = tpu.memref_slice %arg3[%dma_start3A_141, %dma_start3A_142] : memref<50176x32xf32, #tpu.memory_space<hbm>> -> memref<50176x32xf32, #tpu.memory_space<hbm>>
      tpu.enqueue_indirect_dma source(%dma_start3A_143 : memref<50176x32xf32, #tpu.memory_space<hbm>>) target(%arg15 : memref<288x32xf32, #tpu.memory_space<vmem>>) offsets(%arg10 : memref<288xi32, #tpu.memory_space<vmem>>) semaphore(%arg22 : memref<!tpu.dma_semaphore, #tpu.memory_space<semaphore_mem>>)
      %dma_wait3A_144 = arith.constant 0 : i32
      %dma_wait3A_145 = arith.constant 0 : i32
      %dma_wait3A_146 = tpu.memref_slice %arg3[%dma_wait3A_144, %dma_wait3A_145] : memref<50176x32xf32, #tpu.memory_space<hbm>> -> memref<50176x32xf32, #tpu.memory_space<hbm>>
      tpu.wait_indirect_dma semaphore(%arg21 : memref<!tpu.dma_semaphore, #tpu.memory_space<semaphore_mem>>) src(%dma_wait3A_146 : memref<50176x32xf32, #tpu.memory_space<hbm>>) dst(%arg14 : memref<288x32xf32, #tpu.memory_space<vmem>>)
      %dma_start3A_147 = arith.constant 0 : i32
      %dma_start3A_148 = arith.constant 0 : i32
      %dma_start3A_149 = tpu.memref_slice %arg17[%dma_start3A_147, %dma_start3A_148] : memref<50176x32xf32, #tpu.memory_space<vmem_shared>> -> memref<50176x32xf32, #tpu.memory_space<vmem_shared>>
      tpu.enqueue_indirect_dma source(%arg14 : memref<288x32xf32, #tpu.memory_space<vmem>>) target(%dma_start3A_149 : memref<50176x32xf32, #tpu.memory_space<vmem_shared>>) offsets(%arg9 : memref<288xi32, #tpu.memory_space<vmem>>) semaphore(%arg24 : memref<!tpu.dma_semaphore, #tpu.memory_space<semaphore_mem>>) {add = true}
      %dma_wait3A_150 = arith.constant 0 : i32
      %dma_wait3A_151 = arith.constant 0 : i32
      %dma_wait3A_152 = tpu.memref_slice %arg17[%dma_wait3A_150, %dma_wait3A_151] : memref<50176x32xf32, #tpu.memory_space<vmem_shared>> -> memref<50176x32xf32, #tpu.memory_space<vmem_shared>>
      tpu.wait_indirect_dma semaphore(%arg24 : memref<!tpu.dma_semaphore, #tpu.memory_space<semaphore_mem>>) src(%arg14 : memref<288x32xf32, #tpu.memory_space<vmem>>) dst(%dma_wait3A_152 : memref<50176x32xf32, #tpu.memory_space<vmem_shared>>)
      %add3A_153 = arith.constant 49824 : i32
      %add3A_154 = arith.addi %mul3A_4, %add3A_153 : i32
      %dma_wait3A_155 = tpu.memref_slice %arg4[%add3A_154] : memref<801792xi32, #tpu.memory_space<hbm>> -> memref<288xi32, #tpu.memory_space<hbm>>
      %dma_wait3A_156 = tpu.memref_slice %arg4[%add3A_154] : memref<801792xi32, #tpu.memory_space<hbm>> -> memref<288xi32, #tpu.memory_space<hbm>>
      tpu.wait_dma2 semaphore(%arg20 : memref<!tpu.dma_semaphore, #tpu.memory_space<semaphore_mem>>) src(%dma_wait3A_156 : memref<288xi32, #tpu.memory_space<hbm>>) dst(%arg12 : memref<288xi32, #tpu.memory_space<vmem>>)
      %add3A_157 = arith.constant 49824 : i32
      %add3A_158 = arith.addi %mul3A_4, %add3A_157 : i32
      %dma_wait3A_159 = tpu.memref_slice %arg5[%add3A_158] : memref<801792xi32, #tpu.memory_space<hbm>> -> memref<288xi32, #tpu.memory_space<hbm>>
      %dma_wait3A_160 = tpu.memref_slice %arg5[%add3A_158] : memref<801792xi32, #tpu.memory_space<hbm>> -> memref<288xi32, #tpu.memory_space<hbm>>
      tpu.wait_dma2 semaphore(%arg20 : memref<!tpu.dma_semaphore, #tpu.memory_space<semaphore_mem>>) src(%dma_wait3A_160 : memref<288xi32, #tpu.memory_space<hbm>>) dst(%arg13 : memref<288xi32, #tpu.memory_space<vmem>>)
      %dma_start3A_161 = arith.constant 0 : i32
      %dma_start3A_162 = arith.constant 0 : i32
      %dma_start3A_163 = tpu.memref_slice %arg3[%dma_start3A_161, %dma_start3A_162] : memref<50176x32xf32, #tpu.memory_space<hbm>> -> memref<50176x32xf32, #tpu.memory_space<hbm>>
      tpu.enqueue_indirect_dma source(%dma_start3A_163 : memref<50176x32xf32, #tpu.memory_space<hbm>>) target(%arg16 : memref<288x32xf32, #tpu.memory_space<vmem>>) offsets(%arg12 : memref<288xi32, #tpu.memory_space<vmem>>) semaphore(%arg23 : memref<!tpu.dma_semaphore, #tpu.memory_space<semaphore_mem>>)
      %dma_wait3A_164 = arith.constant 0 : i32
      %dma_wait3A_165 = arith.constant 0 : i32
      %dma_wait3A_166 = tpu.memref_slice %arg3[%dma_wait3A_164, %dma_wait3A_165] : memref<50176x32xf32, #tpu.memory_space<hbm>> -> memref<50176x32xf32, #tpu.memory_space<hbm>>
      tpu.wait_indirect_dma semaphore(%arg22 : memref<!tpu.dma_semaphore, #tpu.memory_space<semaphore_mem>>) src(%dma_wait3A_166 : memref<50176x32xf32, #tpu.memory_space<hbm>>) dst(%arg15 : memref<288x32xf32, #tpu.memory_space<vmem>>)
      %dma_start3A_167 = arith.constant 0 : i32
      %dma_start3A_168 = arith.constant 0 : i32
      %dma_start3A_169 = tpu.memref_slice %arg17[%dma_start3A_167, %dma_start3A_168] : memref<50176x32xf32, #tpu.memory_space<vmem_shared>> -> memref<50176x32xf32, #tpu.memory_space<vmem_shared>>
      tpu.enqueue_indirect_dma source(%arg15 : memref<288x32xf32, #tpu.memory_space<vmem>>) target(%dma_start3A_169 : memref<50176x32xf32, #tpu.memory_space<vmem_shared>>) offsets(%arg11 : memref<288xi32, #tpu.memory_space<vmem>>) semaphore(%arg25 : memref<!tpu.dma_semaphore, #tpu.memory_space<semaphore_mem>>) {add = true}
      %dma_wait3A_170 = arith.constant 0 : i32
      %dma_wait3A_171 = arith.constant 0 : i32
      %dma_wait3A_172 = tpu.memref_slice %arg3[%dma_wait3A_170, %dma_wait3A_171] : memref<50176x32xf32, #tpu.memory_space<hbm>> -> memref<50176x32xf32, #tpu.memory_space<hbm>>
      tpu.wait_indirect_dma semaphore(%arg23 : memref<!tpu.dma_semaphore, #tpu.memory_space<semaphore_mem>>) src(%dma_wait3A_172 : memref<50176x32xf32, #tpu.memory_space<hbm>>) dst(%arg16 : memref<288x32xf32, #tpu.memory_space<vmem>>)
      %dma_start3A_173 = arith.constant 0 : i32
      %dma_start3A_174 = arith.constant 0 : i32
      %dma_start3A_175 = tpu.memref_slice %arg17[%dma_start3A_173, %dma_start3A_174] : memref<50176x32xf32, #tpu.memory_space<vmem_shared>> -> memref<50176x32xf32, #tpu.memory_space<vmem_shared>>
      tpu.enqueue_indirect_dma source(%arg16 : memref<288x32xf32, #tpu.memory_space<vmem>>) target(%dma_start3A_175 : memref<50176x32xf32, #tpu.memory_space<vmem_shared>>) offsets(%arg13 : memref<288xi32, #tpu.memory_space<vmem>>) semaphore(%arg26 : memref<!tpu.dma_semaphore, #tpu.memory_space<semaphore_mem>>) {add = true}
      %dma_wait3A_176 = arith.constant 0 : i32
      %dma_wait3A_177 = arith.constant 0 : i32
      %dma_wait3A_178 = tpu.memref_slice %arg17[%dma_wait3A_176, %dma_wait3A_177] : memref<50176x32xf32, #tpu.memory_space<vmem_shared>> -> memref<50176x32xf32, #tpu.memory_space<vmem_shared>>
      tpu.wait_indirect_dma semaphore(%arg25 : memref<!tpu.dma_semaphore, #tpu.memory_space<semaphore_mem>>) src(%arg15 : memref<288x32xf32, #tpu.memory_space<vmem>>) dst(%dma_wait3A_178 : memref<50176x32xf32, #tpu.memory_space<vmem_shared>>)
      %dma_wait3A_179 = arith.constant 0 : i32
      %dma_wait3A_180 = arith.constant 0 : i32
      %dma_wait3A_181 = tpu.memref_slice %arg17[%dma_wait3A_179, %dma_wait3A_180] : memref<50176x32xf32, #tpu.memory_space<vmem_shared>> -> memref<50176x32xf32, #tpu.memory_space<vmem_shared>>
      tpu.wait_indirect_dma semaphore(%arg26 : memref<!tpu.dma_semaphore, #tpu.memory_space<semaphore_mem>>) src(%arg16 : memref<288x32xf32, #tpu.memory_space<vmem>>) dst(%dma_wait3A_181 : memref<50176x32xf32, #tpu.memory_space<vmem_shared>>)
    } else {
    }
    %barrier3A_12 = arith.constant 0 : index
    tpu.barrier barrier_id(%barrier3A_12)
    "tpu.region"() ({
      %run_scoped3A = tpu.sem_alloc : memref<!tpu.dma_semaphore, #tpu.memory_space<semaphore_mem>>
      %dma_start3A = arith.constant 0 : i32
      %dma_start3A_13 = tpu.memref_slice %arg7[%arg0, %mul3A_0, %dma_start3A] : memref<2x50176x32xf32, #tpu.memory_space<hbm>> -> memref<1x3136x32xf32, #tpu.memory_space<hbm>>
      %dma_start3A_14 = tpu.memref_squeeze %dma_start3A_13 : memref<1x3136x32xf32, #tpu.memory_space<hbm>> -> memref<3136x32xf32, #tpu.memory_space<hbm>>
      %dma_start3A_15 = arith.constant 0 : i32
      %dma_start3A_16 = tpu.memref_slice %arg17[%mul3A_0, %dma_start3A_15] : memref<50176x32xf32, #tpu.memory_space<vmem_shared>> -> memref<3136x32xf32, #tpu.memory_space<vmem_shared>>
      tpu.enqueue_dma source(%dma_start3A_16 : memref<3136x32xf32, #tpu.memory_space<vmem_shared>>) target(%dma_start3A_14 : memref<3136x32xf32, #tpu.memory_space<hbm>>) target_semaphore(%run_scoped3A : memref<!tpu.dma_semaphore, #tpu.memory_space<semaphore_mem>>)
      %dma_wait3A = arith.constant 0 : i32
      %dma_wait3A_17 = tpu.memref_slice %arg7[%arg0, %mul3A_0, %dma_wait3A] : memref<2x50176x32xf32, #tpu.memory_space<hbm>> -> memref<1x3136x32xf32, #tpu.memory_space<hbm>>
      %dma_wait3A_18 = tpu.memref_squeeze %dma_wait3A_17 : memref<1x3136x32xf32, #tpu.memory_space<hbm>> -> memref<3136x32xf32, #tpu.memory_space<hbm>>
      %dma_wait3A_19 = arith.constant 0 : i32
      %dma_wait3A_20 = tpu.memref_slice %arg17[%mul3A_0, %dma_wait3A_19] : memref<50176x32xf32, #tpu.memory_space<vmem_shared>> -> memref<3136x32xf32, #tpu.memory_space<vmem_shared>>
      tpu.wait_dma2 semaphore(%run_scoped3A : memref<!tpu.dma_semaphore, #tpu.memory_space<semaphore_mem>>) src(%dma_wait3A_20 : memref<3136x32xf32, #tpu.memory_space<vmem_shared>>) dst(%dma_wait3A_18 : memref<3136x32xf32, #tpu.memory_space<hbm>>)
      tpu.yield
    }) : () -> ()
    return
  }
}

#map = affine_map<(d0, d1) -> (0)>
#map1 = affine_map<(d0, d1) -> (0, 0)>
#map2 = affine_map<(d0, d1) -> (0, 0, 0)>
module attributes {stable_mosaic.version = 14 : i64} {
  func.func @_sc_degree_body(%arg0: i32, %arg1: i32, %arg2: memref<801792xi32, #tpu.memory_space<hbm>>, %arg3: memref<288x32xf32, #tpu.memory_space<hbm>>, %arg4: memref<50176x32xf32, #tpu.memory_space<hbm>>, %arg5: memref<2x50176x32xf32, #tpu.memory_space<hbm>>, %arg6: memref<288xi32, #tpu.memory_space<vmem>>, %arg7: memref<288xi32, #tpu.memory_space<vmem>>, %arg8: memref<288xi32, #tpu.memory_space<vmem>>, %arg9: memref<288x32xf32, #tpu.memory_space<vmem>>, %arg10: memref<50176x32xf32, #tpu.memory_space<vmem_shared>>, %arg11: memref<!tpu.dma_semaphore, #tpu.memory_space<semaphore_mem>>, %arg12: memref<!tpu.dma_semaphore, #tpu.memory_space<semaphore_mem>>, %arg13: memref<!tpu.dma_semaphore, #tpu.memory_space<semaphore_mem>>, %arg14: memref<!tpu.dma_semaphore, #tpu.memory_space<semaphore_mem>>, %arg15: memref<!tpu.dma_semaphore, #tpu.memory_space<semaphore_mem>>, %arg16: memref<!tpu.dma_semaphore, #tpu.memory_space<semaphore_mem>>) attributes {dimension_semantics = [#tpu.dimension_semantics<core_parallel>, #tpu.dimension_semantics<subcore_parallel>], iteration_bounds = array<i64: 2, 16>, scalar_prefetch = 0 : i64, scratch_operands = 11 : i64, tpu.core_type = #tpu.core_type<sc_vector_subcore>, window_params = [{transform_indices = #map}, {transform_indices = #map1}, {transform_indices = #map1}, {transform_indices = #map2}]} {
    "tpu.region"() ({
      %run_scoped3A = tpu.sem_alloc : memref<!tpu.dma_semaphore, #tpu.memory_space<semaphore_mem>>
      tpu.enqueue_dma source(%arg3 : memref<288x32xf32, #tpu.memory_space<hbm>>) target(%arg9 : memref<288x32xf32, #tpu.memory_space<vmem>>) target_semaphore(%run_scoped3A : memref<!tpu.dma_semaphore, #tpu.memory_space<semaphore_mem>>)
      tpu.wait_dma2 semaphore(%run_scoped3A : memref<!tpu.dma_semaphore, #tpu.memory_space<semaphore_mem>>) src(%arg3 : memref<288x32xf32, #tpu.memory_space<hbm>>) dst(%arg9 : memref<288x32xf32, #tpu.memory_space<vmem>>)
      tpu.yield
    }) : () -> ()
    %mul3A = arith.constant 3136 : i32
    %mul3A_0 = arith.muli %arg1, %mul3A : i32
    "tpu.region"() ({
      %run_scoped3A = tpu.sem_alloc : memref<!tpu.dma_semaphore, #tpu.memory_space<semaphore_mem>>
      %dma_start3A_94 = arith.constant 0 : i32
      %dma_start3A_95 = tpu.memref_slice %arg10[%mul3A_0, %dma_start3A_94] : memref<50176x32xf32, #tpu.memory_space<vmem_shared>> -> memref<3136x32xf32, #tpu.memory_space<vmem_shared>>
      %dma_start3A_96 = arith.constant 0 : i32
      %dma_start3A_97 = tpu.memref_slice %arg4[%mul3A_0, %dma_start3A_96] : memref<50176x32xf32, #tpu.memory_space<hbm>> -> memref<3136x32xf32, #tpu.memory_space<hbm>>
      tpu.enqueue_dma source(%dma_start3A_97 : memref<3136x32xf32, #tpu.memory_space<hbm>>) target(%dma_start3A_95 : memref<3136x32xf32, #tpu.memory_space<vmem_shared>>) target_semaphore(%run_scoped3A : memref<!tpu.dma_semaphore, #tpu.memory_space<semaphore_mem>>)
      %dma_wait3A_98 = arith.constant 0 : i32
      %dma_wait3A_99 = tpu.memref_slice %arg10[%mul3A_0, %dma_wait3A_98] : memref<50176x32xf32, #tpu.memory_space<vmem_shared>> -> memref<3136x32xf32, #tpu.memory_space<vmem_shared>>
      %dma_wait3A_100 = arith.constant 0 : i32
      %dma_wait3A_101 = tpu.memref_slice %arg4[%mul3A_0, %dma_wait3A_100] : memref<50176x32xf32, #tpu.memory_space<hbm>> -> memref<3136x32xf32, #tpu.memory_space<hbm>>
      tpu.wait_dma2 semaphore(%run_scoped3A : memref<!tpu.dma_semaphore, #tpu.memory_space<semaphore_mem>>) src(%dma_wait3A_101 : memref<3136x32xf32, #tpu.memory_space<hbm>>) dst(%dma_wait3A_99 : memref<3136x32xf32, #tpu.memory_space<vmem_shared>>)
      tpu.yield
    }) : () -> ()
    %barrier3A = arith.constant 0 : index
    tpu.barrier barrier_id(%barrier3A)
    %mul3A_1 = arith.constant 16 : i32
    %mul3A_2 = arith.muli %arg0, %mul3A_1 : i32
    %add3A = arith.addi %mul3A_2, %arg1 : i32
    %mul3A_3 = arith.constant 87 : i32
    %mul3A_4 = arith.muli %add3A, %mul3A_3 : i32
    %mul3A_5 = arith.constant 288 : i32
    %mul3A_6 = arith.muli %mul3A_4, %mul3A_5 : i32
    %add3A_7 = arith.constant 0 : i32
    %add3A_8 = arith.addi %mul3A_6, %add3A_7 : i32
    %dma_start3A = tpu.memref_slice %arg2[%add3A_8] : memref<801792xi32, #tpu.memory_space<hbm>> -> memref<288xi32, #tpu.memory_space<hbm>>
    %dma_start3A_9 = tpu.memref_slice %arg2[%add3A_8] : memref<801792xi32, #tpu.memory_space<hbm>> -> memref<288xi32, #tpu.memory_space<hbm>>
    tpu.enqueue_dma source(%dma_start3A_9 : memref<288xi32, #tpu.memory_space<hbm>>) target(%arg6 : memref<288xi32, #tpu.memory_space<vmem>>) target_semaphore(%arg11 : memref<!tpu.dma_semaphore, #tpu.memory_space<semaphore_mem>>)
    %add3A_10 = arith.constant 288 : i32
    %add3A_11 = arith.addi %mul3A_6, %add3A_10 : i32
    %dma_start3A_12 = tpu.memref_slice %arg2[%add3A_11] : memref<801792xi32, #tpu.memory_space<hbm>> -> memref<288xi32, #tpu.memory_space<hbm>>
    %dma_start3A_13 = tpu.memref_slice %arg2[%add3A_11] : memref<801792xi32, #tpu.memory_space<hbm>> -> memref<288xi32, #tpu.memory_space<hbm>>
    tpu.enqueue_dma source(%dma_start3A_13 : memref<288xi32, #tpu.memory_space<hbm>>) target(%arg7 : memref<288xi32, #tpu.memory_space<vmem>>) target_semaphore(%arg12 : memref<!tpu.dma_semaphore, #tpu.memory_space<semaphore_mem>>)
    %add3A_14 = arith.constant 576 : i32
    %add3A_15 = arith.addi %mul3A_6, %add3A_14 : i32
    %dma_start3A_16 = tpu.memref_slice %arg2[%add3A_15] : memref<801792xi32, #tpu.memory_space<hbm>> -> memref<288xi32, #tpu.memory_space<hbm>>
    %dma_start3A_17 = tpu.memref_slice %arg2[%add3A_15] : memref<801792xi32, #tpu.memory_space<hbm>> -> memref<288xi32, #tpu.memory_space<hbm>>
    tpu.enqueue_dma source(%dma_start3A_17 : memref<288xi32, #tpu.memory_space<hbm>>) target(%arg8 : memref<288xi32, #tpu.memory_space<vmem>>) target_semaphore(%arg13 : memref<!tpu.dma_semaphore, #tpu.memory_space<semaphore_mem>>)
    %add3A_18 = arith.constant 0 : i32
    %add3A_19 = arith.addi %mul3A_6, %add3A_18 : i32
    %dma_wait3A = tpu.memref_slice %arg2[%add3A_19] : memref<801792xi32, #tpu.memory_space<hbm>> -> memref<288xi32, #tpu.memory_space<hbm>>
    %dma_wait3A_20 = tpu.memref_slice %arg2[%add3A_19] : memref<801792xi32, #tpu.memory_space<hbm>> -> memref<288xi32, #tpu.memory_space<hbm>>
    tpu.wait_dma2 semaphore(%arg11 : memref<!tpu.dma_semaphore, #tpu.memory_space<semaphore_mem>>) src(%dma_wait3A_20 : memref<288xi32, #tpu.memory_space<hbm>>) dst(%arg6 : memref<288xi32, #tpu.memory_space<vmem>>)
    %dma_start3A_21 = arith.constant 0 : i32
    %dma_start3A_22 = arith.constant 0 : i32
    %dma_start3A_23 = tpu.memref_slice %arg10[%dma_start3A_21, %dma_start3A_22] : memref<50176x32xf32, #tpu.memory_space<vmem_shared>> -> memref<50176x32xf32, #tpu.memory_space<vmem_shared>>
    tpu.enqueue_indirect_dma source(%arg9 : memref<288x32xf32, #tpu.memory_space<vmem>>) target(%dma_start3A_23 : memref<50176x32xf32, #tpu.memory_space<vmem_shared>>) offsets(%arg6 : memref<288xi32, #tpu.memory_space<vmem>>) semaphore(%arg14 : memref<!tpu.dma_semaphore, #tpu.memory_space<semaphore_mem>>) {add = true}
    %add3A_24 = arith.constant 288 : i32
    %add3A_25 = arith.addi %mul3A_6, %add3A_24 : i32
    %dma_wait3A_26 = tpu.memref_slice %arg2[%add3A_25] : memref<801792xi32, #tpu.memory_space<hbm>> -> memref<288xi32, #tpu.memory_space<hbm>>
    %dma_wait3A_27 = tpu.memref_slice %arg2[%add3A_25] : memref<801792xi32, #tpu.memory_space<hbm>> -> memref<288xi32, #tpu.memory_space<hbm>>
    tpu.wait_dma2 semaphore(%arg12 : memref<!tpu.dma_semaphore, #tpu.memory_space<semaphore_mem>>) src(%dma_wait3A_27 : memref<288xi32, #tpu.memory_space<hbm>>) dst(%arg7 : memref<288xi32, #tpu.memory_space<vmem>>)
    %dma_start3A_28 = arith.constant 0 : i32
    %dma_start3A_29 = arith.constant 0 : i32
    %dma_start3A_30 = tpu.memref_slice %arg10[%dma_start3A_28, %dma_start3A_29] : memref<50176x32xf32, #tpu.memory_space<vmem_shared>> -> memref<50176x32xf32, #tpu.memory_space<vmem_shared>>
    tpu.enqueue_indirect_dma source(%arg9 : memref<288x32xf32, #tpu.memory_space<vmem>>) target(%dma_start3A_30 : memref<50176x32xf32, #tpu.memory_space<vmem_shared>>) offsets(%arg7 : memref<288xi32, #tpu.memory_space<vmem>>) semaphore(%arg15 : memref<!tpu.dma_semaphore, #tpu.memory_space<semaphore_mem>>) {add = true}
    %scan3A = arith.constant 0 : i32
    %scan3A_31 = arith.constant 27 : i32
    %scan3A_32 = arith.addi %scan3A, %scan3A_31 : i32
    %scan3A_33 = arith.constant 1 : i32
    scf.for %scan3A_94 = %scan3A to %scan3A_32 step %scan3A_33  : i32 {
      %mul3A_95 = arith.constant 1 : i32
      %mul3A_96 = arith.muli %scan3A_94, %mul3A_95 : i32
      %add3A_97 = arith.constant 0 : i32
      %add3A_98 = arith.addi %add3A_97, %mul3A_96 : i32
      %mul3A_99 = arith.constant 3 : i32
      %mul3A_100 = arith.muli %mul3A_99, %add3A_98 : i32
      %add3A_101 = arith.constant 2 : i32
      %add3A_102 = arith.addi %add3A_101, %mul3A_100 : i32
      %add3A_103 = arith.constant 0 : i32
      %add3A_104 = arith.addi %add3A_102, %add3A_103 : i32
      %dma_wait3A_105 = arith.constant 0 : i32
      %dma_wait3A_106 = arith.constant 0 : i32
      %dma_wait3A_107 = tpu.memref_slice %arg10[%dma_wait3A_105, %dma_wait3A_106] : memref<50176x32xf32, #tpu.memory_space<vmem_shared>> -> memref<50176x32xf32, #tpu.memory_space<vmem_shared>>
      tpu.wait_indirect_dma semaphore(%arg14 : memref<!tpu.dma_semaphore, #tpu.memory_space<semaphore_mem>>) src(%arg9 : memref<288x32xf32, #tpu.memory_space<vmem>>) dst(%dma_wait3A_107 : memref<50176x32xf32, #tpu.memory_space<vmem_shared>>)
      %add3A_108 = arith.constant 1 : i32
      %add3A_109 = arith.addi %add3A_104, %add3A_108 : i32
      %mul3A_110 = arith.constant 288 : i32
      %mul3A_111 = arith.muli %add3A_109, %mul3A_110 : i32
      %add3A_112 = arith.addi %mul3A_6, %mul3A_111 : i32
      %dma_start3A_113 = tpu.memref_slice %arg2[%add3A_112] : memref<801792xi32, #tpu.memory_space<hbm>> -> memref<288xi32, #tpu.memory_space<hbm>>
      %dma_start3A_114 = tpu.memref_slice %arg2[%add3A_112] : memref<801792xi32, #tpu.memory_space<hbm>> -> memref<288xi32, #tpu.memory_space<hbm>>
      tpu.enqueue_dma source(%dma_start3A_114 : memref<288xi32, #tpu.memory_space<hbm>>) target(%arg6 : memref<288xi32, #tpu.memory_space<vmem>>) target_semaphore(%arg11 : memref<!tpu.dma_semaphore, #tpu.memory_space<semaphore_mem>>)
      %mul3A_115 = arith.constant 288 : i32
      %mul3A_116 = arith.muli %add3A_104, %mul3A_115 : i32
      %add3A_117 = arith.addi %mul3A_6, %mul3A_116 : i32
      %dma_wait3A_118 = tpu.memref_slice %arg2[%add3A_117] : memref<801792xi32, #tpu.memory_space<hbm>> -> memref<288xi32, #tpu.memory_space<hbm>>
      %dma_wait3A_119 = tpu.memref_slice %arg2[%add3A_117] : memref<801792xi32, #tpu.memory_space<hbm>> -> memref<288xi32, #tpu.memory_space<hbm>>
      tpu.wait_dma2 semaphore(%arg13 : memref<!tpu.dma_semaphore, #tpu.memory_space<semaphore_mem>>) src(%dma_wait3A_119 : memref<288xi32, #tpu.memory_space<hbm>>) dst(%arg8 : memref<288xi32, #tpu.memory_space<vmem>>)
      %dma_start3A_120 = arith.constant 0 : i32
      %dma_start3A_121 = arith.constant 0 : i32
      %dma_start3A_122 = tpu.memref_slice %arg10[%dma_start3A_120, %dma_start3A_121] : memref<50176x32xf32, #tpu.memory_space<vmem_shared>> -> memref<50176x32xf32, #tpu.memory_space<vmem_shared>>
      tpu.enqueue_indirect_dma source(%arg9 : memref<288x32xf32, #tpu.memory_space<vmem>>) target(%dma_start3A_122 : memref<50176x32xf32, #tpu.memory_space<vmem_shared>>) offsets(%arg8 : memref<288xi32, #tpu.memory_space<vmem>>) semaphore(%arg16 : memref<!tpu.dma_semaphore, #tpu.memory_space<semaphore_mem>>) {add = true}
      %mul3A_123 = arith.constant 3 : i32
      %mul3A_124 = arith.muli %mul3A_123, %add3A_98 : i32
      %add3A_125 = arith.constant 2 : i32
      %add3A_126 = arith.addi %add3A_125, %mul3A_124 : i32
      %add3A_127 = arith.constant 1 : i32
      %add3A_128 = arith.addi %add3A_126, %add3A_127 : i32
      %dma_wait3A_129 = arith.constant 0 : i32
      %dma_wait3A_130 = arith.constant 0 : i32
      %dma_wait3A_131 = tpu.memref_slice %arg10[%dma_wait3A_129, %dma_wait3A_130] : memref<50176x32xf32, #tpu.memory_space<vmem_shared>> -> memref<50176x32xf32, #tpu.memory_space<vmem_shared>>
      tpu.wait_indirect_dma semaphore(%arg15 : memref<!tpu.dma_semaphore, #tpu.memory_space<semaphore_mem>>) src(%arg9 : memref<288x32xf32, #tpu.memory_space<vmem>>) dst(%dma_wait3A_131 : memref<50176x32xf32, #tpu.memory_space<vmem_shared>>)
      %add3A_132 = arith.constant 1 : i32
      %add3A_133 = arith.addi %add3A_128, %add3A_132 : i32
      %mul3A_134 = arith.constant 288 : i32
      %mul3A_135 = arith.muli %add3A_133, %mul3A_134 : i32
      %add3A_136 = arith.addi %mul3A_6, %mul3A_135 : i32
      %dma_start3A_137 = tpu.memref_slice %arg2[%add3A_136] : memref<801792xi32, #tpu.memory_space<hbm>> -> memref<288xi32, #tpu.memory_space<hbm>>
      %dma_start3A_138 = tpu.memref_slice %arg2[%add3A_136] : memref<801792xi32, #tpu.memory_space<hbm>> -> memref<288xi32, #tpu.memory_space<hbm>>
      tpu.enqueue_dma source(%dma_start3A_138 : memref<288xi32, #tpu.memory_space<hbm>>) target(%arg7 : memref<288xi32, #tpu.memory_space<vmem>>) target_semaphore(%arg12 : memref<!tpu.dma_semaphore, #tpu.memory_space<semaphore_mem>>)
      %mul3A_139 = arith.constant 288 : i32
      %mul3A_140 = arith.muli %add3A_128, %mul3A_139 : i32
      %add3A_141 = arith.addi %mul3A_6, %mul3A_140 : i32
      %dma_wait3A_142 = tpu.memref_slice %arg2[%add3A_141] : memref<801792xi32, #tpu.memory_space<hbm>> -> memref<288xi32, #tpu.memory_space<hbm>>
      %dma_wait3A_143 = tpu.memref_slice %arg2[%add3A_141] : memref<801792xi32, #tpu.memory_space<hbm>> -> memref<288xi32, #tpu.memory_space<hbm>>
      tpu.wait_dma2 semaphore(%arg11 : memref<!tpu.dma_semaphore, #tpu.memory_space<semaphore_mem>>) src(%dma_wait3A_143 : memref<288xi32, #tpu.memory_space<hbm>>) dst(%arg6 : memref<288xi32, #tpu.memory_space<vmem>>)
      %dma_start3A_144 = arith.constant 0 : i32
      %dma_start3A_145 = arith.constant 0 : i32
      %dma_start3A_146 = tpu.memref_slice %arg10[%dma_start3A_144, %dma_start3A_145] : memref<50176x32xf32, #tpu.memory_space<vmem_shared>> -> memref<50176x32xf32, #tpu.memory_space<vmem_shared>>
      tpu.enqueue_indirect_dma source(%arg9 : memref<288x32xf32, #tpu.memory_space<vmem>>) target(%dma_start3A_146 : memref<50176x32xf32, #tpu.memory_space<vmem_shared>>) offsets(%arg6 : memref<288xi32, #tpu.memory_space<vmem>>) semaphore(%arg14 : memref<!tpu.dma_semaphore, #tpu.memory_space<semaphore_mem>>) {add = true}
      %mul3A_147 = arith.constant 3 : i32
      %mul3A_148 = arith.muli %mul3A_147, %add3A_98 : i32
      %add3A_149 = arith.constant 2 : i32
      %add3A_150 = arith.addi %add3A_149, %mul3A_148 : i32
      %add3A_151 = arith.constant 2 : i32
      %add3A_152 = arith.addi %add3A_150, %add3A_151 : i32
      %dma_wait3A_153 = arith.constant 0 : i32
      %dma_wait3A_154 = arith.constant 0 : i32
      %dma_wait3A_155 = tpu.memref_slice %arg10[%dma_wait3A_153, %dma_wait3A_154] : memref<50176x32xf32, #tpu.memory_space<vmem_shared>> -> memref<50176x32xf32, #tpu.memory_space<vmem_shared>>
      tpu.wait_indirect_dma semaphore(%arg16 : memref<!tpu.dma_semaphore, #tpu.memory_space<semaphore_mem>>) src(%arg9 : memref<288x32xf32, #tpu.memory_space<vmem>>) dst(%dma_wait3A_155 : memref<50176x32xf32, #tpu.memory_space<vmem_shared>>)
      %add3A_156 = arith.constant 1 : i32
      %add3A_157 = arith.addi %add3A_152, %add3A_156 : i32
      %mul3A_158 = arith.constant 288 : i32
      %mul3A_159 = arith.muli %add3A_157, %mul3A_158 : i32
      %add3A_160 = arith.addi %mul3A_6, %mul3A_159 : i32
      %dma_start3A_161 = tpu.memref_slice %arg2[%add3A_160] : memref<801792xi32, #tpu.memory_space<hbm>> -> memref<288xi32, #tpu.memory_space<hbm>>
      %dma_start3A_162 = tpu.memref_slice %arg2[%add3A_160] : memref<801792xi32, #tpu.memory_space<hbm>> -> memref<288xi32, #tpu.memory_space<hbm>>
      tpu.enqueue_dma source(%dma_start3A_162 : memref<288xi32, #tpu.memory_space<hbm>>) target(%arg8 : memref<288xi32, #tpu.memory_space<vmem>>) target_semaphore(%arg13 : memref<!tpu.dma_semaphore, #tpu.memory_space<semaphore_mem>>)
      %mul3A_163 = arith.constant 288 : i32
      %mul3A_164 = arith.muli %add3A_152, %mul3A_163 : i32
      %add3A_165 = arith.addi %mul3A_6, %mul3A_164 : i32
      %dma_wait3A_166 = tpu.memref_slice %arg2[%add3A_165] : memref<801792xi32, #tpu.memory_space<hbm>> -> memref<288xi32, #tpu.memory_space<hbm>>
      %dma_wait3A_167 = tpu.memref_slice %arg2[%add3A_165] : memref<801792xi32, #tpu.memory_space<hbm>> -> memref<288xi32, #tpu.memory_space<hbm>>
      tpu.wait_dma2 semaphore(%arg12 : memref<!tpu.dma_semaphore, #tpu.memory_space<semaphore_mem>>) src(%dma_wait3A_167 : memref<288xi32, #tpu.memory_space<hbm>>) dst(%arg7 : memref<288xi32, #tpu.memory_space<vmem>>)
      %dma_start3A_168 = arith.constant 0 : i32
      %dma_start3A_169 = arith.constant 0 : i32
      %dma_start3A_170 = tpu.memref_slice %arg10[%dma_start3A_168, %dma_start3A_169] : memref<50176x32xf32, #tpu.memory_space<vmem_shared>> -> memref<50176x32xf32, #tpu.memory_space<vmem_shared>>
      tpu.enqueue_indirect_dma source(%arg9 : memref<288x32xf32, #tpu.memory_space<vmem>>) target(%dma_start3A_170 : memref<50176x32xf32, #tpu.memory_space<vmem_shared>>) offsets(%arg7 : memref<288xi32, #tpu.memory_space<vmem>>) semaphore(%arg15 : memref<!tpu.dma_semaphore, #tpu.memory_space<semaphore_mem>>) {add = true}
    }
    %scan3A_34 = arith.constant 27 : i32
    %dma_wait3A_35 = arith.constant 0 : i32
    %dma_wait3A_36 = arith.constant 0 : i32
    %dma_wait3A_37 = tpu.memref_slice %arg10[%dma_wait3A_35, %dma_wait3A_36] : memref<50176x32xf32, #tpu.memory_space<vmem_shared>> -> memref<50176x32xf32, #tpu.memory_space<vmem_shared>>
    tpu.wait_indirect_dma semaphore(%arg14 : memref<!tpu.dma_semaphore, #tpu.memory_space<semaphore_mem>>) src(%arg9 : memref<288x32xf32, #tpu.memory_space<vmem>>) dst(%dma_wait3A_37 : memref<50176x32xf32, #tpu.memory_space<vmem_shared>>)
    %add3A_38 = arith.constant 24192 : i32
    %add3A_39 = arith.addi %mul3A_6, %add3A_38 : i32
    %dma_start3A_40 = tpu.memref_slice %arg2[%add3A_39] : memref<801792xi32, #tpu.memory_space<hbm>> -> memref<288xi32, #tpu.memory_space<hbm>>
    %dma_start3A_41 = tpu.memref_slice %arg2[%add3A_39] : memref<801792xi32, #tpu.memory_space<hbm>> -> memref<288xi32, #tpu.memory_space<hbm>>
    tpu.enqueue_dma source(%dma_start3A_41 : memref<288xi32, #tpu.memory_space<hbm>>) target(%arg6 : memref<288xi32, #tpu.memory_space<vmem>>) target_semaphore(%arg11 : memref<!tpu.dma_semaphore, #tpu.memory_space<semaphore_mem>>)
    %add3A_42 = arith.constant 23904 : i32
    %add3A_43 = arith.addi %mul3A_6, %add3A_42 : i32
    %dma_wait3A_44 = tpu.memref_slice %arg2[%add3A_43] : memref<801792xi32, #tpu.memory_space<hbm>> -> memref<288xi32, #tpu.memory_space<hbm>>
    %dma_wait3A_45 = tpu.memref_slice %arg2[%add3A_43] : memref<801792xi32, #tpu.memory_space<hbm>> -> memref<288xi32, #tpu.memory_space<hbm>>
    tpu.wait_dma2 semaphore(%arg13 : memref<!tpu.dma_semaphore, #tpu.memory_space<semaphore_mem>>) src(%dma_wait3A_45 : memref<288xi32, #tpu.memory_space<hbm>>) dst(%arg8 : memref<288xi32, #tpu.memory_space<vmem>>)
    %dma_start3A_46 = arith.constant 0 : i32
    %dma_start3A_47 = arith.constant 0 : i32
    %dma_start3A_48 = tpu.memref_slice %arg10[%dma_start3A_46, %dma_start3A_47] : memref<50176x32xf32, #tpu.memory_space<vmem_shared>> -> memref<50176x32xf32, #tpu.memory_space<vmem_shared>>
    tpu.enqueue_indirect_dma source(%arg9 : memref<288x32xf32, #tpu.memory_space<vmem>>) target(%dma_start3A_48 : memref<50176x32xf32, #tpu.memory_space<vmem_shared>>) offsets(%arg8 : memref<288xi32, #tpu.memory_space<vmem>>) semaphore(%arg16 : memref<!tpu.dma_semaphore, #tpu.memory_space<semaphore_mem>>) {add = true}
    %dma_wait3A_49 = arith.constant 0 : i32
    %dma_wait3A_50 = arith.constant 0 : i32
    %dma_wait3A_51 = tpu.memref_slice %arg10[%dma_wait3A_49, %dma_wait3A_50] : memref<50176x32xf32, #tpu.memory_space<vmem_shared>> -> memref<50176x32xf32, #tpu.memory_space<vmem_shared>>
    tpu.wait_indirect_dma semaphore(%arg15 : memref<!tpu.dma_semaphore, #tpu.memory_space<semaphore_mem>>) src(%arg9 : memref<288x32xf32, #tpu.memory_space<vmem>>) dst(%dma_wait3A_51 : memref<50176x32xf32, #tpu.memory_space<vmem_shared>>)
    %add3A_52 = arith.constant 24480 : i32
    %add3A_53 = arith.addi %mul3A_6, %add3A_52 : i32
    %dma_start3A_54 = tpu.memref_slice %arg2[%add3A_53] : memref<801792xi32, #tpu.memory_space<hbm>> -> memref<288xi32, #tpu.memory_space<hbm>>
    %dma_start3A_55 = tpu.memref_slice %arg2[%add3A_53] : memref<801792xi32, #tpu.memory_space<hbm>> -> memref<288xi32, #tpu.memory_space<hbm>>
    tpu.enqueue_dma source(%dma_start3A_55 : memref<288xi32, #tpu.memory_space<hbm>>) target(%arg7 : memref<288xi32, #tpu.memory_space<vmem>>) target_semaphore(%arg12 : memref<!tpu.dma_semaphore, #tpu.memory_space<semaphore_mem>>)
    %add3A_56 = arith.constant 24192 : i32
    %add3A_57 = arith.addi %mul3A_6, %add3A_56 : i32
    %dma_wait3A_58 = tpu.memref_slice %arg2[%add3A_57] : memref<801792xi32, #tpu.memory_space<hbm>> -> memref<288xi32, #tpu.memory_space<hbm>>
    %dma_wait3A_59 = tpu.memref_slice %arg2[%add3A_57] : memref<801792xi32, #tpu.memory_space<hbm>> -> memref<288xi32, #tpu.memory_space<hbm>>
    tpu.wait_dma2 semaphore(%arg11 : memref<!tpu.dma_semaphore, #tpu.memory_space<semaphore_mem>>) src(%dma_wait3A_59 : memref<288xi32, #tpu.memory_space<hbm>>) dst(%arg6 : memref<288xi32, #tpu.memory_space<vmem>>)
    %dma_start3A_60 = arith.constant 0 : i32
    %dma_start3A_61 = arith.constant 0 : i32
    %dma_start3A_62 = tpu.memref_slice %arg10[%dma_start3A_60, %dma_start3A_61] : memref<50176x32xf32, #tpu.memory_space<vmem_shared>> -> memref<50176x32xf32, #tpu.memory_space<vmem_shared>>
    tpu.enqueue_indirect_dma source(%arg9 : memref<288x32xf32, #tpu.memory_space<vmem>>) target(%dma_start3A_62 : memref<50176x32xf32, #tpu.memory_space<vmem_shared>>) offsets(%arg6 : memref<288xi32, #tpu.memory_space<vmem>>) semaphore(%arg14 : memref<!tpu.dma_semaphore, #tpu.memory_space<semaphore_mem>>) {add = true}
    %dma_wait3A_63 = arith.constant 0 : i32
    %dma_wait3A_64 = arith.constant 0 : i32
    %dma_wait3A_65 = tpu.memref_slice %arg10[%dma_wait3A_63, %dma_wait3A_64] : memref<50176x32xf32, #tpu.memory_space<vmem_shared>> -> memref<50176x32xf32, #tpu.memory_space<vmem_shared>>
    tpu.wait_indirect_dma semaphore(%arg16 : memref<!tpu.dma_semaphore, #tpu.memory_space<semaphore_mem>>) src(%arg9 : memref<288x32xf32, #tpu.memory_space<vmem>>) dst(%dma_wait3A_65 : memref<50176x32xf32, #tpu.memory_space<vmem_shared>>)
    %add3A_66 = arith.constant 24768 : i32
    %add3A_67 = arith.addi %mul3A_6, %add3A_66 : i32
    %dma_start3A_68 = tpu.memref_slice %arg2[%add3A_67] : memref<801792xi32, #tpu.memory_space<hbm>> -> memref<288xi32, #tpu.memory_space<hbm>>
    %dma_start3A_69 = tpu.memref_slice %arg2[%add3A_67] : memref<801792xi32, #tpu.memory_space<hbm>> -> memref<288xi32, #tpu.memory_space<hbm>>
    tpu.enqueue_dma source(%dma_start3A_69 : memref<288xi32, #tpu.memory_space<hbm>>) target(%arg8 : memref<288xi32, #tpu.memory_space<vmem>>) target_semaphore(%arg13 : memref<!tpu.dma_semaphore, #tpu.memory_space<semaphore_mem>>)
    %add3A_70 = arith.constant 24480 : i32
    %add3A_71 = arith.addi %mul3A_6, %add3A_70 : i32
    %dma_wait3A_72 = tpu.memref_slice %arg2[%add3A_71] : memref<801792xi32, #tpu.memory_space<hbm>> -> memref<288xi32, #tpu.memory_space<hbm>>
    %dma_wait3A_73 = tpu.memref_slice %arg2[%add3A_71] : memref<801792xi32, #tpu.memory_space<hbm>> -> memref<288xi32, #tpu.memory_space<hbm>>
    tpu.wait_dma2 semaphore(%arg12 : memref<!tpu.dma_semaphore, #tpu.memory_space<semaphore_mem>>) src(%dma_wait3A_73 : memref<288xi32, #tpu.memory_space<hbm>>) dst(%arg7 : memref<288xi32, #tpu.memory_space<vmem>>)
    %dma_start3A_74 = arith.constant 0 : i32
    %dma_start3A_75 = arith.constant 0 : i32
    %dma_start3A_76 = tpu.memref_slice %arg10[%dma_start3A_74, %dma_start3A_75] : memref<50176x32xf32, #tpu.memory_space<vmem_shared>> -> memref<50176x32xf32, #tpu.memory_space<vmem_shared>>
    tpu.enqueue_indirect_dma source(%arg9 : memref<288x32xf32, #tpu.memory_space<vmem>>) target(%dma_start3A_76 : memref<50176x32xf32, #tpu.memory_space<vmem_shared>>) offsets(%arg7 : memref<288xi32, #tpu.memory_space<vmem>>) semaphore(%arg15 : memref<!tpu.dma_semaphore, #tpu.memory_space<semaphore_mem>>) {add = true}
    %dma_wait3A_77 = arith.constant 0 : i32
    %dma_wait3A_78 = arith.constant 0 : i32
    %dma_wait3A_79 = tpu.memref_slice %arg10[%dma_wait3A_77, %dma_wait3A_78] : memref<50176x32xf32, #tpu.memory_space<vmem_shared>> -> memref<50176x32xf32, #tpu.memory_space<vmem_shared>>
    tpu.wait_indirect_dma semaphore(%arg14 : memref<!tpu.dma_semaphore, #tpu.memory_space<semaphore_mem>>) src(%arg9 : memref<288x32xf32, #tpu.memory_space<vmem>>) dst(%dma_wait3A_79 : memref<50176x32xf32, #tpu.memory_space<vmem_shared>>)
    %add3A_80 = arith.constant 24768 : i32
    %add3A_81 = arith.addi %mul3A_6, %add3A_80 : i32
    %dma_wait3A_82 = tpu.memref_slice %arg2[%add3A_81] : memref<801792xi32, #tpu.memory_space<hbm>> -> memref<288xi32, #tpu.memory_space<hbm>>
    %dma_wait3A_83 = tpu.memref_slice %arg2[%add3A_81] : memref<801792xi32, #tpu.memory_space<hbm>> -> memref<288xi32, #tpu.memory_space<hbm>>
    tpu.wait_dma2 semaphore(%arg13 : memref<!tpu.dma_semaphore, #tpu.memory_space<semaphore_mem>>) src(%dma_wait3A_83 : memref<288xi32, #tpu.memory_space<hbm>>) dst(%arg8 : memref<288xi32, #tpu.memory_space<vmem>>)
    %dma_start3A_84 = arith.constant 0 : i32
    %dma_start3A_85 = arith.constant 0 : i32
    %dma_start3A_86 = tpu.memref_slice %arg10[%dma_start3A_84, %dma_start3A_85] : memref<50176x32xf32, #tpu.memory_space<vmem_shared>> -> memref<50176x32xf32, #tpu.memory_space<vmem_shared>>
    tpu.enqueue_indirect_dma source(%arg9 : memref<288x32xf32, #tpu.memory_space<vmem>>) target(%dma_start3A_86 : memref<50176x32xf32, #tpu.memory_space<vmem_shared>>) offsets(%arg8 : memref<288xi32, #tpu.memory_space<vmem>>) semaphore(%arg16 : memref<!tpu.dma_semaphore, #tpu.memory_space<semaphore_mem>>) {add = true}
    %dma_wait3A_87 = arith.constant 0 : i32
    %dma_wait3A_88 = arith.constant 0 : i32
    %dma_wait3A_89 = tpu.memref_slice %arg10[%dma_wait3A_87, %dma_wait3A_88] : memref<50176x32xf32, #tpu.memory_space<vmem_shared>> -> memref<50176x32xf32, #tpu.memory_space<vmem_shared>>
    tpu.wait_indirect_dma semaphore(%arg15 : memref<!tpu.dma_semaphore, #tpu.memory_space<semaphore_mem>>) src(%arg9 : memref<288x32xf32, #tpu.memory_space<vmem>>) dst(%dma_wait3A_89 : memref<50176x32xf32, #tpu.memory_space<vmem_shared>>)
    %dma_wait3A_90 = arith.constant 0 : i32
    %dma_wait3A_91 = arith.constant 0 : i32
    %dma_wait3A_92 = tpu.memref_slice %arg10[%dma_wait3A_90, %dma_wait3A_91] : memref<50176x32xf32, #tpu.memory_space<vmem_shared>> -> memref<50176x32xf32, #tpu.memory_space<vmem_shared>>
    tpu.wait_indirect_dma semaphore(%arg16 : memref<!tpu.dma_semaphore, #tpu.memory_space<semaphore_mem>>) src(%arg9 : memref<288x32xf32, #tpu.memory_space<vmem>>) dst(%dma_wait3A_92 : memref<50176x32xf32, #tpu.memory_space<vmem_shared>>)
    %barrier3A_93 = arith.constant 0 : index
    tpu.barrier barrier_id(%barrier3A_93)
    "tpu.region"() ({
      %run_scoped3A = tpu.sem_alloc : memref<!tpu.dma_semaphore, #tpu.memory_space<semaphore_mem>>
      %dma_start3A_94 = arith.constant 0 : i32
      %dma_start3A_95 = tpu.memref_slice %arg5[%arg0, %mul3A_0, %dma_start3A_94] : memref<2x50176x32xf32, #tpu.memory_space<hbm>> -> memref<1x3136x32xf32, #tpu.memory_space<hbm>>
      %dma_start3A_96 = tpu.memref_squeeze %dma_start3A_95 : memref<1x3136x32xf32, #tpu.memory_space<hbm>> -> memref<3136x32xf32, #tpu.memory_space<hbm>>
      %dma_start3A_97 = arith.constant 0 : i32
      %dma_start3A_98 = tpu.memref_slice %arg10[%mul3A_0, %dma_start3A_97] : memref<50176x32xf32, #tpu.memory_space<vmem_shared>> -> memref<3136x32xf32, #tpu.memory_space<vmem_shared>>
      tpu.enqueue_dma source(%dma_start3A_98 : memref<3136x32xf32, #tpu.memory_space<vmem_shared>>) target(%dma_start3A_96 : memref<3136x32xf32, #tpu.memory_space<hbm>>) target_semaphore(%run_scoped3A : memref<!tpu.dma_semaphore, #tpu.memory_space<semaphore_mem>>)
      %dma_wait3A_99 = arith.constant 0 : i32
      %dma_wait3A_100 = tpu.memref_slice %arg5[%arg0, %mul3A_0, %dma_wait3A_99] : memref<2x50176x32xf32, #tpu.memory_space<hbm>> -> memref<1x3136x32xf32, #tpu.memory_space<hbm>>
      %dma_wait3A_101 = tpu.memref_squeeze %dma_wait3A_100 : memref<1x3136x32xf32, #tpu.memory_space<hbm>> -> memref<3136x32xf32, #tpu.memory_space<hbm>>
      %dma_wait3A_102 = arith.constant 0 : i32
      %dma_wait3A_103 = tpu.memref_slice %arg10[%mul3A_0, %dma_wait3A_102] : memref<50176x32xf32, #tpu.memory_space<vmem_shared>> -> memref<3136x32xf32, #tpu.memory_space<vmem_shared>>
      tpu.wait_dma2 semaphore(%run_scoped3A : memref<!tpu.dma_semaphore, #tpu.memory_space<semaphore_mem>>) src(%dma_wait3A_103 : memref<3136x32xf32, #tpu.memory_space<vmem_shared>>) dst(%dma_wait3A_101 : memref<3136x32xf32, #tpu.memory_space<hbm>>)
      tpu.yield
    }) : () -> ()
    return
  }
}

#map = affine_map<(d0, d1) -> (0, 0)>
#map1 = affine_map<(d0, d1) -> (0)>
#map2 = affine_map<(d0, d1) -> (0, 0, 0)>
module attributes {stable_mosaic.version = 14 : i64} {
  func.func @body(%arg0: i32, %arg1: i32, %arg2: memref<50176x32xf32, #tpu.memory_space<hbm>>, %arg3: memref<50176x32xf32, #tpu.memory_space<hbm>>, %arg4: memref<801792xi32, #tpu.memory_space<hbm>>, %arg5: memref<801792xi32, #tpu.memory_space<hbm>>, %arg6: memref<50176x32xf32, #tpu.memory_space<hbm>>, %arg7: memref<2x50176x32xf32, #tpu.memory_space<hbm>>, %arg8: memref<288xi32, #tpu.memory_space<vmem>>, %arg9: memref<288xi32, #tpu.memory_space<vmem>>, %arg10: memref<288xi32, #tpu.memory_space<vmem>>, %arg11: memref<288xi32, #tpu.memory_space<vmem>>, %arg12: memref<288xi32, #tpu.memory_space<vmem>>, %arg13: memref<288xi32, #tpu.memory_space<vmem>>, %arg14: memref<288x32xf32, #tpu.memory_space<vmem>>, %arg15: memref<288x32xf32, #tpu.memory_space<vmem>>, %arg16: memref<288x32xf32, #tpu.memory_space<vmem>>, %arg17: memref<50176x32xf32, #tpu.memory_space<vmem_shared>>, %arg18: memref<!tpu.dma_semaphore, #tpu.memory_space<semaphore_mem>>, %arg19: memref<!tpu.dma_semaphore, #tpu.memory_space<semaphore_mem>>, %arg20: memref<!tpu.dma_semaphore, #tpu.memory_space<semaphore_mem>>, %arg21: memref<!tpu.dma_semaphore, #tpu.memory_space<semaphore_mem>>, %arg22: memref<!tpu.dma_semaphore, #tpu.memory_space<semaphore_mem>>, %arg23: memref<!tpu.dma_semaphore, #tpu.memory_space<semaphore_mem>>, %arg24: memref<!tpu.dma_semaphore, #tpu.memory_space<semaphore_mem>>, %arg25: memref<!tpu.dma_semaphore, #tpu.memory_space<semaphore_mem>>, %arg26: memref<!tpu.dma_semaphore, #tpu.memory_space<semaphore_mem>>) attributes {dimension_semantics = [#tpu.dimension_semantics<core_parallel>, #tpu.dimension_semantics<subcore_parallel>], iteration_bounds = array<i64: 2, 16>, scalar_prefetch = 0 : i64, scratch_operands = 19 : i64, tpu.core_type = #tpu.core_type<sc_vector_subcore>, window_params = [{transform_indices = #map}, {transform_indices = #map}, {transform_indices = #map1}, {transform_indices = #map1}, {transform_indices = #map}, {transform_indices = #map2}]} {
    %mul3A = arith.constant 3136 : i32
    %mul3A_0 = arith.muli %arg1, %mul3A : i32
    "tpu.region"() ({
      %run_scoped3A = tpu.sem_alloc : memref<!tpu.dma_semaphore, #tpu.memory_space<semaphore_mem>>
      %dma_start3A = arith.constant 0 : i32
      %dma_start3A_13 = tpu.memref_slice %arg17[%mul3A_0, %dma_start3A] : memref<50176x32xf32, #tpu.memory_space<vmem_shared>> -> memref<3136x32xf32, #tpu.memory_space<vmem_shared>>
      %dma_start3A_14 = arith.constant 0 : i32
      %dma_start3A_15 = tpu.memref_slice %arg6[%mul3A_0, %dma_start3A_14] : memref<50176x32xf32, #tpu.memory_space<hbm>> -> memref<3136x32xf32, #tpu.memory_space<hbm>>
      tpu.enqueue_dma source(%dma_start3A_15 : memref<3136x32xf32, #tpu.memory_space<hbm>>) target(%dma_start3A_13 : memref<3136x32xf32, #tpu.memory_space<vmem_shared>>) target_semaphore(%run_scoped3A : memref<!tpu.dma_semaphore, #tpu.memory_space<semaphore_mem>>)
      %dma_wait3A = arith.constant 0 : i32
      %dma_wait3A_16 = tpu.memref_slice %arg17[%mul3A_0, %dma_wait3A] : memref<50176x32xf32, #tpu.memory_space<vmem_shared>> -> memref<3136x32xf32, #tpu.memory_space<vmem_shared>>
      %dma_wait3A_17 = arith.constant 0 : i32
      %dma_wait3A_18 = tpu.memref_slice %arg6[%mul3A_0, %dma_wait3A_17] : memref<50176x32xf32, #tpu.memory_space<hbm>> -> memref<3136x32xf32, #tpu.memory_space<hbm>>
      tpu.wait_dma2 semaphore(%run_scoped3A : memref<!tpu.dma_semaphore, #tpu.memory_space<semaphore_mem>>) src(%dma_wait3A_18 : memref<3136x32xf32, #tpu.memory_space<hbm>>) dst(%dma_wait3A_16 : memref<3136x32xf32, #tpu.memory_space<vmem_shared>>)
      tpu.yield
    }) : () -> ()
    %barrier3A = arith.constant 0 : index
    tpu.barrier barrier_id(%barrier3A)
    %mul3A_1 = arith.constant 174 : i32
    %mul3A_2 = arith.muli %arg1, %mul3A_1 : i32
    %mul3A_3 = arith.constant 288 : i32
    %mul3A_4 = arith.muli %mul3A_2, %mul3A_3 : i32
    %eq3A = arith.constant 0 : i32
    %eq3A_5 = arith.cmpi eq, %arg0, %eq3A : i32
    %convert_element_type3A = arith.extui %eq3A_5 : i1 to i32
    %cond3A = arith.constant 0 : i32
    %cond3A_6 = arith.cmpi ne, %convert_element_type3A, %cond3A : i32
    scf.if %cond3A_6 {
      %add3A = arith.constant 0 : i32
      %add3A_13 = arith.addi %mul3A_4, %add3A : i32
      %dma_start3A = tpu.memref_slice %arg4[%add3A_13] : memref<801792xi32, #tpu.memory_space<hbm>> -> memref<288xi32, #tpu.memory_space<hbm>>
      %dma_start3A_14 = tpu.memref_slice %arg4[%add3A_13] : memref<801792xi32, #tpu.memory_space<hbm>> -> memref<288xi32, #tpu.memory_space<hbm>>
      tpu.enqueue_dma source(%dma_start3A_14 : memref<288xi32, #tpu.memory_space<hbm>>) target(%arg8 : memref<288xi32, #tpu.memory_space<vmem>>) target_semaphore(%arg18 : memref<!tpu.dma_semaphore, #tpu.memory_space<semaphore_mem>>)
      %add3A_15 = arith.constant 0 : i32
      %add3A_16 = arith.addi %mul3A_4, %add3A_15 : i32
      %dma_start3A_17 = tpu.memref_slice %arg5[%add3A_16] : memref<801792xi32, #tpu.memory_space<hbm>> -> memref<288xi32, #tpu.memory_space<hbm>>
      %dma_start3A_18 = tpu.memref_slice %arg5[%add3A_16] : memref<801792xi32, #tpu.memory_space<hbm>> -> memref<288xi32, #tpu.memory_space<hbm>>
      tpu.enqueue_dma source(%dma_start3A_18 : memref<288xi32, #tpu.memory_space<hbm>>) target(%arg9 : memref<288xi32, #tpu.memory_space<vmem>>) target_semaphore(%arg18 : memref<!tpu.dma_semaphore, #tpu.memory_space<semaphore_mem>>)
      %add3A_19 = arith.constant 288 : i32
      %add3A_20 = arith.addi %mul3A_4, %add3A_19 : i32
      %dma_start3A_21 = tpu.memref_slice %arg4[%add3A_20] : memref<801792xi32, #tpu.memory_space<hbm>> -> memref<288xi32, #tpu.memory_space<hbm>>
      %dma_start3A_22 = tpu.memref_slice %arg4[%add3A_20] : memref<801792xi32, #tpu.memory_space<hbm>> -> memref<288xi32, #tpu.memory_space<hbm>>
      tpu.enqueue_dma source(%dma_start3A_22 : memref<288xi32, #tpu.memory_space<hbm>>) target(%arg10 : memref<288xi32, #tpu.memory_space<vmem>>) target_semaphore(%arg19 : memref<!tpu.dma_semaphore, #tpu.memory_space<semaphore_mem>>)
      %add3A_23 = arith.constant 288 : i32
      %add3A_24 = arith.addi %mul3A_4, %add3A_23 : i32
      %dma_start3A_25 = tpu.memref_slice %arg5[%add3A_24] : memref<801792xi32, #tpu.memory_space<hbm>> -> memref<288xi32, #tpu.memory_space<hbm>>
      %dma_start3A_26 = tpu.memref_slice %arg5[%add3A_24] : memref<801792xi32, #tpu.memory_space<hbm>> -> memref<288xi32, #tpu.memory_space<hbm>>
      tpu.enqueue_dma source(%dma_start3A_26 : memref<288xi32, #tpu.memory_space<hbm>>) target(%arg11 : memref<288xi32, #tpu.memory_space<vmem>>) target_semaphore(%arg19 : memref<!tpu.dma_semaphore, #tpu.memory_space<semaphore_mem>>)
      %add3A_27 = arith.constant 576 : i32
      %add3A_28 = arith.addi %mul3A_4, %add3A_27 : i32
      %dma_start3A_29 = tpu.memref_slice %arg4[%add3A_28] : memref<801792xi32, #tpu.memory_space<hbm>> -> memref<288xi32, #tpu.memory_space<hbm>>
      %dma_start3A_30 = tpu.memref_slice %arg4[%add3A_28] : memref<801792xi32, #tpu.memory_space<hbm>> -> memref<288xi32, #tpu.memory_space<hbm>>
      tpu.enqueue_dma source(%dma_start3A_30 : memref<288xi32, #tpu.memory_space<hbm>>) target(%arg12 : memref<288xi32, #tpu.memory_space<vmem>>) target_semaphore(%arg20 : memref<!tpu.dma_semaphore, #tpu.memory_space<semaphore_mem>>)
      %add3A_31 = arith.constant 576 : i32
      %add3A_32 = arith.addi %mul3A_4, %add3A_31 : i32
      %dma_start3A_33 = tpu.memref_slice %arg5[%add3A_32] : memref<801792xi32, #tpu.memory_space<hbm>> -> memref<288xi32, #tpu.memory_space<hbm>>
      %dma_start3A_34 = tpu.memref_slice %arg5[%add3A_32] : memref<801792xi32, #tpu.memory_space<hbm>> -> memref<288xi32, #tpu.memory_space<hbm>>
      tpu.enqueue_dma source(%dma_start3A_34 : memref<288xi32, #tpu.memory_space<hbm>>) target(%arg13 : memref<288xi32, #tpu.memory_space<vmem>>) target_semaphore(%arg20 : memref<!tpu.dma_semaphore, #tpu.memory_space<semaphore_mem>>)
      %add3A_35 = arith.constant 0 : i32
      %add3A_36 = arith.addi %mul3A_4, %add3A_35 : i32
      %dma_wait3A = tpu.memref_slice %arg4[%add3A_36] : memref<801792xi32, #tpu.memory_space<hbm>> -> memref<288xi32, #tpu.memory_space<hbm>>
      %dma_wait3A_37 = tpu.memref_slice %arg4[%add3A_36] : memref<801792xi32, #tpu.memory_space<hbm>> -> memref<288xi32, #tpu.memory_space<hbm>>
      tpu.wait_dma2 semaphore(%arg18 : memref<!tpu.dma_semaphore, #tpu.memory_space<semaphore_mem>>) src(%dma_wait3A_37 : memref<288xi32, #tpu.memory_space<hbm>>) dst(%arg8 : memref<288xi32, #tpu.memory_space<vmem>>)
      %add3A_38 = arith.constant 0 : i32
      %add3A_39 = arith.addi %mul3A_4, %add3A_38 : i32
      %dma_wait3A_40 = tpu.memref_slice %arg5[%add3A_39] : memref<801792xi32, #tpu.memory_space<hbm>> -> memref<288xi32, #tpu.memory_space<hbm>>
      %dma_wait3A_41 = tpu.memref_slice %arg5[%add3A_39] : memref<801792xi32, #tpu.memory_space<hbm>> -> memref<288xi32, #tpu.memory_space<hbm>>
      tpu.wait_dma2 semaphore(%arg18 : memref<!tpu.dma_semaphore, #tpu.memory_space<semaphore_mem>>) src(%dma_wait3A_41 : memref<288xi32, #tpu.memory_space<hbm>>) dst(%arg9 : memref<288xi32, #tpu.memory_space<vmem>>)
      %dma_start3A_42 = arith.constant 0 : i32
      %dma_start3A_43 = arith.constant 0 : i32
      %dma_start3A_44 = tpu.memref_slice %arg2[%dma_start3A_42, %dma_start3A_43] : memref<50176x32xf32, #tpu.memory_space<hbm>> -> memref<50176x32xf32, #tpu.memory_space<hbm>>
      tpu.enqueue_indirect_dma source(%dma_start3A_44 : memref<50176x32xf32, #tpu.memory_space<hbm>>) target(%arg14 : memref<288x32xf32, #tpu.memory_space<vmem>>) offsets(%arg8 : memref<288xi32, #tpu.memory_space<vmem>>) semaphore(%arg21 : memref<!tpu.dma_semaphore, #tpu.memory_space<semaphore_mem>>)
      %add3A_45 = arith.constant 288 : i32
      %add3A_46 = arith.addi %mul3A_4, %add3A_45 : i32
      %dma_wait3A_47 = tpu.memref_slice %arg4[%add3A_46] : memref<801792xi32, #tpu.memory_space<hbm>> -> memref<288xi32, #tpu.memory_space<hbm>>
      %dma_wait3A_48 = tpu.memref_slice %arg4[%add3A_46] : memref<801792xi32, #tpu.memory_space<hbm>> -> memref<288xi32, #tpu.memory_space<hbm>>
      tpu.wait_dma2 semaphore(%arg19 : memref<!tpu.dma_semaphore, #tpu.memory_space<semaphore_mem>>) src(%dma_wait3A_48 : memref<288xi32, #tpu.memory_space<hbm>>) dst(%arg10 : memref<288xi32, #tpu.memory_space<vmem>>)
      %add3A_49 = arith.constant 288 : i32
      %add3A_50 = arith.addi %mul3A_4, %add3A_49 : i32
      %dma_wait3A_51 = tpu.memref_slice %arg5[%add3A_50] : memref<801792xi32, #tpu.memory_space<hbm>> -> memref<288xi32, #tpu.memory_space<hbm>>
      %dma_wait3A_52 = tpu.memref_slice %arg5[%add3A_50] : memref<801792xi32, #tpu.memory_space<hbm>> -> memref<288xi32, #tpu.memory_space<hbm>>
      tpu.wait_dma2 semaphore(%arg19 : memref<!tpu.dma_semaphore, #tpu.memory_space<semaphore_mem>>) src(%dma_wait3A_52 : memref<288xi32, #tpu.memory_space<hbm>>) dst(%arg11 : memref<288xi32, #tpu.memory_space<vmem>>)
      %dma_start3A_53 = arith.constant 0 : i32
      %dma_start3A_54 = arith.constant 0 : i32
      %dma_start3A_55 = tpu.memref_slice %arg2[%dma_start3A_53, %dma_start3A_54] : memref<50176x32xf32, #tpu.memory_space<hbm>> -> memref<50176x32xf32, #tpu.memory_space<hbm>>
      tpu.enqueue_indirect_dma source(%dma_start3A_55 : memref<50176x32xf32, #tpu.memory_space<hbm>>) target(%arg15 : memref<288x32xf32, #tpu.memory_space<vmem>>) offsets(%arg10 : memref<288xi32, #tpu.memory_space<vmem>>) semaphore(%arg22 : memref<!tpu.dma_semaphore, #tpu.memory_space<semaphore_mem>>)
      %dma_wait3A_56 = arith.constant 0 : i32
      %dma_wait3A_57 = arith.constant 0 : i32
      %dma_wait3A_58 = tpu.memref_slice %arg2[%dma_wait3A_56, %dma_wait3A_57] : memref<50176x32xf32, #tpu.memory_space<hbm>> -> memref<50176x32xf32, #tpu.memory_space<hbm>>
      tpu.wait_indirect_dma semaphore(%arg21 : memref<!tpu.dma_semaphore, #tpu.memory_space<semaphore_mem>>) src(%dma_wait3A_58 : memref<50176x32xf32, #tpu.memory_space<hbm>>) dst(%arg14 : memref<288x32xf32, #tpu.memory_space<vmem>>)
      %dma_start3A_59 = arith.constant 0 : i32
      %dma_start3A_60 = arith.constant 0 : i32
      %dma_start3A_61 = tpu.memref_slice %arg17[%dma_start3A_59, %dma_start3A_60] : memref<50176x32xf32, #tpu.memory_space<vmem_shared>> -> memref<50176x32xf32, #tpu.memory_space<vmem_shared>>
      tpu.enqueue_indirect_dma source(%arg14 : memref<288x32xf32, #tpu.memory_space<vmem>>) target(%dma_start3A_61 : memref<50176x32xf32, #tpu.memory_space<vmem_shared>>) offsets(%arg9 : memref<288xi32, #tpu.memory_space<vmem>>) semaphore(%arg24 : memref<!tpu.dma_semaphore, #tpu.memory_space<semaphore_mem>>) {add = true}
      %dma_wait3A_62 = arith.constant 0 : i32
      %dma_wait3A_63 = arith.constant 0 : i32
      %dma_wait3A_64 = tpu.memref_slice %arg17[%dma_wait3A_62, %dma_wait3A_63] : memref<50176x32xf32, #tpu.memory_space<vmem_shared>> -> memref<50176x32xf32, #tpu.memory_space<vmem_shared>>
      tpu.wait_indirect_dma semaphore(%arg24 : memref<!tpu.dma_semaphore, #tpu.memory_space<semaphore_mem>>) src(%arg14 : memref<288x32xf32, #tpu.memory_space<vmem>>) dst(%dma_wait3A_64 : memref<50176x32xf32, #tpu.memory_space<vmem_shared>>)
      %add3A_65 = arith.constant 864 : i32
      %add3A_66 = arith.addi %mul3A_4, %add3A_65 : i32
      %dma_start3A_67 = tpu.memref_slice %arg4[%add3A_66] : memref<801792xi32, #tpu.memory_space<hbm>> -> memref<288xi32, #tpu.memory_space<hbm>>
      %dma_start3A_68 = tpu.memref_slice %arg4[%add3A_66] : memref<801792xi32, #tpu.memory_space<hbm>> -> memref<288xi32, #tpu.memory_space<hbm>>
      tpu.enqueue_dma source(%dma_start3A_68 : memref<288xi32, #tpu.memory_space<hbm>>) target(%arg8 : memref<288xi32, #tpu.memory_space<vmem>>) target_semaphore(%arg18 : memref<!tpu.dma_semaphore, #tpu.memory_space<semaphore_mem>>)
      %add3A_69 = arith.constant 864 : i32
      %add3A_70 = arith.addi %mul3A_4, %add3A_69 : i32
      %dma_start3A_71 = tpu.memref_slice %arg5[%add3A_70] : memref<801792xi32, #tpu.memory_space<hbm>> -> memref<288xi32, #tpu.memory_space<hbm>>
      %dma_start3A_72 = tpu.memref_slice %arg5[%add3A_70] : memref<801792xi32, #tpu.memory_space<hbm>> -> memref<288xi32, #tpu.memory_space<hbm>>
      tpu.enqueue_dma source(%dma_start3A_72 : memref<288xi32, #tpu.memory_space<hbm>>) target(%arg9 : memref<288xi32, #tpu.memory_space<vmem>>) target_semaphore(%arg18 : memref<!tpu.dma_semaphore, #tpu.memory_space<semaphore_mem>>)
      %add3A_73 = arith.constant 576 : i32
      %add3A_74 = arith.addi %mul3A_4, %add3A_73 : i32
      %dma_wait3A_75 = tpu.memref_slice %arg4[%add3A_74] : memref<801792xi32, #tpu.memory_space<hbm>> -> memref<288xi32, #tpu.memory_space<hbm>>
      %dma_wait3A_76 = tpu.memref_slice %arg4[%add3A_74] : memref<801792xi32, #tpu.memory_space<hbm>> -> memref<288xi32, #tpu.memory_space<hbm>>
      tpu.wait_dma2 semaphore(%arg20 : memref<!tpu.dma_semaphore, #tpu.memory_space<semaphore_mem>>) src(%dma_wait3A_76 : memref<288xi32, #tpu.memory_space<hbm>>) dst(%arg12 : memref<288xi32, #tpu.memory_space<vmem>>)
      %add3A_77 = arith.constant 576 : i32
      %add3A_78 = arith.addi %mul3A_4, %add3A_77 : i32
      %dma_wait3A_79 = tpu.memref_slice %arg5[%add3A_78] : memref<801792xi32, #tpu.memory_space<hbm>> -> memref<288xi32, #tpu.memory_space<hbm>>
      %dma_wait3A_80 = tpu.memref_slice %arg5[%add3A_78] : memref<801792xi32, #tpu.memory_space<hbm>> -> memref<288xi32, #tpu.memory_space<hbm>>
      tpu.wait_dma2 semaphore(%arg20 : memref<!tpu.dma_semaphore, #tpu.memory_space<semaphore_mem>>) src(%dma_wait3A_80 : memref<288xi32, #tpu.memory_space<hbm>>) dst(%arg13 : memref<288xi32, #tpu.memory_space<vmem>>)
      %dma_start3A_81 = arith.constant 0 : i32
      %dma_start3A_82 = arith.constant 0 : i32
      %dma_start3A_83 = tpu.memref_slice %arg2[%dma_start3A_81, %dma_start3A_82] : memref<50176x32xf32, #tpu.memory_space<hbm>> -> memref<50176x32xf32, #tpu.memory_space<hbm>>
      tpu.enqueue_indirect_dma source(%dma_start3A_83 : memref<50176x32xf32, #tpu.memory_space<hbm>>) target(%arg16 : memref<288x32xf32, #tpu.memory_space<vmem>>) offsets(%arg12 : memref<288xi32, #tpu.memory_space<vmem>>) semaphore(%arg23 : memref<!tpu.dma_semaphore, #tpu.memory_space<semaphore_mem>>)
      %dma_wait3A_84 = arith.constant 0 : i32
      %dma_wait3A_85 = arith.constant 0 : i32
      %dma_wait3A_86 = tpu.memref_slice %arg2[%dma_wait3A_84, %dma_wait3A_85] : memref<50176x32xf32, #tpu.memory_space<hbm>> -> memref<50176x32xf32, #tpu.memory_space<hbm>>
      tpu.wait_indirect_dma semaphore(%arg22 : memref<!tpu.dma_semaphore, #tpu.memory_space<semaphore_mem>>) src(%dma_wait3A_86 : memref<50176x32xf32, #tpu.memory_space<hbm>>) dst(%arg15 : memref<288x32xf32, #tpu.memory_space<vmem>>)
      %dma_start3A_87 = arith.constant 0 : i32
      %dma_start3A_88 = arith.constant 0 : i32
      %dma_start3A_89 = tpu.memref_slice %arg17[%dma_start3A_87, %dma_start3A_88] : memref<50176x32xf32, #tpu.memory_space<vmem_shared>> -> memref<50176x32xf32, #tpu.memory_space<vmem_shared>>
      tpu.enqueue_indirect_dma source(%arg15 : memref<288x32xf32, #tpu.memory_space<vmem>>) target(%dma_start3A_89 : memref<50176x32xf32, #tpu.memory_space<vmem_shared>>) offsets(%arg11 : memref<288xi32, #tpu.memory_space<vmem>>) semaphore(%arg25 : memref<!tpu.dma_semaphore, #tpu.memory_space<semaphore_mem>>) {add = true}
      %scan3A = arith.constant 0 : i32
      %scan3A_90 = arith.constant 56 : i32
      %scan3A_91 = arith.addi %scan3A, %scan3A_90 : i32
      %scan3A_92 = arith.constant 1 : i32
      scf.for %scan3A_182 = %scan3A to %scan3A_91 step %scan3A_92  : i32 {
        %mul3A_183 = arith.constant 1 : i32
        %mul3A_184 = arith.muli %scan3A_182, %mul3A_183 : i32
        %add3A_185 = arith.constant 0 : i32
        %add3A_186 = arith.addi %add3A_185, %mul3A_184 : i32
        %mul3A_187 = arith.constant 3 : i32
        %mul3A_188 = arith.muli %mul3A_187, %add3A_186 : i32
        %add3A_189 = arith.constant 3 : i32
        %add3A_190 = arith.addi %add3A_189, %mul3A_188 : i32
        %add3A_191 = arith.constant 0 : i32
        %add3A_192 = arith.addi %add3A_190, %add3A_191 : i32
        %dma_wait3A_193 = arith.constant 0 : i32
        %dma_wait3A_194 = arith.constant 0 : i32
        %dma_wait3A_195 = tpu.memref_slice %arg17[%dma_wait3A_193, %dma_wait3A_194] : memref<50176x32xf32, #tpu.memory_space<vmem_shared>> -> memref<50176x32xf32, #tpu.memory_space<vmem_shared>>
        tpu.wait_indirect_dma semaphore(%arg25 : memref<!tpu.dma_semaphore, #tpu.memory_space<semaphore_mem>>) src(%arg15 : memref<288x32xf32, #tpu.memory_space<vmem>>) dst(%dma_wait3A_195 : memref<50176x32xf32, #tpu.memory_space<vmem_shared>>)
        %add3A_196 = arith.constant 1 : i32
        %add3A_197 = arith.addi %add3A_192, %add3A_196 : i32
        %mul3A_198 = arith.constant 288 : i32
        %mul3A_199 = arith.muli %add3A_197, %mul3A_198 : i32
        %add3A_200 = arith.addi %mul3A_4, %mul3A_199 : i32
        %dma_start3A_201 = tpu.memref_slice %arg4[%add3A_200] : memref<801792xi32, #tpu.memory_space<hbm>> -> memref<288xi32, #tpu.memory_space<hbm>>
        %dma_start3A_202 = tpu.memref_slice %arg4[%add3A_200] : memref<801792xi32, #tpu.memory_space<hbm>> -> memref<288xi32, #tpu.memory_space<hbm>>
        tpu.enqueue_dma source(%dma_start3A_202 : memref<288xi32, #tpu.memory_space<hbm>>) target(%arg10 : memref<288xi32, #tpu.memory_space<vmem>>) target_semaphore(%arg19 : memref<!tpu.dma_semaphore, #tpu.memory_space<semaphore_mem>>)
        %mul3A_203 = arith.constant 288 : i32
        %mul3A_204 = arith.muli %add3A_197, %mul3A_203 : i32
        %add3A_205 = arith.addi %mul3A_4, %mul3A_204 : i32
        %dma_start3A_206 = tpu.memref_slice %arg5[%add3A_205] : memref<801792xi32, #tpu.memory_space<hbm>> -> memref<288xi32, #tpu.memory_space<hbm>>
        %dma_start3A_207 = tpu.memref_slice %arg5[%add3A_205] : memref<801792xi32, #tpu.memory_space<hbm>> -> memref<288xi32, #tpu.memory_space<hbm>>
        tpu.enqueue_dma source(%dma_start3A_207 : memref<288xi32, #tpu.memory_space<hbm>>) target(%arg11 : memref<288xi32, #tpu.memory_space<vmem>>) target_semaphore(%arg19 : memref<!tpu.dma_semaphore, #tpu.memory_space<semaphore_mem>>)
        %mul3A_208 = arith.constant 288 : i32
        %mul3A_209 = arith.muli %add3A_192, %mul3A_208 : i32
        %add3A_210 = arith.addi %mul3A_4, %mul3A_209 : i32
        %dma_wait3A_211 = tpu.memref_slice %arg4[%add3A_210] : memref<801792xi32, #tpu.memory_space<hbm>> -> memref<288xi32, #tpu.memory_space<hbm>>
        %dma_wait3A_212 = tpu.memref_slice %arg4[%add3A_210] : memref<801792xi32, #tpu.memory_space<hbm>> -> memref<288xi32, #tpu.memory_space<hbm>>
        tpu.wait_dma2 semaphore(%arg18 : memref<!tpu.dma_semaphore, #tpu.memory_space<semaphore_mem>>) src(%dma_wait3A_212 : memref<288xi32, #tpu.memory_space<hbm>>) dst(%arg8 : memref<288xi32, #tpu.memory_space<vmem>>)
        %mul3A_213 = arith.constant 288 : i32
        %mul3A_214 = arith.muli %add3A_192, %mul3A_213 : i32
        %add3A_215 = arith.addi %mul3A_4, %mul3A_214 : i32
        %dma_wait3A_216 = tpu.memref_slice %arg5[%add3A_215] : memref<801792xi32, #tpu.memory_space<hbm>> -> memref<288xi32, #tpu.memory_space<hbm>>
        %dma_wait3A_217 = tpu.memref_slice %arg5[%add3A_215] : memref<801792xi32, #tpu.memory_space<hbm>> -> memref<288xi32, #tpu.memory_space<hbm>>
        tpu.wait_dma2 semaphore(%arg18 : memref<!tpu.dma_semaphore, #tpu.memory_space<semaphore_mem>>) src(%dma_wait3A_217 : memref<288xi32, #tpu.memory_space<hbm>>) dst(%arg9 : memref<288xi32, #tpu.memory_space<vmem>>)
        %dma_start3A_218 = arith.constant 0 : i32
        %dma_start3A_219 = arith.constant 0 : i32
        %dma_start3A_220 = tpu.memref_slice %arg2[%dma_start3A_218, %dma_start3A_219] : memref<50176x32xf32, #tpu.memory_space<hbm>> -> memref<50176x32xf32, #tpu.memory_space<hbm>>
        tpu.enqueue_indirect_dma source(%dma_start3A_220 : memref<50176x32xf32, #tpu.memory_space<hbm>>) target(%arg14 : memref<288x32xf32, #tpu.memory_space<vmem>>) offsets(%arg8 : memref<288xi32, #tpu.memory_space<vmem>>) semaphore(%arg21 : memref<!tpu.dma_semaphore, #tpu.memory_space<semaphore_mem>>)
        %dma_wait3A_221 = arith.constant 0 : i32
        %dma_wait3A_222 = arith.constant 0 : i32
        %dma_wait3A_223 = tpu.memref_slice %arg2[%dma_wait3A_221, %dma_wait3A_222] : memref<50176x32xf32, #tpu.memory_space<hbm>> -> memref<50176x32xf32, #tpu.memory_space<hbm>>
        tpu.wait_indirect_dma semaphore(%arg23 : memref<!tpu.dma_semaphore, #tpu.memory_space<semaphore_mem>>) src(%dma_wait3A_223 : memref<50176x32xf32, #tpu.memory_space<hbm>>) dst(%arg16 : memref<288x32xf32, #tpu.memory_space<vmem>>)
        %dma_start3A_224 = arith.constant 0 : i32
        %dma_start3A_225 = arith.constant 0 : i32
        %dma_start3A_226 = tpu.memref_slice %arg17[%dma_start3A_224, %dma_start3A_225] : memref<50176x32xf32, #tpu.memory_space<vmem_shared>> -> memref<50176x32xf32, #tpu.memory_space<vmem_shared>>
        tpu.enqueue_indirect_dma source(%arg16 : memref<288x32xf32, #tpu.memory_space<vmem>>) target(%dma_start3A_226 : memref<50176x32xf32, #tpu.memory_space<vmem_shared>>) offsets(%arg13 : memref<288xi32, #tpu.memory_space<vmem>>) semaphore(%arg26 : memref<!tpu.dma_semaphore, #tpu.memory_space<semaphore_mem>>) {add = true}
        %mul3A_227 = arith.constant 3 : i32
        %mul3A_228 = arith.muli %mul3A_227, %add3A_186 : i32
        %add3A_229 = arith.constant 3 : i32
        %add3A_230 = arith.addi %add3A_229, %mul3A_228 : i32
        %add3A_231 = arith.constant 1 : i32
        %add3A_232 = arith.addi %add3A_230, %add3A_231 : i32
        %dma_wait3A_233 = arith.constant 0 : i32
        %dma_wait3A_234 = arith.constant 0 : i32
        %dma_wait3A_235 = tpu.memref_slice %arg17[%dma_wait3A_233, %dma_wait3A_234] : memref<50176x32xf32, #tpu.memory_space<vmem_shared>> -> memref<50176x32xf32, #tpu.memory_space<vmem_shared>>
        tpu.wait_indirect_dma semaphore(%arg26 : memref<!tpu.dma_semaphore, #tpu.memory_space<semaphore_mem>>) src(%arg16 : memref<288x32xf32, #tpu.memory_space<vmem>>) dst(%dma_wait3A_235 : memref<50176x32xf32, #tpu.memory_space<vmem_shared>>)
        %add3A_236 = arith.constant 1 : i32
        %add3A_237 = arith.addi %add3A_232, %add3A_236 : i32
        %mul3A_238 = arith.constant 288 : i32
        %mul3A_239 = arith.muli %add3A_237, %mul3A_238 : i32
        %add3A_240 = arith.addi %mul3A_4, %mul3A_239 : i32
        %dma_start3A_241 = tpu.memref_slice %arg4[%add3A_240] : memref<801792xi32, #tpu.memory_space<hbm>> -> memref<288xi32, #tpu.memory_space<hbm>>
        %dma_start3A_242 = tpu.memref_slice %arg4[%add3A_240] : memref<801792xi32, #tpu.memory_space<hbm>> -> memref<288xi32, #tpu.memory_space<hbm>>
        tpu.enqueue_dma source(%dma_start3A_242 : memref<288xi32, #tpu.memory_space<hbm>>) target(%arg12 : memref<288xi32, #tpu.memory_space<vmem>>) target_semaphore(%arg20 : memref<!tpu.dma_semaphore, #tpu.memory_space<semaphore_mem>>)
        %mul3A_243 = arith.constant 288 : i32
        %mul3A_244 = arith.muli %add3A_237, %mul3A_243 : i32
        %add3A_245 = arith.addi %mul3A_4, %mul3A_244 : i32
        %dma_start3A_246 = tpu.memref_slice %arg5[%add3A_245] : memref<801792xi32, #tpu.memory_space<hbm>> -> memref<288xi32, #tpu.memory_space<hbm>>
        %dma_start3A_247 = tpu.memref_slice %arg5[%add3A_245] : memref<801792xi32, #tpu.memory_space<hbm>> -> memref<288xi32, #tpu.memory_space<hbm>>
        tpu.enqueue_dma source(%dma_start3A_247 : memref<288xi32, #tpu.memory_space<hbm>>) target(%arg13 : memref<288xi32, #tpu.memory_space<vmem>>) target_semaphore(%arg20 : memref<!tpu.dma_semaphore, #tpu.memory_space<semaphore_mem>>)
        %mul3A_248 = arith.constant 288 : i32
        %mul3A_249 = arith.muli %add3A_232, %mul3A_248 : i32
        %add3A_250 = arith.addi %mul3A_4, %mul3A_249 : i32
        %dma_wait3A_251 = tpu.memref_slice %arg4[%add3A_250] : memref<801792xi32, #tpu.memory_space<hbm>> -> memref<288xi32, #tpu.memory_space<hbm>>
        %dma_wait3A_252 = tpu.memref_slice %arg4[%add3A_250] : memref<801792xi32, #tpu.memory_space<hbm>> -> memref<288xi32, #tpu.memory_space<hbm>>
        tpu.wait_dma2 semaphore(%arg19 : memref<!tpu.dma_semaphore, #tpu.memory_space<semaphore_mem>>) src(%dma_wait3A_252 : memref<288xi32, #tpu.memory_space<hbm>>) dst(%arg10 : memref<288xi32, #tpu.memory_space<vmem>>)
        %mul3A_253 = arith.constant 288 : i32
        %mul3A_254 = arith.muli %add3A_232, %mul3A_253 : i32
        %add3A_255 = arith.addi %mul3A_4, %mul3A_254 : i32
        %dma_wait3A_256 = tpu.memref_slice %arg5[%add3A_255] : memref<801792xi32, #tpu.memory_space<hbm>> -> memref<288xi32, #tpu.memory_space<hbm>>
        %dma_wait3A_257 = tpu.memref_slice %arg5[%add3A_255] : memref<801792xi32, #tpu.memory_space<hbm>> -> memref<288xi32, #tpu.memory_space<hbm>>
        tpu.wait_dma2 semaphore(%arg19 : memref<!tpu.dma_semaphore, #tpu.memory_space<semaphore_mem>>) src(%dma_wait3A_257 : memref<288xi32, #tpu.memory_space<hbm>>) dst(%arg11 : memref<288xi32, #tpu.memory_space<vmem>>)
        %dma_start3A_258 = arith.constant 0 : i32
        %dma_start3A_259 = arith.constant 0 : i32
        %dma_start3A_260 = tpu.memref_slice %arg2[%dma_start3A_258, %dma_start3A_259] : memref<50176x32xf32, #tpu.memory_space<hbm>> -> memref<50176x32xf32, #tpu.memory_space<hbm>>
        tpu.enqueue_indirect_dma source(%dma_start3A_260 : memref<50176x32xf32, #tpu.memory_space<hbm>>) target(%arg15 : memref<288x32xf32, #tpu.memory_space<vmem>>) offsets(%arg10 : memref<288xi32, #tpu.memory_space<vmem>>) semaphore(%arg22 : memref<!tpu.dma_semaphore, #tpu.memory_space<semaphore_mem>>)
        %dma_wait3A_261 = arith.constant 0 : i32
        %dma_wait3A_262 = arith.constant 0 : i32
        %dma_wait3A_263 = tpu.memref_slice %arg2[%dma_wait3A_261, %dma_wait3A_262] : memref<50176x32xf32, #tpu.memory_space<hbm>> -> memref<50176x32xf32, #tpu.memory_space<hbm>>
        tpu.wait_indirect_dma semaphore(%arg21 : memref<!tpu.dma_semaphore, #tpu.memory_space<semaphore_mem>>) src(%dma_wait3A_263 : memref<50176x32xf32, #tpu.memory_space<hbm>>) dst(%arg14 : memref<288x32xf32, #tpu.memory_space<vmem>>)
        %dma_start3A_264 = arith.constant 0 : i32
        %dma_start3A_265 = arith.constant 0 : i32
        %dma_start3A_266 = tpu.memref_slice %arg17[%dma_start3A_264, %dma_start3A_265] : memref<50176x32xf32, #tpu.memory_space<vmem_shared>> -> memref<50176x32xf32, #tpu.memory_space<vmem_shared>>
        tpu.enqueue_indirect_dma source(%arg14 : memref<288x32xf32, #tpu.memory_space<vmem>>) target(%dma_start3A_266 : memref<50176x32xf32, #tpu.memory_space<vmem_shared>>) offsets(%arg9 : memref<288xi32, #tpu.memory_space<vmem>>) semaphore(%arg24 : memref<!tpu.dma_semaphore, #tpu.memory_space<semaphore_mem>>) {add = true}
        %mul3A_267 = arith.constant 3 : i32
        %mul3A_268 = arith.muli %mul3A_267, %add3A_186 : i32
        %add3A_269 = arith.constant 3 : i32
        %add3A_270 = arith.addi %add3A_269, %mul3A_268 : i32
        %add3A_271 = arith.constant 2 : i32
        %add3A_272 = arith.addi %add3A_270, %add3A_271 : i32
        %dma_wait3A_273 = arith.constant 0 : i32
        %dma_wait3A_274 = arith.constant 0 : i32
        %dma_wait3A_275 = tpu.memref_slice %arg17[%dma_wait3A_273, %dma_wait3A_274] : memref<50176x32xf32, #tpu.memory_space<vmem_shared>> -> memref<50176x32xf32, #tpu.memory_space<vmem_shared>>
        tpu.wait_indirect_dma semaphore(%arg24 : memref<!tpu.dma_semaphore, #tpu.memory_space<semaphore_mem>>) src(%arg14 : memref<288x32xf32, #tpu.memory_space<vmem>>) dst(%dma_wait3A_275 : memref<50176x32xf32, #tpu.memory_space<vmem_shared>>)
        %add3A_276 = arith.constant 1 : i32
        %add3A_277 = arith.addi %add3A_272, %add3A_276 : i32
        %mul3A_278 = arith.constant 288 : i32
        %mul3A_279 = arith.muli %add3A_277, %mul3A_278 : i32
        %add3A_280 = arith.addi %mul3A_4, %mul3A_279 : i32
        %dma_start3A_281 = tpu.memref_slice %arg4[%add3A_280] : memref<801792xi32, #tpu.memory_space<hbm>> -> memref<288xi32, #tpu.memory_space<hbm>>
        %dma_start3A_282 = tpu.memref_slice %arg4[%add3A_280] : memref<801792xi32, #tpu.memory_space<hbm>> -> memref<288xi32, #tpu.memory_space<hbm>>
        tpu.enqueue_dma source(%dma_start3A_282 : memref<288xi32, #tpu.memory_space<hbm>>) target(%arg8 : memref<288xi32, #tpu.memory_space<vmem>>) target_semaphore(%arg18 : memref<!tpu.dma_semaphore, #tpu.memory_space<semaphore_mem>>)
        %mul3A_283 = arith.constant 288 : i32
        %mul3A_284 = arith.muli %add3A_277, %mul3A_283 : i32
        %add3A_285 = arith.addi %mul3A_4, %mul3A_284 : i32
        %dma_start3A_286 = tpu.memref_slice %arg5[%add3A_285] : memref<801792xi32, #tpu.memory_space<hbm>> -> memref<288xi32, #tpu.memory_space<hbm>>
        %dma_start3A_287 = tpu.memref_slice %arg5[%add3A_285] : memref<801792xi32, #tpu.memory_space<hbm>> -> memref<288xi32, #tpu.memory_space<hbm>>
        tpu.enqueue_dma source(%dma_start3A_287 : memref<288xi32, #tpu.memory_space<hbm>>) target(%arg9 : memref<288xi32, #tpu.memory_space<vmem>>) target_semaphore(%arg18 : memref<!tpu.dma_semaphore, #tpu.memory_space<semaphore_mem>>)
        %mul3A_288 = arith.constant 288 : i32
        %mul3A_289 = arith.muli %add3A_272, %mul3A_288 : i32
        %add3A_290 = arith.addi %mul3A_4, %mul3A_289 : i32
        %dma_wait3A_291 = tpu.memref_slice %arg4[%add3A_290] : memref<801792xi32, #tpu.memory_space<hbm>> -> memref<288xi32, #tpu.memory_space<hbm>>
        %dma_wait3A_292 = tpu.memref_slice %arg4[%add3A_290] : memref<801792xi32, #tpu.memory_space<hbm>> -> memref<288xi32, #tpu.memory_space<hbm>>
        tpu.wait_dma2 semaphore(%arg20 : memref<!tpu.dma_semaphore, #tpu.memory_space<semaphore_mem>>) src(%dma_wait3A_292 : memref<288xi32, #tpu.memory_space<hbm>>) dst(%arg12 : memref<288xi32, #tpu.memory_space<vmem>>)
        %mul3A_293 = arith.constant 288 : i32
        %mul3A_294 = arith.muli %add3A_272, %mul3A_293 : i32
        %add3A_295 = arith.addi %mul3A_4, %mul3A_294 : i32
        %dma_wait3A_296 = tpu.memref_slice %arg5[%add3A_295] : memref<801792xi32, #tpu.memory_space<hbm>> -> memref<288xi32, #tpu.memory_space<hbm>>
        %dma_wait3A_297 = tpu.memref_slice %arg5[%add3A_295] : memref<801792xi32, #tpu.memory_space<hbm>> -> memref<288xi32, #tpu.memory_space<hbm>>
        tpu.wait_dma2 semaphore(%arg20 : memref<!tpu.dma_semaphore, #tpu.memory_space<semaphore_mem>>) src(%dma_wait3A_297 : memref<288xi32, #tpu.memory_space<hbm>>) dst(%arg13 : memref<288xi32, #tpu.memory_space<vmem>>)
        %dma_start3A_298 = arith.constant 0 : i32
        %dma_start3A_299 = arith.constant 0 : i32
        %dma_start3A_300 = tpu.memref_slice %arg2[%dma_start3A_298, %dma_start3A_299] : memref<50176x32xf32, #tpu.memory_space<hbm>> -> memref<50176x32xf32, #tpu.memory_space<hbm>>
        tpu.enqueue_indirect_dma source(%dma_start3A_300 : memref<50176x32xf32, #tpu.memory_space<hbm>>) target(%arg16 : memref<288x32xf32, #tpu.memory_space<vmem>>) offsets(%arg12 : memref<288xi32, #tpu.memory_space<vmem>>) semaphore(%arg23 : memref<!tpu.dma_semaphore, #tpu.memory_space<semaphore_mem>>)
        %dma_wait3A_301 = arith.constant 0 : i32
        %dma_wait3A_302 = arith.constant 0 : i32
        %dma_wait3A_303 = tpu.memref_slice %arg2[%dma_wait3A_301, %dma_wait3A_302] : memref<50176x32xf32, #tpu.memory_space<hbm>> -> memref<50176x32xf32, #tpu.memory_space<hbm>>
        tpu.wait_indirect_dma semaphore(%arg22 : memref<!tpu.dma_semaphore, #tpu.memory_space<semaphore_mem>>) src(%dma_wait3A_303 : memref<50176x32xf32, #tpu.memory_space<hbm>>) dst(%arg15 : memref<288x32xf32, #tpu.memory_space<vmem>>)
        %dma_start3A_304 = arith.constant 0 : i32
        %dma_start3A_305 = arith.constant 0 : i32
        %dma_start3A_306 = tpu.memref_slice %arg17[%dma_start3A_304, %dma_start3A_305] : memref<50176x32xf32, #tpu.memory_space<vmem_shared>> -> memref<50176x32xf32, #tpu.memory_space<vmem_shared>>
        tpu.enqueue_indirect_dma source(%arg15 : memref<288x32xf32, #tpu.memory_space<vmem>>) target(%dma_start3A_306 : memref<50176x32xf32, #tpu.memory_space<vmem_shared>>) offsets(%arg11 : memref<288xi32, #tpu.memory_space<vmem>>) semaphore(%arg25 : memref<!tpu.dma_semaphore, #tpu.memory_space<semaphore_mem>>) {add = true}
      }
      %scan3A_93 = arith.constant 56 : i32
      %dma_wait3A_94 = arith.constant 0 : i32
      %dma_wait3A_95 = arith.constant 0 : i32
      %dma_wait3A_96 = tpu.memref_slice %arg17[%dma_wait3A_94, %dma_wait3A_95] : memref<50176x32xf32, #tpu.memory_space<vmem_shared>> -> memref<50176x32xf32, #tpu.memory_space<vmem_shared>>
      tpu.wait_indirect_dma semaphore(%arg25 : memref<!tpu.dma_semaphore, #tpu.memory_space<semaphore_mem>>) src(%arg15 : memref<288x32xf32, #tpu.memory_space<vmem>>) dst(%dma_wait3A_96 : memref<50176x32xf32, #tpu.memory_space<vmem_shared>>)
      %add3A_97 = arith.constant 49536 : i32
      %add3A_98 = arith.addi %mul3A_4, %add3A_97 : i32
      %dma_start3A_99 = tpu.memref_slice %arg4[%add3A_98] : memref<801792xi32, #tpu.memory_space<hbm>> -> memref<288xi32, #tpu.memory_space<hbm>>
      %dma_start3A_100 = tpu.memref_slice %arg4[%add3A_98] : memref<801792xi32, #tpu.memory_space<hbm>> -> memref<288xi32, #tpu.memory_space<hbm>>
      tpu.enqueue_dma source(%dma_start3A_100 : memref<288xi32, #tpu.memory_space<hbm>>) target(%arg10 : memref<288xi32, #tpu.memory_space<vmem>>) target_semaphore(%arg19 : memref<!tpu.dma_semaphore, #tpu.memory_space<semaphore_mem>>)
      %add3A_101 = arith.constant 49536 : i32
      %add3A_102 = arith.addi %mul3A_4, %add3A_101 : i32
      %dma_start3A_103 = tpu.memref_slice %arg5[%add3A_102] : memref<801792xi32, #tpu.memory_space<hbm>> -> memref<288xi32, #tpu.memory_space<hbm>>
      %dma_start3A_104 = tpu.memref_slice %arg5[%add3A_102] : memref<801792xi32, #tpu.memory_space<hbm>> -> memref<288xi32, #tpu.memory_space<hbm>>
      tpu.enqueue_dma source(%dma_start3A_104 : memref<288xi32, #tpu.memory_space<hbm>>) target(%arg11 : memref<288xi32, #tpu.memory_space<vmem>>) target_semaphore(%arg19 : memref<!tpu.dma_semaphore, #tpu.memory_space<semaphore_mem>>)
      %add3A_105 = arith.constant 49248 : i32
      %add3A_106 = arith.addi %mul3A_4, %add3A_105 : i32
      %dma_wait3A_107 = tpu.memref_slice %arg4[%add3A_106] : memref<801792xi32, #tpu.memory_space<hbm>> -> memref<288xi32, #tpu.memory_space<hbm>>
      %dma_wait3A_108 = tpu.memref_slice %arg4[%add3A_106] : memref<801792xi32, #tpu.memory_space<hbm>> -> memref<288xi32, #tpu.memory_space<hbm>>
      tpu.wait_dma2 semaphore(%arg18 : memref<!tpu.dma_semaphore, #tpu.memory_space<semaphore_mem>>) src(%dma_wait3A_108 : memref<288xi32, #tpu.memory_space<hbm>>) dst(%arg8 : memref<288xi32, #tpu.memory_space<vmem>>)
      %add3A_109 = arith.constant 49248 : i32
      %add3A_110 = arith.addi %mul3A_4, %add3A_109 : i32
      %dma_wait3A_111 = tpu.memref_slice %arg5[%add3A_110] : memref<801792xi32, #tpu.memory_space<hbm>> -> memref<288xi32, #tpu.memory_space<hbm>>
      %dma_wait3A_112 = tpu.memref_slice %arg5[%add3A_110] : memref<801792xi32, #tpu.memory_space<hbm>> -> memref<288xi32, #tpu.memory_space<hbm>>
      tpu.wait_dma2 semaphore(%arg18 : memref<!tpu.dma_semaphore, #tpu.memory_space<semaphore_mem>>) src(%dma_wait3A_112 : memref<288xi32, #tpu.memory_space<hbm>>) dst(%arg9 : memref<288xi32, #tpu.memory_space<vmem>>)
      %dma_start3A_113 = arith.constant 0 : i32
      %dma_start3A_114 = arith.constant 0 : i32
      %dma_start3A_115 = tpu.memref_slice %arg2[%dma_start3A_113, %dma_start3A_114] : memref<50176x32xf32, #tpu.memory_space<hbm>> -> memref<50176x32xf32, #tpu.memory_space<hbm>>
      tpu.enqueue_indirect_dma source(%dma_start3A_115 : memref<50176x32xf32, #tpu.memory_space<hbm>>) target(%arg14 : memref<288x32xf32, #tpu.memory_space<vmem>>) offsets(%arg8 : memref<288xi32, #tpu.memory_space<vmem>>) semaphore(%arg21 : memref<!tpu.dma_semaphore, #tpu.memory_space<semaphore_mem>>)
      %dma_wait3A_116 = arith.constant 0 : i32
      %dma_wait3A_117 = arith.constant 0 : i32
      %dma_wait3A_118 = tpu.memref_slice %arg2[%dma_wait3A_116, %dma_wait3A_117] : memref<50176x32xf32, #tpu.memory_space<hbm>> -> memref<50176x32xf32, #tpu.memory_space<hbm>>
      tpu.wait_indirect_dma semaphore(%arg23 : memref<!tpu.dma_semaphore, #tpu.memory_space<semaphore_mem>>) src(%dma_wait3A_118 : memref<50176x32xf32, #tpu.memory_space<hbm>>) dst(%arg16 : memref<288x32xf32, #tpu.memory_space<vmem>>)
      %dma_start3A_119 = arith.constant 0 : i32
      %dma_start3A_120 = arith.constant 0 : i32
      %dma_start3A_121 = tpu.memref_slice %arg17[%dma_start3A_119, %dma_start3A_120] : memref<50176x32xf32, #tpu.memory_space<vmem_shared>> -> memref<50176x32xf32, #tpu.memory_space<vmem_shared>>
      tpu.enqueue_indirect_dma source(%arg16 : memref<288x32xf32, #tpu.memory_space<vmem>>) target(%dma_start3A_121 : memref<50176x32xf32, #tpu.memory_space<vmem_shared>>) offsets(%arg13 : memref<288xi32, #tpu.memory_space<vmem>>) semaphore(%arg26 : memref<!tpu.dma_semaphore, #tpu.memory_space<semaphore_mem>>) {add = true}
      %dma_wait3A_122 = arith.constant 0 : i32
      %dma_wait3A_123 = arith.constant 0 : i32
      %dma_wait3A_124 = tpu.memref_slice %arg17[%dma_wait3A_122, %dma_wait3A_123] : memref<50176x32xf32, #tpu.memory_space<vmem_shared>> -> memref<50176x32xf32, #tpu.memory_space<vmem_shared>>
      tpu.wait_indirect_dma semaphore(%arg26 : memref<!tpu.dma_semaphore, #tpu.memory_space<semaphore_mem>>) src(%arg16 : memref<288x32xf32, #tpu.memory_space<vmem>>) dst(%dma_wait3A_124 : memref<50176x32xf32, #tpu.memory_space<vmem_shared>>)
      %add3A_125 = arith.constant 49824 : i32
      %add3A_126 = arith.addi %mul3A_4, %add3A_125 : i32
      %dma_start3A_127 = tpu.memref_slice %arg4[%add3A_126] : memref<801792xi32, #tpu.memory_space<hbm>> -> memref<288xi32, #tpu.memory_space<hbm>>
      %dma_start3A_128 = tpu.memref_slice %arg4[%add3A_126] : memref<801792xi32, #tpu.memory_space<hbm>> -> memref<288xi32, #tpu.memory_space<hbm>>
      tpu.enqueue_dma source(%dma_start3A_128 : memref<288xi32, #tpu.memory_space<hbm>>) target(%arg12 : memref<288xi32, #tpu.memory_space<vmem>>) target_semaphore(%arg20 : memref<!tpu.dma_semaphore, #tpu.memory_space<semaphore_mem>>)
      %add3A_129 = arith.constant 49824 : i32
      %add3A_130 = arith.addi %mul3A_4, %add3A_129 : i32
      %dma_start3A_131 = tpu.memref_slice %arg5[%add3A_130] : memref<801792xi32, #tpu.memory_space<hbm>> -> memref<288xi32, #tpu.memory_space<hbm>>
      %dma_start3A_132 = tpu.memref_slice %arg5[%add3A_130] : memref<801792xi32, #tpu.memory_space<hbm>> -> memref<288xi32, #tpu.memory_space<hbm>>
      tpu.enqueue_dma source(%dma_start3A_132 : memref<288xi32, #tpu.memory_space<hbm>>) target(%arg13 : memref<288xi32, #tpu.memory_space<vmem>>) target_semaphore(%arg20 : memref<!tpu.dma_semaphore, #tpu.memory_space<semaphore_mem>>)
      %add3A_133 = arith.constant 49536 : i32
      %add3A_134 = arith.addi %mul3A_4, %add3A_133 : i32
      %dma_wait3A_135 = tpu.memref_slice %arg4[%add3A_134] : memref<801792xi32, #tpu.memory_space<hbm>> -> memref<288xi32, #tpu.memory_space<hbm>>
      %dma_wait3A_136 = tpu.memref_slice %arg4[%add3A_134] : memref<801792xi32, #tpu.memory_space<hbm>> -> memref<288xi32, #tpu.memory_space<hbm>>
      tpu.wait_dma2 semaphore(%arg19 : memref<!tpu.dma_semaphore, #tpu.memory_space<semaphore_mem>>) src(%dma_wait3A_136 : memref<288xi32, #tpu.memory_space<hbm>>) dst(%arg10 : memref<288xi32, #tpu.memory_space<vmem>>)
      %add3A_137 = arith.constant 49536 : i32
      %add3A_138 = arith.addi %mul3A_4, %add3A_137 : i32
      %dma_wait3A_139 = tpu.memref_slice %arg5[%add3A_138] : memref<801792xi32, #tpu.memory_space<hbm>> -> memref<288xi32, #tpu.memory_space<hbm>>
      %dma_wait3A_140 = tpu.memref_slice %arg5[%add3A_138] : memref<801792xi32, #tpu.memory_space<hbm>> -> memref<288xi32, #tpu.memory_space<hbm>>
      tpu.wait_dma2 semaphore(%arg19 : memref<!tpu.dma_semaphore, #tpu.memory_space<semaphore_mem>>) src(%dma_wait3A_140 : memref<288xi32, #tpu.memory_space<hbm>>) dst(%arg11 : memref<288xi32, #tpu.memory_space<vmem>>)
      %dma_start3A_141 = arith.constant 0 : i32
      %dma_start3A_142 = arith.constant 0 : i32
      %dma_start3A_143 = tpu.memref_slice %arg2[%dma_start3A_141, %dma_start3A_142] : memref<50176x32xf32, #tpu.memory_space<hbm>> -> memref<50176x32xf32, #tpu.memory_space<hbm>>
      tpu.enqueue_indirect_dma source(%dma_start3A_143 : memref<50176x32xf32, #tpu.memory_space<hbm>>) target(%arg15 : memref<288x32xf32, #tpu.memory_space<vmem>>) offsets(%arg10 : memref<288xi32, #tpu.memory_space<vmem>>) semaphore(%arg22 : memref<!tpu.dma_semaphore, #tpu.memory_space<semaphore_mem>>)
      %dma_wait3A_144 = arith.constant 0 : i32
      %dma_wait3A_145 = arith.constant 0 : i32
      %dma_wait3A_146 = tpu.memref_slice %arg2[%dma_wait3A_144, %dma_wait3A_145] : memref<50176x32xf32, #tpu.memory_space<hbm>> -> memref<50176x32xf32, #tpu.memory_space<hbm>>
      tpu.wait_indirect_dma semaphore(%arg21 : memref<!tpu.dma_semaphore, #tpu.memory_space<semaphore_mem>>) src(%dma_wait3A_146 : memref<50176x32xf32, #tpu.memory_space<hbm>>) dst(%arg14 : memref<288x32xf32, #tpu.memory_space<vmem>>)
      %dma_start3A_147 = arith.constant 0 : i32
      %dma_start3A_148 = arith.constant 0 : i32
      %dma_start3A_149 = tpu.memref_slice %arg17[%dma_start3A_147, %dma_start3A_148] : memref<50176x32xf32, #tpu.memory_space<vmem_shared>> -> memref<50176x32xf32, #tpu.memory_space<vmem_shared>>
      tpu.enqueue_indirect_dma source(%arg14 : memref<288x32xf32, #tpu.memory_space<vmem>>) target(%dma_start3A_149 : memref<50176x32xf32, #tpu.memory_space<vmem_shared>>) offsets(%arg9 : memref<288xi32, #tpu.memory_space<vmem>>) semaphore(%arg24 : memref<!tpu.dma_semaphore, #tpu.memory_space<semaphore_mem>>) {add = true}
      %dma_wait3A_150 = arith.constant 0 : i32
      %dma_wait3A_151 = arith.constant 0 : i32
      %dma_wait3A_152 = tpu.memref_slice %arg17[%dma_wait3A_150, %dma_wait3A_151] : memref<50176x32xf32, #tpu.memory_space<vmem_shared>> -> memref<50176x32xf32, #tpu.memory_space<vmem_shared>>
      tpu.wait_indirect_dma semaphore(%arg24 : memref<!tpu.dma_semaphore, #tpu.memory_space<semaphore_mem>>) src(%arg14 : memref<288x32xf32, #tpu.memory_space<vmem>>) dst(%dma_wait3A_152 : memref<50176x32xf32, #tpu.memory_space<vmem_shared>>)
      %add3A_153 = arith.constant 49824 : i32
      %add3A_154 = arith.addi %mul3A_4, %add3A_153 : i32
      %dma_wait3A_155 = tpu.memref_slice %arg4[%add3A_154] : memref<801792xi32, #tpu.memory_space<hbm>> -> memref<288xi32, #tpu.memory_space<hbm>>
      %dma_wait3A_156 = tpu.memref_slice %arg4[%add3A_154] : memref<801792xi32, #tpu.memory_space<hbm>> -> memref<288xi32, #tpu.memory_space<hbm>>
      tpu.wait_dma2 semaphore(%arg20 : memref<!tpu.dma_semaphore, #tpu.memory_space<semaphore_mem>>) src(%dma_wait3A_156 : memref<288xi32, #tpu.memory_space<hbm>>) dst(%arg12 : memref<288xi32, #tpu.memory_space<vmem>>)
      %add3A_157 = arith.constant 49824 : i32
      %add3A_158 = arith.addi %mul3A_4, %add3A_157 : i32
      %dma_wait3A_159 = tpu.memref_slice %arg5[%add3A_158] : memref<801792xi32, #tpu.memory_space<hbm>> -> memref<288xi32, #tpu.memory_space<hbm>>
      %dma_wait3A_160 = tpu.memref_slice %arg5[%add3A_158] : memref<801792xi32, #tpu.memory_space<hbm>> -> memref<288xi32, #tpu.memory_space<hbm>>
      tpu.wait_dma2 semaphore(%arg20 : memref<!tpu.dma_semaphore, #tpu.memory_space<semaphore_mem>>) src(%dma_wait3A_160 : memref<288xi32, #tpu.memory_space<hbm>>) dst(%arg13 : memref<288xi32, #tpu.memory_space<vmem>>)
      %dma_start3A_161 = arith.constant 0 : i32
      %dma_start3A_162 = arith.constant 0 : i32
      %dma_start3A_163 = tpu.memref_slice %arg2[%dma_start3A_161, %dma_start3A_162] : memref<50176x32xf32, #tpu.memory_space<hbm>> -> memref<50176x32xf32, #tpu.memory_space<hbm>>
      tpu.enqueue_indirect_dma source(%dma_start3A_163 : memref<50176x32xf32, #tpu.memory_space<hbm>>) target(%arg16 : memref<288x32xf32, #tpu.memory_space<vmem>>) offsets(%arg12 : memref<288xi32, #tpu.memory_space<vmem>>) semaphore(%arg23 : memref<!tpu.dma_semaphore, #tpu.memory_space<semaphore_mem>>)
      %dma_wait3A_164 = arith.constant 0 : i32
      %dma_wait3A_165 = arith.constant 0 : i32
      %dma_wait3A_166 = tpu.memref_slice %arg2[%dma_wait3A_164, %dma_wait3A_165] : memref<50176x32xf32, #tpu.memory_space<hbm>> -> memref<50176x32xf32, #tpu.memory_space<hbm>>
      tpu.wait_indirect_dma semaphore(%arg22 : memref<!tpu.dma_semaphore, #tpu.memory_space<semaphore_mem>>) src(%dma_wait3A_166 : memref<50176x32xf32, #tpu.memory_space<hbm>>) dst(%arg15 : memref<288x32xf32, #tpu.memory_space<vmem>>)
      %dma_start3A_167 = arith.constant 0 : i32
      %dma_start3A_168 = arith.constant 0 : i32
      %dma_start3A_169 = tpu.memref_slice %arg17[%dma_start3A_167, %dma_start3A_168] : memref<50176x32xf32, #tpu.memory_space<vmem_shared>> -> memref<50176x32xf32, #tpu.memory_space<vmem_shared>>
      tpu.enqueue_indirect_dma source(%arg15 : memref<288x32xf32, #tpu.memory_space<vmem>>) target(%dma_start3A_169 : memref<50176x32xf32, #tpu.memory_space<vmem_shared>>) offsets(%arg11 : memref<288xi32, #tpu.memory_space<vmem>>) semaphore(%arg25 : memref<!tpu.dma_semaphore, #tpu.memory_space<semaphore_mem>>) {add = true}
      %dma_wait3A_170 = arith.constant 0 : i32
      %dma_wait3A_171 = arith.constant 0 : i32
      %dma_wait3A_172 = tpu.memref_slice %arg2[%dma_wait3A_170, %dma_wait3A_171] : memref<50176x32xf32, #tpu.memory_space<hbm>> -> memref<50176x32xf32, #tpu.memory_space<hbm>>
      tpu.wait_indirect_dma semaphore(%arg23 : memref<!tpu.dma_semaphore, #tpu.memory_space<semaphore_mem>>) src(%dma_wait3A_172 : memref<50176x32xf32, #tpu.memory_space<hbm>>) dst(%arg16 : memref<288x32xf32, #tpu.memory_space<vmem>>)
      %dma_start3A_173 = arith.constant 0 : i32
      %dma_start3A_174 = arith.constant 0 : i32
      %dma_start3A_175 = tpu.memref_slice %arg17[%dma_start3A_173, %dma_start3A_174] : memref<50176x32xf32, #tpu.memory_space<vmem_shared>> -> memref<50176x32xf32, #tpu.memory_space<vmem_shared>>
      tpu.enqueue_indirect_dma source(%arg16 : memref<288x32xf32, #tpu.memory_space<vmem>>) target(%dma_start3A_175 : memref<50176x32xf32, #tpu.memory_space<vmem_shared>>) offsets(%arg13 : memref<288xi32, #tpu.memory_space<vmem>>) semaphore(%arg26 : memref<!tpu.dma_semaphore, #tpu.memory_space<semaphore_mem>>) {add = true}
      %dma_wait3A_176 = arith.constant 0 : i32
      %dma_wait3A_177 = arith.constant 0 : i32
      %dma_wait3A_178 = tpu.memref_slice %arg17[%dma_wait3A_176, %dma_wait3A_177] : memref<50176x32xf32, #tpu.memory_space<vmem_shared>> -> memref<50176x32xf32, #tpu.memory_space<vmem_shared>>
      tpu.wait_indirect_dma semaphore(%arg25 : memref<!tpu.dma_semaphore, #tpu.memory_space<semaphore_mem>>) src(%arg15 : memref<288x32xf32, #tpu.memory_space<vmem>>) dst(%dma_wait3A_178 : memref<50176x32xf32, #tpu.memory_space<vmem_shared>>)
      %dma_wait3A_179 = arith.constant 0 : i32
      %dma_wait3A_180 = arith.constant 0 : i32
      %dma_wait3A_181 = tpu.memref_slice %arg17[%dma_wait3A_179, %dma_wait3A_180] : memref<50176x32xf32, #tpu.memory_space<vmem_shared>> -> memref<50176x32xf32, #tpu.memory_space<vmem_shared>>
      tpu.wait_indirect_dma semaphore(%arg26 : memref<!tpu.dma_semaphore, #tpu.memory_space<semaphore_mem>>) src(%arg16 : memref<288x32xf32, #tpu.memory_space<vmem>>) dst(%dma_wait3A_181 : memref<50176x32xf32, #tpu.memory_space<vmem_shared>>)
    } else {
    }
    %eq3A_7 = arith.constant 1 : i32
    %eq3A_8 = arith.cmpi eq, %arg0, %eq3A_7 : i32
    %convert_element_type3A_9 = arith.extui %eq3A_8 : i1 to i32
    %cond3A_10 = arith.constant 0 : i32
    %cond3A_11 = arith.cmpi ne, %convert_element_type3A_9, %cond3A_10 : i32
    scf.if %cond3A_11 {
      %add3A = arith.constant 0 : i32
      %add3A_13 = arith.addi %mul3A_4, %add3A : i32
      %dma_start3A = tpu.memref_slice %arg4[%add3A_13] : memref<801792xi32, #tpu.memory_space<hbm>> -> memref<288xi32, #tpu.memory_space<hbm>>
      %dma_start3A_14 = tpu.memref_slice %arg4[%add3A_13] : memref<801792xi32, #tpu.memory_space<hbm>> -> memref<288xi32, #tpu.memory_space<hbm>>
      tpu.enqueue_dma source(%dma_start3A_14 : memref<288xi32, #tpu.memory_space<hbm>>) target(%arg8 : memref<288xi32, #tpu.memory_space<vmem>>) target_semaphore(%arg18 : memref<!tpu.dma_semaphore, #tpu.memory_space<semaphore_mem>>)
      %add3A_15 = arith.constant 0 : i32
      %add3A_16 = arith.addi %mul3A_4, %add3A_15 : i32
      %dma_start3A_17 = tpu.memref_slice %arg5[%add3A_16] : memref<801792xi32, #tpu.memory_space<hbm>> -> memref<288xi32, #tpu.memory_space<hbm>>
      %dma_start3A_18 = tpu.memref_slice %arg5[%add3A_16] : memref<801792xi32, #tpu.memory_space<hbm>> -> memref<288xi32, #tpu.memory_space<hbm>>
      tpu.enqueue_dma source(%dma_start3A_18 : memref<288xi32, #tpu.memory_space<hbm>>) target(%arg9 : memref<288xi32, #tpu.memory_space<vmem>>) target_semaphore(%arg18 : memref<!tpu.dma_semaphore, #tpu.memory_space<semaphore_mem>>)
      %add3A_19 = arith.constant 288 : i32
      %add3A_20 = arith.addi %mul3A_4, %add3A_19 : i32
      %dma_start3A_21 = tpu.memref_slice %arg4[%add3A_20] : memref<801792xi32, #tpu.memory_space<hbm>> -> memref<288xi32, #tpu.memory_space<hbm>>
      %dma_start3A_22 = tpu.memref_slice %arg4[%add3A_20] : memref<801792xi32, #tpu.memory_space<hbm>> -> memref<288xi32, #tpu.memory_space<hbm>>
      tpu.enqueue_dma source(%dma_start3A_22 : memref<288xi32, #tpu.memory_space<hbm>>) target(%arg10 : memref<288xi32, #tpu.memory_space<vmem>>) target_semaphore(%arg19 : memref<!tpu.dma_semaphore, #tpu.memory_space<semaphore_mem>>)
      %add3A_23 = arith.constant 288 : i32
      %add3A_24 = arith.addi %mul3A_4, %add3A_23 : i32
      %dma_start3A_25 = tpu.memref_slice %arg5[%add3A_24] : memref<801792xi32, #tpu.memory_space<hbm>> -> memref<288xi32, #tpu.memory_space<hbm>>
      %dma_start3A_26 = tpu.memref_slice %arg5[%add3A_24] : memref<801792xi32, #tpu.memory_space<hbm>> -> memref<288xi32, #tpu.memory_space<hbm>>
      tpu.enqueue_dma source(%dma_start3A_26 : memref<288xi32, #tpu.memory_space<hbm>>) target(%arg11 : memref<288xi32, #tpu.memory_space<vmem>>) target_semaphore(%arg19 : memref<!tpu.dma_semaphore, #tpu.memory_space<semaphore_mem>>)
      %add3A_27 = arith.constant 576 : i32
      %add3A_28 = arith.addi %mul3A_4, %add3A_27 : i32
      %dma_start3A_29 = tpu.memref_slice %arg4[%add3A_28] : memref<801792xi32, #tpu.memory_space<hbm>> -> memref<288xi32, #tpu.memory_space<hbm>>
      %dma_start3A_30 = tpu.memref_slice %arg4[%add3A_28] : memref<801792xi32, #tpu.memory_space<hbm>> -> memref<288xi32, #tpu.memory_space<hbm>>
      tpu.enqueue_dma source(%dma_start3A_30 : memref<288xi32, #tpu.memory_space<hbm>>) target(%arg12 : memref<288xi32, #tpu.memory_space<vmem>>) target_semaphore(%arg20 : memref<!tpu.dma_semaphore, #tpu.memory_space<semaphore_mem>>)
      %add3A_31 = arith.constant 576 : i32
      %add3A_32 = arith.addi %mul3A_4, %add3A_31 : i32
      %dma_start3A_33 = tpu.memref_slice %arg5[%add3A_32] : memref<801792xi32, #tpu.memory_space<hbm>> -> memref<288xi32, #tpu.memory_space<hbm>>
      %dma_start3A_34 = tpu.memref_slice %arg5[%add3A_32] : memref<801792xi32, #tpu.memory_space<hbm>> -> memref<288xi32, #tpu.memory_space<hbm>>
      tpu.enqueue_dma source(%dma_start3A_34 : memref<288xi32, #tpu.memory_space<hbm>>) target(%arg13 : memref<288xi32, #tpu.memory_space<vmem>>) target_semaphore(%arg20 : memref<!tpu.dma_semaphore, #tpu.memory_space<semaphore_mem>>)
      %add3A_35 = arith.constant 0 : i32
      %add3A_36 = arith.addi %mul3A_4, %add3A_35 : i32
      %dma_wait3A = tpu.memref_slice %arg4[%add3A_36] : memref<801792xi32, #tpu.memory_space<hbm>> -> memref<288xi32, #tpu.memory_space<hbm>>
      %dma_wait3A_37 = tpu.memref_slice %arg4[%add3A_36] : memref<801792xi32, #tpu.memory_space<hbm>> -> memref<288xi32, #tpu.memory_space<hbm>>
      tpu.wait_dma2 semaphore(%arg18 : memref<!tpu.dma_semaphore, #tpu.memory_space<semaphore_mem>>) src(%dma_wait3A_37 : memref<288xi32, #tpu.memory_space<hbm>>) dst(%arg8 : memref<288xi32, #tpu.memory_space<vmem>>)
      %add3A_38 = arith.constant 0 : i32
      %add3A_39 = arith.addi %mul3A_4, %add3A_38 : i32
      %dma_wait3A_40 = tpu.memref_slice %arg5[%add3A_39] : memref<801792xi32, #tpu.memory_space<hbm>> -> memref<288xi32, #tpu.memory_space<hbm>>
      %dma_wait3A_41 = tpu.memref_slice %arg5[%add3A_39] : memref<801792xi32, #tpu.memory_space<hbm>> -> memref<288xi32, #tpu.memory_space<hbm>>
      tpu.wait_dma2 semaphore(%arg18 : memref<!tpu.dma_semaphore, #tpu.memory_space<semaphore_mem>>) src(%dma_wait3A_41 : memref<288xi32, #tpu.memory_space<hbm>>) dst(%arg9 : memref<288xi32, #tpu.memory_space<vmem>>)
      %dma_start3A_42 = arith.constant 0 : i32
      %dma_start3A_43 = arith.constant 0 : i32
      %dma_start3A_44 = tpu.memref_slice %arg3[%dma_start3A_42, %dma_start3A_43] : memref<50176x32xf32, #tpu.memory_space<hbm>> -> memref<50176x32xf32, #tpu.memory_space<hbm>>
      tpu.enqueue_indirect_dma source(%dma_start3A_44 : memref<50176x32xf32, #tpu.memory_space<hbm>>) target(%arg14 : memref<288x32xf32, #tpu.memory_space<vmem>>) offsets(%arg8 : memref<288xi32, #tpu.memory_space<vmem>>) semaphore(%arg21 : memref<!tpu.dma_semaphore, #tpu.memory_space<semaphore_mem>>)
      %add3A_45 = arith.constant 288 : i32
      %add3A_46 = arith.addi %mul3A_4, %add3A_45 : i32
      %dma_wait3A_47 = tpu.memref_slice %arg4[%add3A_46] : memref<801792xi32, #tpu.memory_space<hbm>> -> memref<288xi32, #tpu.memory_space<hbm>>
      %dma_wait3A_48 = tpu.memref_slice %arg4[%add3A_46] : memref<801792xi32, #tpu.memory_space<hbm>> -> memref<288xi32, #tpu.memory_space<hbm>>
      tpu.wait_dma2 semaphore(%arg19 : memref<!tpu.dma_semaphore, #tpu.memory_space<semaphore_mem>>) src(%dma_wait3A_48 : memref<288xi32, #tpu.memory_space<hbm>>) dst(%arg10 : memref<288xi32, #tpu.memory_space<vmem>>)
      %add3A_49 = arith.constant 288 : i32
      %add3A_50 = arith.addi %mul3A_4, %add3A_49 : i32
      %dma_wait3A_51 = tpu.memref_slice %arg5[%add3A_50] : memref<801792xi32, #tpu.memory_space<hbm>> -> memref<288xi32, #tpu.memory_space<hbm>>
      %dma_wait3A_52 = tpu.memref_slice %arg5[%add3A_50] : memref<801792xi32, #tpu.memory_space<hbm>> -> memref<288xi32, #tpu.memory_space<hbm>>
      tpu.wait_dma2 semaphore(%arg19 : memref<!tpu.dma_semaphore, #tpu.memory_space<semaphore_mem>>) src(%dma_wait3A_52 : memref<288xi32, #tpu.memory_space<hbm>>) dst(%arg11 : memref<288xi32, #tpu.memory_space<vmem>>)
      %dma_start3A_53 = arith.constant 0 : i32
      %dma_start3A_54 = arith.constant 0 : i32
      %dma_start3A_55 = tpu.memref_slice %arg3[%dma_start3A_53, %dma_start3A_54] : memref<50176x32xf32, #tpu.memory_space<hbm>> -> memref<50176x32xf32, #tpu.memory_space<hbm>>
      tpu.enqueue_indirect_dma source(%dma_start3A_55 : memref<50176x32xf32, #tpu.memory_space<hbm>>) target(%arg15 : memref<288x32xf32, #tpu.memory_space<vmem>>) offsets(%arg10 : memref<288xi32, #tpu.memory_space<vmem>>) semaphore(%arg22 : memref<!tpu.dma_semaphore, #tpu.memory_space<semaphore_mem>>)
      %dma_wait3A_56 = arith.constant 0 : i32
      %dma_wait3A_57 = arith.constant 0 : i32
      %dma_wait3A_58 = tpu.memref_slice %arg3[%dma_wait3A_56, %dma_wait3A_57] : memref<50176x32xf32, #tpu.memory_space<hbm>> -> memref<50176x32xf32, #tpu.memory_space<hbm>>
      tpu.wait_indirect_dma semaphore(%arg21 : memref<!tpu.dma_semaphore, #tpu.memory_space<semaphore_mem>>) src(%dma_wait3A_58 : memref<50176x32xf32, #tpu.memory_space<hbm>>) dst(%arg14 : memref<288x32xf32, #tpu.memory_space<vmem>>)
      %dma_start3A_59 = arith.constant 0 : i32
      %dma_start3A_60 = arith.constant 0 : i32
      %dma_start3A_61 = tpu.memref_slice %arg17[%dma_start3A_59, %dma_start3A_60] : memref<50176x32xf32, #tpu.memory_space<vmem_shared>> -> memref<50176x32xf32, #tpu.memory_space<vmem_shared>>
      tpu.enqueue_indirect_dma source(%arg14 : memref<288x32xf32, #tpu.memory_space<vmem>>) target(%dma_start3A_61 : memref<50176x32xf32, #tpu.memory_space<vmem_shared>>) offsets(%arg9 : memref<288xi32, #tpu.memory_space<vmem>>) semaphore(%arg24 : memref<!tpu.dma_semaphore, #tpu.memory_space<semaphore_mem>>) {add = true}
      %dma_wait3A_62 = arith.constant 0 : i32
      %dma_wait3A_63 = arith.constant 0 : i32
      %dma_wait3A_64 = tpu.memref_slice %arg17[%dma_wait3A_62, %dma_wait3A_63] : memref<50176x32xf32, #tpu.memory_space<vmem_shared>> -> memref<50176x32xf32, #tpu.memory_space<vmem_shared>>
      tpu.wait_indirect_dma semaphore(%arg24 : memref<!tpu.dma_semaphore, #tpu.memory_space<semaphore_mem>>) src(%arg14 : memref<288x32xf32, #tpu.memory_space<vmem>>) dst(%dma_wait3A_64 : memref<50176x32xf32, #tpu.memory_space<vmem_shared>>)
      %add3A_65 = arith.constant 864 : i32
      %add3A_66 = arith.addi %mul3A_4, %add3A_65 : i32
      %dma_start3A_67 = tpu.memref_slice %arg4[%add3A_66] : memref<801792xi32, #tpu.memory_space<hbm>> -> memref<288xi32, #tpu.memory_space<hbm>>
      %dma_start3A_68 = tpu.memref_slice %arg4[%add3A_66] : memref<801792xi32, #tpu.memory_space<hbm>> -> memref<288xi32, #tpu.memory_space<hbm>>
      tpu.enqueue_dma source(%dma_start3A_68 : memref<288xi32, #tpu.memory_space<hbm>>) target(%arg8 : memref<288xi32, #tpu.memory_space<vmem>>) target_semaphore(%arg18 : memref<!tpu.dma_semaphore, #tpu.memory_space<semaphore_mem>>)
      %add3A_69 = arith.constant 864 : i32
      %add3A_70 = arith.addi %mul3A_4, %add3A_69 : i32
      %dma_start3A_71 = tpu.memref_slice %arg5[%add3A_70] : memref<801792xi32, #tpu.memory_space<hbm>> -> memref<288xi32, #tpu.memory_space<hbm>>
      %dma_start3A_72 = tpu.memref_slice %arg5[%add3A_70] : memref<801792xi32, #tpu.memory_space<hbm>> -> memref<288xi32, #tpu.memory_space<hbm>>
      tpu.enqueue_dma source(%dma_start3A_72 : memref<288xi32, #tpu.memory_space<hbm>>) target(%arg9 : memref<288xi32, #tpu.memory_space<vmem>>) target_semaphore(%arg18 : memref<!tpu.dma_semaphore, #tpu.memory_space<semaphore_mem>>)
      %add3A_73 = arith.constant 576 : i32
      %add3A_74 = arith.addi %mul3A_4, %add3A_73 : i32
      %dma_wait3A_75 = tpu.memref_slice %arg4[%add3A_74] : memref<801792xi32, #tpu.memory_space<hbm>> -> memref<288xi32, #tpu.memory_space<hbm>>
      %dma_wait3A_76 = tpu.memref_slice %arg4[%add3A_74] : memref<801792xi32, #tpu.memory_space<hbm>> -> memref<288xi32, #tpu.memory_space<hbm>>
      tpu.wait_dma2 semaphore(%arg20 : memref<!tpu.dma_semaphore, #tpu.memory_space<semaphore_mem>>) src(%dma_wait3A_76 : memref<288xi32, #tpu.memory_space<hbm>>) dst(%arg12 : memref<288xi32, #tpu.memory_space<vmem>>)
      %add3A_77 = arith.constant 576 : i32
      %add3A_78 = arith.addi %mul3A_4, %add3A_77 : i32
      %dma_wait3A_79 = tpu.memref_slice %arg5[%add3A_78] : memref<801792xi32, #tpu.memory_space<hbm>> -> memref<288xi32, #tpu.memory_space<hbm>>
      %dma_wait3A_80 = tpu.memref_slice %arg5[%add3A_78] : memref<801792xi32, #tpu.memory_space<hbm>> -> memref<288xi32, #tpu.memory_space<hbm>>
      tpu.wait_dma2 semaphore(%arg20 : memref<!tpu.dma_semaphore, #tpu.memory_space<semaphore_mem>>) src(%dma_wait3A_80 : memref<288xi32, #tpu.memory_space<hbm>>) dst(%arg13 : memref<288xi32, #tpu.memory_space<vmem>>)
      %dma_start3A_81 = arith.constant 0 : i32
      %dma_start3A_82 = arith.constant 0 : i32
      %dma_start3A_83 = tpu.memref_slice %arg3[%dma_start3A_81, %dma_start3A_82] : memref<50176x32xf32, #tpu.memory_space<hbm>> -> memref<50176x32xf32, #tpu.memory_space<hbm>>
      tpu.enqueue_indirect_dma source(%dma_start3A_83 : memref<50176x32xf32, #tpu.memory_space<hbm>>) target(%arg16 : memref<288x32xf32, #tpu.memory_space<vmem>>) offsets(%arg12 : memref<288xi32, #tpu.memory_space<vmem>>) semaphore(%arg23 : memref<!tpu.dma_semaphore, #tpu.memory_space<semaphore_mem>>)
      %dma_wait3A_84 = arith.constant 0 : i32
      %dma_wait3A_85 = arith.constant 0 : i32
      %dma_wait3A_86 = tpu.memref_slice %arg3[%dma_wait3A_84, %dma_wait3A_85] : memref<50176x32xf32, #tpu.memory_space<hbm>> -> memref<50176x32xf32, #tpu.memory_space<hbm>>
      tpu.wait_indirect_dma semaphore(%arg22 : memref<!tpu.dma_semaphore, #tpu.memory_space<semaphore_mem>>) src(%dma_wait3A_86 : memref<50176x32xf32, #tpu.memory_space<hbm>>) dst(%arg15 : memref<288x32xf32, #tpu.memory_space<vmem>>)
      %dma_start3A_87 = arith.constant 0 : i32
      %dma_start3A_88 = arith.constant 0 : i32
      %dma_start3A_89 = tpu.memref_slice %arg17[%dma_start3A_87, %dma_start3A_88] : memref<50176x32xf32, #tpu.memory_space<vmem_shared>> -> memref<50176x32xf32, #tpu.memory_space<vmem_shared>>
      tpu.enqueue_indirect_dma source(%arg15 : memref<288x32xf32, #tpu.memory_space<vmem>>) target(%dma_start3A_89 : memref<50176x32xf32, #tpu.memory_space<vmem_shared>>) offsets(%arg11 : memref<288xi32, #tpu.memory_space<vmem>>) semaphore(%arg25 : memref<!tpu.dma_semaphore, #tpu.memory_space<semaphore_mem>>) {add = true}
      %scan3A = arith.constant 0 : i32
      %scan3A_90 = arith.constant 56 : i32
      %scan3A_91 = arith.addi %scan3A, %scan3A_90 : i32
      %scan3A_92 = arith.constant 1 : i32
      scf.for %scan3A_182 = %scan3A to %scan3A_91 step %scan3A_92  : i32 {
        %mul3A_183 = arith.constant 1 : i32
        %mul3A_184 = arith.muli %scan3A_182, %mul3A_183 : i32
        %add3A_185 = arith.constant 0 : i32
        %add3A_186 = arith.addi %add3A_185, %mul3A_184 : i32
        %mul3A_187 = arith.constant 3 : i32
        %mul3A_188 = arith.muli %mul3A_187, %add3A_186 : i32
        %add3A_189 = arith.constant 3 : i32
        %add3A_190 = arith.addi %add3A_189, %mul3A_188 : i32
        %add3A_191 = arith.constant 0 : i32
        %add3A_192 = arith.addi %add3A_190, %add3A_191 : i32
        %dma_wait3A_193 = arith.constant 0 : i32
        %dma_wait3A_194 = arith.constant 0 : i32
        %dma_wait3A_195 = tpu.memref_slice %arg17[%dma_wait3A_193, %dma_wait3A_194] : memref<50176x32xf32, #tpu.memory_space<vmem_shared>> -> memref<50176x32xf32, #tpu.memory_space<vmem_shared>>
        tpu.wait_indirect_dma semaphore(%arg25 : memref<!tpu.dma_semaphore, #tpu.memory_space<semaphore_mem>>) src(%arg15 : memref<288x32xf32, #tpu.memory_space<vmem>>) dst(%dma_wait3A_195 : memref<50176x32xf32, #tpu.memory_space<vmem_shared>>)
        %add3A_196 = arith.constant 1 : i32
        %add3A_197 = arith.addi %add3A_192, %add3A_196 : i32
        %mul3A_198 = arith.constant 288 : i32
        %mul3A_199 = arith.muli %add3A_197, %mul3A_198 : i32
        %add3A_200 = arith.addi %mul3A_4, %mul3A_199 : i32
        %dma_start3A_201 = tpu.memref_slice %arg4[%add3A_200] : memref<801792xi32, #tpu.memory_space<hbm>> -> memref<288xi32, #tpu.memory_space<hbm>>
        %dma_start3A_202 = tpu.memref_slice %arg4[%add3A_200] : memref<801792xi32, #tpu.memory_space<hbm>> -> memref<288xi32, #tpu.memory_space<hbm>>
        tpu.enqueue_dma source(%dma_start3A_202 : memref<288xi32, #tpu.memory_space<hbm>>) target(%arg10 : memref<288xi32, #tpu.memory_space<vmem>>) target_semaphore(%arg19 : memref<!tpu.dma_semaphore, #tpu.memory_space<semaphore_mem>>)
        %mul3A_203 = arith.constant 288 : i32
        %mul3A_204 = arith.muli %add3A_197, %mul3A_203 : i32
        %add3A_205 = arith.addi %mul3A_4, %mul3A_204 : i32
        %dma_start3A_206 = tpu.memref_slice %arg5[%add3A_205] : memref<801792xi32, #tpu.memory_space<hbm>> -> memref<288xi32, #tpu.memory_space<hbm>>
        %dma_start3A_207 = tpu.memref_slice %arg5[%add3A_205] : memref<801792xi32, #tpu.memory_space<hbm>> -> memref<288xi32, #tpu.memory_space<hbm>>
        tpu.enqueue_dma source(%dma_start3A_207 : memref<288xi32, #tpu.memory_space<hbm>>) target(%arg11 : memref<288xi32, #tpu.memory_space<vmem>>) target_semaphore(%arg19 : memref<!tpu.dma_semaphore, #tpu.memory_space<semaphore_mem>>)
        %mul3A_208 = arith.constant 288 : i32
        %mul3A_209 = arith.muli %add3A_192, %mul3A_208 : i32
        %add3A_210 = arith.addi %mul3A_4, %mul3A_209 : i32
        %dma_wait3A_211 = tpu.memref_slice %arg4[%add3A_210] : memref<801792xi32, #tpu.memory_space<hbm>> -> memref<288xi32, #tpu.memory_space<hbm>>
        %dma_wait3A_212 = tpu.memref_slice %arg4[%add3A_210] : memref<801792xi32, #tpu.memory_space<hbm>> -> memref<288xi32, #tpu.memory_space<hbm>>
        tpu.wait_dma2 semaphore(%arg18 : memref<!tpu.dma_semaphore, #tpu.memory_space<semaphore_mem>>) src(%dma_wait3A_212 : memref<288xi32, #tpu.memory_space<hbm>>) dst(%arg8 : memref<288xi32, #tpu.memory_space<vmem>>)
        %mul3A_213 = arith.constant 288 : i32
        %mul3A_214 = arith.muli %add3A_192, %mul3A_213 : i32
        %add3A_215 = arith.addi %mul3A_4, %mul3A_214 : i32
        %dma_wait3A_216 = tpu.memref_slice %arg5[%add3A_215] : memref<801792xi32, #tpu.memory_space<hbm>> -> memref<288xi32, #tpu.memory_space<hbm>>
        %dma_wait3A_217 = tpu.memref_slice %arg5[%add3A_215] : memref<801792xi32, #tpu.memory_space<hbm>> -> memref<288xi32, #tpu.memory_space<hbm>>
        tpu.wait_dma2 semaphore(%arg18 : memref<!tpu.dma_semaphore, #tpu.memory_space<semaphore_mem>>) src(%dma_wait3A_217 : memref<288xi32, #tpu.memory_space<hbm>>) dst(%arg9 : memref<288xi32, #tpu.memory_space<vmem>>)
        %dma_start3A_218 = arith.constant 0 : i32
        %dma_start3A_219 = arith.constant 0 : i32
        %dma_start3A_220 = tpu.memref_slice %arg3[%dma_start3A_218, %dma_start3A_219] : memref<50176x32xf32, #tpu.memory_space<hbm>> -> memref<50176x32xf32, #tpu.memory_space<hbm>>
        tpu.enqueue_indirect_dma source(%dma_start3A_220 : memref<50176x32xf32, #tpu.memory_space<hbm>>) target(%arg14 : memref<288x32xf32, #tpu.memory_space<vmem>>) offsets(%arg8 : memref<288xi32, #tpu.memory_space<vmem>>) semaphore(%arg21 : memref<!tpu.dma_semaphore, #tpu.memory_space<semaphore_mem>>)
        %dma_wait3A_221 = arith.constant 0 : i32
        %dma_wait3A_222 = arith.constant 0 : i32
        %dma_wait3A_223 = tpu.memref_slice %arg3[%dma_wait3A_221, %dma_wait3A_222] : memref<50176x32xf32, #tpu.memory_space<hbm>> -> memref<50176x32xf32, #tpu.memory_space<hbm>>
        tpu.wait_indirect_dma semaphore(%arg23 : memref<!tpu.dma_semaphore, #tpu.memory_space<semaphore_mem>>) src(%dma_wait3A_223 : memref<50176x32xf32, #tpu.memory_space<hbm>>) dst(%arg16 : memref<288x32xf32, #tpu.memory_space<vmem>>)
        %dma_start3A_224 = arith.constant 0 : i32
        %dma_start3A_225 = arith.constant 0 : i32
        %dma_start3A_226 = tpu.memref_slice %arg17[%dma_start3A_224, %dma_start3A_225] : memref<50176x32xf32, #tpu.memory_space<vmem_shared>> -> memref<50176x32xf32, #tpu.memory_space<vmem_shared>>
        tpu.enqueue_indirect_dma source(%arg16 : memref<288x32xf32, #tpu.memory_space<vmem>>) target(%dma_start3A_226 : memref<50176x32xf32, #tpu.memory_space<vmem_shared>>) offsets(%arg13 : memref<288xi32, #tpu.memory_space<vmem>>) semaphore(%arg26 : memref<!tpu.dma_semaphore, #tpu.memory_space<semaphore_mem>>) {add = true}
        %mul3A_227 = arith.constant 3 : i32
        %mul3A_228 = arith.muli %mul3A_227, %add3A_186 : i32
        %add3A_229 = arith.constant 3 : i32
        %add3A_230 = arith.addi %add3A_229, %mul3A_228 : i32
        %add3A_231 = arith.constant 1 : i32
        %add3A_232 = arith.addi %add3A_230, %add3A_231 : i32
        %dma_wait3A_233 = arith.constant 0 : i32
        %dma_wait3A_234 = arith.constant 0 : i32
        %dma_wait3A_235 = tpu.memref_slice %arg17[%dma_wait3A_233, %dma_wait3A_234] : memref<50176x32xf32, #tpu.memory_space<vmem_shared>> -> memref<50176x32xf32, #tpu.memory_space<vmem_shared>>
        tpu.wait_indirect_dma semaphore(%arg26 : memref<!tpu.dma_semaphore, #tpu.memory_space<semaphore_mem>>) src(%arg16 : memref<288x32xf32, #tpu.memory_space<vmem>>) dst(%dma_wait3A_235 : memref<50176x32xf32, #tpu.memory_space<vmem_shared>>)
        %add3A_236 = arith.constant 1 : i32
        %add3A_237 = arith.addi %add3A_232, %add3A_236 : i32
        %mul3A_238 = arith.constant 288 : i32
        %mul3A_239 = arith.muli %add3A_237, %mul3A_238 : i32
        %add3A_240 = arith.addi %mul3A_4, %mul3A_239 : i32
        %dma_start3A_241 = tpu.memref_slice %arg4[%add3A_240] : memref<801792xi32, #tpu.memory_space<hbm>> -> memref<288xi32, #tpu.memory_space<hbm>>
        %dma_start3A_242 = tpu.memref_slice %arg4[%add3A_240] : memref<801792xi32, #tpu.memory_space<hbm>> -> memref<288xi32, #tpu.memory_space<hbm>>
        tpu.enqueue_dma source(%dma_start3A_242 : memref<288xi32, #tpu.memory_space<hbm>>) target(%arg12 : memref<288xi32, #tpu.memory_space<vmem>>) target_semaphore(%arg20 : memref<!tpu.dma_semaphore, #tpu.memory_space<semaphore_mem>>)
        %mul3A_243 = arith.constant 288 : i32
        %mul3A_244 = arith.muli %add3A_237, %mul3A_243 : i32
        %add3A_245 = arith.addi %mul3A_4, %mul3A_244 : i32
        %dma_start3A_246 = tpu.memref_slice %arg5[%add3A_245] : memref<801792xi32, #tpu.memory_space<hbm>> -> memref<288xi32, #tpu.memory_space<hbm>>
        %dma_start3A_247 = tpu.memref_slice %arg5[%add3A_245] : memref<801792xi32, #tpu.memory_space<hbm>> -> memref<288xi32, #tpu.memory_space<hbm>>
        tpu.enqueue_dma source(%dma_start3A_247 : memref<288xi32, #tpu.memory_space<hbm>>) target(%arg13 : memref<288xi32, #tpu.memory_space<vmem>>) target_semaphore(%arg20 : memref<!tpu.dma_semaphore, #tpu.memory_space<semaphore_mem>>)
        %mul3A_248 = arith.constant 288 : i32
        %mul3A_249 = arith.muli %add3A_232, %mul3A_248 : i32
        %add3A_250 = arith.addi %mul3A_4, %mul3A_249 : i32
        %dma_wait3A_251 = tpu.memref_slice %arg4[%add3A_250] : memref<801792xi32, #tpu.memory_space<hbm>> -> memref<288xi32, #tpu.memory_space<hbm>>
        %dma_wait3A_252 = tpu.memref_slice %arg4[%add3A_250] : memref<801792xi32, #tpu.memory_space<hbm>> -> memref<288xi32, #tpu.memory_space<hbm>>
        tpu.wait_dma2 semaphore(%arg19 : memref<!tpu.dma_semaphore, #tpu.memory_space<semaphore_mem>>) src(%dma_wait3A_252 : memref<288xi32, #tpu.memory_space<hbm>>) dst(%arg10 : memref<288xi32, #tpu.memory_space<vmem>>)
        %mul3A_253 = arith.constant 288 : i32
        %mul3A_254 = arith.muli %add3A_232, %mul3A_253 : i32
        %add3A_255 = arith.addi %mul3A_4, %mul3A_254 : i32
        %dma_wait3A_256 = tpu.memref_slice %arg5[%add3A_255] : memref<801792xi32, #tpu.memory_space<hbm>> -> memref<288xi32, #tpu.memory_space<hbm>>
        %dma_wait3A_257 = tpu.memref_slice %arg5[%add3A_255] : memref<801792xi32, #tpu.memory_space<hbm>> -> memref<288xi32, #tpu.memory_space<hbm>>
        tpu.wait_dma2 semaphore(%arg19 : memref<!tpu.dma_semaphore, #tpu.memory_space<semaphore_mem>>) src(%dma_wait3A_257 : memref<288xi32, #tpu.memory_space<hbm>>) dst(%arg11 : memref<288xi32, #tpu.memory_space<vmem>>)
        %dma_start3A_258 = arith.constant 0 : i32
        %dma_start3A_259 = arith.constant 0 : i32
        %dma_start3A_260 = tpu.memref_slice %arg3[%dma_start3A_258, %dma_start3A_259] : memref<50176x32xf32, #tpu.memory_space<hbm>> -> memref<50176x32xf32, #tpu.memory_space<hbm>>
        tpu.enqueue_indirect_dma source(%dma_start3A_260 : memref<50176x32xf32, #tpu.memory_space<hbm>>) target(%arg15 : memref<288x32xf32, #tpu.memory_space<vmem>>) offsets(%arg10 : memref<288xi32, #tpu.memory_space<vmem>>) semaphore(%arg22 : memref<!tpu.dma_semaphore, #tpu.memory_space<semaphore_mem>>)
        %dma_wait3A_261 = arith.constant 0 : i32
        %dma_wait3A_262 = arith.constant 0 : i32
        %dma_wait3A_263 = tpu.memref_slice %arg3[%dma_wait3A_261, %dma_wait3A_262] : memref<50176x32xf32, #tpu.memory_space<hbm>> -> memref<50176x32xf32, #tpu.memory_space<hbm>>
        tpu.wait_indirect_dma semaphore(%arg21 : memref<!tpu.dma_semaphore, #tpu.memory_space<semaphore_mem>>) src(%dma_wait3A_263 : memref<50176x32xf32, #tpu.memory_space<hbm>>) dst(%arg14 : memref<288x32xf32, #tpu.memory_space<vmem>>)
        %dma_start3A_264 = arith.constant 0 : i32
        %dma_start3A_265 = arith.constant 0 : i32
        %dma_start3A_266 = tpu.memref_slice %arg17[%dma_start3A_264, %dma_start3A_265] : memref<50176x32xf32, #tpu.memory_space<vmem_shared>> -> memref<50176x32xf32, #tpu.memory_space<vmem_shared>>
        tpu.enqueue_indirect_dma source(%arg14 : memref<288x32xf32, #tpu.memory_space<vmem>>) target(%dma_start3A_266 : memref<50176x32xf32, #tpu.memory_space<vmem_shared>>) offsets(%arg9 : memref<288xi32, #tpu.memory_space<vmem>>) semaphore(%arg24 : memref<!tpu.dma_semaphore, #tpu.memory_space<semaphore_mem>>) {add = true}
        %mul3A_267 = arith.constant 3 : i32
        %mul3A_268 = arith.muli %mul3A_267, %add3A_186 : i32
        %add3A_269 = arith.constant 3 : i32
        %add3A_270 = arith.addi %add3A_269, %mul3A_268 : i32
        %add3A_271 = arith.constant 2 : i32
        %add3A_272 = arith.addi %add3A_270, %add3A_271 : i32
        %dma_wait3A_273 = arith.constant 0 : i32
        %dma_wait3A_274 = arith.constant 0 : i32
        %dma_wait3A_275 = tpu.memref_slice %arg17[%dma_wait3A_273, %dma_wait3A_274] : memref<50176x32xf32, #tpu.memory_space<vmem_shared>> -> memref<50176x32xf32, #tpu.memory_space<vmem_shared>>
        tpu.wait_indirect_dma semaphore(%arg24 : memref<!tpu.dma_semaphore, #tpu.memory_space<semaphore_mem>>) src(%arg14 : memref<288x32xf32, #tpu.memory_space<vmem>>) dst(%dma_wait3A_275 : memref<50176x32xf32, #tpu.memory_space<vmem_shared>>)
        %add3A_276 = arith.constant 1 : i32
        %add3A_277 = arith.addi %add3A_272, %add3A_276 : i32
        %mul3A_278 = arith.constant 288 : i32
        %mul3A_279 = arith.muli %add3A_277, %mul3A_278 : i32
        %add3A_280 = arith.addi %mul3A_4, %mul3A_279 : i32
        %dma_start3A_281 = tpu.memref_slice %arg4[%add3A_280] : memref<801792xi32, #tpu.memory_space<hbm>> -> memref<288xi32, #tpu.memory_space<hbm>>
        %dma_start3A_282 = tpu.memref_slice %arg4[%add3A_280] : memref<801792xi32, #tpu.memory_space<hbm>> -> memref<288xi32, #tpu.memory_space<hbm>>
        tpu.enqueue_dma source(%dma_start3A_282 : memref<288xi32, #tpu.memory_space<hbm>>) target(%arg8 : memref<288xi32, #tpu.memory_space<vmem>>) target_semaphore(%arg18 : memref<!tpu.dma_semaphore, #tpu.memory_space<semaphore_mem>>)
        %mul3A_283 = arith.constant 288 : i32
        %mul3A_284 = arith.muli %add3A_277, %mul3A_283 : i32
        %add3A_285 = arith.addi %mul3A_4, %mul3A_284 : i32
        %dma_start3A_286 = tpu.memref_slice %arg5[%add3A_285] : memref<801792xi32, #tpu.memory_space<hbm>> -> memref<288xi32, #tpu.memory_space<hbm>>
        %dma_start3A_287 = tpu.memref_slice %arg5[%add3A_285] : memref<801792xi32, #tpu.memory_space<hbm>> -> memref<288xi32, #tpu.memory_space<hbm>>
        tpu.enqueue_dma source(%dma_start3A_287 : memref<288xi32, #tpu.memory_space<hbm>>) target(%arg9 : memref<288xi32, #tpu.memory_space<vmem>>) target_semaphore(%arg18 : memref<!tpu.dma_semaphore, #tpu.memory_space<semaphore_mem>>)
        %mul3A_288 = arith.constant 288 : i32
        %mul3A_289 = arith.muli %add3A_272, %mul3A_288 : i32
        %add3A_290 = arith.addi %mul3A_4, %mul3A_289 : i32
        %dma_wait3A_291 = tpu.memref_slice %arg4[%add3A_290] : memref<801792xi32, #tpu.memory_space<hbm>> -> memref<288xi32, #tpu.memory_space<hbm>>
        %dma_wait3A_292 = tpu.memref_slice %arg4[%add3A_290] : memref<801792xi32, #tpu.memory_space<hbm>> -> memref<288xi32, #tpu.memory_space<hbm>>
        tpu.wait_dma2 semaphore(%arg20 : memref<!tpu.dma_semaphore, #tpu.memory_space<semaphore_mem>>) src(%dma_wait3A_292 : memref<288xi32, #tpu.memory_space<hbm>>) dst(%arg12 : memref<288xi32, #tpu.memory_space<vmem>>)
        %mul3A_293 = arith.constant 288 : i32
        %mul3A_294 = arith.muli %add3A_272, %mul3A_293 : i32
        %add3A_295 = arith.addi %mul3A_4, %mul3A_294 : i32
        %dma_wait3A_296 = tpu.memref_slice %arg5[%add3A_295] : memref<801792xi32, #tpu.memory_space<hbm>> -> memref<288xi32, #tpu.memory_space<hbm>>
        %dma_wait3A_297 = tpu.memref_slice %arg5[%add3A_295] : memref<801792xi32, #tpu.memory_space<hbm>> -> memref<288xi32, #tpu.memory_space<hbm>>
        tpu.wait_dma2 semaphore(%arg20 : memref<!tpu.dma_semaphore, #tpu.memory_space<semaphore_mem>>) src(%dma_wait3A_297 : memref<288xi32, #tpu.memory_space<hbm>>) dst(%arg13 : memref<288xi32, #tpu.memory_space<vmem>>)
        %dma_start3A_298 = arith.constant 0 : i32
        %dma_start3A_299 = arith.constant 0 : i32
        %dma_start3A_300 = tpu.memref_slice %arg3[%dma_start3A_298, %dma_start3A_299] : memref<50176x32xf32, #tpu.memory_space<hbm>> -> memref<50176x32xf32, #tpu.memory_space<hbm>>
        tpu.enqueue_indirect_dma source(%dma_start3A_300 : memref<50176x32xf32, #tpu.memory_space<hbm>>) target(%arg16 : memref<288x32xf32, #tpu.memory_space<vmem>>) offsets(%arg12 : memref<288xi32, #tpu.memory_space<vmem>>) semaphore(%arg23 : memref<!tpu.dma_semaphore, #tpu.memory_space<semaphore_mem>>)
        %dma_wait3A_301 = arith.constant 0 : i32
        %dma_wait3A_302 = arith.constant 0 : i32
        %dma_wait3A_303 = tpu.memref_slice %arg3[%dma_wait3A_301, %dma_wait3A_302] : memref<50176x32xf32, #tpu.memory_space<hbm>> -> memref<50176x32xf32, #tpu.memory_space<hbm>>
        tpu.wait_indirect_dma semaphore(%arg22 : memref<!tpu.dma_semaphore, #tpu.memory_space<semaphore_mem>>) src(%dma_wait3A_303 : memref<50176x32xf32, #tpu.memory_space<hbm>>) dst(%arg15 : memref<288x32xf32, #tpu.memory_space<vmem>>)
        %dma_start3A_304 = arith.constant 0 : i32
        %dma_start3A_305 = arith.constant 0 : i32
        %dma_start3A_306 = tpu.memref_slice %arg17[%dma_start3A_304, %dma_start3A_305] : memref<50176x32xf32, #tpu.memory_space<vmem_shared>> -> memref<50176x32xf32, #tpu.memory_space<vmem_shared>>
        tpu.enqueue_indirect_dma source(%arg15 : memref<288x32xf32, #tpu.memory_space<vmem>>) target(%dma_start3A_306 : memref<50176x32xf32, #tpu.memory_space<vmem_shared>>) offsets(%arg11 : memref<288xi32, #tpu.memory_space<vmem>>) semaphore(%arg25 : memref<!tpu.dma_semaphore, #tpu.memory_space<semaphore_mem>>) {add = true}
      }
      %scan3A_93 = arith.constant 56 : i32
      %dma_wait3A_94 = arith.constant 0 : i32
      %dma_wait3A_95 = arith.constant 0 : i32
      %dma_wait3A_96 = tpu.memref_slice %arg17[%dma_wait3A_94, %dma_wait3A_95] : memref<50176x32xf32, #tpu.memory_space<vmem_shared>> -> memref<50176x32xf32, #tpu.memory_space<vmem_shared>>
      tpu.wait_indirect_dma semaphore(%arg25 : memref<!tpu.dma_semaphore, #tpu.memory_space<semaphore_mem>>) src(%arg15 : memref<288x32xf32, #tpu.memory_space<vmem>>) dst(%dma_wait3A_96 : memref<50176x32xf32, #tpu.memory_space<vmem_shared>>)
      %add3A_97 = arith.constant 49536 : i32
      %add3A_98 = arith.addi %mul3A_4, %add3A_97 : i32
      %dma_start3A_99 = tpu.memref_slice %arg4[%add3A_98] : memref<801792xi32, #tpu.memory_space<hbm>> -> memref<288xi32, #tpu.memory_space<hbm>>
      %dma_start3A_100 = tpu.memref_slice %arg4[%add3A_98] : memref<801792xi32, #tpu.memory_space<hbm>> -> memref<288xi32, #tpu.memory_space<hbm>>
      tpu.enqueue_dma source(%dma_start3A_100 : memref<288xi32, #tpu.memory_space<hbm>>) target(%arg10 : memref<288xi32, #tpu.memory_space<vmem>>) target_semaphore(%arg19 : memref<!tpu.dma_semaphore, #tpu.memory_space<semaphore_mem>>)
      %add3A_101 = arith.constant 49536 : i32
      %add3A_102 = arith.addi %mul3A_4, %add3A_101 : i32
      %dma_start3A_103 = tpu.memref_slice %arg5[%add3A_102] : memref<801792xi32, #tpu.memory_space<hbm>> -> memref<288xi32, #tpu.memory_space<hbm>>
      %dma_start3A_104 = tpu.memref_slice %arg5[%add3A_102] : memref<801792xi32, #tpu.memory_space<hbm>> -> memref<288xi32, #tpu.memory_space<hbm>>
      tpu.enqueue_dma source(%dma_start3A_104 : memref<288xi32, #tpu.memory_space<hbm>>) target(%arg11 : memref<288xi32, #tpu.memory_space<vmem>>) target_semaphore(%arg19 : memref<!tpu.dma_semaphore, #tpu.memory_space<semaphore_mem>>)
      %add3A_105 = arith.constant 49248 : i32
      %add3A_106 = arith.addi %mul3A_4, %add3A_105 : i32
      %dma_wait3A_107 = tpu.memref_slice %arg4[%add3A_106] : memref<801792xi32, #tpu.memory_space<hbm>> -> memref<288xi32, #tpu.memory_space<hbm>>
      %dma_wait3A_108 = tpu.memref_slice %arg4[%add3A_106] : memref<801792xi32, #tpu.memory_space<hbm>> -> memref<288xi32, #tpu.memory_space<hbm>>
      tpu.wait_dma2 semaphore(%arg18 : memref<!tpu.dma_semaphore, #tpu.memory_space<semaphore_mem>>) src(%dma_wait3A_108 : memref<288xi32, #tpu.memory_space<hbm>>) dst(%arg8 : memref<288xi32, #tpu.memory_space<vmem>>)
      %add3A_109 = arith.constant 49248 : i32
      %add3A_110 = arith.addi %mul3A_4, %add3A_109 : i32
      %dma_wait3A_111 = tpu.memref_slice %arg5[%add3A_110] : memref<801792xi32, #tpu.memory_space<hbm>> -> memref<288xi32, #tpu.memory_space<hbm>>
      %dma_wait3A_112 = tpu.memref_slice %arg5[%add3A_110] : memref<801792xi32, #tpu.memory_space<hbm>> -> memref<288xi32, #tpu.memory_space<hbm>>
      tpu.wait_dma2 semaphore(%arg18 : memref<!tpu.dma_semaphore, #tpu.memory_space<semaphore_mem>>) src(%dma_wait3A_112 : memref<288xi32, #tpu.memory_space<hbm>>) dst(%arg9 : memref<288xi32, #tpu.memory_space<vmem>>)
      %dma_start3A_113 = arith.constant 0 : i32
      %dma_start3A_114 = arith.constant 0 : i32
      %dma_start3A_115 = tpu.memref_slice %arg3[%dma_start3A_113, %dma_start3A_114] : memref<50176x32xf32, #tpu.memory_space<hbm>> -> memref<50176x32xf32, #tpu.memory_space<hbm>>
      tpu.enqueue_indirect_dma source(%dma_start3A_115 : memref<50176x32xf32, #tpu.memory_space<hbm>>) target(%arg14 : memref<288x32xf32, #tpu.memory_space<vmem>>) offsets(%arg8 : memref<288xi32, #tpu.memory_space<vmem>>) semaphore(%arg21 : memref<!tpu.dma_semaphore, #tpu.memory_space<semaphore_mem>>)
      %dma_wait3A_116 = arith.constant 0 : i32
      %dma_wait3A_117 = arith.constant 0 : i32
      %dma_wait3A_118 = tpu.memref_slice %arg3[%dma_wait3A_116, %dma_wait3A_117] : memref<50176x32xf32, #tpu.memory_space<hbm>> -> memref<50176x32xf32, #tpu.memory_space<hbm>>
      tpu.wait_indirect_dma semaphore(%arg23 : memref<!tpu.dma_semaphore, #tpu.memory_space<semaphore_mem>>) src(%dma_wait3A_118 : memref<50176x32xf32, #tpu.memory_space<hbm>>) dst(%arg16 : memref<288x32xf32, #tpu.memory_space<vmem>>)
      %dma_start3A_119 = arith.constant 0 : i32
      %dma_start3A_120 = arith.constant 0 : i32
      %dma_start3A_121 = tpu.memref_slice %arg17[%dma_start3A_119, %dma_start3A_120] : memref<50176x32xf32, #tpu.memory_space<vmem_shared>> -> memref<50176x32xf32, #tpu.memory_space<vmem_shared>>
      tpu.enqueue_indirect_dma source(%arg16 : memref<288x32xf32, #tpu.memory_space<vmem>>) target(%dma_start3A_121 : memref<50176x32xf32, #tpu.memory_space<vmem_shared>>) offsets(%arg13 : memref<288xi32, #tpu.memory_space<vmem>>) semaphore(%arg26 : memref<!tpu.dma_semaphore, #tpu.memory_space<semaphore_mem>>) {add = true}
      %dma_wait3A_122 = arith.constant 0 : i32
      %dma_wait3A_123 = arith.constant 0 : i32
      %dma_wait3A_124 = tpu.memref_slice %arg17[%dma_wait3A_122, %dma_wait3A_123] : memref<50176x32xf32, #tpu.memory_space<vmem_shared>> -> memref<50176x32xf32, #tpu.memory_space<vmem_shared>>
      tpu.wait_indirect_dma semaphore(%arg26 : memref<!tpu.dma_semaphore, #tpu.memory_space<semaphore_mem>>) src(%arg16 : memref<288x32xf32, #tpu.memory_space<vmem>>) dst(%dma_wait3A_124 : memref<50176x32xf32, #tpu.memory_space<vmem_shared>>)
      %add3A_125 = arith.constant 49824 : i32
      %add3A_126 = arith.addi %mul3A_4, %add3A_125 : i32
      %dma_start3A_127 = tpu.memref_slice %arg4[%add3A_126] : memref<801792xi32, #tpu.memory_space<hbm>> -> memref<288xi32, #tpu.memory_space<hbm>>
      %dma_start3A_128 = tpu.memref_slice %arg4[%add3A_126] : memref<801792xi32, #tpu.memory_space<hbm>> -> memref<288xi32, #tpu.memory_space<hbm>>
      tpu.enqueue_dma source(%dma_start3A_128 : memref<288xi32, #tpu.memory_space<hbm>>) target(%arg12 : memref<288xi32, #tpu.memory_space<vmem>>) target_semaphore(%arg20 : memref<!tpu.dma_semaphore, #tpu.memory_space<semaphore_mem>>)
      %add3A_129 = arith.constant 49824 : i32
      %add3A_130 = arith.addi %mul3A_4, %add3A_129 : i32
      %dma_start3A_131 = tpu.memref_slice %arg5[%add3A_130] : memref<801792xi32, #tpu.memory_space<hbm>> -> memref<288xi32, #tpu.memory_space<hbm>>
      %dma_start3A_132 = tpu.memref_slice %arg5[%add3A_130] : memref<801792xi32, #tpu.memory_space<hbm>> -> memref<288xi32, #tpu.memory_space<hbm>>
      tpu.enqueue_dma source(%dma_start3A_132 : memref<288xi32, #tpu.memory_space<hbm>>) target(%arg13 : memref<288xi32, #tpu.memory_space<vmem>>) target_semaphore(%arg20 : memref<!tpu.dma_semaphore, #tpu.memory_space<semaphore_mem>>)
      %add3A_133 = arith.constant 49536 : i32
      %add3A_134 = arith.addi %mul3A_4, %add3A_133 : i32
      %dma_wait3A_135 = tpu.memref_slice %arg4[%add3A_134] : memref<801792xi32, #tpu.memory_space<hbm>> -> memref<288xi32, #tpu.memory_space<hbm>>
      %dma_wait3A_136 = tpu.memref_slice %arg4[%add3A_134] : memref<801792xi32, #tpu.memory_space<hbm>> -> memref<288xi32, #tpu.memory_space<hbm>>
      tpu.wait_dma2 semaphore(%arg19 : memref<!tpu.dma_semaphore, #tpu.memory_space<semaphore_mem>>) src(%dma_wait3A_136 : memref<288xi32, #tpu.memory_space<hbm>>) dst(%arg10 : memref<288xi32, #tpu.memory_space<vmem>>)
      %add3A_137 = arith.constant 49536 : i32
      %add3A_138 = arith.addi %mul3A_4, %add3A_137 : i32
      %dma_wait3A_139 = tpu.memref_slice %arg5[%add3A_138] : memref<801792xi32, #tpu.memory_space<hbm>> -> memref<288xi32, #tpu.memory_space<hbm>>
      %dma_wait3A_140 = tpu.memref_slice %arg5[%add3A_138] : memref<801792xi32, #tpu.memory_space<hbm>> -> memref<288xi32, #tpu.memory_space<hbm>>
      tpu.wait_dma2 semaphore(%arg19 : memref<!tpu.dma_semaphore, #tpu.memory_space<semaphore_mem>>) src(%dma_wait3A_140 : memref<288xi32, #tpu.memory_space<hbm>>) dst(%arg11 : memref<288xi32, #tpu.memory_space<vmem>>)
      %dma_start3A_141 = arith.constant 0 : i32
      %dma_start3A_142 = arith.constant 0 : i32
      %dma_start3A_143 = tpu.memref_slice %arg3[%dma_start3A_141, %dma_start3A_142] : memref<50176x32xf32, #tpu.memory_space<hbm>> -> memref<50176x32xf32, #tpu.memory_space<hbm>>
      tpu.enqueue_indirect_dma source(%dma_start3A_143 : memref<50176x32xf32, #tpu.memory_space<hbm>>) target(%arg15 : memref<288x32xf32, #tpu.memory_space<vmem>>) offsets(%arg10 : memref<288xi32, #tpu.memory_space<vmem>>) semaphore(%arg22 : memref<!tpu.dma_semaphore, #tpu.memory_space<semaphore_mem>>)
      %dma_wait3A_144 = arith.constant 0 : i32
      %dma_wait3A_145 = arith.constant 0 : i32
      %dma_wait3A_146 = tpu.memref_slice %arg3[%dma_wait3A_144, %dma_wait3A_145] : memref<50176x32xf32, #tpu.memory_space<hbm>> -> memref<50176x32xf32, #tpu.memory_space<hbm>>
      tpu.wait_indirect_dma semaphore(%arg21 : memref<!tpu.dma_semaphore, #tpu.memory_space<semaphore_mem>>) src(%dma_wait3A_146 : memref<50176x32xf32, #tpu.memory_space<hbm>>) dst(%arg14 : memref<288x32xf32, #tpu.memory_space<vmem>>)
      %dma_start3A_147 = arith.constant 0 : i32
      %dma_start3A_148 = arith.constant 0 : i32
      %dma_start3A_149 = tpu.memref_slice %arg17[%dma_start3A_147, %dma_start3A_148] : memref<50176x32xf32, #tpu.memory_space<vmem_shared>> -> memref<50176x32xf32, #tpu.memory_space<vmem_shared>>
      tpu.enqueue_indirect_dma source(%arg14 : memref<288x32xf32, #tpu.memory_space<vmem>>) target(%dma_start3A_149 : memref<50176x32xf32, #tpu.memory_space<vmem_shared>>) offsets(%arg9 : memref<288xi32, #tpu.memory_space<vmem>>) semaphore(%arg24 : memref<!tpu.dma_semaphore, #tpu.memory_space<semaphore_mem>>) {add = true}
      %dma_wait3A_150 = arith.constant 0 : i32
      %dma_wait3A_151 = arith.constant 0 : i32
      %dma_wait3A_152 = tpu.memref_slice %arg17[%dma_wait3A_150, %dma_wait3A_151] : memref<50176x32xf32, #tpu.memory_space<vmem_shared>> -> memref<50176x32xf32, #tpu.memory_space<vmem_shared>>
      tpu.wait_indirect_dma semaphore(%arg24 : memref<!tpu.dma_semaphore, #tpu.memory_space<semaphore_mem>>) src(%arg14 : memref<288x32xf32, #tpu.memory_space<vmem>>) dst(%dma_wait3A_152 : memref<50176x32xf32, #tpu.memory_space<vmem_shared>>)
      %add3A_153 = arith.constant 49824 : i32
      %add3A_154 = arith.addi %mul3A_4, %add3A_153 : i32
      %dma_wait3A_155 = tpu.memref_slice %arg4[%add3A_154] : memref<801792xi32, #tpu.memory_space<hbm>> -> memref<288xi32, #tpu.memory_space<hbm>>
      %dma_wait3A_156 = tpu.memref_slice %arg4[%add3A_154] : memref<801792xi32, #tpu.memory_space<hbm>> -> memref<288xi32, #tpu.memory_space<hbm>>
      tpu.wait_dma2 semaphore(%arg20 : memref<!tpu.dma_semaphore, #tpu.memory_space<semaphore_mem>>) src(%dma_wait3A_156 : memref<288xi32, #tpu.memory_space<hbm>>) dst(%arg12 : memref<288xi32, #tpu.memory_space<vmem>>)
      %add3A_157 = arith.constant 49824 : i32
      %add3A_158 = arith.addi %mul3A_4, %add3A_157 : i32
      %dma_wait3A_159 = tpu.memref_slice %arg5[%add3A_158] : memref<801792xi32, #tpu.memory_space<hbm>> -> memref<288xi32, #tpu.memory_space<hbm>>
      %dma_wait3A_160 = tpu.memref_slice %arg5[%add3A_158] : memref<801792xi32, #tpu.memory_space<hbm>> -> memref<288xi32, #tpu.memory_space<hbm>>
      tpu.wait_dma2 semaphore(%arg20 : memref<!tpu.dma_semaphore, #tpu.memory_space<semaphore_mem>>) src(%dma_wait3A_160 : memref<288xi32, #tpu.memory_space<hbm>>) dst(%arg13 : memref<288xi32, #tpu.memory_space<vmem>>)
      %dma_start3A_161 = arith.constant 0 : i32
      %dma_start3A_162 = arith.constant 0 : i32
      %dma_start3A_163 = tpu.memref_slice %arg3[%dma_start3A_161, %dma_start3A_162] : memref<50176x32xf32, #tpu.memory_space<hbm>> -> memref<50176x32xf32, #tpu.memory_space<hbm>>
      tpu.enqueue_indirect_dma source(%dma_start3A_163 : memref<50176x32xf32, #tpu.memory_space<hbm>>) target(%arg16 : memref<288x32xf32, #tpu.memory_space<vmem>>) offsets(%arg12 : memref<288xi32, #tpu.memory_space<vmem>>) semaphore(%arg23 : memref<!tpu.dma_semaphore, #tpu.memory_space<semaphore_mem>>)
      %dma_wait3A_164 = arith.constant 0 : i32
      %dma_wait3A_165 = arith.constant 0 : i32
      %dma_wait3A_166 = tpu.memref_slice %arg3[%dma_wait3A_164, %dma_wait3A_165] : memref<50176x32xf32, #tpu.memory_space<hbm>> -> memref<50176x32xf32, #tpu.memory_space<hbm>>
      tpu.wait_indirect_dma semaphore(%arg22 : memref<!tpu.dma_semaphore, #tpu.memory_space<semaphore_mem>>) src(%dma_wait3A_166 : memref<50176x32xf32, #tpu.memory_space<hbm>>) dst(%arg15 : memref<288x32xf32, #tpu.memory_space<vmem>>)
      %dma_start3A_167 = arith.constant 0 : i32
      %dma_start3A_168 = arith.constant 0 : i32
      %dma_start3A_169 = tpu.memref_slice %arg17[%dma_start3A_167, %dma_start3A_168] : memref<50176x32xf32, #tpu.memory_space<vmem_shared>> -> memref<50176x32xf32, #tpu.memory_space<vmem_shared>>
      tpu.enqueue_indirect_dma source(%arg15 : memref<288x32xf32, #tpu.memory_space<vmem>>) target(%dma_start3A_169 : memref<50176x32xf32, #tpu.memory_space<vmem_shared>>) offsets(%arg11 : memref<288xi32, #tpu.memory_space<vmem>>) semaphore(%arg25 : memref<!tpu.dma_semaphore, #tpu.memory_space<semaphore_mem>>) {add = true}
      %dma_wait3A_170 = arith.constant 0 : i32
      %dma_wait3A_171 = arith.constant 0 : i32
      %dma_wait3A_172 = tpu.memref_slice %arg3[%dma_wait3A_170, %dma_wait3A_171] : memref<50176x32xf32, #tpu.memory_space<hbm>> -> memref<50176x32xf32, #tpu.memory_space<hbm>>
      tpu.wait_indirect_dma semaphore(%arg23 : memref<!tpu.dma_semaphore, #tpu.memory_space<semaphore_mem>>) src(%dma_wait3A_172 : memref<50176x32xf32, #tpu.memory_space<hbm>>) dst(%arg16 : memref<288x32xf32, #tpu.memory_space<vmem>>)
      %dma_start3A_173 = arith.constant 0 : i32
      %dma_start3A_174 = arith.constant 0 : i32
      %dma_start3A_175 = tpu.memref_slice %arg17[%dma_start3A_173, %dma_start3A_174] : memref<50176x32xf32, #tpu.memory_space<vmem_shared>> -> memref<50176x32xf32, #tpu.memory_space<vmem_shared>>
      tpu.enqueue_indirect_dma source(%arg16 : memref<288x32xf32, #tpu.memory_space<vmem>>) target(%dma_start3A_175 : memref<50176x32xf32, #tpu.memory_space<vmem_shared>>) offsets(%arg13 : memref<288xi32, #tpu.memory_space<vmem>>) semaphore(%arg26 : memref<!tpu.dma_semaphore, #tpu.memory_space<semaphore_mem>>) {add = true}
      %dma_wait3A_176 = arith.constant 0 : i32
      %dma_wait3A_177 = arith.constant 0 : i32
      %dma_wait3A_178 = tpu.memref_slice %arg17[%dma_wait3A_176, %dma_wait3A_177] : memref<50176x32xf32, #tpu.memory_space<vmem_shared>> -> memref<50176x32xf32, #tpu.memory_space<vmem_shared>>
      tpu.wait_indirect_dma semaphore(%arg25 : memref<!tpu.dma_semaphore, #tpu.memory_space<semaphore_mem>>) src(%arg15 : memref<288x32xf32, #tpu.memory_space<vmem>>) dst(%dma_wait3A_178 : memref<50176x32xf32, #tpu.memory_space<vmem_shared>>)
      %dma_wait3A_179 = arith.constant 0 : i32
      %dma_wait3A_180 = arith.constant 0 : i32
      %dma_wait3A_181 = tpu.memref_slice %arg17[%dma_wait3A_179, %dma_wait3A_180] : memref<50176x32xf32, #tpu.memory_space<vmem_shared>> -> memref<50176x32xf32, #tpu.memory_space<vmem_shared>>
      tpu.wait_indirect_dma semaphore(%arg26 : memref<!tpu.dma_semaphore, #tpu.memory_space<semaphore_mem>>) src(%arg16 : memref<288x32xf32, #tpu.memory_space<vmem>>) dst(%dma_wait3A_181 : memref<50176x32xf32, #tpu.memory_space<vmem_shared>>)
    } else {
    }
    %barrier3A_12 = arith.constant 0 : index
    tpu.barrier barrier_id(%barrier3A_12)
    "tpu.region"() ({
      %run_scoped3A = tpu.sem_alloc : memref<!tpu.dma_semaphore, #tpu.memory_space<semaphore_mem>>
      %dma_start3A = arith.constant 0 : i32
      %dma_start3A_13 = tpu.memref_slice %arg7[%arg0, %mul3A_0, %dma_start3A] : memref<2x50176x32xf32, #tpu.memory_space<hbm>> -> memref<1x3136x32xf32, #tpu.memory_space<hbm>>
      %dma_start3A_14 = tpu.memref_squeeze %dma_start3A_13 : memref<1x3136x32xf32, #tpu.memory_space<hbm>> -> memref<3136x32xf32, #tpu.memory_space<hbm>>
      %dma_start3A_15 = arith.constant 0 : i32
      %dma_start3A_16 = tpu.memref_slice %arg17[%mul3A_0, %dma_start3A_15] : memref<50176x32xf32, #tpu.memory_space<vmem_shared>> -> memref<3136x32xf32, #tpu.memory_space<vmem_shared>>
      tpu.enqueue_dma source(%dma_start3A_16 : memref<3136x32xf32, #tpu.memory_space<vmem_shared>>) target(%dma_start3A_14 : memref<3136x32xf32, #tpu.memory_space<hbm>>) target_semaphore(%run_scoped3A : memref<!tpu.dma_semaphore, #tpu.memory_space<semaphore_mem>>)
      %dma_wait3A = arith.constant 0 : i32
      %dma_wait3A_17 = tpu.memref_slice %arg7[%arg0, %mul3A_0, %dma_wait3A] : memref<2x50176x32xf32, #tpu.memory_space<hbm>> -> memref<1x3136x32xf32, #tpu.memory_space<hbm>>
      %dma_wait3A_18 = tpu.memref_squeeze %dma_wait3A_17 : memref<1x3136x32xf32, #tpu.memory_space<hbm>> -> memref<3136x32xf32, #tpu.memory_space<hbm>>
      %dma_wait3A_19 = arith.constant 0 : i32
      %dma_wait3A_20 = tpu.memref_slice %arg17[%mul3A_0, %dma_wait3A_19] : memref<50176x32xf32, #tpu.memory_space<vmem_shared>> -> memref<3136x32xf32, #tpu.memory_space<vmem_shared>>
      tpu.wait_dma2 semaphore(%run_scoped3A : memref<!tpu.dma_semaphore, #tpu.memory_space<semaphore_mem>>) src(%dma_wait3A_20 : memref<3136x32xf32, #tpu.memory_space<vmem_shared>>) dst(%dma_wait3A_18 : memref<3136x32xf32, #tpu.memory_space<hbm>>)
      tpu.yield
    }) : () -> ()
    return
  }
}

module attributes {stable_mosaic.version = 14 : i64} {
  func.func @_scale1_body(%arg0: i32, %arg1: memref<2x448x128xf32, #tpu.memory_space<vmem>>, %arg2: memref<448x512xf32, #tpu.memory_space<vmem>>, %arg3: memref<512x128xf32, #tpu.memory_space<vmem>>, %arg4: memref<512x128xf32, #tpu.memory_space<vmem>>, %arg5: memref<448x128xf32, #tpu.memory_space<vmem>>, %arg6: memref<448x128xf32, #tpu.memory_space<vmem>>, %arg7: memref<448x128xf32, #tpu.memory_space<vmem>>) attributes {dimension_semantics = [#tpu.dimension_semantics<arbitrary>], iteration_bounds = array<i64: 28>, scalar_prefetch = 0 : i64, scratch_operands = 0 : i64, tpu.core_type = #tpu.core_type<tc>, window_params = [{transform_indices = @transform_0, window_bounds = array<i64: 2, 448, 128>}, {transform_indices = @transform_1, window_bounds = array<i64: 448, 512>}, {pipeline_mode = #tpu.pipeline_mode<synchronous>, transform_indices = @transform_2, window_bounds = array<i64: 512, 128>}, {pipeline_mode = #tpu.pipeline_mode<synchronous>, transform_indices = @transform_3, window_bounds = array<i64: 512, 128>}, {transform_indices = @transform_4, window_bounds = array<i64: 448, 128>}, {transform_indices = @transform_5, window_bounds = array<i64: 448, 128>}, {transform_indices = @transform_6, window_bounds = array<i64: 448, 128>}]} {
    %get3A = arith.constant 0 : index
    %get3A_0 = arith.constant 0 : index
    %get3A_1 = arith.constant 0 : index
    %get3A_2 = vector.load %arg1[%get3A, %get3A_0, %get3A_1] : memref<2x448x128xf32, #tpu.memory_space<vmem>>, vector<1x448x128xf32>
    %get3A_3 = vector.shape_cast %get3A_2 : vector<1x448x128xf32> to vector<448x128xf32>
    %get3A_4 = arith.constant 1 : index
    %get3A_5 = arith.constant 0 : index
    %get3A_6 = arith.constant 0 : index
    %get3A_7 = vector.load %arg1[%get3A_4, %get3A_5, %get3A_6] : memref<2x448x128xf32, #tpu.memory_space<vmem>>, vector<1x448x128xf32>
    %get3A_8 = vector.shape_cast %get3A_7 : vector<1x448x128xf32> to vector<448x128xf32>
    %add3A = arith.addf %get3A_3, %get3A_8 : vector<448x128xf32>
    %add3A_9 = arith.constant 1.000000e+00 : f32
    %add3A_10 = vector.broadcast %add3A_9 : f32 to vector<448x128xf32>
    %add3A_11 = arith.addf %add3A, %add3A_10 : vector<448x128xf32>
    %rsqrt3A = math.rsqrt %add3A_11 : vector<448x128xf32>
    %get3A_12 = arith.constant 0 : index
    %get3A_13 = arith.constant 0 : index
    %get3A_14 = vector.load %arg2[%get3A_12, %get3A_13] : memref<448x512xf32, #tpu.memory_space<vmem>>, vector<448x512xf32>
    %get3A_15 = arith.constant 0 : index
    %get3A_16 = arith.constant 0 : index
    %get3A_17 = vector.load %arg3[%get3A_15, %get3A_16] : memref<512x128xf32, #tpu.memory_space<vmem>>, vector<512x128xf32>
    %dot_general3A = arith.constant dense<0.000000e+00> : vector<448x128xf32>
    %dot_general3A_18 = tpu.matmul %get3A_14, %get3A_17, %dot_general3A {dimension_numbers = #tpu.dot_dimension_numbers<[1], [0], [0], [1], [0, 0, 1, 1], [], []>, transpose_lhs_hint = false} : vector<448x512xf32>, vector<512x128xf32>, vector<448x128xf32> -> vector<448x128xf32>
    %mul3A = arith.mulf %rsqrt3A, %dot_general3A_18 : vector<448x128xf32>
    %swap3A = arith.constant 0 : index
    %swap3A_19 = arith.constant 0 : index
    %swap3A_20 = vector.load %arg5[%swap3A, %swap3A_19] : memref<448x128xf32, #tpu.memory_space<vmem>>, vector<448x128xf32>
    tpu.vector_store %arg5[%swap3A, %swap3A_19], %mul3A {strides = array<i32>} : memref<448x128xf32, #tpu.memory_space<vmem>>, vector<448x128xf32>,
    %get3A_21 = arith.constant 0 : index
    %get3A_22 = arith.constant 0 : index
    %get3A_23 = vector.load %arg4[%get3A_21, %get3A_22] : memref<512x128xf32, #tpu.memory_space<vmem>>, vector<512x128xf32>
    %dot_general3A_24 = arith.constant dense<0.000000e+00> : vector<448x128xf32>
    %dot_general3A_25 = tpu.matmul %get3A_14, %get3A_23, %dot_general3A_24 {dimension_numbers = #tpu.dot_dimension_numbers<[1], [0], [0], [1], [0, 0, 1, 1], [], []>, transpose_lhs_hint = false} : vector<448x512xf32>, vector<512x128xf32>, vector<448x128xf32> -> vector<448x128xf32>
    %mul3A_26 = arith.mulf %rsqrt3A, %dot_general3A_25 : vector<448x128xf32>
    %swap3A_27 = arith.constant 0 : index
    %swap3A_28 = arith.constant 0 : index
    %swap3A_29 = vector.load %arg6[%swap3A_27, %swap3A_28] : memref<448x128xf32, #tpu.memory_space<vmem>>, vector<448x128xf32>
    tpu.vector_store %arg6[%swap3A_27, %swap3A_28], %mul3A_26 {strides = array<i32>} : memref<448x128xf32, #tpu.memory_space<vmem>>, vector<448x128xf32>,
    %swap3A_30 = arith.constant 0 : index
    %swap3A_31 = arith.constant 0 : index
    %swap3A_32 = vector.load %arg7[%swap3A_30, %swap3A_31] : memref<448x128xf32, #tpu.memory_space<vmem>>, vector<448x128xf32>
    tpu.vector_store %arg7[%swap3A_30, %swap3A_31], %rsqrt3A {strides = array<i32>} : memref<448x128xf32, #tpu.memory_space<vmem>>, vector<448x128xf32>,
    return
  }
  func.func @transform_0(%arg0: i32) -> (i32, i32, i32) {
    %c0_i32 = arith.constant 0 : i32
    %c0_i32_0 = arith.constant 0 : i32
    %c0_i32_1 = arith.constant 0 : i32
    return %c0_i32, %arg0, %c0_i32_0 : i32, i32, i32
  }
  func.func @transform_1(%arg0: i32) -> (i32, i32) {
    %c0_i32 = arith.constant 0 : i32
    %c0_i32_0 = arith.constant 0 : i32
    return %arg0, %c0_i32 : i32, i32
  }
  func.func @transform_2(%arg0: i32) -> (i32, i32) {
    %c0_i32 = arith.constant 0 : i32
    %c0_i32_0 = arith.constant 0 : i32
    %c0_i32_1 = arith.constant 0 : i32
    return %c0_i32, %c0_i32_0 : i32, i32
  }
  func.func @transform_3(%arg0: i32) -> (i32, i32) {
    %c0_i32 = arith.constant 0 : i32
    %c0_i32_0 = arith.constant 0 : i32
    %c0_i32_1 = arith.constant 0 : i32
    return %c0_i32, %c0_i32_0 : i32, i32
  }
  func.func @transform_4(%arg0: i32) -> (i32, i32) {
    %c0_i32 = arith.constant 0 : i32
    %c0_i32_0 = arith.constant 0 : i32
    return %arg0, %c0_i32 : i32, i32
  }
  func.func @transform_5(%arg0: i32) -> (i32, i32) {
    %c0_i32 = arith.constant 0 : i32
    %c0_i32_0 = arith.constant 0 : i32
    return %arg0, %c0_i32 : i32, i32
  }
  func.func @transform_6(%arg0: i32) -> (i32, i32) {
    %c0_i32 = arith.constant 0 : i32
    %c0_i32_0 = arith.constant 0 : i32
    return %arg0, %c0_i32 : i32, i32
  }
}

module attributes {stable_mosaic.version = 14 : i64} {
  func.func @_mid_body(%arg0: i32, %arg1: memref<2x448x128xf32, #tpu.memory_space<vmem>>, %arg2: memref<448x128xf32, #tpu.memory_space<vmem>>, %arg3: memref<448x128xf32, #tpu.memory_space<vmem>>, %arg4: memref<448x128xf32, #tpu.memory_space<vmem>>, %arg5: memref<128x128xf32, #tpu.memory_space<vmem>>, %arg6: memref<128x128xf32, #tpu.memory_space<vmem>>, %arg7: memref<128x128xf32, #tpu.memory_space<vmem>>, %arg8: memref<128x128xf32, #tpu.memory_space<vmem>>, %arg9: memref<1x128xf32, #tpu.memory_space<vmem>>, %arg10: memref<1x128xf32, #tpu.memory_space<vmem>>, %arg11: memref<448x128xf32, #tpu.memory_space<vmem>>, %arg12: memref<448x128xf32, #tpu.memory_space<vmem>>) attributes {dimension_semantics = [#tpu.dimension_semantics<arbitrary>], iteration_bounds = array<i64: 28>, scalar_prefetch = 0 : i64, scratch_operands = 0 : i64, tpu.core_type = #tpu.core_type<tc>, window_params = [{transform_indices = @transform_0, window_bounds = array<i64: 2, 448, 128>}, {transform_indices = @transform_1, window_bounds = array<i64: 448, 128>}, {transform_indices = @transform_2, window_bounds = array<i64: 448, 128>}, {transform_indices = @transform_3, window_bounds = array<i64: 448, 128>}, {pipeline_mode = #tpu.pipeline_mode<synchronous>, transform_indices = @transform_4, window_bounds = array<i64: 128, 128>}, {pipeline_mode = #tpu.pipeline_mode<synchronous>, transform_indices = @transform_5, window_bounds = array<i64: 128, 128>}, {pipeline_mode = #tpu.pipeline_mode<synchronous>, transform_indices = @transform_6, window_bounds = array<i64: 128, 128>}, {pipeline_mode = #tpu.pipeline_mode<synchronous>, transform_indices = @transform_7, window_bounds = array<i64: 128, 128>}, {pipeline_mode = #tpu.pipeline_mode<synchronous>, transform_indices = @transform_8, window_bounds = array<i64: 1, 128>}, {pipeline_mode = #tpu.pipeline_mode<synchronous>, transform_indices = @transform_9, window_bounds = array<i64: 1, 128>}, {transform_indices = @transform_10, window_bounds = array<i64: 448, 128>}, {transform_indices = @transform_11, window_bounds = array<i64: 448, 128>}]} {
    %get3A = arith.constant 0 : index
    %get3A_0 = arith.constant 0 : index
    %get3A_1 = vector.load %arg4[%get3A, %get3A_0] : memref<448x128xf32, #tpu.memory_space<vmem>>, vector<448x128xf32>
    %get3A_2 = arith.constant 0 : index
    %get3A_3 = arith.constant 0 : index
    %get3A_4 = arith.constant 0 : index
    %get3A_5 = vector.load %arg1[%get3A_2, %get3A_3, %get3A_4] : memref<2x448x128xf32, #tpu.memory_space<vmem>>, vector<1x448x128xf32>
    %get3A_6 = vector.shape_cast %get3A_5 : vector<1x448x128xf32> to vector<448x128xf32>
    %get3A_7 = arith.constant 0 : index
    %get3A_8 = arith.constant 0 : index
    %get3A_9 = vector.load %arg2[%get3A_7, %get3A_8] : memref<448x128xf32, #tpu.memory_space<vmem>>, vector<448x128xf32>
    %add3A = arith.addf %get3A_6, %get3A_9 : vector<448x128xf32>
    %mul3A = arith.mulf %get3A_1, %add3A : vector<448x128xf32>
    %get3A_10 = arith.constant 0 : index
    %get3A_11 = arith.constant 0 : index
    %get3A_12 = vector.load %arg9[%get3A_10, %get3A_11] : memref<1x128xf32, #tpu.memory_space<vmem>>, vector<1x128xf32>
    %add3A_13 = vector.broadcast %get3A_12 : vector<1x128xf32> to vector<448x128xf32>
    %add3A_14 = arith.addf %mul3A, %add3A_13 : vector<448x128xf32>
    %max3A = arith.constant 0.000000e+00 : f32
    %max3A_15 = vector.broadcast %max3A : f32 to vector<448x128xf32>
    %max3A_16 = arith.maximumf %add3A_14, %max3A_15 : vector<448x128xf32>
    %get3A_17 = arith.constant 1 : index
    %get3A_18 = arith.constant 0 : index
    %get3A_19 = arith.constant 0 : index
    %get3A_20 = vector.load %arg1[%get3A_17, %get3A_18, %get3A_19] : memref<2x448x128xf32, #tpu.memory_space<vmem>>, vector<1x448x128xf32>
    %get3A_21 = vector.shape_cast %get3A_20 : vector<1x448x128xf32> to vector<448x128xf32>
    %get3A_22 = arith.constant 0 : index
    %get3A_23 = arith.constant 0 : index
    %get3A_24 = vector.load %arg3[%get3A_22, %get3A_23] : memref<448x128xf32, #tpu.memory_space<vmem>>, vector<448x128xf32>
    %add3A_25 = arith.addf %get3A_21, %get3A_24 : vector<448x128xf32>
    %mul3A_26 = arith.mulf %get3A_1, %add3A_25 : vector<448x128xf32>
    %get3A_27 = arith.constant 0 : index
    %get3A_28 = arith.constant 0 : index
    %get3A_29 = vector.load %arg10[%get3A_27, %get3A_28] : memref<1x128xf32, #tpu.memory_space<vmem>>, vector<1x128xf32>
    %add3A_30 = vector.broadcast %get3A_29 : vector<1x128xf32> to vector<448x128xf32>
    %add3A_31 = arith.addf %mul3A_26, %add3A_30 : vector<448x128xf32>
    %max3A_32 = arith.constant 0.000000e+00 : f32
    %max3A_33 = vector.broadcast %max3A_32 : f32 to vector<448x128xf32>
    %max3A_34 = arith.maximumf %add3A_31, %max3A_33 : vector<448x128xf32>
    %get3A_35 = arith.constant 0 : index
    %get3A_36 = arith.constant 0 : index
    %get3A_37 = vector.load %arg5[%get3A_35, %get3A_36] : memref<128x128xf32, #tpu.memory_space<vmem>>, vector<128x128xf32>
    %dot_general3A = arith.constant dense<0.000000e+00> : vector<448x128xf32>
    %dot_general3A_38 = tpu.matmul %max3A_16, %get3A_37, %dot_general3A {dimension_numbers = #tpu.dot_dimension_numbers<[1], [0], [0], [1], [0, 0, 1, 1], [], []>, transpose_lhs_hint = false} : vector<448x128xf32>, vector<128x128xf32>, vector<448x128xf32> -> vector<448x128xf32>
    %get3A_39 = arith.constant 0 : index
    %get3A_40 = arith.constant 0 : index
    %get3A_41 = vector.load %arg6[%get3A_39, %get3A_40] : memref<128x128xf32, #tpu.memory_space<vmem>>, vector<128x128xf32>
    %dot_general3A_42 = arith.constant dense<0.000000e+00> : vector<448x128xf32>
    %dot_general3A_43 = tpu.matmul %max3A_34, %get3A_41, %dot_general3A_42 {dimension_numbers = #tpu.dot_dimension_numbers<[1], [0], [0], [1], [0, 0, 1, 1], [], []>, transpose_lhs_hint = false} : vector<448x128xf32>, vector<128x128xf32>, vector<448x128xf32> -> vector<448x128xf32>
    %add3A_44 = arith.addf %dot_general3A_38, %dot_general3A_43 : vector<448x128xf32>
    %get3A_45 = arith.constant 0 : index
    %get3A_46 = arith.constant 0 : index
    %get3A_47 = vector.load %arg7[%get3A_45, %get3A_46] : memref<128x128xf32, #tpu.memory_space<vmem>>, vector<128x128xf32>
    %dot_general3A_48 = arith.constant dense<0.000000e+00> : vector<448x128xf32>
    %dot_general3A_49 = tpu.matmul %max3A_16, %get3A_47, %dot_general3A_48 {dimension_numbers = #tpu.dot_dimension_numbers<[1], [0], [0], [1], [0, 0, 1, 1], [], []>, transpose_lhs_hint = false} : vector<448x128xf32>, vector<128x128xf32>, vector<448x128xf32> -> vector<448x128xf32>
    %get3A_50 = arith.constant 0 : index
    %get3A_51 = arith.constant 0 : index
    %get3A_52 = vector.load %arg8[%get3A_50, %get3A_51] : memref<128x128xf32, #tpu.memory_space<vmem>>, vector<128x128xf32>
    %dot_general3A_53 = arith.constant dense<0.000000e+00> : vector<448x128xf32>
    %dot_general3A_54 = tpu.matmul %max3A_34, %get3A_52, %dot_general3A_53 {dimension_numbers = #tpu.dot_dimension_numbers<[1], [0], [0], [1], [0, 0, 1, 1], [], []>, transpose_lhs_hint = false} : vector<448x128xf32>, vector<128x128xf32>, vector<448x128xf32> -> vector<448x128xf32>
    %add3A_55 = arith.addf %dot_general3A_49, %dot_general3A_54 : vector<448x128xf32>
    %mul3A_56 = arith.mulf %get3A_1, %add3A_44 : vector<448x128xf32>
    %swap3A = arith.constant 0 : index
    %swap3A_57 = arith.constant 0 : index
    %swap3A_58 = vector.load %arg11[%swap3A, %swap3A_57] : memref<448x128xf32, #tpu.memory_space<vmem>>, vector<448x128xf32>
    tpu.vector_store %arg11[%swap3A, %swap3A_57], %mul3A_56 {strides = array<i32>} : memref<448x128xf32, #tpu.memory_space<vmem>>, vector<448x128xf32>,
    %mul3A_59 = arith.mulf %get3A_1, %add3A_55 : vector<448x128xf32>
    %swap3A_60 = arith.constant 0 : index
    %swap3A_61 = arith.constant 0 : index
    %swap3A_62 = vector.load %arg12[%swap3A_60, %swap3A_61] : memref<448x128xf32, #tpu.memory_space<vmem>>, vector<448x128xf32>
    tpu.vector_store %arg12[%swap3A_60, %swap3A_61], %mul3A_59 {strides = array<i32>} : memref<448x128xf32, #tpu.memory_space<vmem>>, vector<448x128xf32>,
    return
  }
  func.func @transform_0(%arg0: i32) -> (i32, i32, i32) {
    %c0_i32 = arith.constant 0 : i32
    %c0_i32_0 = arith.constant 0 : i32
    %c0_i32_1 = arith.constant 0 : i32
    return %c0_i32, %arg0, %c0_i32_0 : i32, i32, i32
  }
  func.func @transform_1(%arg0: i32) -> (i32, i32) {
    %c0_i32 = arith.constant 0 : i32
    %c0_i32_0 = arith.constant 0 : i32
    return %arg0, %c0_i32 : i32, i32
  }
  func.func @transform_2(%arg0: i32) -> (i32, i32) {
    %c0_i32 = arith.constant 0 : i32
    %c0_i32_0 = arith.constant 0 : i32
    return %arg0, %c0_i32 : i32, i32
  }
  func.func @transform_3(%arg0: i32) -> (i32, i32) {
    %c0_i32 = arith.constant 0 : i32
    %c0_i32_0 = arith.constant 0 : i32
    return %arg0, %c0_i32 : i32, i32
  }
  func.func @transform_4(%arg0: i32) -> (i32, i32) {
    %c0_i32 = arith.constant 0 : i32
    %c0_i32_0 = arith.constant 0 : i32
    %c0_i32_1 = arith.constant 0 : i32
    return %c0_i32, %c0_i32_0 : i32, i32
  }
  func.func @transform_5(%arg0: i32) -> (i32, i32) {
    %c0_i32 = arith.constant 0 : i32
    %c0_i32_0 = arith.constant 0 : i32
    %c0_i32_1 = arith.constant 0 : i32
    return %c0_i32, %c0_i32_0 : i32, i32
  }
  func.func @transform_6(%arg0: i32) -> (i32, i32) {
    %c0_i32 = arith.constant 0 : i32
    %c0_i32_0 = arith.constant 0 : i32
    %c0_i32_1 = arith.constant 0 : i32
    return %c0_i32, %c0_i32_0 : i32, i32
  }
  func.func @transform_7(%arg0: i32) -> (i32, i32) {
    %c0_i32 = arith.constant 0 : i32
    %c0_i32_0 = arith.constant 0 : i32
    %c0_i32_1 = arith.constant 0 : i32
    return %c0_i32, %c0_i32_0 : i32, i32
  }
  func.func @transform_8(%arg0: i32) -> (i32, i32) {
    %c0_i32 = arith.constant 0 : i32
    %c0_i32_0 = arith.constant 0 : i32
    %c0_i32_1 = arith.constant 0 : i32
    return %c0_i32, %c0_i32_0 : i32, i32
  }
  func.func @transform_9(%arg0: i32) -> (i32, i32) {
    %c0_i32 = arith.constant 0 : i32
    %c0_i32_0 = arith.constant 0 : i32
    %c0_i32_1 = arith.constant 0 : i32
    return %c0_i32, %c0_i32_0 : i32, i32
  }
  func.func @transform_10(%arg0: i32) -> (i32, i32) {
    %c0_i32 = arith.constant 0 : i32
    %c0_i32_0 = arith.constant 0 : i32
    return %arg0, %c0_i32 : i32, i32
  }
  func.func @transform_11(%arg0: i32) -> (i32, i32) {
    %c0_i32 = arith.constant 0 : i32
    %c0_i32_0 = arith.constant 0 : i32
    return %arg0, %c0_i32 : i32, i32
  }
}

module attributes {stable_mosaic.version = 14 : i64} {
  func.func @_head_body(%arg0: i32, %arg1: memref<2x448x128xf32, #tpu.memory_space<vmem>>, %arg2: memref<448x128xf32, #tpu.memory_space<vmem>>, %arg3: memref<448x128xf32, #tpu.memory_space<vmem>>, %arg4: memref<448x128xf32, #tpu.memory_space<vmem>>, %arg5: memref<1x128xf32, #tpu.memory_space<vmem>>, %arg6: memref<1x128xf32, #tpu.memory_space<vmem>>, %arg7: memref<1x128xf32, #tpu.memory_space<vmem>>, %arg8: memref<1x128xf32, #tpu.memory_space<vmem>>, %arg9: memref<128x4xf32, #tpu.memory_space<vmem>>, %arg10: memref<1x8xf32, #tpu.memory_space<vmem>>, %arg11: memref<448x4xf32, #tpu.memory_space<vmem>>) attributes {dimension_semantics = [#tpu.dimension_semantics<arbitrary>], iteration_bounds = array<i64: 28>, scalar_prefetch = 0 : i64, scratch_operands = 0 : i64, tpu.core_type = #tpu.core_type<tc>, window_params = [{transform_indices = @transform_0, window_bounds = array<i64: 2, 448, 128>}, {transform_indices = @transform_1, window_bounds = array<i64: 448, 128>}, {transform_indices = @transform_2, window_bounds = array<i64: 448, 128>}, {transform_indices = @transform_3, window_bounds = array<i64: 448, 128>}, {pipeline_mode = #tpu.pipeline_mode<synchronous>, transform_indices = @transform_4, window_bounds = array<i64: 1, 128>}, {pipeline_mode = #tpu.pipeline_mode<synchronous>, transform_indices = @transform_5, window_bounds = array<i64: 1, 128>}, {pipeline_mode = #tpu.pipeline_mode<synchronous>, transform_indices = @transform_6, window_bounds = array<i64: 1, 128>}, {pipeline_mode = #tpu.pipeline_mode<synchronous>, transform_indices = @transform_7, window_bounds = array<i64: 1, 128>}, {pipeline_mode = #tpu.pipeline_mode<synchronous>, transform_indices = @transform_8, window_bounds = array<i64: 128, 4>}, {pipeline_mode = #tpu.pipeline_mode<synchronous>, transform_indices = @transform_9, window_bounds = array<i64: 1, 8>}, {transform_indices = @transform_10, window_bounds = array<i64: 448, 4>}]} {
    %get3A = arith.constant 0 : index
    %get3A_0 = arith.constant 0 : index
    %get3A_1 = vector.load %arg4[%get3A, %get3A_0] : memref<448x128xf32, #tpu.memory_space<vmem>>, vector<448x128xf32>
    %get3A_2 = arith.constant 0 : index
    %get3A_3 = arith.constant 0 : index
    %get3A_4 = arith.constant 0 : index
    %get3A_5 = vector.load %arg1[%get3A_2, %get3A_3, %get3A_4] : memref<2x448x128xf32, #tpu.memory_space<vmem>>, vector<1x448x128xf32>
    %get3A_6 = vector.shape_cast %get3A_5 : vector<1x448x128xf32> to vector<448x128xf32>
    %get3A_7 = arith.constant 0 : index
    %get3A_8 = arith.constant 0 : index
    %get3A_9 = vector.load %arg2[%get3A_7, %get3A_8] : memref<448x128xf32, #tpu.memory_space<vmem>>, vector<448x128xf32>
    %add3A = arith.addf %get3A_6, %get3A_9 : vector<448x128xf32>
    %mul3A = arith.mulf %get3A_1, %add3A : vector<448x128xf32>
    %get3A_10 = arith.constant 0 : index
    %get3A_11 = arith.constant 0 : index
    %get3A_12 = vector.load %arg7[%get3A_10, %get3A_11] : memref<1x128xf32, #tpu.memory_space<vmem>>, vector<1x128xf32>
    %add3A_13 = vector.broadcast %get3A_12 : vector<1x128xf32> to vector<448x128xf32>
    %add3A_14 = arith.addf %mul3A, %add3A_13 : vector<448x128xf32>
    %max3A = arith.constant 0.000000e+00 : f32
    %max3A_15 = vector.broadcast %max3A : f32 to vector<448x128xf32>
    %max3A_16 = arith.maximumf %add3A_14, %max3A_15 : vector<448x128xf32>
    %get3A_17 = arith.constant 1 : index
    %get3A_18 = arith.constant 0 : index
    %get3A_19 = arith.constant 0 : index
    %get3A_20 = vector.load %arg1[%get3A_17, %get3A_18, %get3A_19] : memref<2x448x128xf32, #tpu.memory_space<vmem>>, vector<1x448x128xf32>
    %get3A_21 = vector.shape_cast %get3A_20 : vector<1x448x128xf32> to vector<448x128xf32>
    %get3A_22 = arith.constant 0 : index
    %get3A_23 = arith.constant 0 : index
    %get3A_24 = vector.load %arg3[%get3A_22, %get3A_23] : memref<448x128xf32, #tpu.memory_space<vmem>>, vector<448x128xf32>
    %add3A_25 = arith.addf %get3A_21, %get3A_24 : vector<448x128xf32>
    %mul3A_26 = arith.mulf %get3A_1, %add3A_25 : vector<448x128xf32>
    %get3A_27 = arith.constant 0 : index
    %get3A_28 = arith.constant 0 : index
    %get3A_29 = vector.load %arg8[%get3A_27, %get3A_28] : memref<1x128xf32, #tpu.memory_space<vmem>>, vector<1x128xf32>
    %add3A_30 = vector.broadcast %get3A_29 : vector<1x128xf32> to vector<448x128xf32>
    %add3A_31 = arith.addf %mul3A_26, %add3A_30 : vector<448x128xf32>
    %max3A_32 = arith.constant 0.000000e+00 : f32
    %max3A_33 = vector.broadcast %max3A_32 : f32 to vector<448x128xf32>
    %max3A_34 = arith.maximumf %add3A_31, %max3A_33 : vector<448x128xf32>
    %get3A_35 = arith.constant 0 : index
    %get3A_36 = arith.constant 0 : index
    %get3A_37 = vector.load %arg5[%get3A_35, %get3A_36] : memref<1x128xf32, #tpu.memory_space<vmem>>, vector<1x128xf32>
    %mul3A_38 = vector.broadcast %get3A_37 : vector<1x128xf32> to vector<448x128xf32>
    %mul3A_39 = arith.mulf %max3A_16, %mul3A_38 : vector<448x128xf32>
    %get3A_40 = arith.constant 0 : index
    %get3A_41 = arith.constant 0 : index
    %get3A_42 = vector.load %arg6[%get3A_40, %get3A_41] : memref<1x128xf32, #tpu.memory_space<vmem>>, vector<1x128xf32>
    %mul3A_43 = vector.broadcast %get3A_42 : vector<1x128xf32> to vector<448x128xf32>
    %mul3A_44 = arith.mulf %max3A_34, %mul3A_43 : vector<448x128xf32>
    %add3A_45 = arith.addf %mul3A_39, %mul3A_44 : vector<448x128xf32>
    %get3A_46 = arith.constant 0 : index
    %get3A_47 = arith.constant 0 : index
    %get3A_48 = vector.load %arg9[%get3A_46, %get3A_47] : memref<128x4xf32, #tpu.memory_space<vmem>>, vector<128x4xf32>
    %dot_general3A = arith.constant dense<0.000000e+00> : vector<448x4xf32>
    %dot_general3A_49 = tpu.matmul %add3A_45, %get3A_48, %dot_general3A {dimension_numbers = #tpu.dot_dimension_numbers<[1], [0], [0], [1], [0, 0, 1, 1], [], []>, transpose_lhs_hint = false} : vector<448x128xf32>, vector<128x4xf32>, vector<448x4xf32> -> vector<448x4xf32>
    %get3A_50 = arith.constant 0 : index
    %get3A_51 = arith.constant 0 : index
    %get3A_52 = vector.load %arg10[%get3A_50, %get3A_51] : memref<1x8xf32, #tpu.memory_space<vmem>>, vector<1x1xf32>
    %get3A_53 = vector.extract %get3A_52[0, 0] : f32 from vector<1x1xf32>
    %add3A_54 = vector.broadcast %get3A_53 : f32 to vector<448x4xf32>
    %add3A_55 = arith.addf %dot_general3A_49, %add3A_54 : vector<448x4xf32>
    %swap3A = arith.constant 0 : index
    %swap3A_56 = arith.constant 0 : index
    %swap3A_57 = vector.load %arg11[%swap3A, %swap3A_56] : memref<448x4xf32, #tpu.memory_space<vmem>>, vector<448x4xf32>
    tpu.vector_store %arg11[%swap3A, %swap3A_56], %add3A_55 {strides = array<i32>} : memref<448x4xf32, #tpu.memory_space<vmem>>, vector<448x4xf32>,
    return
  }
  func.func @transform_0(%arg0: i32) -> (i32, i32, i32) {
    %c0_i32 = arith.constant 0 : i32
    %c0_i32_0 = arith.constant 0 : i32
    %c0_i32_1 = arith.constant 0 : i32
    return %c0_i32, %arg0, %c0_i32_0 : i32, i32, i32
  }
  func.func @transform_1(%arg0: i32) -> (i32, i32) {
    %c0_i32 = arith.constant 0 : i32
    %c0_i32_0 = arith.constant 0 : i32
    return %arg0, %c0_i32 : i32, i32
  }
  func.func @transform_2(%arg0: i32) -> (i32, i32) {
    %c0_i32 = arith.constant 0 : i32
    %c0_i32_0 = arith.constant 0 : i32
    return %arg0, %c0_i32 : i32, i32
  }
  func.func @transform_3(%arg0: i32) -> (i32, i32) {
    %c0_i32 = arith.constant 0 : i32
    %c0_i32_0 = arith.constant 0 : i32
    return %arg0, %c0_i32 : i32, i32
  }
  func.func @transform_4(%arg0: i32) -> (i32, i32) {
    %c0_i32 = arith.constant 0 : i32
    %c0_i32_0 = arith.constant 0 : i32
    %c0_i32_1 = arith.constant 0 : i32
    return %c0_i32, %c0_i32_0 : i32, i32
  }
  func.func @transform_5(%arg0: i32) -> (i32, i32) {
    %c0_i32 = arith.constant 0 : i32
    %c0_i32_0 = arith.constant 0 : i32
    %c0_i32_1 = arith.constant 0 : i32
    return %c0_i32, %c0_i32_0 : i32, i32
  }
  func.func @transform_6(%arg0: i32) -> (i32, i32) {
    %c0_i32 = arith.constant 0 : i32
    %c0_i32_0 = arith.constant 0 : i32
    %c0_i32_1 = arith.constant 0 : i32
    return %c0_i32, %c0_i32_0 : i32, i32
  }
  func.func @transform_7(%arg0: i32) -> (i32, i32) {
    %c0_i32 = arith.constant 0 : i32
    %c0_i32_0 = arith.constant 0 : i32
    %c0_i32_1 = arith.constant 0 : i32
    return %c0_i32, %c0_i32_0 : i32, i32
  }
  func.func @transform_8(%arg0: i32) -> (i32, i32) {
    %c0_i32 = arith.constant 0 : i32
    %c0_i32_0 = arith.constant 0 : i32
    %c0_i32_1 = arith.constant 0 : i32
    return %c0_i32, %c0_i32_0 : i32, i32
  }
  func.func @transform_9(%arg0: i32) -> (i32, i32) {
    %c0_i32 = arith.constant 0 : i32
    %c0_i32_0 = arith.constant 0 : i32
    %c0_i32_1 = arith.constant 0 : i32
    return %c0_i32, %c0_i32_0 : i32, i32
  }
  func.func @transform_10(%arg0: i32) -> (i32, i32) {
    %c0_i32 = arith.constant 0 : i32
    %c0_i32_0 = arith.constant 0 : i32
    return %arg0, %c0_i32 : i32, i32
  }
}

</mosaic_0001>

<sc_bundles>
// kernel: kernel.11.cloned.1.call-start
scs
__scs_entry_jumppad:
0x0: {  	(pc) =	sbr.rel $0x88, $3  }
0x1: {  	(tag) =	ssettag $0x0;
	lr =	simm.s32 $0x1  }
0x2: {  	[smem:$0x3F99] =	sst lr;
	_ =	strace $0xD0000000  }
0x3: {  	_ = 	snop  }
0x4: {  	_ = 	snop  }
0x5: {  	_ = 	snop  }
0x6: {  	_ = 	snop  }
0x7: {  	_ = 	snop  }
__scs_overlays_trampoline_lowered:
0x8: {  	[smem:$0x3FA8] =	sst s0  }
0x9: {  	[smem:$0x3FA9] =	sst s1  }
0xa: {  	[smem:$0x3FAA] =	sst s2  }
0xb: {  	[smem:$0x3FAB] =	sst s3  }
0xc: {  	[smem:$0x3FAC] =	sst s4  }
0xd: {  	[smem:$0x3FAD] =	sst s5  }
0xe: {  	[smem:$0x3FAE] =	sst s6  }
0xf: {  	[smem:$0x3FAF] =	sst s7  }
0x10: {  	[smem:$0x3FB0] =	sst s8  }
0x11: {  	[smem:$0x3FB1] =	sst s9;
	s0 =	simm.s32 @!p0 $0x0  }
0x12: {  	s1 =	sld [smem:$0x3F97];
	s0 =	simm.s32 @p0 $0x1  }
0x13: {  	[smem:$0x3FB2] =	sst s0;
	s0 =	simm.s32 @!p1 $0x0  }
0x14: {  	s2 =	sld [smem:$0x3F96];
	s0 =	simm.s32 @p1 $0x1  }
0x15: {  	[smem:$0x3FB3] =	sst s0;
	s0 =	simm.s32 @!p2 $0x0  }
0x16: {  	s3 =	sld [smem:$0x3FDB];
	s0 =	simm.s32 @p2 $0x1  }
0x17: {  	s4 =	simm.s32 $0x1BF5;
	[smem:$0x3FB5] =	sst s0  }
0x18: {  	s0 =	sld [smem:$0x3F98];
	_ =	swait.ge [sflag:s4], $0x0  }
0x19: {  	s7 =	sld [smem:$0x3F99]  }
0x1a: {  	s8 =	sadd.s32 $0xFFFFE003, lr  }
0x1b: {  	s9 =	sadd.s32 $0xFFFFFEF7, lr;
	s5 =	simm.s32 $0xFFFFFFFF;
	p2 =	slt.u32 s8, $0xFFFFF086  }
0x1c: {  	p1 =	slt.u32 s9, $0xF7A;
	s5 =	simm.s32 @!p2 $0x0  }
0x1d: {  	s5 =	simm.s32 @p1 $0x1;
	p0 =	seq.s32 s7, s2  }
0x1e: {  	s7 =	smul.u32 @!p0 $0xF7A, s2;
	p2 =	seq.s32 @!p0 s5, $0x0  }
0x1f: {  	s9 =	smul.u32 $0xF7A, s1;
	s8 =	simm.s32 @!p0 $0x1BF5;
	p2 =	por !p2, p0  }
0x20: {  	[sflag:s8] =	ssyncset.s32 @!p0 $0xFFFFF086;
	s6 =	sadd.s32 @!p0 s3, s7;
	s7 =	simm.s32 @!p0 $0x108  }
0x21: {  	s3 =	sadd.s32 s3, s9;
	s6 =	sadd.s32 @!p0 $0x88, s6;
	s7 =	simm.s32 @p2 $0x1082  }
0x22: {  	[simem:s7], [sflag:s8] =	dma.local @!p0 [hbm:s6], $0xF7A  }
0x23: {  	s9 =	sor.u32 $0xD0000000, s2;
	s6 =	simm.s32 $0x108;
	_ =	swait.ge @!p0 [sflag:s8], $0x0  }
0x24: {  	s3 =	sadd.s32 $0x88, s3;
	s6 =	simm.s32 @!p1 $0x1082;
	[sflag:s4] =	ssyncset.s32 $0xFFFFF086  }
0x25: {  	[simem:s6], [sflag:s4] =	dma.local [hbm:s3], $0xF7A  }
0x26: {  	[smem:$0x3F99] =	sst s1;
	(tag) =	ssettag s2;
	_ =	strace s9  }
0x27: {  	s1 =	sld [smem:$0x3FA9]  }
0x28: {  	s2 =	sld [smem:$0x3FAA]  }
0x29: {  	s4 =	sld [smem:$0x3FAC]  }
0x2a: {  	p0 =	seq.s32 s5, $0x0;
	s5 =	sld [smem:$0x3FAD]  }
0x2b: {  	s6 =	sld [smem:$0x3FAE]  }
0x2c: {  	s7 =	sld [smem:$0x3FAF]  }
0x2d: {  	s3 =	simm.s32 $0x108;
	s8 =	sld [smem:$0x3FB0]  }
0x2e: {  	s3 =	simm.s32 @!p0 $0x1082;
	s9 =	sld [smem:$0x3FB1]  }
0x2f: {  	lr =	sadd.s32 s0, s3;
	s0 =	sld [smem:$0x3FA8]  }
0x30: {  	s3 =	sld [smem:$0x3FAB]  }
0x31: {  	[smem:$0x3FB4] =	sst s10  }
0x32: {  	s10 =	sld [smem:$0x3FB2];
	_ =	sdelay $0x3  }
0x33: {  	p0 =	seq.s32 s10, $0x1;
	s10 =	sld [smem:$0x3FB4];
	_ =	sdelay $0x3  }
0x34: {  	[smem:$0x3FB4] =	sst s10  }
0x35: {  	s10 =	sld [smem:$0x3FB3];
	_ =	sdelay $0x3  }
0x36: {  	p1 =	seq.s32 s10, $0x1;
	s10 =	sld [smem:$0x3FB4];
	_ =	sdelay $0x3  }
0x37: {  	[smem:$0x3FB4] =	sst s10  }
0x38: {  	s10 =	sld [smem:$0x3FB5]  }
0x39: {  	_ = 	snop;
	(pc) =	sbr.ind lr, $3  }
0x3a: {  	_ = 	snop  }
0x3b: {  	_ = 	snop  }
0x3c: {  	p2 =	seq.s32 s10, $0x1;
	s10 =	sld [smem:$0x3FB4]  }
0x3d: {  	_ =	shalt  }
0x3e: {  	_ =	shalt  }
0x3f: {  	_ =	shalt  }
0x40: {  	_ =	shalt  }
0x41: {  	_ =	shalt  }
0x42: {  	_ =	shalt  }
0x43: {  	_ =	shalt  }
0x44: {  	_ =	shalt  }
0x45: {  	_ =	shalt  }
0x46: {  	_ =	shalt  }
0x47: {  	_ =	shalt  }
0x48: {  	_ =	shalt  }
0x49: {  	_ =	shalt  }
0x4a: {  	_ =	shalt  }
0x4b: {  	_ =	shalt  }
0x4c: {  	_ =	shalt  }
0x4d: {  	_ =	shalt  }
0x4e: {  	_ =	shalt  }
0x4f: {  	_ =	shalt  }
0x50: {  	_ =	shalt  }
0x51: {  	_ =	shalt  }
0x52: {  	_ =	shalt  }
0x53: {  	_ =	shalt  }
0x54: {  	_ =	shalt  }
0x55: {  	_ =	shalt  }
0x56: {  	_ =	shalt  }
0x57: {  	_ =	shalt  }
0x58: {  	_ =	shalt  }
0x59: {  	_ =	shalt  }
0x5a: {  	_ =	shalt  }
0x5b: {  	_ =	shalt  }
0x5c: {  	_ =	shalt  }
0x5d: {  	_ =	shalt  }
0x5e: {  	_ =	shalt  }
0x5f: {  	_ =	shalt  }
0x60: {  	_ =	shalt  }
0x61: {  	_ =	shalt  }
0x62: {  	_ =	shalt  }
0x63: {  	_ =	shalt  }
0x64: {  	_ =	shalt  }
0x65: {  	_ =	shalt  }
0x66: {  	_ =	shalt  }
0x67: {  	_ =	shalt  }
0x68: {  	_ =	shalt  }
0x69: {  	_ =	shalt  }
0x6a: {  	_ =	shalt  }
0x6b: {  	_ =	shalt  }
0x6c: {  	_ =	shalt  }
0x6d: {  	_ =	shalt  }
0x6e: {  	_ =	shalt  }
0x6f: {  	_ =	shalt  }
0x70: {  	_ =	shalt  }
0x71: {  	_ =	shalt  }
0x72: {  	_ =	shalt  }
0x73: {  	_ =	shalt  }
0x74: {  	_ =	shalt  }
0x75: {  	_ =	shalt  }
0x76: {  	_ =	shalt  }
0x77: {  	_ =	shalt  }
0x78: {  	_ =	shalt  }
0x79: {  	_ =	shalt  }
0x7a: {  	_ =	shalt  }
0x7b: {  	_ =	shalt  }
0x7c: {  	_ =	shalt  }
0x7d: {  	_ =	shalt  }
0x7e: {  	_ =	shalt  }
0x7f: {  	_ =	shalt  }
0x80: {  	_ =	shalt  }
0x81: {  	_ =	shalt  }
0x82: {  	_ =	shalt  }
0x83: {  	_ =	shalt  }
0x84: {  	_ =	shalt  }
0x85: {  	_ =	shalt  }
0x86: {  	_ =	shalt  }
0x87: {  	_ =	shalt  }
.Lfunc_end0:
.L_simem_size_0:
called_computation.1_lowered:
.L_overlay_start_0:
0x88: {  	s2 =	sld [smem:$0x3FD9]  }
0x89: {  	s3 =	sld [smem:$0x3FFE];
	_ =	sdelay $0x1  }
0x8a: {  	s1 =	srdreg.scid  }
0x8b: {  	s0 =	sand.u32 $0x1, s1  }
0x8c: {  	s16 =	sshll.u32 s0, $0xA;
	s2 =	sadd.s32 s3, s2  }
0x8d: {  	s2 =	sadd.s32 s2, s16  }
0x8e: {  	[smem:$0x3FC0] =	sst s2  }
0x8f: {  	_ = 	snop  }
0x90: {  	(tm) =	ssettm $0x1  }
0x91: {  	s17 =	sld [smem:$0x3FFB];
	_ =	sdelay $0x3  }
0x92: {  	_ =	strace s17  }
0x93: {  	s2 =	sld [smem:$0x3FFC];
	_ =	sdelay $0x3  }
0x94: {  	_ =	strace s2  }
0x95: {  	s2 =	sld [smem:$0x3FFD];
	_ =	sdelay $0x3  }
0x96: {  	_ =	strace s2  }
0x97: {  	_ =	strace $0x8FFFFFFF  }
0x98: {  	s18 =	sld [smem:$0x3FDB];
	_ =	sdelay $0x1  }
0x99: {  	s19 =	simm.s32 $_scs_section_size  }
0x9a: {  	s4 =	simm.s32 $_size__tile_overlayer_lowered;
	s5 =	simm.s32 $_tile_overlayer_lowered  }
0x9b: {  	s22 =	simm.s32 $0x1BFF;
	s21 =	sshll.u32 s5, $0x1;
	s2 =	sadd.s32 s19, s18  }
0x9c: {  	s6 =	simm.s32 $0x0;
	s20 =	sshll.u32 s4, $0x1;
	s4 =	sadd.s32 s21, s2  }
0x9d: {  	[timem:s6], [sflag:s22] =	dma.local [hbm:s4], s20  }
0x9e: {  	_ =	swait.ge [sflag:s22], s20  }
0x9f: {  	s3 =	ssub.s32 $0x0, s20;
	[sflag:s22] =	ssyncset.done $0x0  }
0xa0: {  	[sflag:s22] =	ssyncadd.s32 s3;
	_ =	sdelay $0x1  }
0xa1: {  	s23 =	simm.s32 $0x1B8B  }
0xa2: {  	_ =	swait.ge [sflag:s23], $0x1  }
0xa3: {  	[sflag:s23] =	ssyncset.done $0x0  }
0xa4: {  	s25 =	simm.s32 $0x1B8E;
	s24 =	sld [smem:$0x3FFE];
	[sflag:s23] =	ssyncadd.s32 $0xFFFFFFFF  }
0xa5: {  	s26 =	simm.s32 $execute0_lowered;
	[smem:$0x3FD2] =	sst s25  }
0xa6: {  	s4 =	sshll.u32 s26, $0x1;
	_ =	strace $0x80000049;
	[dreg:$0x1] =	wrdreg $0xFFFFFFFF  }
0xa7: {  	s28 =	simm.s32 $_size_execute0_lowered;
	s2 =	sadd.s32 s2, s4;
	[dreg:$0x0] =	wrdreg $0x0  }
0xa8: {  	s4 =	sshll.u32 s28, $0x1;
	[dreg:$0x2] =	wrdreg s2  }
0xa9: {  	[dreg:$0x3] =	wrdreg s4  }
0xaa: {  	[dreg:$0x4] =	wrdreg $0xC0  }
0xab: {  	_ =	task [dreg:s6], $0x5FFFF  }
0xac: {  	[dreg:$0x1] =	wrdreg $0xFFFFFFFF  }
0xad: {  	[dreg:$0x0] =	wrdreg $0x60  }
0xae: {  	[dreg:$0x2] =	wrdreg s24  }
0xaf: {  	[dreg:$0x3] =	wrdreg $0x72C00  }
0xb0: {  	[dreg:$0x4] =	wrdreg $0x9  }
0xb1: {  	_ =	task.clear_ibuf [dreg:s6], $0x5FFFF;
	_ =	strace $0x90000049  }
0xb2: {  	s29 =	simm.s32 $0x9;
	_ =	strace $0x8000004B  }
0xb3: {  	_ =	swait.ge [sflag:s29], $0x1  }
0xb4: {  	[sflag:s29] =	ssyncadd.s32 $0xFFFFFFFF  }
0xb5: {  	_ =	strace $0x9000004B  }
0xb6: {  	_ =	sfence  }
0xb7: {  	s30 =	sld [smem:$0x0];
	_ =	sdelay $0x2  }
0xb8: {  	s31 =	sshll.u32 s1, $0xD;
	s1 =	sshrl.u32 s1, $0x2  }
0xb9: {  	s3 =	sand.u32 $0x4000, s31;
	s1 =	sadd.s32 s1, s30  }
0xba: {  	s0 =	sor.u32 s3, s0;
	s1 =	sshll.u32 s1, $0x11  }
0xbb: {  	s0 =	sor.u32 s1, s0  }
0xbc: {  	s0 =	sadd.s32 $0x8F2B, s0  }
0xbd: {  	[sflag:s0] =	ssyncadd.remote.s32 $0x1  }
0xbe: {  	_ =	sfence.sel $0xFFFF  }
0xbf: {  	[dreg:$0x0] =	wrdreg $0xFFFFFFFF;
	(pc) =	sbr.abs _section_cstart, $3  }
0xc0: {  	[dreg:$0x1] =	wrdreg $0xFFFFFFFF  }
0xc1: {  	_ =	task.clear_ibuf [dreg:s6], $0x2FFFF;
	_ =	strace $0x9FFFFFFF  }
0xc2: {  	(tm) =	ssettm $0x7FFFFFFF  }
0xc3: {  	_ =	shalt  }
tec
execute0_lowered:
.L_overlay_start_1:
0x0: {  	(tag) =	ssettag $0x1  }
0x1: {  	s0 =	rddreg [dreg:$0x0]  }
0x2: {  	s2 =	rddreg [dreg:$0x1];
	s3 =	simm.s32 $0x0  }
0x3: {  	s13 =	stileid.u32;
	s1 =	srdreg.scid;
	s28 =	simm.s32 $0x240  }
0x4: {  	s29 =	simm.s32 $0x360;
	s30 =	simm.s32 $0x480;
	s31 =	simm.s32 $0x5A0  }
0x5: {  	[smem:$0x7FF] =	sst s3;
	s6 =	smul.u32 $0x18800, s13;
	s1 =	sand.u32 $0x1, s1  }
0x6: {  	s4 =	sadd.s32 $0x66400, s0;
	s5 =	sadd.s32 $0x97400, s0;
	s9 =	sadd.s32 $0x1CC00, s0  }
0x7: {  	s10 =	sadd.s32 $0x4400, s0;
	s12 =	smul.u32 $0xC3C0, s13;
	s25 =	sshll.u32 s13, $0x6  }
0x8: {  	_ =	strace $0x8000004A;
	s7 =	smul.u32 $0x188000, s1;
	s11 =	ssub.s32 $0x2, s1  }
0x9: {  	p0 =	seq.s32 s1, $0x1;
	s8 =	sshrl.u32 s6, $0x3;
	s24 =	sshrl.u32 s11, $0x1  }
0xa: {  	s26 =	sshrl.u32 s12, $0x3;
	s7 =	sadd.s32 s6, s7;
	s8 =	sadd.s32 s8, s0  }
0xb: {  	s6 =	sadd.s32 s6, s2;
	s12 =	sadd.s32 $0x24, s26;
	s14 =	sadd.s32 s10, s26  }
0xc: {  	s16 =	sadd.s32 $0x48, s26;
	s18 =	sadd.s32 $0x6C, s26;
	[dreg:$0x3] =	wrdreg s6  }
0xd: {  	s20 =	sadd.s32 $0x1830, s26;
	s8 =	sadd.s32 $0x35400, s8;
	[dreg:$0x6] =	wrdreg s14  }
0xe: {  	s22 =	sadd.s32 $0x1854, s26;
	s15 =	sadd.s32 s9, s12;
	[dreg:$0x4] =	wrdreg s8  }
0xf: {  	s7 =	sshrl.u32 s7, $0x3;
	s1 =	sadd.s32 s10, s12;
	[dreg:$0x7] =	wrdreg s15  }
0x10: {  	s17 =	sadd.s32 s9, s16;
	s19 =	sadd.s32 s9, s18;
	[dreg:$0x8] =	wrdreg s1  }
0x11: {  	s21 =	sadd.s32 s9, s20;
	s23 =	sadd.s32 s10, s20;
	[dreg:$0x9] =	wrdreg s17  }
0x12: {  	s6 =	simm.s32 $0x2;
	s12 =	simm.s32 $0x4EC0;
	[dreg:$0xb] =	wrdreg s19  }
0x13: {  	s14 =	simm.s32 $0x8;
	s0 =	sadd.s32 s7, s0;
	[dreg:$0xd] =	wrdreg s21  }
0x14: {  	s7 =	ssub.s32 s11, s24;
	s11 =	sadd.s32 s9, s26;
	[dreg:$0xe] =	wrdreg s23  }
0x15: {  	s8 =	sor.u32 $0x1C0A, s25;
	s1 =	sadd.s32 s10, s18;
	[dreg:$0x5] =	wrdreg s11  }
0x16: {  	s24 =	sadd.s32 s9, s22;
	s25 =	smul.u32 $0x1878, s13;
	[dreg:$0xc] =	wrdreg s1  }
0x17: {  	s13 =	simm.s32 $0x5;
	s11 =	sadd.s32 s10, s16;
	[dreg:$0xf] =	wrdreg s24  }
0x18: {  	s15 =	simm.s32 $0x6;
	s1 =	sadd.s32 s10, s22;
	[dreg:$0xa] =	wrdreg s11  }
0x19: {  	s17 =	simm.s32 $0x0;
	s0 =	sadd.s32 $0xF9400, s0;
	[dreg:$0x10] =	wrdreg s1  }
.Ltmp0:
0x1a: {  	s26 =	smax.u32 s7, $0x1;
	[dreg:$0x11] =	wrdreg s0;
	(pc) =	sbr.rel .LBB2_1-.Ltmp0, $4  }
0x1b: {  	s7 =	simm.s32 $0x2AC0;
	s16 =	simm.s32 $0x9;
	[dreg:$0x12] =	wrdreg s26  }
0x1c: {  	s23 =	sadd.s32 s25, s10;
	s24 =	sadd.s32 s25, s9;
	s25 =	simm.s32 $0xA  }
0x1d: {  	s26 =	simm.s32 $0x120;
	s0 =	simm.s32 $0x1;
	s1 =	simm.s32 $0x6C0  }
0x1e: {  	s9 =	simm.s32 $0x4;
	s10 =	simm.s32 $0x7;
	s11 =	simm.s32 $0x3  }
.LBB2_7:
0x1f: {  	[spmem:s2] =	stream.indirect.scatter.add.f32 [tilespmem:s7], [sflag:$0x8], $0x20, s29, s26, $0xb8;
	[tilespmem:$0x1FAC0] =	vst v63  }
0x20: {  	s19 =	smov.u32 s5  }
.LBB2_8:
0x21: {  	_ =	swait.ge [sflag:s14], $0x2400  }
0x22: {  	[sflag:s14] =	ssyncset.done $0x0  }
0x23: {  	s20 =	rddreg [dreg:$0xd];
	[sflag:s14] =	ssyncadd.s32 $0xFFFFDC00  }
0x24: {  	[tilespmem:s28], [sflag:$0x2] =	stream.linear.gather [hbm4b:s20+s3], $0x120, $0x38;
	[tilespmem:$0x1FAC0] =	vst v63  }
0x25: {  	s22 =	rddreg [dreg:$0xe]  }
0x26: {  	[tilespmem:s29], [sflag:$0x2] =	stream.linear.gather [hbm4b:s22+s3], $0x120, $0x38;
	[tilespmem:$0x1FAC0] =	vst v63  }
0x27: {  	_ =	swait.ge [sflag:s0], $0x120  }
0x28: {  	[sflag:s0] =	ssyncset.done $0x0  }
0x29: {  	[sflag:s0] =	ssyncadd.s32 $0xFFFFFEE0  }
0x2a: {  	_ =	swait.ge [sflag:s0], $0x120  }
0x2b: {  	[sflag:s0] =	ssyncset.done $0x0  }
0x2c: {  	[sflag:s0] =	ssyncadd.s32 $0xFFFFFEE0  }
0x2d: {  	[tilespmem:s1], [sflag:$0x4] =	stream.indirect.gather [hbm4b:s19+s26], $0x20, s3, s26, $0xb8;
	[tilespmem:$0x1FAC0] =	vst v63  }
0x2e: {  	_ =	swait.ge [sflag:s15], $0x2400  }
0x2f: {  	[sflag:s15] =	ssyncset.done $0x0  }
0x30: {  	[sflag:s15] =	ssyncadd.s32 $0xFFFFDC00  }
0x31: {  	[spmem:s2] =	stream.indirect.scatter.add.f32 [tilespmem:s12], [sflag:$0x9], $0x20, s31, s26, $0xb8;
	[tilespmem:$0x1FAC0] =	vst v63  }
0x32: {  	_ =	swait.ge [sflag:s16], $0x2400  }
0x33: {  	[sflag:s16] =	ssyncset.done $0x0  }
0x34: {  	s21 =	rddreg [dreg:$0xf];
	[sflag:s16] =	ssyncadd.s32 $0xFFFFDC00  }
0x35: {  	[tilespmem:s30], [sflag:$0x3] =	stream.linear.gather [hbm4b:s21+s3], $0x120, $0x38;
	[tilespmem:$0x1FAC0] =	vst v63  }
0x36: {  	s22 =	rddreg [dreg:$0x10]  }
0x37: {  	[tilespmem:s31], [sflag:$0x3] =	stream.linear.gather [hbm4b:s22+s3], $0x120, $0x38;
	[tilespmem:$0x1FAC0] =	vst v63  }
0x38: {  	_ =	swait.ge [sflag:s6], $0x120  }
0x39: {  	[sflag:s6] =	ssyncset.done $0x0  }
0x3a: {  	[sflag:s6] =	ssyncadd.s32 $0xFFFFFEE0  }
0x3b: {  	_ =	swait.ge [sflag:s6], $0x120  }
0x3c: {  	[sflag:s6] =	ssyncset.done $0x0  }
0x3d: {  	[sflag:s6] =	ssyncadd.s32 $0xFFFFFEE0  }
0x3e: {  	[tilespmem:s7], [sflag:$0x5] =	stream.indirect.gather [hbm4b:s19+s26], $0x20, s28, s26, $0xb8;
	[tilespmem:$0x1FAC0] =	vst v63  }
0x3f: {  	_ =	swait.ge [sflag:s9], $0x2400  }
0x40: {  	[sflag:s9] =	ssyncset.done $0x0  }
0x41: {  	[sflag:s9] =	ssyncadd.s32 $0xFFFFDC00  }
0x42: {  	[spmem:s2] =	stream.indirect.scatter.add.f32 [tilespmem:s1], [sflag:$0x7], $0x20, s26, s26, $0xb8;
	[tilespmem:$0x1FAC0] =	vst v63  }
0x43: {  	_ =	swait.ge [sflag:s10], $0x2400  }
0x44: {  	[sflag:s10] =	ssyncset.done $0x0  }
0x45: {  	[sflag:s10] =	ssyncadd.s32 $0xFFFFDC00  }
0x46: {  	_ =	swait.ge [sflag:s11], $0x120  }
0x47: {  	[sflag:s11] =	ssyncset.done $0x0  }
0x48: {  	[sflag:s11] =	ssyncadd.s32 $0xFFFFFEE0  }
0x49: {  	_ =	swait.ge [sflag:s11], $0x120  }
0x4a: {  	[sflag:s11] =	ssyncset.done $0x0  }
0x4b: {  	[sflag:s11] =	ssyncadd.s32 $0xFFFFFEE0  }
0x4c: {  	[tilespmem:s12], [sflag:$0x6] =	stream.indirect.gather [hbm4b:s19+s26], $0x20, s30, s26, $0xb8;
	[tilespmem:$0x1FAC0] =	vst v63  }
0x4d: {  	_ =	swait.ge [sflag:s13], $0x2400  }
0x4e: {  	[sflag:s13] =	ssyncset.done $0x0  }
0x4f: {  	[sflag:s13] =	ssyncadd.s32 $0xFFFFDC00  }
0x50: {  	[spmem:s2] =	stream.indirect.scatter.add.f32 [tilespmem:s7], [sflag:$0x8], $0x20, s29, s26, $0xb8;
	[tilespmem:$0x1FAC0] =	vst v63  }
0x51: {  	_ =	swait.ge [sflag:s15], $0x2400  }
0x52: {  	[sflag:s15] =	ssyncset.done $0x0  }
0x53: {  	[sflag:s15] =	ssyncadd.s32 $0xFFFFDC00  }
0x54: {  	[spmem:s2] =	stream.indirect.scatter.add.f32 [tilespmem:s12], [sflag:$0x9], $0x20, s31, s26, $0xb8;
	[tilespmem:$0x1FAC0] =	vst v63  }
0x55: {  	_ =	swait.ge [sflag:s14], $0x2400  }
0x56: {  	[sflag:s14] =	ssyncset.done $0x0  }
0x57: {  	[sflag:s14] =	ssyncadd.s32 $0xFFFFDC00  }
0x58: {  	_ =	swait.ge [sflag:s16], $0x2400  }
0x59: {  	[sflag:s16] =	ssyncset.done $0x0  }
0x5a: {  	[sflag:s16] =	ssyncadd.s32 $0xFFFFDC00  }
0x5b: {  	[bflag:$0x0] =	sbarrier.arrive $0xFFFF  }
0x5c: {  	s21 =	rddreg [dreg:$0x11]  }
0x5d: {  	[hbm:s21], [sflag:s8] =	dma.local [spmem:s18], $0x3100  }
0x5e: {  	_ =	swait.ge [sflag:s25], $0x3100  }
0x5f: {  	s17 =	sadd.s32 $0x1, s17;
	s22 =	rddreg [dreg:$0x12]  }
0x60: {  	p1 =	sne.s32 s17, s22  }
.Ltmp1:
0x61: {  	_ = 	snop;
	(pc) =	sbr.rel @!p1 .LBB2_9-.Ltmp1, $3  }
0x62: {  	_ =	sdelay $0x1  }
0x63: {  	[sflag:s25] =	ssyncset.done $0x0  }
0x64: {  	[sflag:s25] =	ssyncadd.s32 $0xFFFFCF00  }
.LBB2_1:
0x65: {  	s18 =	rddreg [dreg:$0x3]  }
0x66: {  	s19 =	rddreg [dreg:$0x4];
	s18 =	sshrl.u32 s18, $0x3  }
0x67: {  	[spmem:s18], [sflag:s8] =	dma.local [hbm:s19], $0x3100  }
0x68: {  	_ =	swait.ge [sflag:s25], $0x3100  }
0x69: {  	[sflag:s25] =	ssyncset.done $0x0  }
0x6a: {  	[sflag:s25] =	ssyncadd.s32 $0xFFFFCF00  }
0x6b: {  	[bflag:$0x0] =	sbarrier.arrive $0xFFFF  }
0x6c: {  	s20 =	rddreg [dreg:$0x5]  }
0x6d: {  	[tilespmem:s3], [sflag:$0x1] =	stream.linear.gather [hbm4b:s20+s3], $0x120, $0x38;
	[tilespmem:$0x1FAC0] =	vst v63  }
0x6e: {  	s21 =	rddreg [dreg:$0x6]  }
0x6f: {  	[tilespmem:s26], [sflag:$0x1] =	stream.linear.gather [hbm4b:s21+s3], $0x120, $0x38;
	[tilespmem:$0x1FAC0] =	vst v63  }
0x70: {  	s22 =	rddreg [dreg:$0x7]  }
0x71: {  	[tilespmem:s28], [sflag:$0x2] =	stream.linear.gather [hbm4b:s22+s3], $0x120, $0x38;
	[tilespmem:$0x1FAC0] =	vst v63  }
0x72: {  	s20 =	rddreg [dreg:$0x8]  }
0x73: {  	[tilespmem:s29], [sflag:$0x2] =	stream.linear.gather [hbm4b:s20+s3], $0x120, $0x38;
	[tilespmem:$0x1FAC0] =	vst v63  }
0x74: {  	s21 =	rddreg [dreg:$0x9]  }
0x75: {  	[tilespmem:s30], [sflag:$0x3] =	stream.linear.gather [hbm4b:s21+s3], $0x120, $0x38;
	[tilespmem:$0x1FAC0] =	vst v63  }
0x76: {  	s22 =	rddreg [dreg:$0xa]  }
0x77: {  	[tilespmem:s31], [sflag:$0x3] =	stream.linear.gather [hbm4b:s22+s3], $0x120, $0x38;
	[tilespmem:$0x1FAC0] =	vst v63  }
0x78: {  	_ =	swait.ge [sflag:s0], $0x120  }
.Ltmp2:
0x79: {  	[sflag:s0] =	ssyncset.done $0x0;
	(pc) =	sbr.rel @!p0 .LBB2_2-.Ltmp2, $4  }
0x7a: {  	[sflag:s0] =	ssyncadd.s32 $0xFFFFFEE0  }
0x7b: {  	_ =	swait.ge [sflag:s0], $0x120  }
0x7c: {  	[sflag:s0] =	ssyncset.done $0x0  }
0x7d: {  	s19 =	simm.s32 $0x0;
	[sflag:s0] =	ssyncadd.s32 $0xFFFFFEE0  }
0x7e: {  	[tilespmem:s1], [sflag:$0x4] =	stream.indirect.gather [hbm4b:s5+s26], $0x20, s19, s26, $0xb8;
	[tilespmem:$0x1FAC0] =	vst v63  }
0x7f: {  	_ =	swait.ge [sflag:s6], $0x120  }
0x80: {  	[sflag:s6] =	ssyncset.done $0x0  }
0x81: {  	[sflag:s6] =	ssyncadd.s32 $0xFFFFFEE0  }
0x82: {  	_ =	swait.ge [sflag:s6], $0x120  }
0x83: {  	[sflag:s6] =	ssyncset.done $0x0  }
0x84: {  	[sflag:s6] =	ssyncadd.s32 $0xFFFFFEE0  }
0x85: {  	[tilespmem:s7], [sflag:$0x5] =	stream.indirect.gather [hbm4b:s5+s26], $0x20, s28, s26, $0xb8;
	[tilespmem:$0x1FAC0] =	vst v63  }
0x86: {  	_ =	swait.ge [sflag:s9], $0x2400  }
0x87: {  	[sflag:s9] =	ssyncset.done $0x0  }
0x88: {  	[sflag:s9] =	ssyncadd.s32 $0xFFFFDC00  }
0x89: {  	[spmem:s2] =	stream.indirect.scatter.add.f32 [tilespmem:s1], [sflag:$0x7], $0x20, s26, s26, $0xb8;
	[tilespmem:$0x1FAC0] =	vst v63  }
0x8a: {  	_ =	swait.ge [sflag:s10], $0x2400  }
0x8b: {  	[sflag:s10] =	ssyncset.done $0x0  }
0x8c: {  	s20 =	rddreg [dreg:$0xb];
	[sflag:s10] =	ssyncadd.s32 $0xFFFFDC00  }
0x8d: {  	[tilespmem:s19], [sflag:$0x1] =	stream.linear.gather [hbm4b:s20+s19], $0x120, $0x38;
	[tilespmem:$0x1FAC0] =	vst v63  }
0x8e: {  	s21 =	rddreg [dreg:$0xc]  }
0x8f: {  	[tilespmem:s26], [sflag:$0x1] =	stream.linear.gather [hbm4b:s21+s19], $0x120, $0x38;
	[tilespmem:$0x1FAC0] =	vst v63  }
0x90: {  	_ =	swait.ge [sflag:s11], $0x120  }
0x91: {  	[sflag:s11] =	ssyncset.done $0x0  }
0x92: {  	[sflag:s11] =	ssyncadd.s32 $0xFFFFFEE0  }
0x93: {  	_ =	swait.ge [sflag:s11], $0x120  }
0x94: {  	[sflag:s11] =	ssyncset.done $0x0  }
0x95: {  	[sflag:s11] =	ssyncadd.s32 $0xFFFFFEE0  }
0x96: {  	[tilespmem:s12], [sflag:$0x6] =	stream.indirect.gather [hbm4b:s5+s26], $0x20, s30, s26, $0xb8;
	[tilespmem:$0x1FAC0] =	vst v63  }
0x97: {  	_ =	swait.ge [sflag:s13], $0x2400  }
0x98: {  	[sflag:s13] =	ssyncset.done $0x0  }
0x99: {  	[sflag:s13] =	ssyncadd.s32 $0xFFFFDC00  }
0x9a: {  	[spmem:s2] =	stream.indirect.scatter.add.f32 [tilespmem:s7], [sflag:$0x8], $0x20, s29, s26, $0xb8;
	[tilespmem:$0x1FAC0] =	vst v63  }
0x9b: {  	_ =	swait.ge [sflag:s14], $0x2400  }
0x9c: {  	s19 =	sadd.s32 $0x0, s24;
	[sflag:s14] =	ssyncset.done $0x0  }
0x9d: {  	s21 =	sadd.s32 $0x0, s23;
	s22 =	sadd.s32 $0x90, s19;
	[sflag:s14] =	ssyncadd.s32 $0xFFFFDC00  }
0x9e: {  	[tilespmem:s28], [sflag:$0x2] =	stream.linear.gather [hbm4b:s22+s3], $0x120, $0x38;
	[tilespmem:$0x1FAC0] =	vst v63  }
0x9f: {  	s22 =	sadd.s32 $0x90, s21  }
0xa0: {  	[tilespmem:s29], [sflag:$0x2] =	stream.linear.gather [hbm4b:s22+s3], $0x120, $0x38;
	[tilespmem:$0x1FAC0] =	vst v63  }
0xa1: {  	_ =	swait.ge [sflag:s0], $0x120  }
0xa2: {  	[sflag:s0] =	ssyncset.done $0x0  }
0xa3: {  	[sflag:s0] =	ssyncadd.s32 $0xFFFFFEE0  }
0xa4: {  	_ =	swait.ge [sflag:s0], $0x120  }
0xa5: {  	[sflag:s0] =	ssyncset.done $0x0  }
0xa6: {  	[sflag:s0] =	ssyncadd.s32 $0xFFFFFEE0  }
0xa7: {  	[tilespmem:s1], [sflag:$0x4] =	stream.indirect.gather [hbm4b:s5+s26], $0x20, s3, s26, $0xb8;
	[tilespmem:$0x1FAC0] =	vst v63  }
0xa8: {  	_ =	swait.ge [sflag:s15], $0x2400  }
0xa9: {  	[sflag:s15] =	ssyncset.done $0x0  }
0xaa: {  	[sflag:s15] =	ssyncadd.s32 $0xFFFFDC00  }
0xab: {  	[spmem:s2] =	stream.indirect.scatter.add.f32 [tilespmem:s12], [sflag:$0x9], $0x20, s31, s26, $0xb8;
	[tilespmem:$0x1FAC0] =	vst v63  }
0xac: {  	_ =	swait.ge [sflag:s16], $0x2400  }
0xad: {  	[sflag:s16] =	ssyncset.done $0x0  }
0xae: {  	s22 =	sadd.s32 $0xB4, s19;
	[sflag:s16] =	ssyncadd.s32 $0xFFFFDC00  }
0xaf: {  	[tilespmem:s30], [sflag:$0x3] =	stream.linear.gather [hbm4b:s22+s3], $0x120, $0x38;
	[tilespmem:$0x1FAC0] =	vst v63  }
0xb0: {  	s22 =	sadd.s32 $0xB4, s21  }
0xb1: {  	[tilespmem:s31], [sflag:$0x3] =	stream.linear.gather [hbm4b:s22+s3], $0x120, $0x38;
	[tilespmem:$0x1FAC0] =	vst v63  }
0xb2: {  	_ =	swait.ge [sflag:s6], $0x120  }
0xb3: {  	[sflag:s6] =	ssyncset.done $0x0  }
0xb4: {  	[sflag:s6] =	ssyncadd.s32 $0xFFFFFEE0  }
0xb5: {  	_ =	swait.ge [sflag:s6], $0x120  }
0xb6: {  	[sflag:s6] =	ssyncset.done $0x0  }
0xb7: {  	[sflag:s6] =	ssyncadd.s32 $0xFFFFFEE0  }
0xb8: {  	[tilespmem:s7], [sflag:$0x5] =	stream.indirect.gather [hbm4b:s5+s26], $0x20, s28, s26, $0xb8;
	[tilespmem:$0x1FAC0] =	vst v63  }
0xb9: {  	_ =	swait.ge [sflag:s9], $0x2400  }
0xba: {  	[sflag:s9] =	ssyncset.done $0x0  }
0xbb: {  	[sflag:s9] =	ssyncadd.s32 $0xFFFFDC00  }
0xbc: {  	[spmem:s2] =	stream.indirect.scatter.add.f32 [tilespmem:s1], [sflag:$0x7], $0x20, s26, s26, $0xb8;
	[tilespmem:$0x1FAC0] =	vst v63  }
0xbd: {  	_ =	swait.ge [sflag:s10], $0x2400  }
0xbe: {  	[sflag:s10] =	ssyncset.done $0x0  }
0xbf: {  	s19 =	sadd.s32 $0xD8, s19;
	[sflag:s10] =	ssyncadd.s32 $0xFFFFDC00  }
0xc0: {  	[tilespmem:s3], [sflag:$0x1] =	stream.linear.gather [hbm4b:s19+s3], $0x120, $0x38;
	[tilespmem:$0x1FAC0] =	vst v63  }
0xc1: {  	s22 =	sadd.s32 $0xD8, s21  }
0xc2: {  	[tilespmem:s26], [sflag:$0x1] =	stream.linear.gather [hbm4b:s22+s3], $0x120, $0x38;
	[tilespmem:$0x1FAC0] =	vst v63  }
0xc3: {  	_ =	swait.ge [sflag:s11], $0x120  }
0xc4: {  	[sflag:s11] =	ssyncset.done $0x0  }
0xc5: {  	[sflag:s11] =	ssyncadd.s32 $0xFFFFFEE0  }
0xc6: {  	_ =	swait.ge [sflag:s11], $0x120  }
0xc7: {  	[sflag:s11] =	ssyncset.done $0x0  }
0xc8: {  	[sflag:s11] =	ssyncadd.s32 $0xFFFFFEE0  }
0xc9: {  	[tilespmem:s12], [sflag:$0x6] =	stream.indirect.gather [hbm4b:s5+s26], $0x20, s30, s26, $0xb8;
	[tilespmem:$0x1FAC0] =	vst v63  }
0xca: {  	_ =	swait.ge [sflag:s13], $0x2400  }
0xcb: {  	[sflag:s13] =	ssyncset.done $0x0  }
0xcc: {  	s19 =	simm.s32 $0x6C;
	[sflag:s13] =	ssyncadd.s32 $0xFFFFDC00  }
.LBB2_6:
0xcd: {  	[spmem:s2] =	stream.indirect.scatter.add.f32 [tilespmem:s7], [sflag:$0x8], $0x20, s29, s26, $0xb8;
	[tilespmem:$0x1FAC0] =	vst v63  }
0xce: {  	s21 =	smov.u32 s19  }
0xcf: {  	p1 =	sne.s32 s19, $0x1734;
	s19 =	sadd.s32 $0x6C, s19;
	_ =	swait.ge [sflag:s14], $0x2400  }
0xd0: {  	s20 =	sadd.s32 s21, s24;
	[sflag:s14] =	ssyncset.done $0x0  }
0xd1: {  	s21 =	sadd.s32 s21, s23;
	s22 =	sadd.s32 $0x90, s20;
	[sflag:s14] =	ssyncadd.s32 $0xFFFFDC00  }
0xd2: {  	[tilespmem:s28], [sflag:$0x2] =	stream.linear.gather [hbm4b:s22+s3], $0x120, $0x38;
	[tilespmem:$0x1FAC0] =	vst v63  }
0xd3: {  	s22 =	sadd.s32 $0x90, s21  }
0xd4: {  	[tilespmem:s29], [sflag:$0x2] =	stream.linear.gather [hbm4b:s22+s3], $0x120, $0x38;
	[tilespmem:$0x1FAC0] =	vst v63  }
0xd5: {  	_ =	swait.ge [sflag:s0], $0x120  }
0xd6: {  	[sflag:s0] =	ssyncset.done $0x0  }
0xd7: {  	[sflag:s0] =	ssyncadd.s32 $0xFFFFFEE0  }
0xd8: {  	_ =	swait.ge [sflag:s0], $0x120  }
0xd9: {  	[sflag:s0] =	ssyncset.done $0x0  }
0xda: {  	[sflag:s0] =	ssyncadd.s32 $0xFFFFFEE0  }
0xdb: {  	[tilespmem:s1], [sflag:$0x4] =	stream.indirect.gather [hbm4b:s5+s26], $0x20, s3, s26, $0xb8;
	[tilespmem:$0x1FAC0] =	vst v63  }
0xdc: {  	_ =	swait.ge [sflag:s15], $0x2400  }
0xdd: {  	[sflag:s15] =	ssyncset.done $0x0  }
0xde: {  	[sflag:s15] =	ssyncadd.s32 $0xFFFFDC00  }
0xdf: {  	[spmem:s2] =	stream.indirect.scatter.add.f32 [tilespmem:s12], [sflag:$0x9], $0x20, s31, s26, $0xb8;
	[tilespmem:$0x1FAC0] =	vst v63  }
0xe0: {  	_ =	swait.ge [sflag:s16], $0x2400  }
0xe1: {  	[sflag:s16] =	ssyncset.done $0x0  }
0xe2: {  	s22 =	sadd.s32 $0xB4, s20;
	[sflag:s16] =	ssyncadd.s32 $0xFFFFDC00  }
0xe3: {  	[tilespmem:s30], [sflag:$0x3] =	stream.linear.gather [hbm4b:s22+s3], $0x120, $0x38;
	[tilespmem:$0x1FAC0] =	vst v63  }
0xe4: {  	s22 =	sadd.s32 $0xB4, s21  }
0xe5: {  	[tilespmem:s31], [sflag:$0x3] =	stream.linear.gather [hbm4b:s22+s3], $0x120, $0x38;
	[tilespmem:$0x1FAC0] =	vst v63  }
0xe6: {  	_ =	swait.ge [sflag:s6], $0x120  }
0xe7: {  	[sflag:s6] =	ssyncset.done $0x0  }
0xe8: {  	[sflag:s6] =	ssyncadd.s32 $0xFFFFFEE0  }
0xe9: {  	_ =	swait.ge [sflag:s6], $0x120  }
0xea: {  	[sflag:s6] =	ssyncset.done $0x0  }
0xeb: {  	[sflag:s6] =	ssyncadd.s32 $0xFFFFFEE0  }
0xec: {  	[tilespmem:s7], [sflag:$0x5] =	stream.indirect.gather [hbm4b:s5+s26], $0x20, s28, s26, $0xb8;
	[tilespmem:$0x1FAC0] =	vst v63  }
0xed: {  	_ =	swait.ge [sflag:s9], $0x2400  }
0xee: {  	[sflag:s9] =	ssyncset.done $0x0  }
0xef: {  	[sflag:s9] =	ssyncadd.s32 $0xFFFFDC00  }
0xf0: {  	[spmem:s2] =	stream.indirect.scatter.add.f32 [tilespmem:s1], [sflag:$0x7], $0x20, s26, s26, $0xb8;
	[tilespmem:$0x1FAC0] =	vst v63  }
0xf1: {  	_ =	swait.ge [sflag:s10], $0x2400  }
0xf2: {  	[sflag:s10] =	ssyncset.done $0x0  }
0xf3: {  	s20 =	sadd.s32 $0xD8, s20;
	[sflag:s10] =	ssyncadd.s32 $0xFFFFDC00  }
0xf4: {  	[tilespmem:s3], [sflag:$0x1] =	stream.linear.gather [hbm4b:s20+s3], $0x120, $0x38;
	[tilespmem:$0x1FAC0] =	vst v63  }
0xf5: {  	s20 =	sadd.s32 $0xD8, s21  }
0xf6: {  	[tilespmem:s26], [sflag:$0x1] =	stream.linear.gather [hbm4b:s20+s3], $0x120, $0x38;
	[tilespmem:$0x1FAC0] =	vst v63  }
0xf7: {  	_ =	swait.ge [sflag:s11], $0x120  }
0xf8: {  	[sflag:s11] =	ssyncset.done $0x0  }
0xf9: {  	[sflag:s11] =	ssyncadd.s32 $0xFFFFFEE0  }
0xfa: {  	_ =	swait.ge [sflag:s11], $0x120  }
0xfb: {  	[sflag:s11] =	ssyncset.done $0x0  }
.Ltmp3:
0xfc: {  	[sflag:s11] =	ssyncadd.s32 $0xFFFFFEE0;
	(pc) =	sbr.rel @p1 .LBB2_6-.Ltmp3, $4  }
0xfd: {  	[tilespmem:s12], [sflag:$0x6] =	stream.indirect.gather [hbm4b:s5+s26], $0x20, s30, s26, $0xb8;
	[tilespmem:$0x1FAC0] =	vst v63  }
0xfe: {  	_ =	swait.ge [sflag:s13], $0x2400  }
0xff: {  	[sflag:s13] =	ssyncset.done $0x0  }
0x100: {  	[sflag:s13] =	ssyncadd.s32 $0xFFFFDC00  }
.Ltmp4:
0x101: {  	_ = 	snop;
	(pc) =	sbr.rel .LBB2_7-.Ltmp4, $1  }
0x102: {  	_ =	sdelay $0x3  }
.LBB2_2:
0x103: {  	[tilespmem:s1], [sflag:$0x4] =	stream.indirect.gather [hbm4b:s4+s26], $0x20, s19, s26, $0xb8;
	[tilespmem:$0x1FAC0] =	vst v63  }
0x104: {  	_ =	swait.ge [sflag:s6], $0x120  }
0x105: {  	[sflag:s6] =	ssyncset.done $0x0  }
0x106: {  	[sflag:s6] =	ssyncadd.s32 $0xFFFFFEE0  }
0x107: {  	_ =	swait.ge [sflag:s6], $0x120  }
0x108: {  	[sflag:s6] =	ssyncset.done $0x0  }
0x109: {  	[sflag:s6] =	ssyncadd.s32 $0xFFFFFEE0  }
0x10a: {  	[tilespmem:s7], [sflag:$0x5] =	stream.indirect.gather [hbm4b:s4+s26], $0x20, s28, s26, $0xb8;
	[tilespmem:$0x1FAC0] =	vst v63  }
0x10b: {  	_ =	swait.ge [sflag:s9], $0x2400  }
0x10c: {  	[sflag:s9] =	ssyncset.done $0x0  }
0x10d: {  	[sflag:s9] =	ssyncadd.s32 $0xFFFFDC00  }
0x10e: {  	[spmem:s2] =	stream.indirect.scatter.add.f32 [tilespmem:s1], [sflag:$0x7], $0x20, s26, s26, $0xb8;
	[tilespmem:$0x1FAC0] =	vst v63  }
0x10f: {  	_ =	swait.ge [sflag:s10], $0x2400  }
0x110: {  	[sflag:s10] =	ssyncset.done $0x0  }
0x111: {  	s20 =	rddreg [dreg:$0xb];
	[sflag:s10] =	ssyncadd.s32 $0xFFFFDC00  }
0x112: {  	[tilespmem:s19], [sflag:$0x1] =	stream.linear.gather [hbm4b:s20+s19], $0x120, $0x38;
	[tilespmem:$0x1FAC0] =	vst v63  }
0x113: {  	s21 =	rddreg [dreg:$0xc]  }
0x114: {  	[tilespmem:s26], [sflag:$0x1] =	stream.linear.gather [hbm4b:s21+s19], $0x120, $0x38;
	[tilespmem:$0x1FAC0] =	vst v63  }
0x115: {  	_ =	swait.ge [sflag:s11], $0x120  }
0x116: {  	[sflag:s11] =	ssyncset.done $0x0  }
0x117: {  	[sflag:s11] =	ssyncadd.s32 $0xFFFFFEE0  }
0x118: {  	_ =	swait.ge [sflag:s11], $0x120  }
0x119: {  	[sflag:s11] =	ssyncset.done $0x0  }
0x11a: {  	[sflag:s11] =	ssyncadd.s32 $0xFFFFFEE0  }
0x11b: {  	[tilespmem:s12], [sflag:$0x6] =	stream.indirect.gather [hbm4b:s4+s26], $0x20, s30, s26, $0xb8;
	[tilespmem:$0x1FAC0] =	vst v63  }
0x11c: {  	_ =	swait.ge [sflag:s13], $0x2400  }
0x11d: {  	[sflag:s13] =	ssyncset.done $0x0  }
0x11e: {  	[sflag:s13] =	ssyncadd.s32 $0xFFFFDC00  }
0x11f: {  	[spmem:s2] =	stream.indirect.scatter.add.f32 [tilespmem:s7], [sflag:$0x8], $0x20, s29, s26, $0xb8;
	[tilespmem:$0x1FAC0] =	vst v63  }
0x120: {  	_ =	swait.ge [sflag:s14], $0x2400  }
0x121: {  	s19 =	sadd.s32 $0x0, s24;
	[sflag:s14] =	ssyncset.done $0x0  }
0x122: {  	s21 =	sadd.s32 $0x0, s23;
	s22 =	sadd.s32 $0x90, s19;
	[sflag:s14] =	ssyncadd.s32 $0xFFFFDC00  }
0x123: {  	[tilespmem:s28], [sflag:$0x2] =	stream.linear.gather [hbm4b:s22+s3], $0x120, $0x38;
	[tilespmem:$0x1FAC0] =	vst v63  }
0x124: {  	s22 =	sadd.s32 $0x90, s21  }
0x125: {  	[tilespmem:s29], [sflag:$0x2] =	stream.linear.gather [hbm4b:s22+s3], $0x120, $0x38;
	[tilespmem:$0x1FAC0] =	vst v63  }
0x126: {  	_ =	swait.ge [sflag:s0], $0x120  }
0x127: {  	[sflag:s0] =	ssyncset.done $0x0  }
0x128: {  	[sflag:s0] =	ssyncadd.s32 $0xFFFFFEE0  }
0x129: {  	_ =	swait.ge [sflag:s0], $0x120  }
0x12a: {  	[sflag:s0] =	ssyncset.done $0x0  }
0x12b: {  	[sflag:s0] =	ssyncadd.s32 $0xFFFFFEE0  }
0x12c: {  	[tilespmem:s1], [sflag:$0x4] =	stream.indirect.gather [hbm4b:s4+s26], $0x20, s3, s26, $0xb8;
	[tilespmem:$0x1FAC0] =	vst v63  }
0x12d: {  	_ =	swait.ge [sflag:s15], $0x2400  }
0x12e: {  	[sflag:s15] =	ssyncset.done $0x0  }
0x12f: {  	[sflag:s15] =	ssyncadd.s32 $0xFFFFDC00  }
0x130: {  	[spmem:s2] =	stream.indirect.scatter.add.f32 [tilespmem:s12], [sflag:$0x9], $0x20, s31, s26, $0xb8;
	[tilespmem:$0x1FAC0] =	vst v63  }
0x131: {  	_ =	swait.ge [sflag:s16], $0x2400  }
0x132: {  	[sflag:s16] =	ssyncset.done $0x0  }
0x133: {  	s22 =	sadd.s32 $0xB4, s19;
	[sflag:s16] =	ssyncadd.s32 $0xFFFFDC00  }
0x134: {  	[tilespmem:s30], [sflag:$0x3] =	stream.linear.gather [hbm4b:s22+s3], $0x120, $0x38;
	[tilespmem:$0x1FAC0] =	vst v63  }
0x135: {  	s22 =	sadd.s32 $0xB4, s21  }
0x136: {  	[tilespmem:s31], [sflag:$0x3] =	stream.linear.gather [hbm4b:s22+s3], $0x120, $0x38;
	[tilespmem:$0x1FAC0] =	vst v63  }
0x137: {  	_ =	swait.ge [sflag:s6], $0x120  }
0x138: {  	[sflag:s6] =	ssyncset.done $0x0  }
0x139: {  	[sflag:s6] =	ssyncadd.s32 $0xFFFFFEE0  }
0x13a: {  	_ =	swait.ge [sflag:s6], $0x120  }
0x13b: {  	[sflag:s6] =	ssyncset.done $0x0  }
0x13c: {  	[sflag:s6] =	ssyncadd.s32 $0xFFFFFEE0  }
0x13d: {  	[tilespmem:s7], [sflag:$0x5] =	stream.indirect.gather [hbm4b:s4+s26], $0x20, s28, s26, $0xb8;
	[tilespmem:$0x1FAC0] =	vst v63  }
0x13e: {  	_ =	swait.ge [sflag:s9], $0x2400  }
0x13f: {  	[sflag:s9] =	ssyncset.done $0x0  }
0x140: {  	[sflag:s9] =	ssyncadd.s32 $0xFFFFDC00  }
0x141: {  	[spmem:s2] =	stream.indirect.scatter.add.f32 [tilespmem:s1], [sflag:$0x7], $0x20, s26, s26, $0xb8;
	[tilespmem:$0x1FAC0] =	vst v63  }
0x142: {  	_ =	swait.ge [sflag:s10], $0x2400  }
0x143: {  	[sflag:s10] =	ssyncset.done $0x0  }
0x144: {  	s19 =	sadd.s32 $0xD8, s19;
	[sflag:s10] =	ssyncadd.s32 $0xFFFFDC00  }
0x145: {  	[tilespmem:s3], [sflag:$0x1] =	stream.linear.gather [hbm4b:s19+s3], $0x120, $0x38;
	[tilespmem:$0x1FAC0] =	vst v63  }
0x146: {  	s22 =	sadd.s32 $0xD8, s21  }
0x147: {  	[tilespmem:s26], [sflag:$0x1] =	stream.linear.gather [hbm4b:s22+s3], $0x120, $0x38;
	[tilespmem:$0x1FAC0] =	vst v63  }
0x148: {  	_ =	swait.ge [sflag:s11], $0x120  }
0x149: {  	[sflag:s11] =	ssyncset.done $0x0  }
0x14a: {  	[sflag:s11] =	ssyncadd.s32 $0xFFFFFEE0  }
0x14b: {  	_ =	swait.ge [sflag:s11], $0x120  }
0x14c: {  	[sflag:s11] =	ssyncset.done $0x0  }
0x14d: {  	[sflag:s11] =	ssyncadd.s32 $0xFFFFFEE0  }
0x14e: {  	[tilespmem:s12], [sflag:$0x6] =	stream.indirect.gather [hbm4b:s4+s26], $0x20, s30, s26, $0xb8;
	[tilespmem:$0x1FAC0] =	vst v63  }
0x14f: {  	_ =	swait.ge [sflag:s13], $0x2400  }
0x150: {  	[sflag:s13] =	ssyncset.done $0x0  }
0x151: {  	s19 =	simm.s32 $0x6C;
	[sflag:s13] =	ssyncadd.s32 $0xFFFFDC00  }
.LBB2_3:
0x152: {  	[spmem:s2] =	stream.indirect.scatter.add.f32 [tilespmem:s7], [sflag:$0x8], $0x20, s29, s26, $0xb8;
	[tilespmem:$0x1FAC0] =	vst v63  }
0x153: {  	s21 =	smov.u32 s19  }
0x154: {  	p1 =	seq.s32 s19, $0x1734;
	s19 =	sadd.s32 $0x6C, s19;
	_ =	swait.ge [sflag:s14], $0x2400  }
0x155: {  	s20 =	sadd.s32 s21, s24;
	[sflag:s14] =	ssyncset.done $0x0  }
0x156: {  	s21 =	sadd.s32 s21, s23;
	s22 =	sadd.s32 $0x90, s20;
	[sflag:s14] =	ssyncadd.s32 $0xFFFFDC00  }
0x157: {  	[tilespmem:s28], [sflag:$0x2] =	stream.linear.gather [hbm4b:s22+s3], $0x120, $0x38;
	[tilespmem:$0x1FAC0] =	vst v63  }
0x158: {  	s22 =	sadd.s32 $0x90, s21  }
0x159: {  	[tilespmem:s29], [sflag:$0x2] =	stream.linear.gather [hbm4b:s22+s3], $0x120, $0x38;
	[tilespmem:$0x1FAC0] =	vst v63  }
0x15a: {  	_ =	swait.ge [sflag:s0], $0x120  }
0x15b: {  	[sflag:s0] =	ssyncset.done $0x0  }
0x15c: {  	[sflag:s0] =	ssyncadd.s32 $0xFFFFFEE0  }
0x15d: {  	_ =	swait.ge [sflag:s0], $0x120  }
0x15e: {  	[sflag:s0] =	ssyncset.done $0x0  }
0x15f: {  	[sflag:s0] =	ssyncadd.s32 $0xFFFFFEE0  }
0x160: {  	[tilespmem:s1], [sflag:$0x4] =	stream.indirect.gather [hbm4b:s4+s26], $0x20, s3, s26, $0xb8;
	[tilespmem:$0x1FAC0] =	vst v63  }
0x161: {  	_ =	swait.ge [sflag:s15], $0x2400  }
0x162: {  	[sflag:s15] =	ssyncset.done $0x0  }
0x163: {  	[sflag:s15] =	ssyncadd.s32 $0xFFFFDC00  }
0x164: {  	[spmem:s2] =	stream.indirect.scatter.add.f32 [tilespmem:s12], [sflag:$0x9], $0x20, s31, s26, $0xb8;
	[tilespmem:$0x1FAC0] =	vst v63  }
0x165: {  	_ =	swait.ge [sflag:s16], $0x2400  }
0x166: {  	[sflag:s16] =	ssyncset.done $0x0  }
0x167: {  	s22 =	sadd.s32 $0xB4, s20;
	[sflag:s16] =	ssyncadd.s32 $0xFFFFDC00  }
0x168: {  	[tilespmem:s30], [sflag:$0x3] =	stream.linear.gather [hbm4b:s22+s3], $0x120, $0x38;
	[tilespmem:$0x1FAC0] =	vst v63  }
0x169: {  	s22 =	sadd.s32 $0xB4, s21  }
0x16a: {  	[tilespmem:s31], [sflag:$0x3] =	stream.linear.gather [hbm4b:s22+s3], $0x120, $0x38;
	[tilespmem:$0x1FAC0] =	vst v63  }
0x16b: {  	_ =	swait.ge [sflag:s6], $0x120  }
0x16c: {  	[sflag:s6] =	ssyncset.done $0x0  }
0x16d: {  	[sflag:s6] =	ssyncadd.s32 $0xFFFFFEE0  }
0x16e: {  	_ =	swait.ge [sflag:s6], $0x120  }
0x16f: {  	[sflag:s6] =	ssyncset.done $0x0  }
0x170: {  	[sflag:s6] =	ssyncadd.s32 $0xFFFFFEE0  }
0x171: {  	[tilespmem:s7], [sflag:$0x5] =	stream.indirect.gather [hbm4b:s4+s26], $0x20, s28, s26, $0xb8;
	[tilespmem:$0x1FAC0] =	vst v63  }
0x172: {  	_ =	swait.ge [sflag:s9], $0x2400  }
0x173: {  	[sflag:s9] =	ssyncset.done $0x0  }
0x174: {  	[sflag:s9] =	ssyncadd.s32 $0xFFFFDC00  }
0x175: {  	[spmem:s2] =	stream.indirect.scatter.add.f32 [tilespmem:s1], [sflag:$0x7], $0x20, s26, s26, $0xb8;
	[tilespmem:$0x1FAC0] =	vst v63  }
0x176: {  	_ =	swait.ge [sflag:s10], $0x2400  }
0x177: {  	[sflag:s10] =	ssyncset.done $0x0  }
0x178: {  	s20 =	sadd.s32 $0xD8, s20;
	[sflag:s10] =	ssyncadd.s32 $0xFFFFDC00  }
0x179: {  	[tilespmem:s3], [sflag:$0x1] =	stream.linear.gather [hbm4b:s20+s3], $0x120, $0x38;
	[tilespmem:$0x1FAC0] =	vst v63  }
0x17a: {  	s20 =	sadd.s32 $0xD8, s21  }
0x17b: {  	[tilespmem:s26], [sflag:$0x1] =	stream.linear.gather [hbm4b:s20+s3], $0x120, $0x38;
	[tilespmem:$0x1FAC0] =	vst v63  }
0x17c: {  	_ =	swait.ge [sflag:s11], $0x120  }
0x17d: {  	[sflag:s11] =	ssyncset.done $0x0  }
0x17e: {  	[sflag:s11] =	ssyncadd.s32 $0xFFFFFEE0  }
0x17f: {  	_ =	swait.ge [sflag:s11], $0x120  }
0x180: {  	[sflag:s11] =	ssyncset.done $0x0  }
.Ltmp5:
0x181: {  	[sflag:s11] =	ssyncadd.s32 $0xFFFFFEE0;
	(pc) =	sbr.rel @!p1 .LBB2_3-.Ltmp5, $4  }
0x182: {  	[tilespmem:s12], [sflag:$0x6] =	stream.indirect.gather [hbm4b:s4+s26], $0x20, s30, s26, $0xb8;
	[tilespmem:$0x1FAC0] =	vst v63  }
0x183: {  	_ =	swait.ge [sflag:s13], $0x2400  }
0x184: {  	[sflag:s13] =	ssyncset.done $0x0  }
0x185: {  	[sflag:s13] =	ssyncadd.s32 $0xFFFFDC00  }
.Ltmp6:
0x186: {  	(pc) =	sbr.rel .LBB2_8-.Ltmp6, $3  }
0x187: {  	_ =	sdelay $0x1  }
0x188: {  	[spmem:s2] =	stream.indirect.scatter.add.f32 [tilespmem:s7], [sflag:$0x8], $0x20, s29, s26, $0xb8;
	[tilespmem:$0x1FAC0] =	vst v63  }
0x189: {  	s19 =	smov.u32 s4  }
.LBB2_9:
0x18a: {  	_ =	sfence.sel $0x180000  }
0x18b: {  	[bflag:$0x0] =	sbarrier.arrive $0xFFFF  }
0x18c: {  	_ =	strace $0x9000004A  }
0x18d: {  	s0 =	stileid.u32;
	[bflag:$0x2] =	sbarrier.arrive $0xFFFF  }
0x18e: {  	p0 =	sne.s32 s0, $0x0;
	s0 =	rddreg [dreg:$0x2]  }
0x18f: {  	s0 =	sadd.s32 @!p0 $0x100000, s0  }
0x190: {  	[sflag:s0] =	ssyncadd.tile.s32 @!p0 $0x1;
	_ =	shalt  }
.Lfunc_end2:
_tile_overlayer_lowered:
.L_overlay_start_2:
0x191: {  	(tag) =	ssettag $0x2  }
0x192: {  	s0 =	rddreg [dreg:$0x0];
	s2 =	stileid.u32  }
0x193: {  	s1 =	rddreg [dreg:$0x1];
	p0 =	sne.s32 s2, $0x0  }
0x194: {  	s3 =	rddreg [dreg:$0x2];
	[bflag:$0x3] =	sbarrier.arrive $0xFFFF;
	s2 =	simm.s32 @!p0 $0x1C0A  }
0x195: {  	[timem:s3], [sflag:s2] =	dma.local @!p0 [hbm:s0], s1  }
0x196: {  	s0 =	simm.s32 @!p0 $0xA  }
0x197: {  	_ =	swait.ge @!p0 [sflag:s0], s1  }
0x198: {  	s1 =	ssub.s32 @!p0 $0x0, s1;
	[sflag:s0] =	ssyncset.done @!p0 $0x0  }
0x199: {  	[sflag:s0] =	ssyncadd.s32 @!p0 s1  }
0x19a: {  	[bflag:$0x3] =	sbarrier.arrive $0xFFFF  }
0x19b: {  	_ =	shalt  }

// kernel: kernel.14.cloned.1.call-start
scs
__scs_entry_jumppad:
0x0: {  	(pc) =	sbr.rel $0x88, $3  }
0x1: {  	(tag) =	ssettag $0x0;
	lr =	simm.s32 $0x1  }
0x2: {  	[smem:$0x3F99] =	sst lr;
	_ =	strace $0xD0000000  }
0x3: {  	_ = 	snop  }
0x4: {  	_ = 	snop  }
0x5: {  	_ = 	snop  }
0x6: {  	_ = 	snop  }
0x7: {  	_ = 	snop  }
__scs_overlays_trampoline_lowered:
0x8: {  	[smem:$0x3FA8] =	sst s0  }
0x9: {  	[smem:$0x3FA9] =	sst s1  }
0xa: {  	[smem:$0x3FAA] =	sst s2  }
0xb: {  	[smem:$0x3FAB] =	sst s3  }
0xc: {  	[smem:$0x3FAC] =	sst s4  }
0xd: {  	[smem:$0x3FAD] =	sst s5  }
0xe: {  	[smem:$0x3FAE] =	sst s6  }
0xf: {  	[smem:$0x3FAF] =	sst s7  }
0x10: {  	[smem:$0x3FB0] =	sst s8  }
0x11: {  	[smem:$0x3FB1] =	sst s9;
	s0 =	simm.s32 @!p0 $0x0  }
0x12: {  	s1 =	sld [smem:$0x3F97];
	s0 =	simm.s32 @p0 $0x1  }
0x13: {  	[smem:$0x3FB2] =	sst s0;
	s0 =	simm.s32 @!p1 $0x0  }
0x14: {  	s2 =	sld [smem:$0x3F96];
	s0 =	simm.s32 @p1 $0x1  }
0x15: {  	[smem:$0x3FB3] =	sst s0;
	s0 =	simm.s32 @!p2 $0x0  }
0x16: {  	s3 =	sld [smem:$0x3FDB];
	s0 =	simm.s32 @p2 $0x1  }
0x17: {  	s4 =	simm.s32 $0x1BF5;
	[smem:$0x3FB5] =	sst s0  }
0x18: {  	s0 =	sld [smem:$0x3F98];
	_ =	swait.ge [sflag:s4], $0x0  }
0x19: {  	s7 =	sld [smem:$0x3F99]  }
0x1a: {  	s8 =	sadd.s32 $0xFFFFE003, lr  }
0x1b: {  	s9 =	sadd.s32 $0xFFFFFEF7, lr;
	s5 =	simm.s32 $0xFFFFFFFF;
	p2 =	slt.u32 s8, $0xFFFFF086  }
0x1c: {  	p1 =	slt.u32 s9, $0xF7A;
	s5 =	simm.s32 @!p2 $0x0  }
0x1d: {  	s5 =	simm.s32 @p1 $0x1;
	p0 =	seq.s32 s7, s2  }
0x1e: {  	s7 =	smul.u32 @!p0 $0xF7A, s2;
	p2 =	seq.s32 @!p0 s5, $0x0  }
0x1f: {  	s9 =	smul.u32 $0xF7A, s1;
	s8 =	simm.s32 @!p0 $0x1BF5;
	p2 =	por !p2, p0  }
0x20: {  	[sflag:s8] =	ssyncset.s32 @!p0 $0xFFFFF086;
	s6 =	sadd.s32 @!p0 s3, s7;
	s7 =	simm.s32 @!p0 $0x108  }
0x21: {  	s3 =	sadd.s32 s3, s9;
	s6 =	sadd.s32 @!p0 $0x88, s6;
	s7 =	simm.s32 @p2 $0x1082  }
0x22: {  	[simem:s7], [sflag:s8] =	dma.local @!p0 [hbm:s6], $0xF7A  }
0x23: {  	s9 =	sor.u32 $0xD0000000, s2;
	s6 =	simm.s32 $0x108;
	_ =	swait.ge @!p0 [sflag:s8], $0x0  }
0x24: {  	s3 =	sadd.s32 $0x88, s3;
	s6 =	simm.s32 @!p1 $0x1082;
	[sflag:s4] =	ssyncset.s32 $0xFFFFF086  }
0x25: {  	[simem:s6], [sflag:s4] =	dma.local [hbm:s3], $0xF7A  }
0x26: {  	[smem:$0x3F99] =	sst s1;
	(tag) =	ssettag s2;
	_ =	strace s9  }
0x27: {  	s1 =	sld [smem:$0x3FA9]  }
0x28: {  	s2 =	sld [smem:$0x3FAA]  }
0x29: {  	s4 =	sld [smem:$0x3FAC]  }
0x2a: {  	p0 =	seq.s32 s5, $0x0;
	s5 =	sld [smem:$0x3FAD]  }
0x2b: {  	s6 =	sld [smem:$0x3FAE]  }
0x2c: {  	s7 =	sld [smem:$0x3FAF]  }
0x2d: {  	s3 =	simm.s32 $0x108;
	s8 =	sld [smem:$0x3FB0]  }
0x2e: {  	s3 =	simm.s32 @!p0 $0x1082;
	s9 =	sld [smem:$0x3FB1]  }
0x2f: {  	lr =	sadd.s32 s0, s3;
	s0 =	sld [smem:$0x3FA8]  }
0x30: {  	s3 =	sld [smem:$0x3FAB]  }
0x31: {  	[smem:$0x3FB4] =	sst s10  }
0x32: {  	s10 =	sld [smem:$0x3FB2];
	_ =	sdelay $0x3  }
0x33: {  	p0 =	seq.s32 s10, $0x1;
	s10 =	sld [smem:$0x3FB4];
	_ =	sdelay $0x3  }
0x34: {  	[smem:$0x3FB4] =	sst s10  }
0x35: {  	s10 =	sld [smem:$0x3FB3];
	_ =	sdelay $0x3  }
0x36: {  	p1 =	seq.s32 s10, $0x1;
	s10 =	sld [smem:$0x3FB4];
	_ =	sdelay $0x3  }
0x37: {  	[smem:$0x3FB4] =	sst s10  }
0x38: {  	s10 =	sld [smem:$0x3FB5]  }
0x39: {  	_ = 	snop;
	(pc) =	sbr.ind lr, $3  }
0x3a: {  	_ = 	snop  }
0x3b: {  	_ = 	snop  }
0x3c: {  	p2 =	seq.s32 s10, $0x1;
	s10 =	sld [smem:$0x3FB4]  }
0x3d: {  	_ =	shalt  }
0x3e: {  	_ =	shalt  }
0x3f: {  	_ =	shalt  }
0x40: {  	_ =	shalt  }
0x41: {  	_ =	shalt  }
0x42: {  	_ =	shalt  }
0x43: {  	_ =	shalt  }
0x44: {  	_ =	shalt  }
0x45: {  	_ =	shalt  }
0x46: {  	_ =	shalt  }
0x47: {  	_ =	shalt  }
0x48: {  	_ =	shalt  }
0x49: {  	_ =	shalt  }
0x4a: {  	_ =	shalt  }
0x4b: {  	_ =	shalt  }
0x4c: {  	_ =	shalt  }
0x4d: {  	_ =	shalt  }
0x4e: {  	_ =	shalt  }
0x4f: {  	_ =	shalt  }
0x50: {  	_ =	shalt  }
0x51: {  	_ =	shalt  }
0x52: {  	_ =	shalt  }
0x53: {  	_ =	shalt  }
0x54: {  	_ =	shalt  }
0x55: {  	_ =	shalt  }
0x56: {  	_ =	shalt  }
0x57: {  	_ =	shalt  }
0x58: {  	_ =	shalt  }
0x59: {  	_ =	shalt  }
0x5a: {  	_ =	shalt  }
0x5b: {  	_ =	shalt  }
0x5c: {  	_ =	shalt  }
0x5d: {  	_ =	shalt  }
0x5e: {  	_ =	shalt  }
0x5f: {  	_ =	shalt  }
0x60: {  	_ =	shalt  }
0x61: {  	_ =	shalt  }
0x62: {  	_ =	shalt  }
0x63: {  	_ =	shalt  }
0x64: {  	_ =	shalt  }
0x65: {  	_ =	shalt  }
0x66: {  	_ =	shalt  }
0x67: {  	_ =	shalt  }
0x68: {  	_ =	shalt  }
0x69: {  	_ =	shalt  }
0x6a: {  	_ =	shalt  }
0x6b: {  	_ =	shalt  }
0x6c: {  	_ =	shalt  }
0x6d: {  	_ =	shalt  }
0x6e: {  	_ =	shalt  }
0x6f: {  	_ =	shalt  }
0x70: {  	_ =	shalt  }
0x71: {  	_ =	shalt  }
0x72: {  	_ =	shalt  }
0x73: {  	_ =	shalt  }
0x74: {  	_ =	shalt  }
0x75: {  	_ =	shalt  }
0x76: {  	_ =	shalt  }
0x77: {  	_ =	shalt  }
0x78: {  	_ =	shalt  }
0x79: {  	_ =	shalt  }
0x7a: {  	_ =	shalt  }
0x7b: {  	_ =	shalt  }
0x7c: {  	_ =	shalt  }
0x7d: {  	_ =	shalt  }
0x7e: {  	_ =	shalt  }
0x7f: {  	_ =	shalt  }
0x80: {  	_ =	shalt  }
0x81: {  	_ =	shalt  }
0x82: {  	_ =	shalt  }
0x83: {  	_ =	shalt  }
0x84: {  	_ =	shalt  }
0x85: {  	_ =	shalt  }
0x86: {  	_ =	shalt  }
0x87: {  	_ =	shalt  }
.Lfunc_end0:
.L_simem_size_0:
called_computation.2_lowered:
.L_overlay_start_0:
0x88: {  	s2 =	sld [smem:$0x3FD9]  }
0x89: {  	s3 =	sld [smem:$0x3FFE];
	_ =	sdelay $0x1  }
0x8a: {  	s1 =	srdreg.scid  }
0x8b: {  	s0 =	sand.u32 $0x1, s1  }
0x8c: {  	s16 =	sshll.u32 s0, $0xA;
	s2 =	sadd.s32 s3, s2  }
0x8d: {  	s2 =	sadd.s32 s2, s16  }
0x8e: {  	[smem:$0x3FC0] =	sst s2  }
0x8f: {  	_ = 	snop  }
0x90: {  	(tm) =	ssettm $0x1  }
0x91: {  	s17 =	sld [smem:$0x3FFB];
	_ =	sdelay $0x3  }
0x92: {  	_ =	strace s17  }
0x93: {  	s2 =	sld [smem:$0x3FFC];
	_ =	sdelay $0x3  }
0x94: {  	_ =	strace s2  }
0x95: {  	s2 =	sld [smem:$0x3FFD];
	_ =	sdelay $0x3  }
0x96: {  	_ =	strace s2  }
0x97: {  	_ =	strace $0x8FFFFFFF  }
0x98: {  	s18 =	sld [smem:$0x3FDB];
	_ =	sdelay $0x1  }
0x99: {  	s19 =	simm.s32 $_scs_section_size  }
0x9a: {  	s4 =	simm.s32 $_size__tile_overlayer_lowered;
	s5 =	simm.s32 $_tile_overlayer_lowered  }
0x9b: {  	s22 =	simm.s32 $0x1BFF;
	s21 =	sshll.u32 s5, $0x1;
	s2 =	sadd.s32 s19, s18  }
0x9c: {  	s6 =	simm.s32 $0x0;
	s20 =	sshll.u32 s4, $0x1;
	s4 =	sadd.s32 s21, s2  }
0x9d: {  	[timem:s6], [sflag:s22] =	dma.local [hbm:s4], s20  }
0x9e: {  	_ =	swait.ge [sflag:s22], s20  }
0x9f: {  	s3 =	ssub.s32 $0x0, s20;
	[sflag:s22] =	ssyncset.done $0x0  }
0xa0: {  	[sflag:s22] =	ssyncadd.s32 s3;
	_ =	sdelay $0x1  }
0xa1: {  	s23 =	simm.s32 $0x1B8B  }
0xa2: {  	_ =	swait.ge [sflag:s23], $0x1  }
0xa3: {  	[sflag:s23] =	ssyncset.done $0x0  }
0xa4: {  	s25 =	simm.s32 $0x1B8E;
	s24 =	sld [smem:$0x3FFE];
	[sflag:s23] =	ssyncadd.s32 $0xFFFFFFFF  }
0xa5: {  	s26 =	simm.s32 $execute0_lowered;
	[smem:$0x3FD2] =	sst s25  }
0xa6: {  	s4 =	sshll.u32 s26, $0x1;
	_ =	strace $0x8000004C;
	[dreg:$0x1] =	wrdreg $0xFFFFFFFF  }
0xa7: {  	s28 =	simm.s32 $_size_execute0_lowered;
	s2 =	sadd.s32 s2, s4;
	[dreg:$0x0] =	wrdreg $0x0  }
0xa8: {  	s4 =	sshll.u32 s28, $0x1;
	[dreg:$0x2] =	wrdreg s2  }
0xa9: {  	[dreg:$0x3] =	wrdreg s4  }
0xaa: {  	[dreg:$0x4] =	wrdreg $0xC0  }
0xab: {  	_ =	task [dreg:s6], $0x5FFFF  }
0xac: {  	[dreg:$0x1] =	wrdreg $0xFFFFFFFF  }
0xad: {  	[dreg:$0x0] =	wrdreg $0x60  }
0xae: {  	[dreg:$0x2] =	wrdreg s24  }
0xaf: {  	[dreg:$0x3] =	wrdreg $0x72C00  }
0xb0: {  	[dreg:$0x4] =	wrdreg $0x9  }
0xb1: {  	_ =	task.clear_ibuf [dreg:s6], $0x5FFFF;
	_ =	strace $0x9000004C  }
0xb2: {  	s29 =	simm.s32 $0x9;
	_ =	strace $0x8000004E  }
0xb3: {  	_ =	swait.ge [sflag:s29], $0x1  }
0xb4: {  	[sflag:s29] =	ssyncadd.s32 $0xFFFFFFFF  }
0xb5: {  	_ =	strace $0x9000004E  }
0xb6: {  	_ =	sfence  }
0xb7: {  	s30 =	sld [smem:$0x0];
	_ =	sdelay $0x2  }
0xb8: {  	s31 =	sshll.u32 s1, $0xD;
	s1 =	sshrl.u32 s1, $0x2  }
0xb9: {  	s3 =	sand.u32 $0x4000, s31;
	s1 =	sadd.s32 s1, s30  }
0xba: {  	s0 =	sor.u32 s3, s0;
	s1 =	sshll.u32 s1, $0x11  }
0xbb: {  	s0 =	sor.u32 s1, s0  }
0xbc: {  	s0 =	sadd.s32 $0x8F2B, s0  }
0xbd: {  	[sflag:s0] =	ssyncadd.remote.s32 $0x1  }
0xbe: {  	_ =	sfence.sel $0xFFFF  }
0xbf: {  	[dreg:$0x0] =	wrdreg $0xFFFFFFFF;
	(pc) =	sbr.abs _section_cstart, $3  }
0xc0: {  	[dreg:$0x1] =	wrdreg $0xFFFFFFFF  }
0xc1: {  	_ =	task.clear_ibuf [dreg:s6], $0x2FFFF;
	_ =	strace $0x9FFFFFFF  }
0xc2: {  	(tm) =	ssettm $0x7FFFFFFF  }
0xc3: {  	_ =	shalt  }
tec
execute0_lowered:
.L_overlay_start_1:
0x0: {  	(tag) =	ssettag $0x1  }
0x1: {  	s0 =	rddreg [dreg:$0x0]  }
0x2: {  	s2 =	rddreg [dreg:$0x1];
	s3 =	simm.s32 $0x0  }
0x3: {  	s13 =	stileid.u32;
	s1 =	srdreg.scid;
	s28 =	simm.s32 $0x240  }
0x4: {  	s29 =	simm.s32 $0x360;
	s30 =	simm.s32 $0x480;
	s31 =	simm.s32 $0x5A0  }
0x5: {  	[smem:$0x7FF] =	sst s3;
	s6 =	smul.u32 $0x18800, s13;
	s1 =	sand.u32 $0x1, s1  }
0x6: {  	s4 =	sadd.s32 $0x66400, s0;
	s5 =	sadd.s32 $0x97400, s0;
	s9 =	sadd.s32 $0x1CC00, s0  }
0x7: {  	s10 =	sadd.s32 $0x4400, s0;
	s12 =	smul.u32 $0xC3C0, s13;
	s25 =	sshll.u32 s13, $0x6  }
0x8: {  	_ =	strace $0x8000004D;
	s7 =	smul.u32 $0x188000, s1;
	s11 =	ssub.s32 $0x2, s1  }
0x9: {  	p0 =	seq.s32 s1, $0x1;
	s8 =	sshrl.u32 s6, $0x3;
	s24 =	sshrl.u32 s11, $0x1  }
0xa: {  	s26 =	sshrl.u32 s12, $0x3;
	s7 =	sadd.s32 s6, s7;
	s8 =	sadd.s32 s8, s0  }
0xb: {  	s6 =	sadd.s32 s6, s2;
	s12 =	sadd.s32 $0x24, s26;
	s14 =	sadd.s32 s10, s26  }
0xc: {  	s16 =	sadd.s32 $0x48, s26;
	s18 =	sadd.s32 $0x6C, s26;
	[dreg:$0x3] =	wrdreg s6  }
0xd: {  	s20 =	sadd.s32 $0x1830, s26;
	s8 =	sadd.s32 $0x35400, s8;
	[dreg:$0x6] =	wrdreg s14  }
0xe: {  	s22 =	sadd.s32 $0x1854, s26;
	s15 =	sadd.s32 s9, s12;
	[dreg:$0x4] =	wrdreg s8  }
0xf: {  	s7 =	sshrl.u32 s7, $0x3;
	s1 =	sadd.s32 s10, s12;
	[dreg:$0x7] =	wrdreg s15  }
0x10: {  	s17 =	sadd.s32 s9, s16;
	s19 =	sadd.s32 s9, s18;
	[dreg:$0x8] =	wrdreg s1  }
0x11: {  	s21 =	sadd.s32 s9, s20;
	s23 =	sadd.s32 s10, s20;
	[dreg:$0x9] =	wrdreg s17  }
0x12: {  	s6 =	simm.s32 $0x2;
	s12 =	simm.s32 $0x4EC0;
	[dreg:$0xb] =	wrdreg s19  }
0x13: {  	s14 =	simm.s32 $0x8;
	s0 =	sadd.s32 s7, s0;
	[dreg:$0xd] =	wrdreg s21  }
0x14: {  	s7 =	ssub.s32 s11, s24;
	s11 =	sadd.s32 s9, s26;
	[dreg:$0xe] =	wrdreg s23  }
0x15: {  	s8 =	sor.u32 $0x1C0A, s25;
	s1 =	sadd.s32 s10, s18;
	[dreg:$0x5] =	wrdreg s11  }
0x16: {  	s24 =	sadd.s32 s9, s22;
	s25 =	smul.u32 $0x1878, s13;
	[dreg:$0xc] =	wrdreg s1  }
0x17: {  	s13 =	simm.s32 $0x5;
	s11 =	sadd.s32 s10, s16;
	[dreg:$0xf] =	wrdreg s24  }
0x18: {  	s15 =	simm.s32 $0x6;
	s1 =	sadd.s32 s10, s22;
	[dreg:$0xa] =	wrdreg s11  }
0x19: {  	s17 =	simm.s32 $0x0;
	s0 =	sadd.s32 $0xF9400, s0;
	[dreg:$0x10] =	wrdreg s1  }
.Ltmp0:
0x1a: {  	s26 =	smax.u32 s7, $0x1;
	[dreg:$0x11] =	wrdreg s0;
	(pc) =	sbr.rel .LBB2_1-.Ltmp0, $4  }
0x1b: {  	s7 =	simm.s32 $0x2AC0;
	s16 =	simm.s32 $0x9;
	[dreg:$0x12] =	wrdreg s26  }
0x1c: {  	s23 =	sadd.s32 s25, s10;
	s24 =	sadd.s32 s25, s9;
	s25 =	simm.s32 $0xA  }
0x1d: {  	s26 =	simm.s32 $0x120;
	s0 =	simm.s32 $0x1;
	s1 =	simm.s32 $0x6C0  }
0x1e: {  	s9 =	simm.s32 $0x4;
	s10 =	simm.s32 $0x7;
	s11 =	simm.s32 $0x3  }
.LBB2_7:
0x1f: {  	[spmem:s2] =	stream.indirect.scatter.add.f32 [tilespmem:s7], [sflag:$0x8], $0x20, s29, s26, $0xb8;
	[tilespmem:$0x1FAC0] =	vst v63  }
0x20: {  	s19 =	smov.u32 s5  }
.LBB2_8:
0x21: {  	_ =	swait.ge [sflag:s14], $0x2400  }
0x22: {  	[sflag:s14] =	ssyncset.done $0x0  }
0x23: {  	s20 =	rddreg [dreg:$0xd];
	[sflag:s14] =	ssyncadd.s32 $0xFFFFDC00  }
0x24: {  	[tilespmem:s28], [sflag:$0x2] =	stream.linear.gather [hbm4b:s20+s3], $0x120, $0x38;
	[tilespmem:$0x1FAC0] =	vst v63  }
0x25: {  	s22 =	rddreg [dreg:$0xe]  }
0x26: {  	[tilespmem:s29], [sflag:$0x2] =	stream.linear.gather [hbm4b:s22+s3], $0x120, $0x38;
	[tilespmem:$0x1FAC0] =	vst v63  }
0x27: {  	_ =	swait.ge [sflag:s0], $0x120  }
0x28: {  	[sflag:s0] =	ssyncset.done $0x0  }
0x29: {  	[sflag:s0] =	ssyncadd.s32 $0xFFFFFEE0  }
0x2a: {  	_ =	swait.ge [sflag:s0], $0x120  }
0x2b: {  	[sflag:s0] =	ssyncset.done $0x0  }
0x2c: {  	[sflag:s0] =	ssyncadd.s32 $0xFFFFFEE0  }
0x2d: {  	[tilespmem:s1], [sflag:$0x4] =	stream.indirect.gather [hbm4b:s19+s26], $0x20, s3, s26, $0xb8;
	[tilespmem:$0x1FAC0] =	vst v63  }
0x2e: {  	_ =	swait.ge [sflag:s15], $0x2400  }
0x2f: {  	[sflag:s15] =	ssyncset.done $0x0  }
0x30: {  	[sflag:s15] =	ssyncadd.s32 $0xFFFFDC00  }
0x31: {  	[spmem:s2] =	stream.indirect.scatter.add.f32 [tilespmem:s12], [sflag:$0x9], $0x20, s31, s26, $0xb8;
	[tilespmem:$0x1FAC0] =	vst v63  }
0x32: {  	_ =	swait.ge [sflag:s16], $0x2400  }
0x33: {  	[sflag:s16] =	ssyncset.done $0x0  }
0x34: {  	s21 =	rddreg [dreg:$0xf];
	[sflag:s16] =	ssyncadd.s32 $0xFFFFDC00  }
0x35: {  	[tilespmem:s30], [sflag:$0x3] =	stream.linear.gather [hbm4b:s21+s3], $0x120, $0x38;
	[tilespmem:$0x1FAC0] =	vst v63  }
0x36: {  	s22 =	rddreg [dreg:$0x10]  }
0x37: {  	[tilespmem:s31], [sflag:$0x3] =	stream.linear.gather [hbm4b:s22+s3], $0x120, $0x38;
	[tilespmem:$0x1FAC0] =	vst v63  }
0x38: {  	_ =	swait.ge [sflag:s6], $0x120  }
0x39: {  	[sflag:s6] =	ssyncset.done $0x0  }
0x3a: {  	[sflag:s6] =	ssyncadd.s32 $0xFFFFFEE0  }
0x3b: {  	_ =	swait.ge [sflag:s6], $0x120  }
0x3c: {  	[sflag:s6] =	ssyncset.done $0x0  }
0x3d: {  	[sflag:s6] =	ssyncadd.s32 $0xFFFFFEE0  }
0x3e: {  	[tilespmem:s7], [sflag:$0x5] =	stream.indirect.gather [hbm4b:s19+s26], $0x20, s28, s26, $0xb8;
	[tilespmem:$0x1FAC0] =	vst v63  }
0x3f: {  	_ =	swait.ge [sflag:s9], $0x2400  }
0x40: {  	[sflag:s9] =	ssyncset.done $0x0  }
0x41: {  	[sflag:s9] =	ssyncadd.s32 $0xFFFFDC00  }
0x42: {  	[spmem:s2] =	stream.indirect.scatter.add.f32 [tilespmem:s1], [sflag:$0x7], $0x20, s26, s26, $0xb8;
	[tilespmem:$0x1FAC0] =	vst v63  }
0x43: {  	_ =	swait.ge [sflag:s10], $0x2400  }
0x44: {  	[sflag:s10] =	ssyncset.done $0x0  }
0x45: {  	[sflag:s10] =	ssyncadd.s32 $0xFFFFDC00  }
0x46: {  	_ =	swait.ge [sflag:s11], $0x120  }
0x47: {  	[sflag:s11] =	ssyncset.done $0x0  }
0x48: {  	[sflag:s11] =	ssyncadd.s32 $0xFFFFFEE0  }
0x49: {  	_ =	swait.ge [sflag:s11], $0x120  }
0x4a: {  	[sflag:s11] =	ssyncset.done $0x0  }
0x4b: {  	[sflag:s11] =	ssyncadd.s32 $0xFFFFFEE0  }
0x4c: {  	[tilespmem:s12], [sflag:$0x6] =	stream.indirect.gather [hbm4b:s19+s26], $0x20, s30, s26, $0xb8;
	[tilespmem:$0x1FAC0] =	vst v63  }
0x4d: {  	_ =	swait.ge [sflag:s13], $0x2400  }
0x4e: {  	[sflag:s13] =	ssyncset.done $0x0  }
0x4f: {  	[sflag:s13] =	ssyncadd.s32 $0xFFFFDC00  }
0x50: {  	[spmem:s2] =	stream.indirect.scatter.add.f32 [tilespmem:s7], [sflag:$0x8], $0x20, s29, s26, $0xb8;
	[tilespmem:$0x1FAC0] =	vst v63  }
0x51: {  	_ =	swait.ge [sflag:s15], $0x2400  }
0x52: {  	[sflag:s15] =	ssyncset.done $0x0  }
0x53: {  	[sflag:s15] =	ssyncadd.s32 $0xFFFFDC00  }
0x54: {  	[spmem:s2] =	stream.indirect.scatter.add.f32 [tilespmem:s12], [sflag:$0x9], $0x20, s31, s26, $0xb8;
	[tilespmem:$0x1FAC0] =	vst v63  }
0x55: {  	_ =	swait.ge [sflag:s14], $0x2400  }
0x56: {  	[sflag:s14] =	ssyncset.done $0x0  }
0x57: {  	[sflag:s14] =	ssyncadd.s32 $0xFFFFDC00  }
0x58: {  	_ =	swait.ge [sflag:s16], $0x2400  }
0x59: {  	[sflag:s16] =	ssyncset.done $0x0  }
0x5a: {  	[sflag:s16] =	ssyncadd.s32 $0xFFFFDC00  }
0x5b: {  	[bflag:$0x0] =	sbarrier.arrive $0xFFFF  }
0x5c: {  	s21 =	rddreg [dreg:$0x11]  }
0x5d: {  	[hbm:s21], [sflag:s8] =	dma.local [spmem:s18], $0x3100  }
0x5e: {  	_ =	swait.ge [sflag:s25], $0x3100  }
0x5f: {  	s17 =	sadd.s32 $0x1, s17;
	s22 =	rddreg [dreg:$0x12]  }
0x60: {  	p1 =	sne.s32 s17, s22  }
.Ltmp1:
0x61: {  	_ = 	snop;
	(pc) =	sbr.rel @!p1 .LBB2_9-.Ltmp1, $3  }
0x62: {  	_ =	sdelay $0x1  }
0x63: {  	[sflag:s25] =	ssyncset.done $0x0  }
0x64: {  	[sflag:s25] =	ssyncadd.s32 $0xFFFFCF00  }
.LBB2_1:
0x65: {  	s18 =	rddreg [dreg:$0x3]  }
0x66: {  	s19 =	rddreg [dreg:$0x4];
	s18 =	sshrl.u32 s18, $0x3  }
0x67: {  	[spmem:s18], [sflag:s8] =	dma.local [hbm:s19], $0x3100  }
0x68: {  	_ =	swait.ge [sflag:s25], $0x3100  }
0x69: {  	[sflag:s25] =	ssyncset.done $0x0  }
0x6a: {  	[sflag:s25] =	ssyncadd.s32 $0xFFFFCF00  }
0x6b: {  	[bflag:$0x0] =	sbarrier.arrive $0xFFFF  }
0x6c: {  	s20 =	rddreg [dreg:$0x5]  }
0x6d: {  	[tilespmem:s3], [sflag:$0x1] =	stream.linear.gather [hbm4b:s20+s3], $0x120, $0x38;
	[tilespmem:$0x1FAC0] =	vst v63  }
0x6e: {  	s21 =	rddreg [dreg:$0x6]  }
0x6f: {  	[tilespmem:s26], [sflag:$0x1] =	stream.linear.gather [hbm4b:s21+s3], $0x120, $0x38;
	[tilespmem:$0x1FAC0] =	vst v63  }
0x70: {  	s22 =	rddreg [dreg:$0x7]  }
0x71: {  	[tilespmem:s28], [sflag:$0x2] =	stream.linear.gather [hbm4b:s22+s3], $0x120, $0x38;
	[tilespmem:$0x1FAC0] =	vst v63  }
0x72: {  	s20 =	rddreg [dreg:$0x8]  }
0x73: {  	[tilespmem:s29], [sflag:$0x2] =	stream.linear.gather [hbm4b:s20+s3], $0x120, $0x38;
	[tilespmem:$0x1FAC0] =	vst v63  }
0x74: {  	s21 =	rddreg [dreg:$0x9]  }
0x75: {  	[tilespmem:s30], [sflag:$0x3] =	stream.linear.gather [hbm4b:s21+s3], $0x120, $0x38;
	[tilespmem:$0x1FAC0] =	vst v63  }
0x76: {  	s22 =	rddreg [dreg:$0xa]  }
0x77: {  	[tilespmem:s31], [sflag:$0x3] =	stream.linear.gather [hbm4b:s22+s3], $0x120, $0x38;
	[tilespmem:$0x1FAC0] =	vst v63  }
0x78: {  	_ =	swait.ge [sflag:s0], $0x120  }
.Ltmp2:
0x79: {  	[sflag:s0] =	ssyncset.done $0x0;
	(pc) =	sbr.rel @!p0 .LBB2_2-.Ltmp2, $4  }
0x7a: {  	[sflag:s0] =	ssyncadd.s32 $0xFFFFFEE0  }
0x7b: {  	_ =	swait.ge [sflag:s0], $0x120  }
0x7c: {  	[sflag:s0] =	ssyncset.done $0x0  }
0x7d: {  	s19 =	simm.s32 $0x0;
	[sflag:s0] =	ssyncadd.s32 $0xFFFFFEE0  }
0x7e: {  	[tilespmem:s1], [sflag:$0x4] =	stream.indirect.gather [hbm4b:s5+s26], $0x20, s19, s26, $0xb8;
	[tilespmem:$0x1FAC0] =	vst v63  }
0x7f: {  	_ =	swait.ge [sflag:s6], $0x120  }
0x80: {  	[sflag:s6] =	ssyncset.done $0x0  }
0x81: {  	[sflag:s6] =	ssyncadd.s32 $0xFFFFFEE0  }
0x82: {  	_ =	swait.ge [sflag:s6], $0x120  }
0x83: {  	[sflag:s6] =	ssyncset.done $0x0  }
0x84: {  	[sflag:s6] =	ssyncadd.s32 $0xFFFFFEE0  }
0x85: {  	[tilespmem:s7], [sflag:$0x5] =	stream.indirect.gather [hbm4b:s5+s26], $0x20, s28, s26, $0xb8;
	[tilespmem:$0x1FAC0] =	vst v63  }
0x86: {  	_ =	swait.ge [sflag:s9], $0x2400  }
0x87: {  	[sflag:s9] =	ssyncset.done $0x0  }
0x88: {  	[sflag:s9] =	ssyncadd.s32 $0xFFFFDC00  }
0x89: {  	[spmem:s2] =	stream.indirect.scatter.add.f32 [tilespmem:s1], [sflag:$0x7], $0x20, s26, s26, $0xb8;
	[tilespmem:$0x1FAC0] =	vst v63  }
0x8a: {  	_ =	swait.ge [sflag:s10], $0x2400  }
0x8b: {  	[sflag:s10] =	ssyncset.done $0x0  }
0x8c: {  	s20 =	rddreg [dreg:$0xb];
	[sflag:s10] =	ssyncadd.s32 $0xFFFFDC00  }
0x8d: {  	[tilespmem:s19], [sflag:$0x1] =	stream.linear.gather [hbm4b:s20+s19], $0x120, $0x38;
	[tilespmem:$0x1FAC0] =	vst v63  }
0x8e: {  	s21 =	rddreg [dreg:$0xc]  }
0x8f: {  	[tilespmem:s26], [sflag:$0x1] =	stream.linear.gather [hbm4b:s21+s19], $0x120, $0x38;
	[tilespmem:$0x1FAC0] =	vst v63  }
0x90: {  	_ =	swait.ge [sflag:s11], $0x120  }
0x91: {  	[sflag:s11] =	ssyncset.done $0x0  }
0x92: {  	[sflag:s11] =	ssyncadd.s32 $0xFFFFFEE0  }
0x93: {  	_ =	swait.ge [sflag:s11], $0x120  }
0x94: {  	[sflag:s11] =	ssyncset.done $0x0  }
0x95: {  	[sflag:s11] =	ssyncadd.s32 $0xFFFFFEE0  }
0x96: {  	[tilespmem:s12], [sflag:$0x6] =	stream.indirect.gather [hbm4b:s5+s26], $0x20, s30, s26, $0xb8;
	[tilespmem:$0x1FAC0] =	vst v63  }
0x97: {  	_ =	swait.ge [sflag:s13], $0x2400  }
0x98: {  	[sflag:s13] =	ssyncset.done $0x0  }
0x99: {  	[sflag:s13] =	ssyncadd.s32 $0xFFFFDC00  }
0x9a: {  	[spmem:s2] =	stream.indirect.scatter.add.f32 [tilespmem:s7], [sflag:$0x8], $0x20, s29, s26, $0xb8;
	[tilespmem:$0x1FAC0] =	vst v63  }
0x9b: {  	_ =	swait.ge [sflag:s14], $0x2400  }
0x9c: {  	s19 =	sadd.s32 $0x0, s24;
	[sflag:s14] =	ssyncset.done $0x0  }
0x9d: {  	s21 =	sadd.s32 $0x0, s23;
	s22 =	sadd.s32 $0x90, s19;
	[sflag:s14] =	ssyncadd.s32 $0xFFFFDC00  }
0x9e: {  	[tilespmem:s28], [sflag:$0x2] =	stream.linear.gather [hbm4b:s22+s3], $0x120, $0x38;
	[tilespmem:$0x1FAC0] =	vst v63  }
0x9f: {  	s22 =	sadd.s32 $0x90, s21  }
0xa0: {  	[tilespmem:s29], [sflag:$0x2] =	stream.linear.gather [hbm4b:s22+s3], $0x120, $0x38;
	[tilespmem:$0x1FAC0] =	vst v63  }
0xa1: {  	_ =	swait.ge [sflag:s0], $0x120  }
0xa2: {  	[sflag:s0] =	ssyncset.done $0x0  }
0xa3: {  	[sflag:s0] =	ssyncadd.s32 $0xFFFFFEE0  }
0xa4: {  	_ =	swait.ge [sflag:s0], $0x120  }
0xa5: {  	[sflag:s0] =	ssyncset.done $0x0  }
0xa6: {  	[sflag:s0] =	ssyncadd.s32 $0xFFFFFEE0  }
0xa7: {  	[tilespmem:s1], [sflag:$0x4] =	stream.indirect.gather [hbm4b:s5+s26], $0x20, s3, s26, $0xb8;
	[tilespmem:$0x1FAC0] =	vst v63  }
0xa8: {  	_ =	swait.ge [sflag:s15], $0x2400  }
0xa9: {  	[sflag:s15] =	ssyncset.done $0x0  }
0xaa: {  	[sflag:s15] =	ssyncadd.s32 $0xFFFFDC00  }
0xab: {  	[spmem:s2] =	stream.indirect.scatter.add.f32 [tilespmem:s12], [sflag:$0x9], $0x20, s31, s26, $0xb8;
	[tilespmem:$0x1FAC0] =	vst v63  }
0xac: {  	_ =	swait.ge [sflag:s16], $0x2400  }
0xad: {  	[sflag:s16] =	ssyncset.done $0x0  }
0xae: {  	s22 =	sadd.s32 $0xB4, s19;
	[sflag:s16] =	ssyncadd.s32 $0xFFFFDC00  }
0xaf: {  	[tilespmem:s30], [sflag:$0x3] =	stream.linear.gather [hbm4b:s22+s3], $0x120, $0x38;
	[tilespmem:$0x1FAC0] =	vst v63  }
0xb0: {  	s22 =	sadd.s32 $0xB4, s21  }
0xb1: {  	[tilespmem:s31], [sflag:$0x3] =	stream.linear.gather [hbm4b:s22+s3], $0x120, $0x38;
	[tilespmem:$0x1FAC0] =	vst v63  }
0xb2: {  	_ =	swait.ge [sflag:s6], $0x120  }
0xb3: {  	[sflag:s6] =	ssyncset.done $0x0  }
0xb4: {  	[sflag:s6] =	ssyncadd.s32 $0xFFFFFEE0  }
0xb5: {  	_ =	swait.ge [sflag:s6], $0x120  }
0xb6: {  	[sflag:s6] =	ssyncset.done $0x0  }
0xb7: {  	[sflag:s6] =	ssyncadd.s32 $0xFFFFFEE0  }
0xb8: {  	[tilespmem:s7], [sflag:$0x5] =	stream.indirect.gather [hbm4b:s5+s26], $0x20, s28, s26, $0xb8;
	[tilespmem:$0x1FAC0] =	vst v63  }
0xb9: {  	_ =	swait.ge [sflag:s9], $0x2400  }
0xba: {  	[sflag:s9] =	ssyncset.done $0x0  }
0xbb: {  	[sflag:s9] =	ssyncadd.s32 $0xFFFFDC00  }
0xbc: {  	[spmem:s2] =	stream.indirect.scatter.add.f32 [tilespmem:s1], [sflag:$0x7], $0x20, s26, s26, $0xb8;
	[tilespmem:$0x1FAC0] =	vst v63  }
0xbd: {  	_ =	swait.ge [sflag:s10], $0x2400  }
0xbe: {  	[sflag:s10] =	ssyncset.done $0x0  }
0xbf: {  	s19 =	sadd.s32 $0xD8, s19;
	[sflag:s10] =	ssyncadd.s32 $0xFFFFDC00  }
0xc0: {  	[tilespmem:s3], [sflag:$0x1] =	stream.linear.gather [hbm4b:s19+s3], $0x120, $0x38;
	[tilespmem:$0x1FAC0] =	vst v63  }
0xc1: {  	s22 =	sadd.s32 $0xD8, s21  }
0xc2: {  	[tilespmem:s26], [sflag:$0x1] =	stream.linear.gather [hbm4b:s22+s3], $0x120, $0x38;
	[tilespmem:$0x1FAC0] =	vst v63  }
0xc3: {  	_ =	swait.ge [sflag:s11], $0x120  }
0xc4: {  	[sflag:s11] =	ssyncset.done $0x0  }
0xc5: {  	[sflag:s11] =	ssyncadd.s32 $0xFFFFFEE0  }
0xc6: {  	_ =	swait.ge [sflag:s11], $0x120  }
0xc7: {  	[sflag:s11] =	ssyncset.done $0x0  }
0xc8: {  	[sflag:s11] =	ssyncadd.s32 $0xFFFFFEE0  }
0xc9: {  	[tilespmem:s12], [sflag:$0x6] =	stream.indirect.gather [hbm4b:s5+s26], $0x20, s30, s26, $0xb8;
	[tilespmem:$0x1FAC0] =	vst v63  }
0xca: {  	_ =	swait.ge [sflag:s13], $0x2400  }
0xcb: {  	[sflag:s13] =	ssyncset.done $0x0  }
0xcc: {  	s19 =	simm.s32 $0x6C;
	[sflag:s13] =	ssyncadd.s32 $0xFFFFDC00  }
.LBB2_6:
0xcd: {  	[spmem:s2] =	stream.indirect.scatter.add.f32 [tilespmem:s7], [sflag:$0x8], $0x20, s29, s26, $0xb8;
	[tilespmem:$0x1FAC0] =	vst v63  }
0xce: {  	s21 =	smov.u32 s19  }
0xcf: {  	p1 =	sne.s32 s19, $0x1734;
	s19 =	sadd.s32 $0x6C, s19;
	_ =	swait.ge [sflag:s14], $0x2400  }
0xd0: {  	s20 =	sadd.s32 s21, s24;
	[sflag:s14] =	ssyncset.done $0x0  }
0xd1: {  	s21 =	sadd.s32 s21, s23;
	s22 =	sadd.s32 $0x90, s20;
	[sflag:s14] =	ssyncadd.s32 $0xFFFFDC00  }
0xd2: {  	[tilespmem:s28], [sflag:$0x2] =	stream.linear.gather [hbm4b:s22+s3], $0x120, $0x38;
	[tilespmem:$0x1FAC0] =	vst v63  }
0xd3: {  	s22 =	sadd.s32 $0x90, s21  }
0xd4: {  	[tilespmem:s29], [sflag:$0x2] =	stream.linear.gather [hbm4b:s22+s3], $0x120, $0x38;
	[tilespmem:$0x1FAC0] =	vst v63  }
0xd5: {  	_ =	swait.ge [sflag:s0], $0x120  }
0xd6: {  	[sflag:s0] =	ssyncset.done $0x0  }
0xd7: {  	[sflag:s0] =	ssyncadd.s32 $0xFFFFFEE0  }
0xd8: {  	_ =	swait.ge [sflag:s0], $0x120  }
0xd9: {  	[sflag:s0] =	ssyncset.done $0x0  }
0xda: {  	[sflag:s0] =	ssyncadd.s32 $0xFFFFFEE0  }
0xdb: {  	[tilespmem:s1], [sflag:$0x4] =	stream.indirect.gather [hbm4b:s5+s26], $0x20, s3, s26, $0xb8;
	[tilespmem:$0x1FAC0] =	vst v63  }
0xdc: {  	_ =	swait.ge [sflag:s15], $0x2400  }
0xdd: {  	[sflag:s15] =	ssyncset.done $0x0  }
0xde: {  	[sflag:s15] =	ssyncadd.s32 $0xFFFFDC00  }
0xdf: {  	[spmem:s2] =	stream.indirect.scatter.add.f32 [tilespmem:s12], [sflag:$0x9], $0x20, s31, s26, $0xb8;
	[tilespmem:$0x1FAC0] =	vst v63  }
0xe0: {  	_ =	swait.ge [sflag:s16], $0x2400  }
0xe1: {  	[sflag:s16] =	ssyncset.done $0x0  }
0xe2: {  	s22 =	sadd.s32 $0xB4, s20;
	[sflag:s16] =	ssyncadd.s32 $0xFFFFDC00  }
0xe3: {  	[tilespmem:s30], [sflag:$0x3] =	stream.linear.gather [hbm4b:s22+s3], $0x120, $0x38;
	[tilespmem:$0x1FAC0] =	vst v63  }
0xe4: {  	s22 =	sadd.s32 $0xB4, s21  }
0xe5: {  	[tilespmem:s31], [sflag:$0x3] =	stream.linear.gather [hbm4b:s22+s3], $0x120, $0x38;
	[tilespmem:$0x1FAC0] =	vst v63  }
0xe6: {  	_ =	swait.ge [sflag:s6], $0x120  }
0xe7: {  	[sflag:s6] =	ssyncset.done $0x0  }
0xe8: {  	[sflag:s6] =	ssyncadd.s32 $0xFFFFFEE0  }
0xe9: {  	_ =	swait.ge [sflag:s6], $0x120  }
0xea: {  	[sflag:s6] =	ssyncset.done $0x0  }
0xeb: {  	[sflag:s6] =	ssyncadd.s32 $0xFFFFFEE0  }
0xec: {  	[tilespmem:s7], [sflag:$0x5] =	stream.indirect.gather [hbm4b:s5+s26], $0x20, s28, s26, $0xb8;
	[tilespmem:$0x1FAC0] =	vst v63  }
0xed: {  	_ =	swait.ge [sflag:s9], $0x2400  }
0xee: {  	[sflag:s9] =	ssyncset.done $0x0  }
0xef: {  	[sflag:s9] =	ssyncadd.s32 $0xFFFFDC00  }
0xf0: {  	[spmem:s2] =	stream.indirect.scatter.add.f32 [tilespmem:s1], [sflag:$0x7], $0x20, s26, s26, $0xb8;
	[tilespmem:$0x1FAC0] =	vst v63  }
0xf1: {  	_ =	swait.ge [sflag:s10], $0x2400  }
0xf2: {  	[sflag:s10] =	ssyncset.done $0x0  }
0xf3: {  	s20 =	sadd.s32 $0xD8, s20;
	[sflag:s10] =	ssyncadd.s32 $0xFFFFDC00  }
0xf4: {  	[tilespmem:s3], [sflag:$0x1] =	stream.linear.gather [hbm4b:s20+s3], $0x120, $0x38;
	[tilespmem:$0x1FAC0] =	vst v63  }
0xf5: {  	s20 =	sadd.s32 $0xD8, s21  }
0xf6: {  	[tilespmem:s26], [sflag:$0x1] =	stream.linear.gather [hbm4b:s20+s3], $0x120, $0x38;
	[tilespmem:$0x1FAC0] =	vst v63  }
0xf7: {  	_ =	swait.ge [sflag:s11], $0x120  }
0xf8: {  	[sflag:s11] =	ssyncset.done $0x0  }
0xf9: {  	[sflag:s11] =	ssyncadd.s32 $0xFFFFFEE0  }
0xfa: {  	_ =	swait.ge [sflag:s11], $0x120  }
0xfb: {  	[sflag:s11] =	ssyncset.done $0x0  }
.Ltmp3:
0xfc: {  	[sflag:s11] =	ssyncadd.s32 $0xFFFFFEE0;
	(pc) =	sbr.rel @p1 .LBB2_6-.Ltmp3, $4  }
0xfd: {  	[tilespmem:s12], [sflag:$0x6] =	stream.indirect.gather [hbm4b:s5+s26], $0x20, s30, s26, $0xb8;
	[tilespmem:$0x1FAC0] =	vst v63  }
0xfe: {  	_ =	swait.ge [sflag:s13], $0x2400  }
0xff: {  	[sflag:s13] =	ssyncset.done $0x0  }
0x100: {  	[sflag:s13] =	ssyncadd.s32 $0xFFFFDC00  }
.Ltmp4:
0x101: {  	_ = 	snop;
	(pc) =	sbr.rel .LBB2_7-.Ltmp4, $1  }
0x102: {  	_ =	sdelay $0x3  }
.LBB2_2:
0x103: {  	[tilespmem:s1], [sflag:$0x4] =	stream.indirect.gather [hbm4b:s4+s26], $0x20, s19, s26, $0xb8;
	[tilespmem:$0x1FAC0] =	vst v63  }
0x104: {  	_ =	swait.ge [sflag:s6], $0x120  }
0x105: {  	[sflag:s6] =	ssyncset.done $0x0  }
0x106: {  	[sflag:s6] =	ssyncadd.s32 $0xFFFFFEE0  }
0x107: {  	_ =	swait.ge [sflag:s6], $0x120  }
0x108: {  	[sflag:s6] =	ssyncset.done $0x0  }
0x109: {  	[sflag:s6] =	ssyncadd.s32 $0xFFFFFEE0  }
0x10a: {  	[tilespmem:s7], [sflag:$0x5] =	stream.indirect.gather [hbm4b:s4+s26], $0x20, s28, s26, $0xb8;
	[tilespmem:$0x1FAC0] =	vst v63  }
0x10b: {  	_ =	swait.ge [sflag:s9], $0x2400  }
0x10c: {  	[sflag:s9] =	ssyncset.done $0x0  }
0x10d: {  	[sflag:s9] =	ssyncadd.s32 $0xFFFFDC00  }
0x10e: {  	[spmem:s2] =	stream.indirect.scatter.add.f32 [tilespmem:s1], [sflag:$0x7], $0x20, s26, s26, $0xb8;
	[tilespmem:$0x1FAC0] =	vst v63  }
0x10f: {  	_ =	swait.ge [sflag:s10], $0x2400  }
0x110: {  	[sflag:s10] =	ssyncset.done $0x0  }
0x111: {  	s20 =	rddreg [dreg:$0xb];
	[sflag:s10] =	ssyncadd.s32 $0xFFFFDC00  }
0x112: {  	[tilespmem:s19], [sflag:$0x1] =	stream.linear.gather [hbm4b:s20+s19], $0x120, $0x38;
	[tilespmem:$0x1FAC0] =	vst v63  }
0x113: {  	s21 =	rddreg [dreg:$0xc]  }
0x114: {  	[tilespmem:s26], [sflag:$0x1] =	stream.linear.gather [hbm4b:s21+s19], $0x120, $0x38;
	[tilespmem:$0x1FAC0] =	vst v63  }
0x115: {  	_ =	swait.ge [sflag:s11], $0x120  }
0x116: {  	[sflag:s11] =	ssyncset.done $0x0  }
0x117: {  	[sflag:s11] =	ssyncadd.s32 $0xFFFFFEE0  }
0x118: {  	_ =	swait.ge [sflag:s11], $0x120  }
0x119: {  	[sflag:s11] =	ssyncset.done $0x0  }
0x11a: {  	[sflag:s11] =	ssyncadd.s32 $0xFFFFFEE0  }
0x11b: {  	[tilespmem:s12], [sflag:$0x6] =	stream.indirect.gather [hbm4b:s4+s26], $0x20, s30, s26, $0xb8;
	[tilespmem:$0x1FAC0] =	vst v63  }
0x11c: {  	_ =	swait.ge [sflag:s13], $0x2400  }
0x11d: {  	[sflag:s13] =	ssyncset.done $0x0  }
0x11e: {  	[sflag:s13] =	ssyncadd.s32 $0xFFFFDC00  }
0x11f: {  	[spmem:s2] =	stream.indirect.scatter.add.f32 [tilespmem:s7], [sflag:$0x8], $0x20, s29, s26, $0xb8;
	[tilespmem:$0x1FAC0] =	vst v63  }
0x120: {  	_ =	swait.ge [sflag:s14], $0x2400  }
0x121: {  	s19 =	sadd.s32 $0x0, s24;
	[sflag:s14] =	ssyncset.done $0x0  }
0x122: {  	s21 =	sadd.s32 $0x0, s23;
	s22 =	sadd.s32 $0x90, s19;
	[sflag:s14] =	ssyncadd.s32 $0xFFFFDC00  }
0x123: {  	[tilespmem:s28], [sflag:$0x2] =	stream.linear.gather [hbm4b:s22+s3], $0x120, $0x38;
	[tilespmem:$0x1FAC0] =	vst v63  }
0x124: {  	s22 =	sadd.s32 $0x90, s21  }
0x125: {  	[tilespmem:s29], [sflag:$0x2] =	stream.linear.gather [hbm4b:s22+s3], $0x120, $0x38;
	[tilespmem:$0x1FAC0] =	vst v63  }
0x126: {  	_ =	swait.ge [sflag:s0], $0x120  }
0x127: {  	[sflag:s0] =	ssyncset.done $0x0  }
0x128: {  	[sflag:s0] =	ssyncadd.s32 $0xFFFFFEE0  }
0x129: {  	_ =	swait.ge [sflag:s0], $0x120  }
0x12a: {  	[sflag:s0] =	ssyncset.done $0x0  }
0x12b: {  	[sflag:s0] =	ssyncadd.s32 $0xFFFFFEE0  }
0x12c: {  	[tilespmem:s1], [sflag:$0x4] =	stream.indirect.gather [hbm4b:s4+s26], $0x20, s3, s26, $0xb8;
	[tilespmem:$0x1FAC0] =	vst v63  }
0x12d: {  	_ =	swait.ge [sflag:s15], $0x2400  }
0x12e: {  	[sflag:s15] =	ssyncset.done $0x0  }
0x12f: {  	[sflag:s15] =	ssyncadd.s32 $0xFFFFDC00  }
0x130: {  	[spmem:s2] =	stream.indirect.scatter.add.f32 [tilespmem:s12], [sflag:$0x9], $0x20, s31, s26, $0xb8;
	[tilespmem:$0x1FAC0] =	vst v63  }
0x131: {  	_ =	swait.ge [sflag:s16], $0x2400  }
0x132: {  	[sflag:s16] =	ssyncset.done $0x0  }
0x133: {  	s22 =	sadd.s32 $0xB4, s19;
	[sflag:s16] =	ssyncadd.s32 $0xFFFFDC00  }
0x134: {  	[tilespmem:s30], [sflag:$0x3] =	stream.linear.gather [hbm4b:s22+s3], $0x120, $0x38;
	[tilespmem:$0x1FAC0] =	vst v63  }
0x135: {  	s22 =	sadd.s32 $0xB4, s21  }
0x136: {  	[tilespmem:s31], [sflag:$0x3] =	stream.linear.gather [hbm4b:s22+s3], $0x120, $0x38;
	[tilespmem:$0x1FAC0] =	vst v63  }
0x137: {  	_ =	swait.ge [sflag:s6], $0x120  }
0x138: {  	[sflag:s6] =	ssyncset.done $0x0  }
0x139: {  	[sflag:s6] =	ssyncadd.s32 $0xFFFFFEE0  }
0x13a: {  	_ =	swait.ge [sflag:s6], $0x120  }
0x13b: {  	[sflag:s6] =	ssyncset.done $0x0  }
0x13c: {  	[sflag:s6] =	ssyncadd.s32 $0xFFFFFEE0  }
0x13d: {  	[tilespmem:s7], [sflag:$0x5] =	stream.indirect.gather [hbm4b:s4+s26], $0x20, s28, s26, $0xb8;
	[tilespmem:$0x1FAC0] =	vst v63  }
0x13e: {  	_ =	swait.ge [sflag:s9], $0x2400  }
0x13f: {  	[sflag:s9] =	ssyncset.done $0x0  }
0x140: {  	[sflag:s9] =	ssyncadd.s32 $0xFFFFDC00  }
0x141: {  	[spmem:s2] =	stream.indirect.scatter.add.f32 [tilespmem:s1], [sflag:$0x7], $0x20, s26, s26, $0xb8;
	[tilespmem:$0x1FAC0] =	vst v63  }
0x142: {  	_ =	swait.ge [sflag:s10], $0x2400  }
0x143: {  	[sflag:s10] =	ssyncset.done $0x0  }
0x144: {  	s19 =	sadd.s32 $0xD8, s19;
	[sflag:s10] =	ssyncadd.s32 $0xFFFFDC00  }
0x145: {  	[tilespmem:s3], [sflag:$0x1] =	stream.linear.gather [hbm4b:s19+s3], $0x120, $0x38;
	[tilespmem:$0x1FAC0] =	vst v63  }
0x146: {  	s22 =	sadd.s32 $0xD8, s21  }
0x147: {  	[tilespmem:s26], [sflag:$0x1] =	stream.linear.gather [hbm4b:s22+s3], $0x120, $0x38;
	[tilespmem:$0x1FAC0] =	vst v63  }
0x148: {  	_ =	swait.ge [sflag:s11], $0x120  }
0x149: {  	[sflag:s11] =	ssyncset.done $0x0  }
0x14a: {  	[sflag:s11] =	ssyncadd.s32 $0xFFFFFEE0  }
0x14b: {  	_ =	swait.ge [sflag:s11], $0x120  }
0x14c: {  	[sflag:s11] =	ssyncset.done $0x0  }
0x14d: {  	[sflag:s11] =	ssyncadd.s32 $0xFFFFFEE0  }
0x14e: {  	[tilespmem:s12], [sflag:$0x6] =	stream.indirect.gather [hbm4b:s4+s26], $0x20, s30, s26, $0xb8;
	[tilespmem:$0x1FAC0] =	vst v63  }
0x14f: {  	_ =	swait.ge [sflag:s13], $0x2400  }
0x150: {  	[sflag:s13] =	ssyncset.done $0x0  }
0x151: {  	s19 =	simm.s32 $0x6C;
	[sflag:s13] =	ssyncadd.s32 $0xFFFFDC00  }
.LBB2_3:
0x152: {  	[spmem:s2] =	stream.indirect.scatter.add.f32 [tilespmem:s7], [sflag:$0x8], $0x20, s29, s26, $0xb8;
	[tilespmem:$0x1FAC0] =	vst v63  }
0x153: {  	s21 =	smov.u32 s19  }
0x154: {  	p1 =	seq.s32 s19, $0x1734;
	s19 =	sadd.s32 $0x6C, s19;
	_ =	swait.ge [sflag:s14], $0x2400  }
0x155: {  	s20 =	sadd.s32 s21, s24;
	[sflag:s14] =	ssyncset.done $0x0  }
0x156: {  	s21 =	sadd.s32 s21, s23;
	s22 =	sadd.s32 $0x90, s20;
	[sflag:s14] =	ssyncadd.s32 $0xFFFFDC00  }
0x157: {  	[tilespmem:s28], [sflag:$0x2] =	stream.linear.gather [hbm4b:s22+s3], $0x120, $0x38;
	[tilespmem:$0x1FAC0] =	vst v63  }
0x158: {  	s22 =	sadd.s32 $0x90, s21  }
0x159: {  	[tilespmem:s29], [sflag:$0x2] =	stream.linear.gather [hbm4b:s22+s3], $0x120, $0x38;
	[tilespmem:$0x1FAC0] =	vst v63  }
0x15a: {  	_ =	swait.ge [sflag:s0], $0x120  }
0x15b: {  	[sflag:s0] =	ssyncset.done $0x0  }
0x15c: {  	[sflag:s0] =	ssyncadd.s32 $0xFFFFFEE0  }
0x15d: {  	_ =	swait.ge [sflag:s0], $0x120  }
0x15e: {  	[sflag:s0] =	ssyncset.done $0x0  }
0x15f: {  	[sflag:s0] =	ssyncadd.s32 $0xFFFFFEE0  }
0x160: {  	[tilespmem:s1], [sflag:$0x4] =	stream.indirect.gather [hbm4b:s4+s26], $0x20, s3, s26, $0xb8;
	[tilespmem:$0x1FAC0] =	vst v63  }
0x161: {  	_ =	swait.ge [sflag:s15], $0x2400  }
0x162: {  	[sflag:s15] =	ssyncset.done $0x0  }
0x163: {  	[sflag:s15] =	ssyncadd.s32 $0xFFFFDC00  }
0x164: {  	[spmem:s2] =	stream.indirect.scatter.add.f32 [tilespmem:s12], [sflag:$0x9], $0x20, s31, s26, $0xb8;
	[tilespmem:$0x1FAC0] =	vst v63  }
0x165: {  	_ =	swait.ge [sflag:s16], $0x2400  }
0x166: {  	[sflag:s16] =	ssyncset.done $0x0  }
0x167: {  	s22 =	sadd.s32 $0xB4, s20;
	[sflag:s16] =	ssyncadd.s32 $0xFFFFDC00  }
0x168: {  	[tilespmem:s30], [sflag:$0x3] =	stream.linear.gather [hbm4b:s22+s3], $0x120, $0x38;
	[tilespmem:$0x1FAC0] =	vst v63  }
0x169: {  	s22 =	sadd.s32 $0xB4, s21  }
0x16a: {  	[tilespmem:s31], [sflag:$0x3] =	stream.linear.gather [hbm4b:s22+s3], $0x120, $0x38;
	[tilespmem:$0x1FAC0] =	vst v63  }
0x16b: {  	_ =	swait.ge [sflag:s6], $0x120  }
0x16c: {  	[sflag:s6] =	ssyncset.done $0x0  }
0x16d: {  	[sflag:s6] =	ssyncadd.s32 $0xFFFFFEE0  }
0x16e: {  	_ =	swait.ge [sflag:s6], $0x120  }
0x16f: {  	[sflag:s6] =	ssyncset.done $0x0  }
0x170: {  	[sflag:s6] =	ssyncadd.s32 $0xFFFFFEE0  }
0x171: {  	[tilespmem:s7], [sflag:$0x5] =	stream.indirect.gather [hbm4b:s4+s26], $0x20, s28, s26, $0xb8;
	[tilespmem:$0x1FAC0] =	vst v63  }
0x172: {  	_ =	swait.ge [sflag:s9], $0x2400  }
0x173: {  	[sflag:s9] =	ssyncset.done $0x0  }
0x174: {  	[sflag:s9] =	ssyncadd.s32 $0xFFFFDC00  }
0x175: {  	[spmem:s2] =	stream.indirect.scatter.add.f32 [tilespmem:s1], [sflag:$0x7], $0x20, s26, s26, $0xb8;
	[tilespmem:$0x1FAC0] =	vst v63  }
0x176: {  	_ =	swait.ge [sflag:s10], $0x2400  }
0x177: {  	[sflag:s10] =	ssyncset.done $0x0  }
0x178: {  	s20 =	sadd.s32 $0xD8, s20;
	[sflag:s10] =	ssyncadd.s32 $0xFFFFDC00  }
0x179: {  	[tilespmem:s3], [sflag:$0x1] =	stream.linear.gather [hbm4b:s20+s3], $0x120, $0x38;
	[tilespmem:$0x1FAC0] =	vst v63  }
0x17a: {  	s20 =	sadd.s32 $0xD8, s21  }
0x17b: {  	[tilespmem:s26], [sflag:$0x1] =	stream.linear.gather [hbm4b:s20+s3], $0x120, $0x38;
	[tilespmem:$0x1FAC0] =	vst v63  }
0x17c: {  	_ =	swait.ge [sflag:s11], $0x120  }
0x17d: {  	[sflag:s11] =	ssyncset.done $0x0  }
0x17e: {  	[sflag:s11] =	ssyncadd.s32 $0xFFFFFEE0  }
0x17f: {  	_ =	swait.ge [sflag:s11], $0x120  }
0x180: {  	[sflag:s11] =	ssyncset.done $0x0  }
.Ltmp5:
0x181: {  	[sflag:s11] =	ssyncadd.s32 $0xFFFFFEE0;
	(pc) =	sbr.rel @!p1 .LBB2_3-.Ltmp5, $4  }
0x182: {  	[tilespmem:s12], [sflag:$0x6] =	stream.indirect.gather [hbm4b:s4+s26], $0x20, s30, s26, $0xb8;
	[tilespmem:$0x1FAC0] =	vst v63  }
0x183: {  	_ =	swait.ge [sflag:s13], $0x2400  }
0x184: {  	[sflag:s13] =	ssyncset.done $0x0  }
0x185: {  	[sflag:s13] =	ssyncadd.s32 $0xFFFFDC00  }
.Ltmp6:
0x186: {  	(pc) =	sbr.rel .LBB2_8-.Ltmp6, $3  }
0x187: {  	_ =	sdelay $0x1  }
0x188: {  	[spmem:s2] =	stream.indirect.scatter.add.f32 [tilespmem:s7], [sflag:$0x8], $0x20, s29, s26, $0xb8;
	[tilespmem:$0x1FAC0] =	vst v63  }
0x189: {  	s19 =	smov.u32 s4  }
.LBB2_9:
0x18a: {  	_ =	sfence.sel $0x180000  }
0x18b: {  	[bflag:$0x0] =	sbarrier.arrive $0xFFFF  }
0x18c: {  	_ =	strace $0x9000004D  }
0x18d: {  	s0 =	stileid.u32;
	[bflag:$0x2] =	sbarrier.arrive $0xFFFF  }
0x18e: {  	p0 =	sne.s32 s0, $0x0;
	s0 =	rddreg [dreg:$0x2]  }
0x18f: {  	s0 =	sadd.s32 @!p0 $0x100000, s0  }
0x190: {  	[sflag:s0] =	ssyncadd.tile.s32 @!p0 $0x1;
	_ =	shalt  }
.Lfunc_end2:
_tile_overlayer_lowered:
.L_overlay_start_2:
0x191: {  	(tag) =	ssettag $0x2  }
0x192: {  	s0 =	rddreg [dreg:$0x0];
	s2 =	stileid.u32  }
0x193: {  	s1 =	rddreg [dreg:$0x1];
	p0 =	sne.s32 s2, $0x0  }
0x194: {  	s3 =	rddreg [dreg:$0x2];
	[bflag:$0x3] =	sbarrier.arrive $0xFFFF;
	s2 =	simm.s32 @!p0 $0x1C0A  }
0x195: {  	[timem:s3], [sflag:s2] =	dma.local @!p0 [hbm:s0], s1  }
0x196: {  	s0 =	simm.s32 @!p0 $0xA  }
0x197: {  	_ =	swait.ge @!p0 [sflag:s0], s1  }
0x198: {  	s1 =	ssub.s32 @!p0 $0x0, s1;
	[sflag:s0] =	ssyncset.done @!p0 $0x0  }
0x199: {  	[sflag:s0] =	ssyncadd.s32 @!p0 s1  }
0x19a: {  	[bflag:$0x3] =	sbarrier.arrive $0xFFFF  }
0x19b: {  	_ =	shalt  }

// kernel: kernel.8.cloned.1.call-start
scs
__scs_entry_jumppad:
0x0: {  	(pc) =	sbr.rel $0x88, $3  }
0x1: {  	(tag) =	ssettag $0x0;
	lr =	simm.s32 $0x1  }
0x2: {  	[smem:$0x3F99] =	sst lr;
	_ =	strace $0xD0000000  }
0x3: {  	_ = 	snop  }
0x4: {  	_ = 	snop  }
0x5: {  	_ = 	snop  }
0x6: {  	_ = 	snop  }
0x7: {  	_ = 	snop  }
__scs_overlays_trampoline_lowered:
0x8: {  	[smem:$0x3FA8] =	sst s0  }
0x9: {  	[smem:$0x3FA9] =	sst s1  }
0xa: {  	[smem:$0x3FAA] =	sst s2  }
0xb: {  	[smem:$0x3FAB] =	sst s3  }
0xc: {  	[smem:$0x3FAC] =	sst s4  }
0xd: {  	[smem:$0x3FAD] =	sst s5  }
0xe: {  	[smem:$0x3FAE] =	sst s6  }
0xf: {  	[smem:$0x3FAF] =	sst s7  }
0x10: {  	[smem:$0x3FB0] =	sst s8  }
0x11: {  	[smem:$0x3FB1] =	sst s9;
	s0 =	simm.s32 @!p0 $0x0  }
0x12: {  	s1 =	sld [smem:$0x3F97];
	s0 =	simm.s32 @p0 $0x1  }
0x13: {  	[smem:$0x3FB2] =	sst s0;
	s0 =	simm.s32 @!p1 $0x0  }
0x14: {  	s2 =	sld [smem:$0x3F96];
	s0 =	simm.s32 @p1 $0x1  }
0x15: {  	[smem:$0x3FB3] =	sst s0;
	s0 =	simm.s32 @!p2 $0x0  }
0x16: {  	s3 =	sld [smem:$0x3FDB];
	s0 =	simm.s32 @p2 $0x1  }
0x17: {  	s4 =	simm.s32 $0x1BF5;
	[smem:$0x3FB5] =	sst s0  }
0x18: {  	s0 =	sld [smem:$0x3F98];
	_ =	swait.ge [sflag:s4], $0x0  }
0x19: {  	s7 =	sld [smem:$0x3F99]  }
0x1a: {  	s8 =	sadd.s32 $0xFFFFE003, lr  }
0x1b: {  	s9 =	sadd.s32 $0xFFFFFEF7, lr;
	s5 =	simm.s32 $0xFFFFFFFF;
	p2 =	slt.u32 s8, $0xFFFFF086  }
0x1c: {  	p1 =	slt.u32 s9, $0xF7A;
	s5 =	simm.s32 @!p2 $0x0  }
0x1d: {  	s5 =	simm.s32 @p1 $0x1;
	p0 =	seq.s32 s7, s2  }
0x1e: {  	s7 =	smul.u32 @!p0 $0xF7A, s2;
	p2 =	seq.s32 @!p0 s5, $0x0  }
0x1f: {  	s9 =	smul.u32 $0xF7A, s1;
	s8 =	simm.s32 @!p0 $0x1BF5;
	p2 =	por !p2, p0  }
0x20: {  	[sflag:s8] =	ssyncset.s32 @!p0 $0xFFFFF086;
	s6 =	sadd.s32 @!p0 s3, s7;
	s7 =	simm.s32 @!p0 $0x108  }
0x21: {  	s3 =	sadd.s32 s3, s9;
	s6 =	sadd.s32 @!p0 $0x88, s6;
	s7 =	simm.s32 @p2 $0x1082  }
0x22: {  	[simem:s7], [sflag:s8] =	dma.local @!p0 [hbm:s6], $0xF7A  }
0x23: {  	s9 =	sor.u32 $0xD0000000, s2;
	s6 =	simm.s32 $0x108;
	_ =	swait.ge @!p0 [sflag:s8], $0x0  }
0x24: {  	s3 =	sadd.s32 $0x88, s3;
	s6 =	simm.s32 @!p1 $0x1082;
	[sflag:s4] =	ssyncset.s32 $0xFFFFF086  }
0x25: {  	[simem:s6], [sflag:s4] =	dma.local [hbm:s3], $0xF7A  }
0x26: {  	[smem:$0x3F99] =	sst s1;
	(tag) =	ssettag s2;
	_ =	strace s9  }
0x27: {  	s1 =	sld [smem:$0x3FA9]  }
0x28: {  	s2 =	sld [smem:$0x3FAA]  }
0x29: {  	s4 =	sld [smem:$0x3FAC]  }
0x2a: {  	p0 =	seq.s32 s5, $0x0;
	s5 =	sld [smem:$0x3FAD]  }
0x2b: {  	s6 =	sld [smem:$0x3FAE]  }
0x2c: {  	s7 =	sld [smem:$0x3FAF]  }
0x2d: {  	s3 =	simm.s32 $0x108;
	s8 =	sld [smem:$0x3FB0]  }
0x2e: {  	s3 =	simm.s32 @!p0 $0x1082;
	s9 =	sld [smem:$0x3FB1]  }
0x2f: {  	lr =	sadd.s32 s0, s3;
	s0 =	sld [smem:$0x3FA8]  }
0x30: {  	s3 =	sld [smem:$0x3FAB]  }
0x31: {  	[smem:$0x3FB4] =	sst s10  }
0x32: {  	s10 =	sld [smem:$0x3FB2];
	_ =	sdelay $0x3  }
0x33: {  	p0 =	seq.s32 s10, $0x1;
	s10 =	sld [smem:$0x3FB4];
	_ =	sdelay $0x3  }
0x34: {  	[smem:$0x3FB4] =	sst s10  }
0x35: {  	s10 =	sld [smem:$0x3FB3];
	_ =	sdelay $0x3  }
0x36: {  	p1 =	seq.s32 s10, $0x1;
	s10 =	sld [smem:$0x3FB4];
	_ =	sdelay $0x3  }
0x37: {  	[smem:$0x3FB4] =	sst s10  }
0x38: {  	s10 =	sld [smem:$0x3FB5]  }
0x39: {  	_ = 	snop;
	(pc) =	sbr.ind lr, $3  }
0x3a: {  	_ = 	snop  }
0x3b: {  	_ = 	snop  }
0x3c: {  	p2 =	seq.s32 s10, $0x1;
	s10 =	sld [smem:$0x3FB4]  }
0x3d: {  	_ =	shalt  }
0x3e: {  	_ =	shalt  }
0x3f: {  	_ =	shalt  }
0x40: {  	_ =	shalt  }
0x41: {  	_ =	shalt  }
0x42: {  	_ =	shalt  }
0x43: {  	_ =	shalt  }
0x44: {  	_ =	shalt  }
0x45: {  	_ =	shalt  }
0x46: {  	_ =	shalt  }
0x47: {  	_ =	shalt  }
0x48: {  	_ =	shalt  }
0x49: {  	_ =	shalt  }
0x4a: {  	_ =	shalt  }
0x4b: {  	_ =	shalt  }
0x4c: {  	_ =	shalt  }
0x4d: {  	_ =	shalt  }
0x4e: {  	_ =	shalt  }
0x4f: {  	_ =	shalt  }
0x50: {  	_ =	shalt  }
0x51: {  	_ =	shalt  }
0x52: {  	_ =	shalt  }
0x53: {  	_ =	shalt  }
0x54: {  	_ =	shalt  }
0x55: {  	_ =	shalt  }
0x56: {  	_ =	shalt  }
0x57: {  	_ =	shalt  }
0x58: {  	_ =	shalt  }
0x59: {  	_ =	shalt  }
0x5a: {  	_ =	shalt  }
0x5b: {  	_ =	shalt  }
0x5c: {  	_ =	shalt  }
0x5d: {  	_ =	shalt  }
0x5e: {  	_ =	shalt  }
0x5f: {  	_ =	shalt  }
0x60: {  	_ =	shalt  }
0x61: {  	_ =	shalt  }
0x62: {  	_ =	shalt  }
0x63: {  	_ =	shalt  }
0x64: {  	_ =	shalt  }
0x65: {  	_ =	shalt  }
0x66: {  	_ =	shalt  }
0x67: {  	_ =	shalt  }
0x68: {  	_ =	shalt  }
0x69: {  	_ =	shalt  }
0x6a: {  	_ =	shalt  }
0x6b: {  	_ =	shalt  }
0x6c: {  	_ =	shalt  }
0x6d: {  	_ =	shalt  }
0x6e: {  	_ =	shalt  }
0x6f: {  	_ =	shalt  }
0x70: {  	_ =	shalt  }
0x71: {  	_ =	shalt  }
0x72: {  	_ =	shalt  }
0x73: {  	_ =	shalt  }
0x74: {  	_ =	shalt  }
0x75: {  	_ =	shalt  }
0x76: {  	_ =	shalt  }
0x77: {  	_ =	shalt  }
0x78: {  	_ =	shalt  }
0x79: {  	_ =	shalt  }
0x7a: {  	_ =	shalt  }
0x7b: {  	_ =	shalt  }
0x7c: {  	_ =	shalt  }
0x7d: {  	_ =	shalt  }
0x7e: {  	_ =	shalt  }
0x7f: {  	_ =	shalt  }
0x80: {  	_ =	shalt  }
0x81: {  	_ =	shalt  }
0x82: {  	_ =	shalt  }
0x83: {  	_ =	shalt  }
0x84: {  	_ =	shalt  }
0x85: {  	_ =	shalt  }
0x86: {  	_ =	shalt  }
0x87: {  	_ =	shalt  }
.Lfunc_end0:
.L_simem_size_0:
called_computation_lowered:
.L_overlay_start_0:
0x88: {  	s2 =	sld [smem:$0x3FD9]  }
0x89: {  	s3 =	sld [smem:$0x3FFE];
	_ =	sdelay $0x1  }
0x8a: {  	s1 =	srdreg.scid  }
0x8b: {  	s0 =	sand.u32 $0x1, s1  }
0x8c: {  	s17 =	sshll.u32 s0, $0xA;
	s2 =	sadd.s32 s3, s2  }
0x8d: {  	s2 =	sadd.s32 s2, s17  }
0x8e: {  	[smem:$0x3FC0] =	sst s2  }
0x8f: {  	_ = 	snop  }
0x90: {  	s2 =	sld [smem:$0x3FD0];
	(tm) =	ssettm $0x1  }
0x91: {  	s18 =	sld [smem:$0x3FFB];
	_ =	sdelay $0x3  }
0x92: {  	_ =	strace s18  }
0x93: {  	s3 =	sld [smem:$0x3FFC];
	_ =	sdelay $0x3  }
0x94: {  	_ =	strace s3  }
0x95: {  	s3 =	sld [smem:$0x3FFD];
	_ =	sdelay $0x3  }
0x96: {  	_ =	strace s3  }
0x97: {  	_ =	strace $0x8FFFFFFF  }
0x98: {  	s19 =	sld [smem:$0x3FDB];
	_ =	sdelay $0x1  }
0x99: {  	s4 =	simm.s32 $_scs_section_size  }
0x9a: {  	s5 =	simm.s32 $_size__tile_overlayer_lowered;
	s6 =	simm.s32 $_tile_overlayer_lowered  }
0x9b: {  	s22 =	simm.s32 $0x1BFF;
	s21 =	sshll.u32 s6, $0x1;
	s3 =	sadd.s32 s4, s19  }
0x9c: {  	s7 =	simm.s32 $0x0;
	s20 =	sshll.u32 s5, $0x1;
	s5 =	sadd.s32 s21, s3  }
0x9d: {  	[timem:s7], [sflag:s22] =	dma.local [hbm:s5], s20  }
0x9e: {  	_ =	swait.ge [sflag:s22], s20  }
0x9f: {  	s4 =	ssub.s32 $0x0, s20;
	[sflag:s22] =	ssyncset.done $0x0  }
0xa0: {  	[sflag:s22] =	ssyncadd.s32 s4;
	_ =	sdelay $0x1  }
0xa1: {  	s23 =	simm.s32 $0x1B8B  }
0xa2: {  	_ =	swait.ge [sflag:s23], $0x1  }
0xa3: {  	[sflag:s23] =	ssyncset.done $0x0  }
0xa4: {  	s25 =	simm.s32 $0x1B8E;
	s24 =	sld [smem:$0x3FFE];
	[sflag:s23] =	ssyncadd.s32 $0xFFFFFFFF  }
0xa5: {  	s26 =	simm.s32 $execute0_lowered;
	[smem:$0x3FD2] =	sst s25  }
0xa6: {  	s5 =	sshll.u32 s26, $0x1;
	_ =	strace $0x80000046;
	[dreg:$0x1] =	wrdreg $0xFFFFFFFF  }
0xa7: {  	s28 =	simm.s32 $_size_execute0_lowered;
	s3 =	sadd.s32 s3, s5;
	[dreg:$0x0] =	wrdreg $0x0  }
0xa8: {  	s5 =	sshll.u32 s28, $0x1;
	[dreg:$0x2] =	wrdreg s3  }
0xa9: {  	[dreg:$0x3] =	wrdreg s5  }
0xaa: {  	[dreg:$0x4] =	wrdreg $0xC0  }
0xab: {  	_ =	task [dreg:s7], $0x5FFFF  }
0xac: {  	[dreg:$0x1] =	wrdreg $0xFFFFFFFF  }
0xad: {  	[dreg:$0x0] =	wrdreg $0x60  }
0xae: {  	[dreg:$0x2] =	wrdreg s24  }
0xaf: {  	[dreg:$0x3] =	wrdreg s2  }
0xb0: {  	[dreg:$0x4] =	wrdreg $0x27600  }
0xb1: {  	[dreg:$0x5] =	wrdreg $0x9  }
0xb2: {  	_ =	task.clear_ibuf [dreg:s7], $0x6FFFF;
	_ =	strace $0x90000046  }
0xb3: {  	s29 =	simm.s32 $0x9;
	_ =	strace $0x80000048  }
0xb4: {  	_ =	swait.ge [sflag:s29], $0x1  }
0xb5: {  	[sflag:s29] =	ssyncadd.s32 $0xFFFFFFFF  }
0xb6: {  	_ =	strace $0x90000048  }
0xb7: {  	_ =	sfence  }
0xb8: {  	s30 =	sld [smem:$0x0];
	_ =	sdelay $0x2  }
0xb9: {  	s31 =	sshll.u32 s1, $0xD;
	s1 =	sshrl.u32 s1, $0x2  }
0xba: {  	s3 =	sand.u32 $0x4000, s31;
	s1 =	sadd.s32 s1, s30  }
0xbb: {  	s0 =	sor.u32 s3, s0;
	s1 =	sshll.u32 s1, $0x11  }
0xbc: {  	s0 =	sor.u32 s1, s0  }
0xbd: {  	s0 =	sadd.s32 $0x8F2B, s0  }
0xbe: {  	[sflag:s0] =	ssyncadd.remote.s32 $0x1  }
0xbf: {  	_ =	sfence.sel $0xFFFF  }
0xc0: {  	[dreg:$0x0] =	wrdreg $0xFFFFFFFF;
	(pc) =	sbr.abs _section_cstart, $3  }
0xc1: {  	[dreg:$0x1] =	wrdreg $0xFFFFFFFF  }
0xc2: {  	_ =	task.clear_ibuf [dreg:s7], $0x2FFFF;
	_ =	strace $0x9FFFFFFF  }
0xc3: {  	(tm) =	ssettm $0x7FFFFFFF  }
tec
execute0_lowered:
.L_overlay_start_1:
0x0: {  	(tag) =	ssettag $0x1  }
0x1: {  	s0 =	rddreg [dreg:$0x0]  }
0x2: {  	s3 =	rddreg [dreg:$0x2]  }
0x3: {  	s2 =	stileid.u32;
	s1 =	srdreg.scid  }
0x4: {  	s4 =	simm.s32 $0x0;
	s18 =	simm.s32 $0x360;
	s19 =	simm.s32 $0x7  }
0x5: {  	s28 =	simm.s32 $0x3;
	s29 =	simm.s32 $0x5;
	s30 =	simm.s32 $0x6  }
0x6: {  	s31 =	simm.s32 $0x0;
	s6 =	smul.u32 $0x18800, s2;
	s1 =	sand.u32 $0x1, s1  }
0x7: {  	[smem:$0x7FF] =	sst s4;
	s5 =	sadd.s32 $0x4400, s0;
	s12 =	smul.u32 $0x61E0, s2  }
0x8: {  	s26 =	sshll.u32 s2, $0x6;
	s7 =	smul.u32 $0x188000, s1;
	_ =	strace $0x80000047  }
0x9: {  	s8 =	sshll.u32 s1, $0x4;
	s10 =	ssub.s32 $0x2, s1;
	s1 =	smul.u32 $0x61E00, s1  }
0xa: {  	s20 =	sor.u32 $0x1C07, s26;
	s26 =	simm.s32 $0x4;
	s9 =	sshrl.u32 s6, $0x3  }
0xb: {  	s8 =	sor.u32 s2, s8;
	s22 =	sshrl.u32 s10, $0x1;
	s21 =	sadd.s32 s6, s3  }
0xc: {  	s7 =	sadd.s32 s6, s7;
	s8 =	smul.u32 $0x61E0, s8;
	s9 =	sadd.s32 s9, s0  }
0xd: {  	s14 =	ssub.s32 s10, s22;
	s1 =	sadd.s32 s12, s1;
	s21 =	sshrl.u32 s21, $0x3  }
0xe: {  	s22 =	simm.s32 $0x120;
	s7 =	sshrl.u32 s7, $0x3;
	s24 =	sadd.s32 $0x35400, s9  }
0xf: {  	s15 =	sadd.s32 $0x5A0, s1;
	s16 =	sadd.s32 $0x480, s1;
	s14 =	smax.u32 s14, $0x1  }
0x10: {  	s17 =	sadd.s32 $0x360, s1;
	s0 =	sadd.s32 s7, s0;
	s23 =	sshrl.u32 s8, $0x3  }
0x11: {  	[dreg:$0x4] =	wrdreg s24;
	s25 =	sshrl.u32 s15, $0x3;
	s16 =	sshrl.u32 s16, $0x3  }
0x12: {  	s24 =	simm.s32 $0x1;
	s6 =	sadd.s32 s5, s23;
	s13 =	sadd.s32 $0x66400, s0  }
0x13: {  	s15 =	sadd.s32 s25, s5;
	s16 =	sadd.s32 s16, s5;
	s23 =	simm.s32 $0x240  }
0x14: {  	s25 =	simm.s32 $0x2;
	s8 =	sadd.s32 $0x24, s6;
	s9 =	sadd.s32 $0x48, s6  }
0x15: {  	s10 =	sadd.s32 $0xBD0, s6;
	s11 =	sadd.s32 $0xBF4, s6;
	s12 =	sadd.s32 $0xC18, s6  }
.LBB2_1:
0x16: {  	s0 =	rddreg [dreg:$0x1]  }
0x17: {  	[tilespmem:s18], [sflag:$0x7] =	stream.linear.gather [hbm4b:s0+s4], $0x2400, $0x38;
	[tilespmem:$0x1AF60] =	vst v63  }
0x18: {  	_ =	swait.ge [sflag:s19], $0x2400  }
0x19: {  	[sflag:s19] =	ssyncset.done $0x0  }
0x1a: {  	s7 =	rddreg [dreg:$0x4];
	[sflag:s19] =	ssyncadd.s32 $0xFFFFDC00  }
0x1b: {  	[spmem:s21], [sflag:s20] =	dma.local [hbm:s7], $0x3100  }
0x1c: {  	_ =	swait.ge [sflag:s19], $0x3100  }
0x1d: {  	[sflag:s19] =	ssyncset.done $0x0  }
0x1e: {  	[sflag:s19] =	ssyncadd.s32 $0xFFFFCF00  }
0x1f: {  	[bflag:$0x0] =	sbarrier.arrive $0xFFFF  }
0x20: {  	[tilespmem:s4], [sflag:$0x1] =	stream.linear.gather [hbm4b:s6+s4], $0x120, $0x38;
	[tilespmem:$0x1AF60] =	vst v63  }
0x21: {  	_ = 	snop  }
0x22: {  	[tilespmem:s22], [sflag:$0x2] =	stream.linear.gather [hbm4b:s8+s4], $0x120, $0x38;
	[tilespmem:$0x1AF60] =	vst v63  }
0x23: {  	_ = 	snop  }
0x24: {  	[tilespmem:s23], [sflag:$0x3] =	stream.linear.gather [hbm4b:s9+s4], $0x120, $0x38;
	[tilespmem:$0x1AF60] =	vst v63  }
0x25: {  	_ =	swait.ge [sflag:s24], $0x120  }
0x26: {  	[sflag:s24] =	ssyncset.done $0x0  }
0x27: {  	[sflag:s24] =	ssyncadd.s32 $0xFFFFFEE0  }
0x28: {  	[spmem:s3] =	stream.indirect.scatter.add.f32 [tilespmem:s18], [sflag:$0x4], $0x20, s4, s22, $0xb8;
	[tilespmem:$0x1AF60] =	vst v63  }
0x29: {  	_ =	swait.ge [sflag:s25], $0x120  }
0x2a: {  	[sflag:s25] =	ssyncset.done $0x0  }
0x2b: {  	[sflag:s25] =	ssyncadd.s32 $0xFFFFFEE0  }
0x2c: {  	[spmem:s3] =	stream.indirect.scatter.add.f32 [tilespmem:s18], [sflag:$0x5], $0x20, s22, s22, $0xb8;
	[tilespmem:$0x1AF60] =	vst v63  }
0x2d: {  	_ =	swait.ge [sflag:s26], $0x2400  }
0x2e: {  	s1 =	sshrl.u32 s17, $0x3;
	[sflag:s26] =	ssyncset.done $0x0  }
0x2f: {  	s0 =	sadd.s32 s5, s1;
	[sflag:s26] =	ssyncadd.s32 $0xFFFFDC00  }
0x30: {  	[tilespmem:s4], [sflag:$0x1] =	stream.linear.gather [hbm4b:s0+s4], $0x120, $0x38;
	[tilespmem:$0x1AF60] =	vst v63  }
0x31: {  	_ =	swait.ge [sflag:s28], $0x120  }
0x32: {  	[sflag:s28] =	ssyncset.done $0x0  }
0x33: {  	[sflag:s28] =	ssyncadd.s32 $0xFFFFFEE0  }
0x34: {  	[spmem:s3] =	stream.indirect.scatter.add.f32 [tilespmem:s18], [sflag:$0x6], $0x20, s23, s22, $0xb8;
	[tilespmem:$0x1AF60] =	vst v63  }
0x35: {  	_ =	swait.ge [sflag:s29], $0x2400  }
0x36: {  	[sflag:s29] =	ssyncset.done $0x0  }
0x37: {  	s2 =	sadd.s32 $0x0, s16;
	[sflag:s29] =	ssyncadd.s32 $0xFFFFDC00  }
0x38: {  	[tilespmem:s22], [sflag:$0x2] =	stream.linear.gather [hbm4b:s2+s4], $0x120, $0x38;
	[tilespmem:$0x1AF60] =	vst v63  }
0x39: {  	_ =	swait.ge [sflag:s24], $0x120  }
0x3a: {  	[sflag:s24] =	ssyncset.done $0x0  }
0x3b: {  	[sflag:s24] =	ssyncadd.s32 $0xFFFFFEE0  }
0x3c: {  	[spmem:s3] =	stream.indirect.scatter.add.f32 [tilespmem:s18], [sflag:$0x4], $0x20, s4, s22, $0xb8;
	[tilespmem:$0x1AF60] =	vst v63  }
0x3d: {  	_ =	swait.ge [sflag:s30], $0x2400  }
0x3e: {  	[sflag:s30] =	ssyncset.done $0x0  }
0x3f: {  	s7 =	sadd.s32 $0x0, s15;
	[sflag:s30] =	ssyncadd.s32 $0xFFFFDC00  }
0x40: {  	[tilespmem:s23], [sflag:$0x3] =	stream.linear.gather [hbm4b:s7+s4], $0x120, $0x38;
	[tilespmem:$0x1AF60] =	vst v63  }
0x41: {  	_ =	swait.ge [sflag:s25], $0x120  }
0x42: {  	[sflag:s25] =	ssyncset.done $0x0  }
0x43: {  	s1 =	sadd.s32 $0x360, s17;
	s0 =	simm.s32 $0x6C;
	[sflag:s25] =	ssyncadd.s32 $0xFFFFFEE0  }
.LBB2_2:
0x44: {  	[spmem:s3] =	stream.indirect.scatter.add.f32 [tilespmem:s18], [sflag:$0x5], $0x20, s22, s22, $0xb8;
	[tilespmem:$0x1AF60] =	vst v63  }
0x45: {  	s2 =	smov.u32 s0  }
0x46: {  	p0 =	sne.s32 s0, $0xAF8;
	s0 =	sadd.s32 $0x6C, s0;
	_ =	swait.ge [sflag:s26], $0x2400  }
0x47: {  	s7 =	sshrl.u32 s1, $0x3;
	[sflag:s26] =	ssyncset.done $0x0  }
0x48: {  	s7 =	sadd.s32 s5, s7;
	[sflag:s26] =	ssyncadd.s32 $0xFFFFDC00  }
0x49: {  	[tilespmem:s4], [sflag:$0x1] =	stream.linear.gather [hbm4b:s7+s4], $0x120, $0x38;
	[tilespmem:$0x1AF60] =	vst v63  }
0x4a: {  	_ =	swait.ge [sflag:s28], $0x120  }
0x4b: {  	[sflag:s28] =	ssyncset.done $0x0  }
0x4c: {  	[sflag:s28] =	ssyncadd.s32 $0xFFFFFEE0  }
0x4d: {  	[spmem:s3] =	stream.indirect.scatter.add.f32 [tilespmem:s18], [sflag:$0x6], $0x20, s23, s22, $0xb8;
	[tilespmem:$0x1AF60] =	vst v63  }
0x4e: {  	_ =	swait.ge [sflag:s29], $0x2400  }
0x4f: {  	[sflag:s29] =	ssyncset.done $0x0  }
0x50: {  	s7 =	sadd.s32 s2, s16;
	[sflag:s29] =	ssyncadd.s32 $0xFFFFDC00  }
0x51: {  	[tilespmem:s22], [sflag:$0x2] =	stream.linear.gather [hbm4b:s7+s4], $0x120, $0x38;
	[tilespmem:$0x1AF60] =	vst v63  }
0x52: {  	_ =	swait.ge [sflag:s24], $0x120  }
0x53: {  	[sflag:s24] =	ssyncset.done $0x0  }
0x54: {  	[sflag:s24] =	ssyncadd.s32 $0xFFFFFEE0  }
0x55: {  	[spmem:s3] =	stream.indirect.scatter.add.f32 [tilespmem:s18], [sflag:$0x4], $0x20, s4, s22, $0xb8;
	[tilespmem:$0x1AF60] =	vst v63  }
0x56: {  	_ =	swait.ge [sflag:s30], $0x2400  }
0x57: {  	[sflag:s30] =	ssyncset.done $0x0  }
.Ltmp0:
0x58: {  	s2 =	sadd.s32 s2, s15;
	[sflag:s30] =	ssyncadd.s32 $0xFFFFDC00;
	(pc) =	sbr.rel @p0 .LBB2_2-.Ltmp0, $4  }
0x59: {  	[tilespmem:s23], [sflag:$0x3] =	stream.linear.gather [hbm4b:s2+s4], $0x120, $0x38;
	[tilespmem:$0x1AF60] =	vst v63  }
0x5a: {  	_ =	swait.ge [sflag:s25], $0x120  }
0x5b: {  	[sflag:s25] =	ssyncset.done $0x0  }
0x5c: {  	s1 =	sadd.s32 $0x360, s1;
	[sflag:s25] =	ssyncadd.s32 $0xFFFFFEE0  }
0x5d: {  	[spmem:s3] =	stream.indirect.scatter.add.f32 [tilespmem:s18], [sflag:$0x5], $0x20, s22, s22, $0xb8;
	[tilespmem:$0x1AF60] =	vst v63  }
0x5e: {  	_ =	swait.ge [sflag:s26], $0x2400  }
0x5f: {  	[sflag:s26] =	ssyncset.done $0x0  }
0x60: {  	[sflag:s26] =	ssyncadd.s32 $0xFFFFDC00  }
0x61: {  	[tilespmem:s4], [sflag:$0x1] =	stream.linear.gather [hbm4b:s10+s4], $0x120, $0x38;
	[tilespmem:$0x1AF60] =	vst v63  }
0x62: {  	_ =	swait.ge [sflag:s28], $0x120  }
0x63: {  	[sflag:s28] =	ssyncset.done $0x0  }
0x64: {  	[sflag:s28] =	ssyncadd.s32 $0xFFFFFEE0  }
0x65: {  	[spmem:s3] =	stream.indirect.scatter.add.f32 [tilespmem:s18], [sflag:$0x6], $0x20, s23, s22, $0xb8;
	[tilespmem:$0x1AF60] =	vst v63  }
0x66: {  	_ =	swait.ge [sflag:s29], $0x2400  }
0x67: {  	[sflag:s29] =	ssyncset.done $0x0  }
0x68: {  	[sflag:s29] =	ssyncadd.s32 $0xFFFFDC00  }
0x69: {  	[tilespmem:s22], [sflag:$0x2] =	stream.linear.gather [hbm4b:s11+s4], $0x120, $0x38;
	[tilespmem:$0x1AF60] =	vst v63  }
0x6a: {  	_ =	swait.ge [sflag:s24], $0x120  }
0x6b: {  	[sflag:s24] =	ssyncset.done $0x0  }
0x6c: {  	[sflag:s24] =	ssyncadd.s32 $0xFFFFFEE0  }
0x6d: {  	[spmem:s3] =	stream.indirect.scatter.add.f32 [tilespmem:s18], [sflag:$0x4], $0x20, s4, s22, $0xb8;
	[tilespmem:$0x1AF60] =	vst v63  }
0x6e: {  	_ =	swait.ge [sflag:s30], $0x2400  }
0x6f: {  	[sflag:s30] =	ssyncset.done $0x0  }
0x70: {  	[sflag:s30] =	ssyncadd.s32 $0xFFFFDC00  }
0x71: {  	[tilespmem:s23], [sflag:$0x3] =	stream.linear.gather [hbm4b:s12+s4], $0x120, $0x38;
	[tilespmem:$0x1AF60] =	vst v63  }
0x72: {  	_ =	swait.ge [sflag:s25], $0x120  }
0x73: {  	[sflag:s25] =	ssyncset.done $0x0  }
0x74: {  	[sflag:s25] =	ssyncadd.s32 $0xFFFFFEE0  }
0x75: {  	[spmem:s3] =	stream.indirect.scatter.add.f32 [tilespmem:s18], [sflag:$0x5], $0x20, s22, s22, $0xb8;
	[tilespmem:$0x1AF60] =	vst v63  }
0x76: {  	_ =	swait.ge [sflag:s26], $0x2400  }
0x77: {  	[sflag:s26] =	ssyncset.done $0x0  }
0x78: {  	[sflag:s26] =	ssyncadd.s32 $0xFFFFDC00  }
0x79: {  	_ =	swait.ge [sflag:s28], $0x120  }
0x7a: {  	[sflag:s28] =	ssyncset.done $0x0  }
0x7b: {  	[sflag:s28] =	ssyncadd.s32 $0xFFFFFEE0  }
0x7c: {  	[spmem:s3] =	stream.indirect.scatter.add.f32 [tilespmem:s18], [sflag:$0x6], $0x20, s23, s22, $0xb8;
	[tilespmem:$0x1AF60] =	vst v63  }
0x7d: {  	_ =	swait.ge [sflag:s29], $0x2400  }
0x7e: {  	[sflag:s29] =	ssyncset.done $0x0  }
0x7f: {  	[sflag:s29] =	ssyncadd.s32 $0xFFFFDC00  }
0x80: {  	_ =	swait.ge [sflag:s30], $0x2400  }
0x81: {  	s31 =	sadd.s32 $0x1, s31;
	[sflag:s30] =	ssyncset.done $0x0  }
0x82: {  	p0 =	sne.s32 s31, s14;
	[sflag:s30] =	ssyncadd.s32 $0xFFFFDC00  }
.Ltmp1:
0x83: {  	[bflag:$0x0] =	sbarrier.arrive $0xFFFF;
	(pc) =	sbr.rel @p0 .LBB2_1-.Ltmp1, $4  }
0x84: {  	[hbm:s13], [sflag:s20] =	dma.local [spmem:s21], $0x3100  }
0x85: {  	_ =	swait.ge [sflag:s19], $0x3100  }
0x86: {  	[sflag:s19] =	ssyncset.done $0x0  }
0x87: {  	[sflag:s19] =	ssyncadd.s32 $0xFFFFCF00  }
0x88: {  	_ =	sfence.sel $0x180000  }
0x89: {  	[bflag:$0x0] =	sbarrier.arrive $0xFFFF  }
0x8a: {  	_ =	strace $0x90000047  }
0x8b: {  	s0 =	stileid.u32;
	[bflag:$0x2] =	sbarrier.arrive $0xFFFF  }
0x8c: {  	p0 =	sne.s32 s0, $0x0;
	s0 =	rddreg [dreg:$0x3]  }
0x8d: {  	s0 =	sadd.s32 @!p0 $0x100000, s0  }
0x8e: {  	[sflag:s0] =	ssyncadd.tile.s32 @!p0 $0x1;
	_ =	shalt  }
.Lfunc_end2:
_tile_overlayer_lowered:
.L_overlay_start_2:
0x8f: {  	(tag) =	ssettag $0x2  }
0x90: {  	s0 =	rddreg [dreg:$0x0];
	s2 =	stileid.u32  }
0x91: {  	s1 =	rddreg [dreg:$0x1];
	p0 =	sne.s32 s2, $0x0  }
0x92: {  	s3 =	rddreg [dreg:$0x2];
	[bflag:$0x3] =	sbarrier.arrive $0xFFFF;
	s2 =	simm.s32 @!p0 $0x1C07  }
0x93: {  	[timem:s3], [sflag:s2] =	dma.local @!p0 [hbm:s0], s1  }
0x94: {  	s0 =	simm.s32 @!p0 $0x7  }
0x95: {  	_ =	swait.ge @!p0 [sflag:s0], s1  }
0x96: {  	s1 =	ssub.s32 @!p0 $0x0, s1;
	[sflag:s0] =	ssyncset.done @!p0 $0x0  }
0x97: {  	[sflag:s0] =	ssyncadd.s32 @!p0 s1  }
0x98: {  	[bflag:$0x3] =	sbarrier.arrive $0xFFFF  }
0x99: {  	_ =	shalt  }

</sc_bundles>
